<compile_context>
chip_gen: v7x
topology: tpu7x:2x2x1
jax: 0.10.2.dev20260603
libtpu: 0.0.44.dev20260713+nightly
codegen_flags: <defaults>
</compile_context>

<pallas_src>
import functools

import jax
import jax.numpy as jnp
from jax import lax
from jax.experimental import pallas as pl
from jax.experimental.pallas import tpu as pltpu
from jax.experimental.pallas import tpu_sc as plsc

_NC = 2
_NS = 16



def _mm(x, W):
    N, D = x.shape
    Dout = W.shape[1]
    R = 2000
    grid = N // R

    def body(x_ref, w_ref, o_ref):
        o_ref[...] = jnp.dot(x_ref[...], w_ref[...],
                             preferred_element_type=jnp.float32)

    return pl.pallas_call(
        body,
        grid=(grid,),
        in_specs=[
            pl.BlockSpec((R, D), lambda i: (i, 0)),
            pl.BlockSpec((D, Dout), lambda i: (0, 0)),
        ],
        out_specs=pl.BlockSpec((R, Dout), lambda i: (i, 0)),
        out_shape=jax.ShapeDtypeStruct((N, Dout), jnp.float32),
    )(x, W)


def _fuse_mm(p, W):
    _, N, D = p.shape
    Dout = W.shape[1]
    R = 2000
    grid = N // R

    def body(p_ref, w_ref, o_ref):
        h = jnp.maximum(p_ref[0] + p_ref[1], 0.0)
        o_ref[...] = jnp.dot(h, w_ref[...],
                             preferred_element_type=jnp.float32)

    return pl.pallas_call(
        body,
        grid=(grid,),
        in_specs=[
            pl.BlockSpec((2, R, D), lambda i: (0, i, 0)),
            pl.BlockSpec((D, Dout), lambda i: (0, 0)),
        ],
        out_specs=pl.BlockSpec((R, Dout), lambda i: (i, 0)),
        out_shape=jax.ShapeDtypeStruct((N, Dout), jnp.float32),
    )(p, W)


def _finish(p):
    _, N, D = p.shape
    R = 2000
    grid = N // R

    def body(p_ref, o_ref):
        z = p_ref[0] + p_ref[1]
        m = jnp.max(z, axis=1, keepdims=True)
        lse = jnp.log(jnp.sum(jnp.exp(z - m), axis=1, keepdims=True)) + m
        o_ref[...] = z - lse

    return pl.pallas_call(
        body,
        grid=(grid,),
        in_specs=[pl.BlockSpec((2, R, D), lambda i: (0, i, 0))],
        out_specs=pl.BlockSpec((R, D), lambda i: (i, 0)),
        out_shape=jax.ShapeDtypeStruct((N, D), jnp.float32),
    )(p)



_C = 80


def _sc_aggregate(m, pk3, steps, zeros, tc_tiling=True):
    N, D = m.shape
    per_w = pk3.shape[0] // (_NC * _NS)
    C = _C
    rows_per_tile = (N // _NS) // 8 * 8
    tail_r0 = _NS * rows_per_tile
    tail_rows = N - tail_r0

    mesh = plsc.VectorSubcoreMesh(core_axis_name="c", subcore_axis_name="s")

    @functools.partial(
        pl.kernel,
        out_type=jax.ShapeDtypeStruct((_NC, N, D), jnp.float32),
        mesh=mesh,
        compiler_params=None if tc_tiling else pltpu.CompilerParams(
            use_tc_tiling_on_sc=False),
        scratch_types=[
            pltpu.VMEM_SHARED((N, D), jnp.float32),
            [pltpu.VMEM((C,), jnp.int32)] * 4,
            [pltpu.VMEM((C,), jnp.int32)] * 4,
            [pltpu.VMEM((C,), jnp.int32)] * 4,
            [pltpu.VMEM((C, D), jnp.float32)] * 4,
            [pltpu.SemaphoreType.DMA] * 4,
            [pltpu.SemaphoreType.DMA] * 4,
            [pltpu.SemaphoreType.DMA] * 4,
        ],
    )
    def body(m_hbm, pk_hbm, zeros_hbm, out_hbm,
             accum, pk_v, src_st, dst_st, rows_v, psem, gsem, ssem):
        c = lax.axis_index("c")
        s = lax.axis_index("s")
        wid = c * _NS + s
        r0 = s * rows_per_tile

        def pk_off(g):
            return pl.multiple_of(wid * per_w + g * C, 8)

        def pk_start(g, j):
            pltpu.async_copy(pk_hbm.at[pl.ds(pk_off(g), C)], pk_v[j],
                             psem[j])

        def pk_wait(g, j):
            pltpu.make_async_copy(pk_hbm.at[pl.ds(pk_off(g), C)], pk_v[j],
                                  psem[j]).wait()

        def unpack(j):
            for k in range(C // 16):
                v = pk_v[j][pl.ds(k * 16, 16)]
                src_st[j][pl.ds(k * 16, 16)] = v & 0x3FFF
                dst_st[j][pl.ds(k * 16, 16)] = v >> 14

        def gather_start(j):
            pltpu.async_copy(m_hbm.at[src_st[j]], rows_v[j], gsem[j])

        def gather_wait(j):
            pltpu.make_async_copy(m_hbm.at[src_st[j]], rows_v[j],
                                  gsem[j]).wait()

        def scatter_start(j):
            pltpu.async_copy(rows_v[j], accum.at[dst_st[j]], ssem[j],
                             add=True)

        def scatter_wait(j):
            pltpu.make_async_copy(rows_v[j], accum.at[pl.ds(0, C)],
                                  ssem[j]).wait()

        for g in (0, 1, 2, 3):
            pk_start(g, g)
        for g in (0, 1):
            pk_wait(g, g)
            unpack(g)
            gather_start(g)

        pltpu.sync_copy(zeros_hbm.at[pl.ds(r0, rows_per_tile)],
                        accum.at[pl.ds(r0, rows_per_tile)])

        @pl.when(s == _NS - 1)
        def _():
            pltpu.sync_copy(zeros_hbm.at[pl.ds(tail_r0, tail_rows)],
                            accum.at[pl.ds(tail_r0, tail_rows)])

        plsc.subcore_barrier()

        def phase(g, j):
            j2 = (j + 2) % 4
            g = jnp.int32(g)

            @pl.when(g >= 2)
            def _():
                scatter_wait(j2)

            @pl.when(g + 2 < steps)
            def _():
                pk_wait(g + 2, j2)
                unpack(j2)
                gather_start(j2)

            @pl.when(g + 4 < steps)
            def _():
                pk_start(g + 4, j)

            gather_wait(j)
            scatter_start(j)

        def step(i, carry):
            phase(4 * i, 0)
            phase(4 * i + 1, 1)
            phase(4 * i + 2, 2)
            phase(4 * i + 3, 3)
            return carry

        full = steps // 4
        lax.fori_loop(0, full, step, 0)
        for g in range(full * 4, steps):
            phase(g, g % 4)
        scatter_wait((steps - 2) % 4)
        scatter_wait((steps - 1) % 4)
        plsc.subcore_barrier()

        pltpu.sync_copy(accum.at[pl.ds(r0, rows_per_tile)],
                        out_hbm.at[c, pl.ds(r0, rows_per_tile)])

        @pl.when(s == _NS - 1)
        def _():
            pltpu.sync_copy(accum.at[pl.ds(tail_r0, tail_rows)],
                            out_hbm.at[c, pl.ds(tail_r0, tail_rows)])

    return body(m, pk3, zeros)



def kernel(x, edge_index, W_in, W_hid, W_out):
    N = x.shape[0]
    E = edge_index.shape[1]
    NW = _NC * _NS
    src = edge_index[0].astype(jnp.int32)
    dst = edge_index[1].astype(jnp.int32)

    per_w = E // NW
    steps = per_w // _C
    pk3 = jnp.bitwise_or(jnp.left_shift(dst, 14), src)
    z_hid = jnp.zeros((N, W_in.shape[1]), jnp.float32)
    z_out = jnp.zeros((N, W_out.shape[1]), jnp.float32)

    p = _sc_aggregate(_mm(x, W_in), pk3, steps, z_hid)
    p = _sc_aggregate(_fuse_mm(p, W_hid), pk3, steps, z_hid)
    p = _sc_aggregate(_fuse_mm(p, W_out), pk3, steps, z_out, tc_tiling=False)
    return _finish(p)

# --- scband reference (transcript-rebuilt; emitter-appended) ---
"""Pipeline reference for scband-py-ggcn-1382979469690 (READ-ONLY COPY).

The authoritative reference and input builder live on the scoring server;
editing this copy changes nothing except your own understanding.
"""

import jax, jax.numpy as jnp
import numpy as np

N = 10000
E = 320000
D_IN = 128
D_HID = 128
D_OUT = 64


def setup_inputs(seed: int = 0) -> dict:
    key = jax.random.key(seed)
    k_x, k_e, k_w1, k_w2, k_w3 = jax.random.split(key, 5)
    x = jax.random.normal(k_x, (N, D_IN), dtype=jnp.float32)
    edge_index = jax.random.randint(k_e, (2, E), 0, N, dtype=jnp.int64)
    # GCNConv(in, out, bias=False) linear weights (add_self_loops=False, normalize=False)
    W_in = jax.random.normal(k_w1, (D_IN, D_HID), dtype=jnp.float32) * 0.05
    W_hid = jax.random.normal(k_w2, (D_HID, D_HID), dtype=jnp.float32) * 0.05
    W_out = jax.random.normal(k_w3, (D_HID, D_OUT), dtype=jnp.float32) * 0.05
    return {"x": x, "edge_index": edge_index, "W_in": W_in, "W_hid": W_hid, "W_out": W_out}


def _gcn_conv(h, W, src, dst):
    # GCNConv with add_self_loops=False, normalize=False, bias=False:
    # linear transform then sum-aggregate messages from src into dst
    m = h @ W
    return jax.ops.segment_sum(m[src], dst, num_segments=N)


def reference(x, edge_index, W_in, W_hid, W_out):
    src = edge_index[0]
    dst = edge_index[1]
    h = jax.nn.relu(_gcn_conv(x, W_in, src, dst))
    # dropout p=0.0 -> identity
    h = jax.nn.relu(_gcn_conv(h, W_hid, src, dst))
    h = _gcn_conv(h, W_out, src, dst)
    return jax.nn.log_softmax(h, axis=1)

if __name__ == "__main__":
    import jax
    _d = setup_inputs()
    print(jax.jit(kernel)(*tuple(_d.values())))

</pallas_src>

<mosaic_0001>
#map = affine_map<(d0, d1) -> (0, 0)>
#map1 = affine_map<(d0, d1) -> (0)>
#map2 = affine_map<(d0, d1) -> (0, 0, 0)>
module attributes {stable_mosaic.version = 14 : i64} {
  func.func @body(%arg0: i32, %arg1: i32, %arg2: memref<10000x64xf32, #tpu.memory_space<hbm>>, %arg3: memref<320000xi32, #tpu.memory_space<hbm>>, %arg4: memref<10000x64xf32, #tpu.memory_space<hbm>>, %arg5: memref<2x10000x64xf32, #tpu.memory_space<hbm>>, %arg6: memref<10000x64xf32, #tpu.memory_space<vmem_shared>>, %arg7: memref<80xi32, #tpu.memory_space<vmem>>, %arg8: memref<80xi32, #tpu.memory_space<vmem>>, %arg9: memref<80xi32, #tpu.memory_space<vmem>>, %arg10: memref<80xi32, #tpu.memory_space<vmem>>, %arg11: memref<80xi32, #tpu.memory_space<vmem>>, %arg12: memref<80xi32, #tpu.memory_space<vmem>>, %arg13: memref<80xi32, #tpu.memory_space<vmem>>, %arg14: memref<80xi32, #tpu.memory_space<vmem>>, %arg15: memref<80xi32, #tpu.memory_space<vmem>>, %arg16: memref<80xi32, #tpu.memory_space<vmem>>, %arg17: memref<80xi32, #tpu.memory_space<vmem>>, %arg18: memref<80xi32, #tpu.memory_space<vmem>>, %arg19: memref<80x64xf32, #tpu.memory_space<vmem>>, %arg20: memref<80x64xf32, #tpu.memory_space<vmem>>, %arg21: memref<80x64xf32, #tpu.memory_space<vmem>>, %arg22: memref<80x64xf32, #tpu.memory_space<vmem>>, %arg23: memref<!tpu.dma_semaphore, #tpu.memory_space<semaphore_mem>>, %arg24: memref<!tpu.dma_semaphore, #tpu.memory_space<semaphore_mem>>, %arg25: memref<!tpu.dma_semaphore, #tpu.memory_space<semaphore_mem>>, %arg26: memref<!tpu.dma_semaphore, #tpu.memory_space<semaphore_mem>>, %arg27: memref<!tpu.dma_semaphore, #tpu.memory_space<semaphore_mem>>, %arg28: memref<!tpu.dma_semaphore, #tpu.memory_space<semaphore_mem>>, %arg29: memref<!tpu.dma_semaphore, #tpu.memory_space<semaphore_mem>>, %arg30: memref<!tpu.dma_semaphore, #tpu.memory_space<semaphore_mem>>, %arg31: memref<!tpu.dma_semaphore, #tpu.memory_space<semaphore_mem>>, %arg32: memref<!tpu.dma_semaphore, #tpu.memory_space<semaphore_mem>>, %arg33: memref<!tpu.dma_semaphore, #tpu.memory_space<semaphore_mem>>, %arg34: memref<!tpu.dma_semaphore, #tpu.memory_space<semaphore_mem>>) attributes {dimension_semantics = [#tpu.dimension_semantics<core_parallel>, #tpu.dimension_semantics<subcore_parallel>], iteration_bounds = array<i64: 2, 16>, scalar_prefetch = 0 : i64, scratch_operands = 29 : i64, tpu.core_type = #tpu.core_type<sc_vector_subcore>, window_params = [{transform_indices = #map}, {transform_indices = #map1}, {transform_indices = #map}, {transform_indices = #map2}]} {
    %mul3A = arith.constant 16 : i32
    %mul3A_0 = arith.muli %arg0, %mul3A : i32
    %add3A = arith.addi %mul3A_0, %arg1 : i32
    %mul3A_1 = arith.constant 624 : i32
    %mul3A_2 = arith.muli %arg1, %mul3A_1 : i32
    %mul3A_3 = arith.constant 10000 : i32
    %mul3A_4 = arith.muli %add3A, %mul3A_3 : i32
    %add3A_5 = arith.constant 0 : i32
    %add3A_6 = arith.addi %mul3A_4, %add3A_5 : i32
    %multiple_of3A = tpu.assume_multiple %add3A_6, 8 : i32
    %dma_start3A = tpu.memref_slice %arg3[%multiple_of3A] : memref<320000xi32, #tpu.memory_space<hbm>> -> memref<80xi32, #tpu.memory_space<hbm>>
    %dma_start3A_7 = tpu.memref_slice %arg3[%multiple_of3A] : memref<320000xi32, #tpu.memory_space<hbm>> -> memref<80xi32, #tpu.memory_space<hbm>>
    tpu.enqueue_dma source(%dma_start3A_7 : memref<80xi32, #tpu.memory_space<hbm>>) target(%arg7 : memref<80xi32, #tpu.memory_space<vmem>>) target_semaphore(%arg23 : memref<!tpu.dma_semaphore, #tpu.memory_space<semaphore_mem>>)
    %mul3A_8 = arith.constant 10000 : i32
    %mul3A_9 = arith.muli %add3A, %mul3A_8 : i32
    %add3A_10 = arith.constant 80 : i32
    %add3A_11 = arith.addi %mul3A_9, %add3A_10 : i32
    %multiple_of3A_12 = tpu.assume_multiple %add3A_11, 8 : i32
    %dma_start3A_13 = tpu.memref_slice %arg3[%multiple_of3A_12] : memref<320000xi32, #tpu.memory_space<hbm>> -> memref<80xi32, #tpu.memory_space<hbm>>
    %dma_start3A_14 = tpu.memref_slice %arg3[%multiple_of3A_12] : memref<320000xi32, #tpu.memory_space<hbm>> -> memref<80xi32, #tpu.memory_space<hbm>>
    tpu.enqueue_dma source(%dma_start3A_14 : memref<80xi32, #tpu.memory_space<hbm>>) target(%arg8 : memref<80xi32, #tpu.memory_space<vmem>>) target_semaphore(%arg24 : memref<!tpu.dma_semaphore, #tpu.memory_space<semaphore_mem>>)
    %mul3A_15 = arith.constant 10000 : i32
    %mul3A_16 = arith.muli %add3A, %mul3A_15 : i32
    %add3A_17 = arith.constant 160 : i32
    %add3A_18 = arith.addi %mul3A_16, %add3A_17 : i32
    %multiple_of3A_19 = tpu.assume_multiple %add3A_18, 8 : i32
    %dma_start3A_20 = tpu.memref_slice %arg3[%multiple_of3A_19] : memref<320000xi32, #tpu.memory_space<hbm>> -> memref<80xi32, #tpu.memory_space<hbm>>
    %dma_start3A_21 = tpu.memref_slice %arg3[%multiple_of3A_19] : memref<320000xi32, #tpu.memory_space<hbm>> -> memref<80xi32, #tpu.memory_space<hbm>>
    tpu.enqueue_dma source(%dma_start3A_21 : memref<80xi32, #tpu.memory_space<hbm>>) target(%arg9 : memref<80xi32, #tpu.memory_space<vmem>>) target_semaphore(%arg25 : memref<!tpu.dma_semaphore, #tpu.memory_space<semaphore_mem>>)
    %mul3A_22 = arith.constant 10000 : i32
    %mul3A_23 = arith.muli %add3A, %mul3A_22 : i32
    %add3A_24 = arith.constant 240 : i32
    %add3A_25 = arith.addi %mul3A_23, %add3A_24 : i32
    %multiple_of3A_26 = tpu.assume_multiple %add3A_25, 8 : i32
    %dma_start3A_27 = tpu.memref_slice %arg3[%multiple_of3A_26] : memref<320000xi32, #tpu.memory_space<hbm>> -> memref<80xi32, #tpu.memory_space<hbm>>
    %dma_start3A_28 = tpu.memref_slice %arg3[%multiple_of3A_26] : memref<320000xi32, #tpu.memory_space<hbm>> -> memref<80xi32, #tpu.memory_space<hbm>>
    tpu.enqueue_dma source(%dma_start3A_28 : memref<80xi32, #tpu.memory_space<hbm>>) target(%arg10 : memref<80xi32, #tpu.memory_space<vmem>>) target_semaphore(%arg26 : memref<!tpu.dma_semaphore, #tpu.memory_space<semaphore_mem>>)
    %mul3A_29 = arith.constant 10000 : i32
    %mul3A_30 = arith.muli %add3A, %mul3A_29 : i32
    %add3A_31 = arith.constant 0 : i32
    %add3A_32 = arith.addi %mul3A_30, %add3A_31 : i32
    %multiple_of3A_33 = tpu.assume_multiple %add3A_32, 8 : i32
    %dma_wait3A = tpu.memref_slice %arg3[%multiple_of3A_33] : memref<320000xi32, #tpu.memory_space<hbm>> -> memref<80xi32, #tpu.memory_space<hbm>>
    %dma_wait3A_34 = tpu.memref_slice %arg3[%multiple_of3A_33] : memref<320000xi32, #tpu.memory_space<hbm>> -> memref<80xi32, #tpu.memory_space<hbm>>
    tpu.wait_dma2 semaphore(%arg23 : memref<!tpu.dma_semaphore, #tpu.memory_space<semaphore_mem>>) src(%dma_wait3A_34 : memref<80xi32, #tpu.memory_space<hbm>>) dst(%arg7 : memref<80xi32, #tpu.memory_space<vmem>>)
    %get3A = arith.constant 0 : index
    %get3A_35 = tpu.vector_load %arg7[%get3A] {strides = array<i32>} : memref<80xi32, #tpu.memory_space<vmem>>, vector<16xi32>,
    %get3A_36 = vector.shape_cast %get3A_35 : vector<16xi32> to vector<16xi32>
    %and3A = arith.constant 16383 : i32
    %and3A_37 = vector.broadcast %and3A : i32 to vector<16xi32>
    %and3A_38 = arith.andi %get3A_36, %and3A_37 : vector<16xi32>
    %swap3A = arith.constant 0 : index
    %swap3A_39 = tpu.vector_load %arg11[%swap3A] {strides = array<i32>} : memref<80xi32, #tpu.memory_space<vmem>>, vector<16xi32>,
    %swap3A_40 = vector.shape_cast %swap3A_39 : vector<16xi32> to vector<16xi32>
    %swap3A_41 = vector.shape_cast %and3A_38 : vector<16xi32> to vector<16xi32>
    tpu.vector_store %arg11[%swap3A], %swap3A_41 {strides = array<i32>} : memref<80xi32, #tpu.memory_space<vmem>>, vector<16xi32>,
    %shift_right_arithmetic3A = arith.constant 14 : i32
    %shift_right_arithmetic3A_42 = vector.broadcast %shift_right_arithmetic3A : i32 to vector<16xi32>
    %shift_right_arithmetic3A_43 = arith.shrsi %get3A_36, %shift_right_arithmetic3A_42 : vector<16xi32>
    %swap3A_44 = arith.constant 0 : index
    %swap3A_45 = tpu.vector_load %arg15[%swap3A_44] {strides = array<i32>} : memref<80xi32, #tpu.memory_space<vmem>>, vector<16xi32>,
    %swap3A_46 = vector.shape_cast %swap3A_45 : vector<16xi32> to vector<16xi32>
    %swap3A_47 = vector.shape_cast %shift_right_arithmetic3A_43 : vector<16xi32> to vector<16xi32>
    tpu.vector_store %arg15[%swap3A_44], %swap3A_47 {strides = array<i32>} : memref<80xi32, #tpu.memory_space<vmem>>, vector<16xi32>,
    %get3A_48 = arith.constant 16 : index
    %get3A_49 = tpu.vector_load %arg7[%get3A_48] {strides = array<i32>} : memref<80xi32, #tpu.memory_space<vmem>>, vector<16xi32>,
    %get3A_50 = vector.shape_cast %get3A_49 : vector<16xi32> to vector<16xi32>
    %and3A_51 = arith.constant 16383 : i32
    %and3A_52 = vector.broadcast %and3A_51 : i32 to vector<16xi32>
    %and3A_53 = arith.andi %get3A_50, %and3A_52 : vector<16xi32>
    %swap3A_54 = arith.constant 16 : index
    %swap3A_55 = tpu.vector_load %arg11[%swap3A_54] {strides = array<i32>} : memref<80xi32, #tpu.memory_space<vmem>>, vector<16xi32>,
    %swap3A_56 = vector.shape_cast %swap3A_55 : vector<16xi32> to vector<16xi32>
    %swap3A_57 = vector.shape_cast %and3A_53 : vector<16xi32> to vector<16xi32>
    tpu.vector_store %arg11[%swap3A_54], %swap3A_57 {strides = array<i32>} : memref<80xi32, #tpu.memory_space<vmem>>, vector<16xi32>,
    %shift_right_arithmetic3A_58 = arith.constant 14 : i32
    %shift_right_arithmetic3A_59 = vector.broadcast %shift_right_arithmetic3A_58 : i32 to vector<16xi32>
    %shift_right_arithmetic3A_60 = arith.shrsi %get3A_50, %shift_right_arithmetic3A_59 : vector<16xi32>
    %swap3A_61 = arith.constant 16 : index
    %swap3A_62 = tpu.vector_load %arg15[%swap3A_61] {strides = array<i32>} : memref<80xi32, #tpu.memory_space<vmem>>, vector<16xi32>,
    %swap3A_63 = vector.shape_cast %swap3A_62 : vector<16xi32> to vector<16xi32>
    %swap3A_64 = vector.shape_cast %shift_right_arithmetic3A_60 : vector<16xi32> to vector<16xi32>
    tpu.vector_store %arg15[%swap3A_61], %swap3A_64 {strides = array<i32>} : memref<80xi32, #tpu.memory_space<vmem>>, vector<16xi32>,
    %get3A_65 = arith.constant 32 : index
    %get3A_66 = tpu.vector_load %arg7[%get3A_65] {strides = array<i32>} : memref<80xi32, #tpu.memory_space<vmem>>, vector<16xi32>,
    %get3A_67 = vector.shape_cast %get3A_66 : vector<16xi32> to vector<16xi32>
    %and3A_68 = arith.constant 16383 : i32
    %and3A_69 = vector.broadcast %and3A_68 : i32 to vector<16xi32>
    %and3A_70 = arith.andi %get3A_67, %and3A_69 : vector<16xi32>
    %swap3A_71 = arith.constant 32 : index
    %swap3A_72 = tpu.vector_load %arg11[%swap3A_71] {strides = array<i32>} : memref<80xi32, #tpu.memory_space<vmem>>, vector<16xi32>,
    %swap3A_73 = vector.shape_cast %swap3A_72 : vector<16xi32> to vector<16xi32>
    %swap3A_74 = vector.shape_cast %and3A_70 : vector<16xi32> to vector<16xi32>
    tpu.vector_store %arg11[%swap3A_71], %swap3A_74 {strides = array<i32>} : memref<80xi32, #tpu.memory_space<vmem>>, vector<16xi32>,
    %shift_right_arithmetic3A_75 = arith.constant 14 : i32
    %shift_right_arithmetic3A_76 = vector.broadcast %shift_right_arithmetic3A_75 : i32 to vector<16xi32>
    %shift_right_arithmetic3A_77 = arith.shrsi %get3A_67, %shift_right_arithmetic3A_76 : vector<16xi32>
    %swap3A_78 = arith.constant 32 : index
    %swap3A_79 = tpu.vector_load %arg15[%swap3A_78] {strides = array<i32>} : memref<80xi32, #tpu.memory_space<vmem>>, vector<16xi32>,
    %swap3A_80 = vector.shape_cast %swap3A_79 : vector<16xi32> to vector<16xi32>
    %swap3A_81 = vector.shape_cast %shift_right_arithmetic3A_77 : vector<16xi32> to vector<16xi32>
    tpu.vector_store %arg15[%swap3A_78], %swap3A_81 {strides = array<i32>} : memref<80xi32, #tpu.memory_space<vmem>>, vector<16xi32>,
    %get3A_82 = arith.constant 48 : index
    %get3A_83 = tpu.vector_load %arg7[%get3A_82] {strides = array<i32>} : memref<80xi32, #tpu.memory_space<vmem>>, vector<16xi32>,
    %get3A_84 = vector.shape_cast %get3A_83 : vector<16xi32> to vector<16xi32>
    %and3A_85 = arith.constant 16383 : i32
    %and3A_86 = vector.broadcast %and3A_85 : i32 to vector<16xi32>
    %and3A_87 = arith.andi %get3A_84, %and3A_86 : vector<16xi32>
    %swap3A_88 = arith.constant 48 : index
    %swap3A_89 = tpu.vector_load %arg11[%swap3A_88] {strides = array<i32>} : memref<80xi32, #tpu.memory_space<vmem>>, vector<16xi32>,
    %swap3A_90 = vector.shape_cast %swap3A_89 : vector<16xi32> to vector<16xi32>
    %swap3A_91 = vector.shape_cast %and3A_87 : vector<16xi32> to vector<16xi32>
    tpu.vector_store %arg11[%swap3A_88], %swap3A_91 {strides = array<i32>} : memref<80xi32, #tpu.memory_space<vmem>>, vector<16xi32>,
    %shift_right_arithmetic3A_92 = arith.constant 14 : i32
    %shift_right_arithmetic3A_93 = vector.broadcast %shift_right_arithmetic3A_92 : i32 to vector<16xi32>
    %shift_right_arithmetic3A_94 = arith.shrsi %get3A_84, %shift_right_arithmetic3A_93 : vector<16xi32>
    %swap3A_95 = arith.constant 48 : index
    %swap3A_96 = tpu.vector_load %arg15[%swap3A_95] {strides = array<i32>} : memref<80xi32, #tpu.memory_space<vmem>>, vector<16xi32>,
    %swap3A_97 = vector.shape_cast %swap3A_96 : vector<16xi32> to vector<16xi32>
    %swap3A_98 = vector.shape_cast %shift_right_arithmetic3A_94 : vector<16xi32> to vector<16xi32>
    tpu.vector_store %arg15[%swap3A_95], %swap3A_98 {strides = array<i32>} : memref<80xi32, #tpu.memory_space<vmem>>, vector<16xi32>,
    %get3A_99 = arith.constant 64 : index
    %get3A_100 = tpu.vector_load %arg7[%get3A_99] {strides = array<i32>} : memref<80xi32, #tpu.memory_space<vmem>>, vector<16xi32>,
    %get3A_101 = vector.shape_cast %get3A_100 : vector<16xi32> to vector<16xi32>
    %and3A_102 = arith.constant 16383 : i32
    %and3A_103 = vector.broadcast %and3A_102 : i32 to vector<16xi32>
    %and3A_104 = arith.andi %get3A_101, %and3A_103 : vector<16xi32>
    %swap3A_105 = arith.constant 64 : index
    %swap3A_106 = tpu.vector_load %arg11[%swap3A_105] {strides = array<i32>} : memref<80xi32, #tpu.memory_space<vmem>>, vector<16xi32>,
    %swap3A_107 = vector.shape_cast %swap3A_106 : vector<16xi32> to vector<16xi32>
    %swap3A_108 = vector.shape_cast %and3A_104 : vector<16xi32> to vector<16xi32>
    tpu.vector_store %arg11[%swap3A_105], %swap3A_108 {strides = array<i32>} : memref<80xi32, #tpu.memory_space<vmem>>, vector<16xi32>,
    %shift_right_arithmetic3A_109 = arith.constant 14 : i32
    %shift_right_arithmetic3A_110 = vector.broadcast %shift_right_arithmetic3A_109 : i32 to vector<16xi32>
    %shift_right_arithmetic3A_111 = arith.shrsi %get3A_101, %shift_right_arithmetic3A_110 : vector<16xi32>
    %swap3A_112 = arith.constant 64 : index
    %swap3A_113 = tpu.vector_load %arg15[%swap3A_112] {strides = array<i32>} : memref<80xi32, #tpu.memory_space<vmem>>, vector<16xi32>,
    %swap3A_114 = vector.shape_cast %swap3A_113 : vector<16xi32> to vector<16xi32>
    %swap3A_115 = vector.shape_cast %shift_right_arithmetic3A_111 : vector<16xi32> to vector<16xi32>
    tpu.vector_store %arg15[%swap3A_112], %swap3A_115 {strides = array<i32>} : memref<80xi32, #tpu.memory_space<vmem>>, vector<16xi32>,
    %dma_start3A_116 = arith.constant 0 : i32
    %dma_start3A_117 = arith.constant 0 : i32
    %dma_start3A_118 = tpu.memref_slice %arg2[%dma_start3A_116, %dma_start3A_117] : memref<10000x64xf32, #tpu.memory_space<hbm>> -> memref<10000x64xf32, #tpu.memory_space<hbm>>
    tpu.enqueue_indirect_dma source(%dma_start3A_118 : memref<10000x64xf32, #tpu.memory_space<hbm>>) target(%arg19 : memref<80x64xf32, #tpu.memory_space<vmem>>) offsets(%arg11 : memref<80xi32, #tpu.memory_space<vmem>>) semaphore(%arg27 : memref<!tpu.dma_semaphore, #tpu.memory_space<semaphore_mem>>)
    %mul3A_119 = arith.constant 10000 : i32
    %mul3A_120 = arith.muli %add3A, %mul3A_119 : i32
    %add3A_121 = arith.constant 80 : i32
    %add3A_122 = arith.addi %mul3A_120, %add3A_121 : i32
    %multiple_of3A_123 = tpu.assume_multiple %add3A_122, 8 : i32
    %dma_wait3A_124 = tpu.memref_slice %arg3[%multiple_of3A_123] : memref<320000xi32, #tpu.memory_space<hbm>> -> memref<80xi32, #tpu.memory_space<hbm>>
    %dma_wait3A_125 = tpu.memref_slice %arg3[%multiple_of3A_123] : memref<320000xi32, #tpu.memory_space<hbm>> -> memref<80xi32, #tpu.memory_space<hbm>>
    tpu.wait_dma2 semaphore(%arg24 : memref<!tpu.dma_semaphore, #tpu.memory_space<semaphore_mem>>) src(%dma_wait3A_125 : memref<80xi32, #tpu.memory_space<hbm>>) dst(%arg8 : memref<80xi32, #tpu.memory_space<vmem>>)
    %get3A_126 = arith.constant 0 : index
    %get3A_127 = tpu.vector_load %arg8[%get3A_126] {strides = array<i32>} : memref<80xi32, #tpu.memory_space<vmem>>, vector<16xi32>,
    %get3A_128 = vector.shape_cast %get3A_127 : vector<16xi32> to vector<16xi32>
    %and3A_129 = arith.constant 16383 : i32
    %and3A_130 = vector.broadcast %and3A_129 : i32 to vector<16xi32>
    %and3A_131 = arith.andi %get3A_128, %and3A_130 : vector<16xi32>
    %swap3A_132 = arith.constant 0 : index
    %swap3A_133 = tpu.vector_load %arg12[%swap3A_132] {strides = array<i32>} : memref<80xi32, #tpu.memory_space<vmem>>, vector<16xi32>,
    %swap3A_134 = vector.shape_cast %swap3A_133 : vector<16xi32> to vector<16xi32>
    %swap3A_135 = vector.shape_cast %and3A_131 : vector<16xi32> to vector<16xi32>
    tpu.vector_store %arg12[%swap3A_132], %swap3A_135 {strides = array<i32>} : memref<80xi32, #tpu.memory_space<vmem>>, vector<16xi32>,
    %shift_right_arithmetic3A_136 = arith.constant 14 : i32
    %shift_right_arithmetic3A_137 = vector.broadcast %shift_right_arithmetic3A_136 : i32 to vector<16xi32>
    %shift_right_arithmetic3A_138 = arith.shrsi %get3A_128, %shift_right_arithmetic3A_137 : vector<16xi32>
    %swap3A_139 = arith.constant 0 : index
    %swap3A_140 = tpu.vector_load %arg16[%swap3A_139] {strides = array<i32>} : memref<80xi32, #tpu.memory_space<vmem>>, vector<16xi32>,
    %swap3A_141 = vector.shape_cast %swap3A_140 : vector<16xi32> to vector<16xi32>
    %swap3A_142 = vector.shape_cast %shift_right_arithmetic3A_138 : vector<16xi32> to vector<16xi32>
    tpu.vector_store %arg16[%swap3A_139], %swap3A_142 {strides = array<i32>} : memref<80xi32, #tpu.memory_space<vmem>>, vector<16xi32>,
    %get3A_143 = arith.constant 16 : index
    %get3A_144 = tpu.vector_load %arg8[%get3A_143] {strides = array<i32>} : memref<80xi32, #tpu.memory_space<vmem>>, vector<16xi32>,
    %get3A_145 = vector.shape_cast %get3A_144 : vector<16xi32> to vector<16xi32>
    %and3A_146 = arith.constant 16383 : i32
    %and3A_147 = vector.broadcast %and3A_146 : i32 to vector<16xi32>
    %and3A_148 = arith.andi %get3A_145, %and3A_147 : vector<16xi32>
    %swap3A_149 = arith.constant 16 : index
    %swap3A_150 = tpu.vector_load %arg12[%swap3A_149] {strides = array<i32>} : memref<80xi32, #tpu.memory_space<vmem>>, vector<16xi32>,
    %swap3A_151 = vector.shape_cast %swap3A_150 : vector<16xi32> to vector<16xi32>
    %swap3A_152 = vector.shape_cast %and3A_148 : vector<16xi32> to vector<16xi32>
    tpu.vector_store %arg12[%swap3A_149], %swap3A_152 {strides = array<i32>} : memref<80xi32, #tpu.memory_space<vmem>>, vector<16xi32>,
    %shift_right_arithmetic3A_153 = arith.constant 14 : i32
    %shift_right_arithmetic3A_154 = vector.broadcast %shift_right_arithmetic3A_153 : i32 to vector<16xi32>
    %shift_right_arithmetic3A_155 = arith.shrsi %get3A_145, %shift_right_arithmetic3A_154 : vector<16xi32>
    %swap3A_156 = arith.constant 16 : index
    %swap3A_157 = tpu.vector_load %arg16[%swap3A_156] {strides = array<i32>} : memref<80xi32, #tpu.memory_space<vmem>>, vector<16xi32>,
    %swap3A_158 = vector.shape_cast %swap3A_157 : vector<16xi32> to vector<16xi32>
    %swap3A_159 = vector.shape_cast %shift_right_arithmetic3A_155 : vector<16xi32> to vector<16xi32>
    tpu.vector_store %arg16[%swap3A_156], %swap3A_159 {strides = array<i32>} : memref<80xi32, #tpu.memory_space<vmem>>, vector<16xi32>,
    %get3A_160 = arith.constant 32 : index
    %get3A_161 = tpu.vector_load %arg8[%get3A_160] {strides = array<i32>} : memref<80xi32, #tpu.memory_space<vmem>>, vector<16xi32>,
    %get3A_162 = vector.shape_cast %get3A_161 : vector<16xi32> to vector<16xi32>
    %and3A_163 = arith.constant 16383 : i32
    %and3A_164 = vector.broadcast %and3A_163 : i32 to vector<16xi32>
    %and3A_165 = arith.andi %get3A_162, %and3A_164 : vector<16xi32>
    %swap3A_166 = arith.constant 32 : index
    %swap3A_167 = tpu.vector_load %arg12[%swap3A_166] {strides = array<i32>} : memref<80xi32, #tpu.memory_space<vmem>>, vector<16xi32>,
    %swap3A_168 = vector.shape_cast %swap3A_167 : vector<16xi32> to vector<16xi32>
    %swap3A_169 = vector.shape_cast %and3A_165 : vector<16xi32> to vector<16xi32>
    tpu.vector_store %arg12[%swap3A_166], %swap3A_169 {strides = array<i32>} : memref<80xi32, #tpu.memory_space<vmem>>, vector<16xi32>,
    %shift_right_arithmetic3A_170 = arith.constant 14 : i32
    %shift_right_arithmetic3A_171 = vector.broadcast %shift_right_arithmetic3A_170 : i32 to vector<16xi32>
    %shift_right_arithmetic3A_172 = arith.shrsi %get3A_162, %shift_right_arithmetic3A_171 : vector<16xi32>
    %swap3A_173 = arith.constant 32 : index
    %swap3A_174 = tpu.vector_load %arg16[%swap3A_173] {strides = array<i32>} : memref<80xi32, #tpu.memory_space<vmem>>, vector<16xi32>,
    %swap3A_175 = vector.shape_cast %swap3A_174 : vector<16xi32> to vector<16xi32>
    %swap3A_176 = vector.shape_cast %shift_right_arithmetic3A_172 : vector<16xi32> to vector<16xi32>
    tpu.vector_store %arg16[%swap3A_173], %swap3A_176 {strides = array<i32>} : memref<80xi32, #tpu.memory_space<vmem>>, vector<16xi32>,
    %get3A_177 = arith.constant 48 : index
    %get3A_178 = tpu.vector_load %arg8[%get3A_177] {strides = array<i32>} : memref<80xi32, #tpu.memory_space<vmem>>, vector<16xi32>,
    %get3A_179 = vector.shape_cast %get3A_178 : vector<16xi32> to vector<16xi32>
    %and3A_180 = arith.constant 16383 : i32
    %and3A_181 = vector.broadcast %and3A_180 : i32 to vector<16xi32>
    %and3A_182 = arith.andi %get3A_179, %and3A_181 : vector<16xi32>
    %swap3A_183 = arith.constant 48 : index
    %swap3A_184 = tpu.vector_load %arg12[%swap3A_183] {strides = array<i32>} : memref<80xi32, #tpu.memory_space<vmem>>, vector<16xi32>,
    %swap3A_185 = vector.shape_cast %swap3A_184 : vector<16xi32> to vector<16xi32>
    %swap3A_186 = vector.shape_cast %and3A_182 : vector<16xi32> to vector<16xi32>
    tpu.vector_store %arg12[%swap3A_183], %swap3A_186 {strides = array<i32>} : memref<80xi32, #tpu.memory_space<vmem>>, vector<16xi32>,
    %shift_right_arithmetic3A_187 = arith.constant 14 : i32
    %shift_right_arithmetic3A_188 = vector.broadcast %shift_right_arithmetic3A_187 : i32 to vector<16xi32>
    %shift_right_arithmetic3A_189 = arith.shrsi %get3A_179, %shift_right_arithmetic3A_188 : vector<16xi32>
    %swap3A_190 = arith.constant 48 : index
    %swap3A_191 = tpu.vector_load %arg16[%swap3A_190] {strides = array<i32>} : memref<80xi32, #tpu.memory_space<vmem>>, vector<16xi32>,
    %swap3A_192 = vector.shape_cast %swap3A_191 : vector<16xi32> to vector<16xi32>
    %swap3A_193 = vector.shape_cast %shift_right_arithmetic3A_189 : vector<16xi32> to vector<16xi32>
    tpu.vector_store %arg16[%swap3A_190], %swap3A_193 {strides = array<i32>} : memref<80xi32, #tpu.memory_space<vmem>>, vector<16xi32>,
    %get3A_194 = arith.constant 64 : index
    %get3A_195 = tpu.vector_load %arg8[%get3A_194] {strides = array<i32>} : memref<80xi32, #tpu.memory_space<vmem>>, vector<16xi32>,
    %get3A_196 = vector.shape_cast %get3A_195 : vector<16xi32> to vector<16xi32>
    %and3A_197 = arith.constant 16383 : i32
    %and3A_198 = vector.broadcast %and3A_197 : i32 to vector<16xi32>
    %and3A_199 = arith.andi %get3A_196, %and3A_198 : vector<16xi32>
    %swap3A_200 = arith.constant 64 : index
    %swap3A_201 = tpu.vector_load %arg12[%swap3A_200] {strides = array<i32>} : memref<80xi32, #tpu.memory_space<vmem>>, vector<16xi32>,
    %swap3A_202 = vector.shape_cast %swap3A_201 : vector<16xi32> to vector<16xi32>
    %swap3A_203 = vector.shape_cast %and3A_199 : vector<16xi32> to vector<16xi32>
    tpu.vector_store %arg12[%swap3A_200], %swap3A_203 {strides = array<i32>} : memref<80xi32, #tpu.memory_space<vmem>>, vector<16xi32>,
    %shift_right_arithmetic3A_204 = arith.constant 14 : i32
    %shift_right_arithmetic3A_205 = vector.broadcast %shift_right_arithmetic3A_204 : i32 to vector<16xi32>
    %shift_right_arithmetic3A_206 = arith.shrsi %get3A_196, %shift_right_arithmetic3A_205 : vector<16xi32>
    %swap3A_207 = arith.constant 64 : index
    %swap3A_208 = tpu.vector_load %arg16[%swap3A_207] {strides = array<i32>} : memref<80xi32, #tpu.memory_space<vmem>>, vector<16xi32>,
    %swap3A_209 = vector.shape_cast %swap3A_208 : vector<16xi32> to vector<16xi32>
    %swap3A_210 = vector.shape_cast %shift_right_arithmetic3A_206 : vector<16xi32> to vector<16xi32>
    tpu.vector_store %arg16[%swap3A_207], %swap3A_210 {strides = array<i32>} : memref<80xi32, #tpu.memory_space<vmem>>, vector<16xi32>,
    %dma_start3A_211 = arith.constant 0 : i32
    %dma_start3A_212 = arith.constant 0 : i32
    %dma_start3A_213 = tpu.memref_slice %arg2[%dma_start3A_211, %dma_start3A_212] : memref<10000x64xf32, #tpu.memory_space<hbm>> -> memref<10000x64xf32, #tpu.memory_space<hbm>>
    tpu.enqueue_indirect_dma source(%dma_start3A_213 : memref<10000x64xf32, #tpu.memory_space<hbm>>) target(%arg20 : memref<80x64xf32, #tpu.memory_space<vmem>>) offsets(%arg12 : memref<80xi32, #tpu.memory_space<vmem>>) semaphore(%arg28 : memref<!tpu.dma_semaphore, #tpu.memory_space<semaphore_mem>>)
    "tpu.region"() ({
      %run_scoped3A = tpu.sem_alloc : memref<!tpu.dma_semaphore, #tpu.memory_space<semaphore_mem>>
      %dma_start3A_267 = arith.constant 0 : i32
      %dma_start3A_268 = tpu.memref_slice %arg6[%mul3A_2, %dma_start3A_267] : memref<10000x64xf32, #tpu.memory_space<vmem_shared>> -> memref<624x64xf32, #tpu.memory_space<vmem_shared>>
      %dma_start3A_269 = arith.constant 0 : i32
      %dma_start3A_270 = tpu.memref_slice %arg4[%mul3A_2, %dma_start3A_269] : memref<10000x64xf32, #tpu.memory_space<hbm>> -> memref<624x64xf32, #tpu.memory_space<hbm>>
      tpu.enqueue_dma source(%dma_start3A_270 : memref<624x64xf32, #tpu.memory_space<hbm>>) target(%dma_start3A_268 : memref<624x64xf32, #tpu.memory_space<vmem_shared>>) target_semaphore(%run_scoped3A : memref<!tpu.dma_semaphore, #tpu.memory_space<semaphore_mem>>)
      %dma_wait3A_271 = arith.constant 0 : i32
      %dma_wait3A_272 = tpu.memref_slice %arg6[%mul3A_2, %dma_wait3A_271] : memref<10000x64xf32, #tpu.memory_space<vmem_shared>> -> memref<624x64xf32, #tpu.memory_space<vmem_shared>>
      %dma_wait3A_273 = arith.constant 0 : i32
      %dma_wait3A_274 = tpu.memref_slice %arg4[%mul3A_2, %dma_wait3A_273] : memref<10000x64xf32, #tpu.memory_space<hbm>> -> memref<624x64xf32, #tpu.memory_space<hbm>>
      tpu.wait_dma2 semaphore(%run_scoped3A : memref<!tpu.dma_semaphore, #tpu.memory_space<semaphore_mem>>) src(%dma_wait3A_274 : memref<624x64xf32, #tpu.memory_space<hbm>>) dst(%dma_wait3A_272 : memref<624x64xf32, #tpu.memory_space<vmem_shared>>)
      tpu.yield
    }) : () -> ()
    %eq3A = arith.constant 15 : i32
    %eq3A_214 = arith.cmpi eq, %arg1, %eq3A : i32
    %convert_element_type3A = arith.extui %eq3A_214 : i1 to i32
    %cond3A = arith.constant 0 : i32
    %cond3A_215 = arith.cmpi ne, %convert_element_type3A, %cond3A : i32
    scf.if %cond3A_215 {
      "tpu.region"() ({
        %run_scoped3A = tpu.sem_alloc : memref<!tpu.dma_semaphore, #tpu.memory_space<semaphore_mem>>
        %dma_start3A_267 = arith.constant 9984 : i32
        %dma_start3A_268 = arith.constant 0 : i32
        %dma_start3A_269 = tpu.memref_slice %arg6[%dma_start3A_267, %dma_start3A_268] : memref<10000x64xf32, #tpu.memory_space<vmem_shared>> -> memref<16x64xf32, #tpu.memory_space<vmem_shared>>
        %dma_start3A_270 = arith.constant 9984 : i32
        %dma_start3A_271 = arith.constant 0 : i32
        %dma_start3A_272 = tpu.memref_slice %arg4[%dma_start3A_270, %dma_start3A_271] : memref<10000x64xf32, #tpu.memory_space<hbm>> -> memref<16x64xf32, #tpu.memory_space<hbm>>
        tpu.enqueue_dma source(%dma_start3A_272 : memref<16x64xf32, #tpu.memory_space<hbm>>) target(%dma_start3A_269 : memref<16x64xf32, #tpu.memory_space<vmem_shared>>) target_semaphore(%run_scoped3A : memref<!tpu.dma_semaphore, #tpu.memory_space<semaphore_mem>>)
        %dma_wait3A_273 = arith.constant 9984 : i32
        %dma_wait3A_274 = arith.constant 0 : i32
        %dma_wait3A_275 = tpu.memref_slice %arg6[%dma_wait3A_273, %dma_wait3A_274] : memref<10000x64xf32, #tpu.memory_space<vmem_shared>> -> memref<16x64xf32, #tpu.memory_space<vmem_shared>>
        %dma_wait3A_276 = arith.constant 9984 : i32
        %dma_wait3A_277 = arith.constant 0 : i32
        %dma_wait3A_278 = tpu.memref_slice %arg4[%dma_wait3A_276, %dma_wait3A_277] : memref<10000x64xf32, #tpu.memory_space<hbm>> -> memref<16x64xf32, #tpu.memory_space<hbm>>
        tpu.wait_dma2 semaphore(%run_scoped3A : memref<!tpu.dma_semaphore, #tpu.memory_space<semaphore_mem>>) src(%dma_wait3A_278 : memref<16x64xf32, #tpu.memory_space<hbm>>) dst(%dma_wait3A_275 : memref<16x64xf32, #tpu.memory_space<vmem_shared>>)
        tpu.yield
      }) : () -> ()
    } else {
    }
    %barrier3A = arith.constant 0 : index
    tpu.barrier barrier_id(%barrier3A)
    %scan3A = arith.constant 0 : i32
    %scan3A_216 = arith.constant 0 : i32
    %scan3A_217 = arith.constant 31 : i32
    %scan3A_218 = arith.addi %scan3A_216, %scan3A_217 : i32
    %scan3A_219 = arith.constant 1 : i32
    scf.for %scan3A_267 = %scan3A_216 to %scan3A_218 step %scan3A_219  : i32 {
      %mul3A_268 = arith.constant 4 : i32
      %mul3A_269 = arith.muli %mul3A_268, %scan3A_267 : i32
      %ge3A_270 = arith.constant 2 : i32
      %ge3A_271 = arith.cmpi sge, %mul3A_269, %ge3A_270 : i32
      %convert_element_type3A_272 = arith.extui %ge3A_271 : i1 to i32
      %cond3A_273 = arith.constant 0 : i32
      %cond3A_274 = arith.cmpi ne, %convert_element_type3A_272, %cond3A_273 : i32
      scf.if %cond3A_274 {
        %dma_wait3A_382 = arith.constant 0 : i32
        %dma_wait3A_383 = arith.constant 0 : i32
        %dma_wait3A_384 = tpu.memref_slice %arg6[%dma_wait3A_382, %dma_wait3A_383] : memref<10000x64xf32, #tpu.memory_space<vmem_shared>> -> memref<80x64xf32, #tpu.memory_space<vmem_shared>>
        %dma_wait3A_385 = arith.constant 0 : i32
        %dma_wait3A_386 = arith.constant 0 : i32
        %dma_wait3A_387 = tpu.memref_slice %arg6[%dma_wait3A_385, %dma_wait3A_386] : memref<10000x64xf32, #tpu.memory_space<vmem_shared>> -> memref<80x64xf32, #tpu.memory_space<vmem_shared>>
        tpu.wait_dma2 semaphore(%arg33 : memref<!tpu.dma_semaphore, #tpu.memory_space<semaphore_mem>>) src(%arg21 : memref<80x64xf32, #tpu.memory_space<vmem>>) dst(%dma_wait3A_387 : memref<80x64xf32, #tpu.memory_space<vmem_shared>>)
      } else {
      }
      %add3A_275 = arith.constant 2 : i32
      %add3A_276 = arith.addi %mul3A_269, %add3A_275 : i32
      %lt3A_277 = arith.constant 125 : i32
      %lt3A_278 = arith.cmpi slt, %add3A_276, %lt3A_277 : i32
      %convert_element_type3A_279 = arith.extui %lt3A_278 : i1 to i32
      %cond3A_280 = arith.constant 0 : i32
      %cond3A_281 = arith.cmpi ne, %convert_element_type3A_279, %cond3A_280 : i32
      scf.if %cond3A_281 {
        %add3A_382 = arith.constant 2 : i32
        %add3A_383 = arith.addi %mul3A_269, %add3A_382 : i32
        %mul3A_384 = arith.constant 10000 : i32
        %mul3A_385 = arith.muli %add3A, %mul3A_384 : i32
        %mul3A_386 = arith.constant 80 : i32
        %mul3A_387 = arith.muli %add3A_383, %mul3A_386 : i32
        %add3A_388 = arith.addi %mul3A_385, %mul3A_387 : i32
        %multiple_of3A_389 = tpu.assume_multiple %add3A_388, 8 : i32
        %dma_wait3A_390 = tpu.memref_slice %arg3[%multiple_of3A_389] : memref<320000xi32, #tpu.memory_space<hbm>> -> memref<80xi32, #tpu.memory_space<hbm>>
        %dma_wait3A_391 = tpu.memref_slice %arg3[%multiple_of3A_389] : memref<320000xi32, #tpu.memory_space<hbm>> -> memref<80xi32, #tpu.memory_space<hbm>>
        tpu.wait_dma2 semaphore(%arg25 : memref<!tpu.dma_semaphore, #tpu.memory_space<semaphore_mem>>) src(%dma_wait3A_391 : memref<80xi32, #tpu.memory_space<hbm>>) dst(%arg9 : memref<80xi32, #tpu.memory_space<vmem>>)
        %get3A_392 = arith.constant 0 : index
        %get3A_393 = tpu.vector_load %arg9[%get3A_392] {strides = array<i32>} : memref<80xi32, #tpu.memory_space<vmem>>, vector<16xi32>,
        %get3A_394 = vector.shape_cast %get3A_393 : vector<16xi32> to vector<16xi32>
        %and3A_395 = arith.constant 16383 : i32
        %and3A_396 = vector.broadcast %and3A_395 : i32 to vector<16xi32>
        %and3A_397 = arith.andi %get3A_394, %and3A_396 : vector<16xi32>
        %swap3A_398 = arith.constant 0 : index
        %swap3A_399 = tpu.vector_load %arg13[%swap3A_398] {strides = array<i32>} : memref<80xi32, #tpu.memory_space<vmem>>, vector<16xi32>,
        %swap3A_400 = vector.shape_cast %swap3A_399 : vector<16xi32> to vector<16xi32>
        %swap3A_401 = vector.shape_cast %and3A_397 : vector<16xi32> to vector<16xi32>
        tpu.vector_store %arg13[%swap3A_398], %swap3A_401 {strides = array<i32>} : memref<80xi32, #tpu.memory_space<vmem>>, vector<16xi32>,
        %shift_right_arithmetic3A_402 = arith.constant 14 : i32
        %shift_right_arithmetic3A_403 = vector.broadcast %shift_right_arithmetic3A_402 : i32 to vector<16xi32>
        %shift_right_arithmetic3A_404 = arith.shrsi %get3A_394, %shift_right_arithmetic3A_403 : vector<16xi32>
        %swap3A_405 = arith.constant 0 : index
        %swap3A_406 = tpu.vector_load %arg17[%swap3A_405] {strides = array<i32>} : memref<80xi32, #tpu.memory_space<vmem>>, vector<16xi32>,
        %swap3A_407 = vector.shape_cast %swap3A_406 : vector<16xi32> to vector<16xi32>
        %swap3A_408 = vector.shape_cast %shift_right_arithmetic3A_404 : vector<16xi32> to vector<16xi32>
        tpu.vector_store %arg17[%swap3A_405], %swap3A_408 {strides = array<i32>} : memref<80xi32, #tpu.memory_space<vmem>>, vector<16xi32>,
        %get3A_409 = arith.constant 16 : index
        %get3A_410 = tpu.vector_load %arg9[%get3A_409] {strides = array<i32>} : memref<80xi32, #tpu.memory_space<vmem>>, vector<16xi32>,
        %get3A_411 = vector.shape_cast %get3A_410 : vector<16xi32> to vector<16xi32>
        %and3A_412 = arith.constant 16383 : i32
        %and3A_413 = vector.broadcast %and3A_412 : i32 to vector<16xi32>
        %and3A_414 = arith.andi %get3A_411, %and3A_413 : vector<16xi32>
        %swap3A_415 = arith.constant 16 : index
        %swap3A_416 = tpu.vector_load %arg13[%swap3A_415] {strides = array<i32>} : memref<80xi32, #tpu.memory_space<vmem>>, vector<16xi32>,
        %swap3A_417 = vector.shape_cast %swap3A_416 : vector<16xi32> to vector<16xi32>
        %swap3A_418 = vector.shape_cast %and3A_414 : vector<16xi32> to vector<16xi32>
        tpu.vector_store %arg13[%swap3A_415], %swap3A_418 {strides = array<i32>} : memref<80xi32, #tpu.memory_space<vmem>>, vector<16xi32>,
        %shift_right_arithmetic3A_419 = arith.constant 14 : i32
        %shift_right_arithmetic3A_420 = vector.broadcast %shift_right_arithmetic3A_419 : i32 to vector<16xi32>
        %shift_right_arithmetic3A_421 = arith.shrsi %get3A_411, %shift_right_arithmetic3A_420 : vector<16xi32>
        %swap3A_422 = arith.constant 16 : index
        %swap3A_423 = tpu.vector_load %arg17[%swap3A_422] {strides = array<i32>} : memref<80xi32, #tpu.memory_space<vmem>>, vector<16xi32>,
        %swap3A_424 = vector.shape_cast %swap3A_423 : vector<16xi32> to vector<16xi32>
        %swap3A_425 = vector.shape_cast %shift_right_arithmetic3A_421 : vector<16xi32> to vector<16xi32>
        tpu.vector_store %arg17[%swap3A_422], %swap3A_425 {strides = array<i32>} : memref<80xi32, #tpu.memory_space<vmem>>, vector<16xi32>,
        %get3A_426 = arith.constant 32 : index
        %get3A_427 = tpu.vector_load %arg9[%get3A_426] {strides = array<i32>} : memref<80xi32, #tpu.memory_space<vmem>>, vector<16xi32>,
        %get3A_428 = vector.shape_cast %get3A_427 : vector<16xi32> to vector<16xi32>
        %and3A_429 = arith.constant 16383 : i32
        %and3A_430 = vector.broadcast %and3A_429 : i32 to vector<16xi32>
        %and3A_431 = arith.andi %get3A_428, %and3A_430 : vector<16xi32>
        %swap3A_432 = arith.constant 32 : index
        %swap3A_433 = tpu.vector_load %arg13[%swap3A_432] {strides = array<i32>} : memref<80xi32, #tpu.memory_space<vmem>>, vector<16xi32>,
        %swap3A_434 = vector.shape_cast %swap3A_433 : vector<16xi32> to vector<16xi32>
        %swap3A_435 = vector.shape_cast %and3A_431 : vector<16xi32> to vector<16xi32>
        tpu.vector_store %arg13[%swap3A_432], %swap3A_435 {strides = array<i32>} : memref<80xi32, #tpu.memory_space<vmem>>, vector<16xi32>,
        %shift_right_arithmetic3A_436 = arith.constant 14 : i32
        %shift_right_arithmetic3A_437 = vector.broadcast %shift_right_arithmetic3A_436 : i32 to vector<16xi32>
        %shift_right_arithmetic3A_438 = arith.shrsi %get3A_428, %shift_right_arithmetic3A_437 : vector<16xi32>
        %swap3A_439 = arith.constant 32 : index
        %swap3A_440 = tpu.vector_load %arg17[%swap3A_439] {strides = array<i32>} : memref<80xi32, #tpu.memory_space<vmem>>, vector<16xi32>,
        %swap3A_441 = vector.shape_cast %swap3A_440 : vector<16xi32> to vector<16xi32>
        %swap3A_442 = vector.shape_cast %shift_right_arithmetic3A_438 : vector<16xi32> to vector<16xi32>
        tpu.vector_store %arg17[%swap3A_439], %swap3A_442 {strides = array<i32>} : memref<80xi32, #tpu.memory_space<vmem>>, vector<16xi32>,
        %get3A_443 = arith.constant 48 : index
        %get3A_444 = tpu.vector_load %arg9[%get3A_443] {strides = array<i32>} : memref<80xi32, #tpu.memory_space<vmem>>, vector<16xi32>,
        %get3A_445 = vector.shape_cast %get3A_444 : vector<16xi32> to vector<16xi32>
        %and3A_446 = arith.constant 16383 : i32
        %and3A_447 = vector.broadcast %and3A_446 : i32 to vector<16xi32>
        %and3A_448 = arith.andi %get3A_445, %and3A_447 : vector<16xi32>
        %swap3A_449 = arith.constant 48 : index
        %swap3A_450 = tpu.vector_load %arg13[%swap3A_449] {strides = array<i32>} : memref<80xi32, #tpu.memory_space<vmem>>, vector<16xi32>,
        %swap3A_451 = vector.shape_cast %swap3A_450 : vector<16xi32> to vector<16xi32>
        %swap3A_452 = vector.shape_cast %and3A_448 : vector<16xi32> to vector<16xi32>
        tpu.vector_store %arg13[%swap3A_449], %swap3A_452 {strides = array<i32>} : memref<80xi32, #tpu.memory_space<vmem>>, vector<16xi32>,
        %shift_right_arithmetic3A_453 = arith.constant 14 : i32
        %shift_right_arithmetic3A_454 = vector.broadcast %shift_right_arithmetic3A_453 : i32 to vector<16xi32>
        %shift_right_arithmetic3A_455 = arith.shrsi %get3A_445, %shift_right_arithmetic3A_454 : vector<16xi32>
        %swap3A_456 = arith.constant 48 : index
        %swap3A_457 = tpu.vector_load %arg17[%swap3A_456] {strides = array<i32>} : memref<80xi32, #tpu.memory_space<vmem>>, vector<16xi32>,
        %swap3A_458 = vector.shape_cast %swap3A_457 : vector<16xi32> to vector<16xi32>
        %swap3A_459 = vector.shape_cast %shift_right_arithmetic3A_455 : vector<16xi32> to vector<16xi32>
        tpu.vector_store %arg17[%swap3A_456], %swap3A_459 {strides = array<i32>} : memref<80xi32, #tpu.memory_space<vmem>>, vector<16xi32>,
        %get3A_460 = arith.constant 64 : index
        %get3A_461 = tpu.vector_load %arg9[%get3A_460] {strides = array<i32>} : memref<80xi32, #tpu.memory_space<vmem>>, vector<16xi32>,
        %get3A_462 = vector.shape_cast %get3A_461 : vector<16xi32> to vector<16xi32>
        %and3A_463 = arith.constant 16383 : i32
        %and3A_464 = vector.broadcast %and3A_463 : i32 to vector<16xi32>
        %and3A_465 = arith.andi %get3A_462, %and3A_464 : vector<16xi32>
        %swap3A_466 = arith.constant 64 : index
        %swap3A_467 = tpu.vector_load %arg13[%swap3A_466] {strides = array<i32>} : memref<80xi32, #tpu.memory_space<vmem>>, vector<16xi32>,
        %swap3A_468 = vector.shape_cast %swap3A_467 : vector<16xi32> to vector<16xi32>
        %swap3A_469 = vector.shape_cast %and3A_465 : vector<16xi32> to vector<16xi32>
        tpu.vector_store %arg13[%swap3A_466], %swap3A_469 {strides = array<i32>} : memref<80xi32, #tpu.memory_space<vmem>>, vector<16xi32>,
        %shift_right_arithmetic3A_470 = arith.constant 14 : i32
        %shift_right_arithmetic3A_471 = vector.broadcast %shift_right_arithmetic3A_470 : i32 to vector<16xi32>
        %shift_right_arithmetic3A_472 = arith.shrsi %get3A_462, %shift_right_arithmetic3A_471 : vector<16xi32>
        %swap3A_473 = arith.constant 64 : index
        %swap3A_474 = tpu.vector_load %arg17[%swap3A_473] {strides = array<i32>} : memref<80xi32, #tpu.memory_space<vmem>>, vector<16xi32>,
        %swap3A_475 = vector.shape_cast %swap3A_474 : vector<16xi32> to vector<16xi32>
        %swap3A_476 = vector.shape_cast %shift_right_arithmetic3A_472 : vector<16xi32> to vector<16xi32>
        tpu.vector_store %arg17[%swap3A_473], %swap3A_476 {strides = array<i32>} : memref<80xi32, #tpu.memory_space<vmem>>, vector<16xi32>,
        %dma_start3A_477 = arith.constant 0 : i32
        %dma_start3A_478 = arith.constant 0 : i32
        %dma_start3A_479 = tpu.memref_slice %arg2[%dma_start3A_477, %dma_start3A_478] : memref<10000x64xf32, #tpu.memory_space<hbm>> -> memref<10000x64xf32, #tpu.memory_space<hbm>>
        tpu.enqueue_indirect_dma source(%dma_start3A_479 : memref<10000x64xf32, #tpu.memory_space<hbm>>) target(%arg21 : memref<80x64xf32, #tpu.memory_space<vmem>>) offsets(%arg13 : memref<80xi32, #tpu.memory_space<vmem>>) semaphore(%arg29 : memref<!tpu.dma_semaphore, #tpu.memory_space<semaphore_mem>>)
      } else {
      }
      %add3A_282 = arith.constant 4 : i32
      %add3A_283 = arith.addi %mul3A_269, %add3A_282 : i32
      %lt3A_284 = arith.constant 125 : i32
      %lt3A_285 = arith.cmpi slt, %add3A_283, %lt3A_284 : i32
      %convert_element_type3A_286 = arith.extui %lt3A_285 : i1 to i32
      %cond3A_287 = arith.constant 0 : i32
      %cond3A_288 = arith.cmpi ne, %convert_element_type3A_286, %cond3A_287 : i32
      scf.if %cond3A_288 {
        %add3A_382 = arith.constant 4 : i32
        %add3A_383 = arith.addi %mul3A_269, %add3A_382 : i32
        %mul3A_384 = arith.constant 10000 : i32
        %mul3A_385 = arith.muli %add3A, %mul3A_384 : i32
        %mul3A_386 = arith.constant 80 : i32
        %mul3A_387 = arith.muli %add3A_383, %mul3A_386 : i32
        %add3A_388 = arith.addi %mul3A_385, %mul3A_387 : i32
        %multiple_of3A_389 = tpu.assume_multiple %add3A_388, 8 : i32
        %dma_start3A_390 = tpu.memref_slice %arg3[%multiple_of3A_389] : memref<320000xi32, #tpu.memory_space<hbm>> -> memref<80xi32, #tpu.memory_space<hbm>>
        %dma_start3A_391 = tpu.memref_slice %arg3[%multiple_of3A_389] : memref<320000xi32, #tpu.memory_space<hbm>> -> memref<80xi32, #tpu.memory_space<hbm>>
        tpu.enqueue_dma source(%dma_start3A_391 : memref<80xi32, #tpu.memory_space<hbm>>) target(%arg7 : memref<80xi32, #tpu.memory_space<vmem>>) target_semaphore(%arg23 : memref<!tpu.dma_semaphore, #tpu.memory_space<semaphore_mem>>)
      } else {
      }
      %dma_wait3A_289 = arith.constant 0 : i32
      %dma_wait3A_290 = arith.constant 0 : i32
      %dma_wait3A_291 = tpu.memref_slice %arg2[%dma_wait3A_289, %dma_wait3A_290] : memref<10000x64xf32, #tpu.memory_space<hbm>> -> memref<10000x64xf32, #tpu.memory_space<hbm>>
      tpu.wait_indirect_dma semaphore(%arg27 : memref<!tpu.dma_semaphore, #tpu.memory_space<semaphore_mem>>) src(%dma_wait3A_291 : memref<10000x64xf32, #tpu.memory_space<hbm>>) dst(%arg19 : memref<80x64xf32, #tpu.memory_space<vmem>>)
      %dma_start3A_292 = arith.constant 0 : i32
      %dma_start3A_293 = arith.constant 0 : i32
      %dma_start3A_294 = tpu.memref_slice %arg6[%dma_start3A_292, %dma_start3A_293] : memref<10000x64xf32, #tpu.memory_space<vmem_shared>> -> memref<10000x64xf32, #tpu.memory_space<vmem_shared>>
      tpu.enqueue_indirect_dma source(%arg19 : memref<80x64xf32, #tpu.memory_space<vmem>>) target(%dma_start3A_294 : memref<10000x64xf32, #tpu.memory_space<vmem_shared>>) offsets(%arg15 : memref<80xi32, #tpu.memory_space<vmem>>) semaphore(%arg31 : memref<!tpu.dma_semaphore, #tpu.memory_space<semaphore_mem>>) {add = true}
      %mul3A_295 = arith.constant 4 : i32
      %mul3A_296 = arith.muli %mul3A_295, %scan3A_267 : i32
      %add3A_297 = arith.constant 1 : i32
      %add3A_298 = arith.addi %mul3A_296, %add3A_297 : i32
      %ge3A_299 = arith.constant 2 : i32
      %ge3A_300 = arith.cmpi sge, %add3A_298, %ge3A_299 : i32
      %convert_element_type3A_301 = arith.extui %ge3A_300 : i1 to i32
      %cond3A_302 = arith.constant 0 : i32
      %cond3A_303 = arith.cmpi ne, %convert_element_type3A_301, %cond3A_302 : i32
      scf.if %cond3A_303 {
        %dma_wait3A_382 = arith.constant 0 : i32
        %dma_wait3A_383 = arith.constant 0 : i32
        %dma_wait3A_384 = tpu.memref_slice %arg6[%dma_wait3A_382, %dma_wait3A_383] : memref<10000x64xf32, #tpu.memory_space<vmem_shared>> -> memref<80x64xf32, #tpu.memory_space<vmem_shared>>
        %dma_wait3A_385 = arith.constant 0 : i32
        %dma_wait3A_386 = arith.constant 0 : i32
        %dma_wait3A_387 = tpu.memref_slice %arg6[%dma_wait3A_385, %dma_wait3A_386] : memref<10000x64xf32, #tpu.memory_space<vmem_shared>> -> memref<80x64xf32, #tpu.memory_space<vmem_shared>>
        tpu.wait_dma2 semaphore(%arg34 : memref<!tpu.dma_semaphore, #tpu.memory_space<semaphore_mem>>) src(%arg22 : memref<80x64xf32, #tpu.memory_space<vmem>>) dst(%dma_wait3A_387 : memref<80x64xf32, #tpu.memory_space<vmem_shared>>)
      } else {
      }
      %add3A_304 = arith.constant 2 : i32
      %add3A_305 = arith.addi %add3A_298, %add3A_304 : i32
      %lt3A_306 = arith.constant 125 : i32
      %lt3A_307 = arith.cmpi slt, %add3A_305, %lt3A_306 : i32
      %convert_element_type3A_308 = arith.extui %lt3A_307 : i1 to i32
      %cond3A_309 = arith.constant 0 : i32
      %cond3A_310 = arith.cmpi ne, %convert_element_type3A_308, %cond3A_309 : i32
      scf.if %cond3A_310 {
        %add3A_382 = arith.constant 2 : i32
        %add3A_383 = arith.addi %add3A_298, %add3A_382 : i32
        %mul3A_384 = arith.constant 10000 : i32
        %mul3A_385 = arith.muli %add3A, %mul3A_384 : i32
        %mul3A_386 = arith.constant 80 : i32
        %mul3A_387 = arith.muli %add3A_383, %mul3A_386 : i32
        %add3A_388 = arith.addi %mul3A_385, %mul3A_387 : i32
        %multiple_of3A_389 = tpu.assume_multiple %add3A_388, 8 : i32
        %dma_wait3A_390 = tpu.memref_slice %arg3[%multiple_of3A_389] : memref<320000xi32, #tpu.memory_space<hbm>> -> memref<80xi32, #tpu.memory_space<hbm>>
        %dma_wait3A_391 = tpu.memref_slice %arg3[%multiple_of3A_389] : memref<320000xi32, #tpu.memory_space<hbm>> -> memref<80xi32, #tpu.memory_space<hbm>>
        tpu.wait_dma2 semaphore(%arg26 : memref<!tpu.dma_semaphore, #tpu.memory_space<semaphore_mem>>) src(%dma_wait3A_391 : memref<80xi32, #tpu.memory_space<hbm>>) dst(%arg10 : memref<80xi32, #tpu.memory_space<vmem>>)
        %get3A_392 = arith.constant 0 : index
        %get3A_393 = tpu.vector_load %arg10[%get3A_392] {strides = array<i32>} : memref<80xi32, #tpu.memory_space<vmem>>, vector<16xi32>,
        %get3A_394 = vector.shape_cast %get3A_393 : vector<16xi32> to vector<16xi32>
        %and3A_395 = arith.constant 16383 : i32
        %and3A_396 = vector.broadcast %and3A_395 : i32 to vector<16xi32>
        %and3A_397 = arith.andi %get3A_394, %and3A_396 : vector<16xi32>
        %swap3A_398 = arith.constant 0 : index
        %swap3A_399 = tpu.vector_load %arg14[%swap3A_398] {strides = array<i32>} : memref<80xi32, #tpu.memory_space<vmem>>, vector<16xi32>,
        %swap3A_400 = vector.shape_cast %swap3A_399 : vector<16xi32> to vector<16xi32>
        %swap3A_401 = vector.shape_cast %and3A_397 : vector<16xi32> to vector<16xi32>
        tpu.vector_store %arg14[%swap3A_398], %swap3A_401 {strides = array<i32>} : memref<80xi32, #tpu.memory_space<vmem>>, vector<16xi32>,
        %shift_right_arithmetic3A_402 = arith.constant 14 : i32
        %shift_right_arithmetic3A_403 = vector.broadcast %shift_right_arithmetic3A_402 : i32 to vector<16xi32>
        %shift_right_arithmetic3A_404 = arith.shrsi %get3A_394, %shift_right_arithmetic3A_403 : vector<16xi32>
        %swap3A_405 = arith.constant 0 : index
        %swap3A_406 = tpu.vector_load %arg18[%swap3A_405] {strides = array<i32>} : memref<80xi32, #tpu.memory_space<vmem>>, vector<16xi32>,
        %swap3A_407 = vector.shape_cast %swap3A_406 : vector<16xi32> to vector<16xi32>
        %swap3A_408 = vector.shape_cast %shift_right_arithmetic3A_404 : vector<16xi32> to vector<16xi32>
        tpu.vector_store %arg18[%swap3A_405], %swap3A_408 {strides = array<i32>} : memref<80xi32, #tpu.memory_space<vmem>>, vector<16xi32>,
        %get3A_409 = arith.constant 16 : index
        %get3A_410 = tpu.vector_load %arg10[%get3A_409] {strides = array<i32>} : memref<80xi32, #tpu.memory_space<vmem>>, vector<16xi32>,
        %get3A_411 = vector.shape_cast %get3A_410 : vector<16xi32> to vector<16xi32>
        %and3A_412 = arith.constant 16383 : i32
        %and3A_413 = vector.broadcast %and3A_412 : i32 to vector<16xi32>
        %and3A_414 = arith.andi %get3A_411, %and3A_413 : vector<16xi32>
        %swap3A_415 = arith.constant 16 : index
        %swap3A_416 = tpu.vector_load %arg14[%swap3A_415] {strides = array<i32>} : memref<80xi32, #tpu.memory_space<vmem>>, vector<16xi32>,
        %swap3A_417 = vector.shape_cast %swap3A_416 : vector<16xi32> to vector<16xi32>
        %swap3A_418 = vector.shape_cast %and3A_414 : vector<16xi32> to vector<16xi32>
        tpu.vector_store %arg14[%swap3A_415], %swap3A_418 {strides = array<i32>} : memref<80xi32, #tpu.memory_space<vmem>>, vector<16xi32>,
        %shift_right_arithmetic3A_419 = arith.constant 14 : i32
        %shift_right_arithmetic3A_420 = vector.broadcast %shift_right_arithmetic3A_419 : i32 to vector<16xi32>
        %shift_right_arithmetic3A_421 = arith.shrsi %get3A_411, %shift_right_arithmetic3A_420 : vector<16xi32>
        %swap3A_422 = arith.constant 16 : index
        %swap3A_423 = tpu.vector_load %arg18[%swap3A_422] {strides = array<i32>} : memref<80xi32, #tpu.memory_space<vmem>>, vector<16xi32>,
        %swap3A_424 = vector.shape_cast %swap3A_423 : vector<16xi32> to vector<16xi32>
        %swap3A_425 = vector.shape_cast %shift_right_arithmetic3A_421 : vector<16xi32> to vector<16xi32>
        tpu.vector_store %arg18[%swap3A_422], %swap3A_425 {strides = array<i32>} : memref<80xi32, #tpu.memory_space<vmem>>, vector<16xi32>,
        %get3A_426 = arith.constant 32 : index
        %get3A_427 = tpu.vector_load %arg10[%get3A_426] {strides = array<i32>} : memref<80xi32, #tpu.memory_space<vmem>>, vector<16xi32>,
        %get3A_428 = vector.shape_cast %get3A_427 : vector<16xi32> to vector<16xi32>
        %and3A_429 = arith.constant 16383 : i32
        %and3A_430 = vector.broadcast %and3A_429 : i32 to vector<16xi32>
        %and3A_431 = arith.andi %get3A_428, %and3A_430 : vector<16xi32>
        %swap3A_432 = arith.constant 32 : index
        %swap3A_433 = tpu.vector_load %arg14[%swap3A_432] {strides = array<i32>} : memref<80xi32, #tpu.memory_space<vmem>>, vector<16xi32>,
        %swap3A_434 = vector.shape_cast %swap3A_433 : vector<16xi32> to vector<16xi32>
        %swap3A_435 = vector.shape_cast %and3A_431 : vector<16xi32> to vector<16xi32>
        tpu.vector_store %arg14[%swap3A_432], %swap3A_435 {strides = array<i32>} : memref<80xi32, #tpu.memory_space<vmem>>, vector<16xi32>,
        %shift_right_arithmetic3A_436 = arith.constant 14 : i32
        %shift_right_arithmetic3A_437 = vector.broadcast %shift_right_arithmetic3A_436 : i32 to vector<16xi32>
        %shift_right_arithmetic3A_438 = arith.shrsi %get3A_428, %shift_right_arithmetic3A_437 : vector<16xi32>
        %swap3A_439 = arith.constant 32 : index
        %swap3A_440 = tpu.vector_load %arg18[%swap3A_439] {strides = array<i32>} : memref<80xi32, #tpu.memory_space<vmem>>, vector<16xi32>,
        %swap3A_441 = vector.shape_cast %swap3A_440 : vector<16xi32> to vector<16xi32>
        %swap3A_442 = vector.shape_cast %shift_right_arithmetic3A_438 : vector<16xi32> to vector<16xi32>
        tpu.vector_store %arg18[%swap3A_439], %swap3A_442 {strides = array<i32>} : memref<80xi32, #tpu.memory_space<vmem>>, vector<16xi32>,
        %get3A_443 = arith.constant 48 : index
        %get3A_444 = tpu.vector_load %arg10[%get3A_443] {strides = array<i32>} : memref<80xi32, #tpu.memory_space<vmem>>, vector<16xi32>,
        %get3A_445 = vector.shape_cast %get3A_444 : vector<16xi32> to vector<16xi32>
        %and3A_446 = arith.constant 16383 : i32
        %and3A_447 = vector.broadcast %and3A_446 : i32 to vector<16xi32>
        %and3A_448 = arith.andi %get3A_445, %and3A_447 : vector<16xi32>
        %swap3A_449 = arith.constant 48 : index
        %swap3A_450 = tpu.vector_load %arg14[%swap3A_449] {strides = array<i32>} : memref<80xi32, #tpu.memory_space<vmem>>, vector<16xi32>,
        %swap3A_451 = vector.shape_cast %swap3A_450 : vector<16xi32> to vector<16xi32>
        %swap3A_452 = vector.shape_cast %and3A_448 : vector<16xi32> to vector<16xi32>
        tpu.vector_store %arg14[%swap3A_449], %swap3A_452 {strides = array<i32>} : memref<80xi32, #tpu.memory_space<vmem>>, vector<16xi32>,
        %shift_right_arithmetic3A_453 = arith.constant 14 : i32
        %shift_right_arithmetic3A_454 = vector.broadcast %shift_right_arithmetic3A_453 : i32 to vector<16xi32>
        %shift_right_arithmetic3A_455 = arith.shrsi %get3A_445, %shift_right_arithmetic3A_454 : vector<16xi32>
        %swap3A_456 = arith.constant 48 : index
        %swap3A_457 = tpu.vector_load %arg18[%swap3A_456] {strides = array<i32>} : memref<80xi32, #tpu.memory_space<vmem>>, vector<16xi32>,
        %swap3A_458 = vector.shape_cast %swap3A_457 : vector<16xi32> to vector<16xi32>
        %swap3A_459 = vector.shape_cast %shift_right_arithmetic3A_455 : vector<16xi32> to vector<16xi32>
        tpu.vector_store %arg18[%swap3A_456], %swap3A_459 {strides = array<i32>} : memref<80xi32, #tpu.memory_space<vmem>>, vector<16xi32>,
        %get3A_460 = arith.constant 64 : index
        %get3A_461 = tpu.vector_load %arg10[%get3A_460] {strides = array<i32>} : memref<80xi32, #tpu.memory_space<vmem>>, vector<16xi32>,
        %get3A_462 = vector.shape_cast %get3A_461 : vector<16xi32> to vector<16xi32>
        %and3A_463 = arith.constant 16383 : i32
        %and3A_464 = vector.broadcast %and3A_463 : i32 to vector<16xi32>
        %and3A_465 = arith.andi %get3A_462, %and3A_464 : vector<16xi32>
        %swap3A_466 = arith.constant 64 : index
        %swap3A_467 = tpu.vector_load %arg14[%swap3A_466] {strides = array<i32>} : memref<80xi32, #tpu.memory_space<vmem>>, vector<16xi32>,
        %swap3A_468 = vector.shape_cast %swap3A_467 : vector<16xi32> to vector<16xi32>
        %swap3A_469 = vector.shape_cast %and3A_465 : vector<16xi32> to vector<16xi32>
        tpu.vector_store %arg14[%swap3A_466], %swap3A_469 {strides = array<i32>} : memref<80xi32, #tpu.memory_space<vmem>>, vector<16xi32>,
        %shift_right_arithmetic3A_470 = arith.constant 14 : i32
        %shift_right_arithmetic3A_471 = vector.broadcast %shift_right_arithmetic3A_470 : i32 to vector<16xi32>
        %shift_right_arithmetic3A_472 = arith.shrsi %get3A_462, %shift_right_arithmetic3A_471 : vector<16xi32>
        %swap3A_473 = arith.constant 64 : index
        %swap3A_474 = tpu.vector_load %arg18[%swap3A_473] {strides = array<i32>} : memref<80xi32, #tpu.memory_space<vmem>>, vector<16xi32>,
        %swap3A_475 = vector.shape_cast %swap3A_474 : vector<16xi32> to vector<16xi32>
        %swap3A_476 = vector.shape_cast %shift_right_arithmetic3A_472 : vector<16xi32> to vector<16xi32>
        tpu.vector_store %arg18[%swap3A_473], %swap3A_476 {strides = array<i32>} : memref<80xi32, #tpu.memory_space<vmem>>, vector<16xi32>,
        %dma_start3A_477 = arith.constant 0 : i32
        %dma_start3A_478 = arith.constant 0 : i32
        %dma_start3A_479 = tpu.memref_slice %arg2[%dma_start3A_477, %dma_start3A_478] : memref<10000x64xf32, #tpu.memory_space<hbm>> -> memref<10000x64xf32, #tpu.memory_space<hbm>>
        tpu.enqueue_indirect_dma source(%dma_start3A_479 : memref<10000x64xf32, #tpu.memory_space<hbm>>) target(%arg22 : memref<80x64xf32, #tpu.memory_space<vmem>>) offsets(%arg14 : memref<80xi32, #tpu.memory_space<vmem>>) semaphore(%arg30 : memref<!tpu.dma_semaphore, #tpu.memory_space<semaphore_mem>>)
      } else {
      }
      %add3A_311 = arith.constant 4 : i32
      %add3A_312 = arith.addi %add3A_298, %add3A_311 : i32
      %lt3A_313 = arith.constant 125 : i32
      %lt3A_314 = arith.cmpi slt, %add3A_312, %lt3A_313 : i32
      %convert_element_type3A_315 = arith.extui %lt3A_314 : i1 to i32
      %cond3A_316 = arith.constant 0 : i32
      %cond3A_317 = arith.cmpi ne, %convert_element_type3A_315, %cond3A_316 : i32
      scf.if %cond3A_317 {
        %add3A_382 = arith.constant 4 : i32
        %add3A_383 = arith.addi %add3A_298, %add3A_382 : i32
        %mul3A_384 = arith.constant 10000 : i32
        %mul3A_385 = arith.muli %add3A, %mul3A_384 : i32
        %mul3A_386 = arith.constant 80 : i32
        %mul3A_387 = arith.muli %add3A_383, %mul3A_386 : i32
        %add3A_388 = arith.addi %mul3A_385, %mul3A_387 : i32
        %multiple_of3A_389 = tpu.assume_multiple %add3A_388, 8 : i32
        %dma_start3A_390 = tpu.memref_slice %arg3[%multiple_of3A_389] : memref<320000xi32, #tpu.memory_space<hbm>> -> memref<80xi32, #tpu.memory_space<hbm>>
        %dma_start3A_391 = tpu.memref_slice %arg3[%multiple_of3A_389] : memref<320000xi32, #tpu.memory_space<hbm>> -> memref<80xi32, #tpu.memory_space<hbm>>
        tpu.enqueue_dma source(%dma_start3A_391 : memref<80xi32, #tpu.memory_space<hbm>>) target(%arg8 : memref<80xi32, #tpu.memory_space<vmem>>) target_semaphore(%arg24 : memref<!tpu.dma_semaphore, #tpu.memory_space<semaphore_mem>>)
      } else {
      }
      %dma_wait3A_318 = arith.constant 0 : i32
      %dma_wait3A_319 = arith.constant 0 : i32
      %dma_wait3A_320 = tpu.memref_slice %arg2[%dma_wait3A_318, %dma_wait3A_319] : memref<10000x64xf32, #tpu.memory_space<hbm>> -> memref<10000x64xf32, #tpu.memory_space<hbm>>
      tpu.wait_indirect_dma semaphore(%arg28 : memref<!tpu.dma_semaphore, #tpu.memory_space<semaphore_mem>>) src(%dma_wait3A_320 : memref<10000x64xf32, #tpu.memory_space<hbm>>) dst(%arg20 : memref<80x64xf32, #tpu.memory_space<vmem>>)
      %dma_start3A_321 = arith.constant 0 : i32
      %dma_start3A_322 = arith.constant 0 : i32
      %dma_start3A_323 = tpu.memref_slice %arg6[%dma_start3A_321, %dma_start3A_322] : memref<10000x64xf32, #tpu.memory_space<vmem_shared>> -> memref<10000x64xf32, #tpu.memory_space<vmem_shared>>
      tpu.enqueue_indirect_dma source(%arg20 : memref<80x64xf32, #tpu.memory_space<vmem>>) target(%dma_start3A_323 : memref<10000x64xf32, #tpu.memory_space<vmem_shared>>) offsets(%arg16 : memref<80xi32, #tpu.memory_space<vmem>>) semaphore(%arg32 : memref<!tpu.dma_semaphore, #tpu.memory_space<semaphore_mem>>) {add = true}
      %mul3A_324 = arith.constant 4 : i32
      %mul3A_325 = arith.muli %mul3A_324, %scan3A_267 : i32
      %add3A_326 = arith.constant 2 : i32
      %add3A_327 = arith.addi %mul3A_325, %add3A_326 : i32
      %ge3A_328 = arith.constant 2 : i32
      %ge3A_329 = arith.cmpi sge, %add3A_327, %ge3A_328 : i32
      %convert_element_type3A_330 = arith.extui %ge3A_329 : i1 to i32
      %cond3A_331 = arith.constant 0 : i32
      %cond3A_332 = arith.cmpi ne, %convert_element_type3A_330, %cond3A_331 : i32
      scf.if %cond3A_332 {
        %dma_wait3A_382 = arith.constant 0 : i32
        %dma_wait3A_383 = arith.constant 0 : i32
        %dma_wait3A_384 = tpu.memref_slice %arg6[%dma_wait3A_382, %dma_wait3A_383] : memref<10000x64xf32, #tpu.memory_space<vmem_shared>> -> memref<80x64xf32, #tpu.memory_space<vmem_shared>>
        %dma_wait3A_385 = arith.constant 0 : i32
        %dma_wait3A_386 = arith.constant 0 : i32
        %dma_wait3A_387 = tpu.memref_slice %arg6[%dma_wait3A_385, %dma_wait3A_386] : memref<10000x64xf32, #tpu.memory_space<vmem_shared>> -> memref<80x64xf32, #tpu.memory_space<vmem_shared>>
        tpu.wait_dma2 semaphore(%arg31 : memref<!tpu.dma_semaphore, #tpu.memory_space<semaphore_mem>>) src(%arg19 : memref<80x64xf32, #tpu.memory_space<vmem>>) dst(%dma_wait3A_387 : memref<80x64xf32, #tpu.memory_space<vmem_shared>>)
      } else {
      }
      %add3A_333 = arith.constant 2 : i32
      %add3A_334 = arith.addi %add3A_327, %add3A_333 : i32
      %lt3A_335 = arith.constant 125 : i32
      %lt3A_336 = arith.cmpi slt, %add3A_334, %lt3A_335 : i32
      %convert_element_type3A_337 = arith.extui %lt3A_336 : i1 to i32
      %cond3A_338 = arith.constant 0 : i32
      %cond3A_339 = arith.cmpi ne, %convert_element_type3A_337, %cond3A_338 : i32
      scf.if %cond3A_339 {
        %add3A_382 = arith.constant 2 : i32
        %add3A_383 = arith.addi %add3A_327, %add3A_382 : i32
        %mul3A_384 = arith.constant 10000 : i32
        %mul3A_385 = arith.muli %add3A, %mul3A_384 : i32
        %mul3A_386 = arith.constant 80 : i32
        %mul3A_387 = arith.muli %add3A_383, %mul3A_386 : i32
        %add3A_388 = arith.addi %mul3A_385, %mul3A_387 : i32
        %multiple_of3A_389 = tpu.assume_multiple %add3A_388, 8 : i32
        %dma_wait3A_390 = tpu.memref_slice %arg3[%multiple_of3A_389] : memref<320000xi32, #tpu.memory_space<hbm>> -> memref<80xi32, #tpu.memory_space<hbm>>
        %dma_wait3A_391 = tpu.memref_slice %arg3[%multiple_of3A_389] : memref<320000xi32, #tpu.memory_space<hbm>> -> memref<80xi32, #tpu.memory_space<hbm>>
        tpu.wait_dma2 semaphore(%arg23 : memref<!tpu.dma_semaphore, #tpu.memory_space<semaphore_mem>>) src(%dma_wait3A_391 : memref<80xi32, #tpu.memory_space<hbm>>) dst(%arg7 : memref<80xi32, #tpu.memory_space<vmem>>)
        %get3A_392 = arith.constant 0 : index
        %get3A_393 = tpu.vector_load %arg7[%get3A_392] {strides = array<i32>} : memref<80xi32, #tpu.memory_space<vmem>>, vector<16xi32>,
        %get3A_394 = vector.shape_cast %get3A_393 : vector<16xi32> to vector<16xi32>
        %and3A_395 = arith.constant 16383 : i32
        %and3A_396 = vector.broadcast %and3A_395 : i32 to vector<16xi32>
        %and3A_397 = arith.andi %get3A_394, %and3A_396 : vector<16xi32>
        %swap3A_398 = arith.constant 0 : index
        %swap3A_399 = tpu.vector_load %arg11[%swap3A_398] {strides = array<i32>} : memref<80xi32, #tpu.memory_space<vmem>>, vector<16xi32>,
        %swap3A_400 = vector.shape_cast %swap3A_399 : vector<16xi32> to vector<16xi32>
        %swap3A_401 = vector.shape_cast %and3A_397 : vector<16xi32> to vector<16xi32>
        tpu.vector_store %arg11[%swap3A_398], %swap3A_401 {strides = array<i32>} : memref<80xi32, #tpu.memory_space<vmem>>, vector<16xi32>,
        %shift_right_arithmetic3A_402 = arith.constant 14 : i32
        %shift_right_arithmetic3A_403 = vector.broadcast %shift_right_arithmetic3A_402 : i32 to vector<16xi32>
        %shift_right_arithmetic3A_404 = arith.shrsi %get3A_394, %shift_right_arithmetic3A_403 : vector<16xi32>
        %swap3A_405 = arith.constant 0 : index
        %swap3A_406 = tpu.vector_load %arg15[%swap3A_405] {strides = array<i32>} : memref<80xi32, #tpu.memory_space<vmem>>, vector<16xi32>,
        %swap3A_407 = vector.shape_cast %swap3A_406 : vector<16xi32> to vector<16xi32>
        %swap3A_408 = vector.shape_cast %shift_right_arithmetic3A_404 : vector<16xi32> to vector<16xi32>
        tpu.vector_store %arg15[%swap3A_405], %swap3A_408 {strides = array<i32>} : memref<80xi32, #tpu.memory_space<vmem>>, vector<16xi32>,
        %get3A_409 = arith.constant 16 : index
        %get3A_410 = tpu.vector_load %arg7[%get3A_409] {strides = array<i32>} : memref<80xi32, #tpu.memory_space<vmem>>, vector<16xi32>,
        %get3A_411 = vector.shape_cast %get3A_410 : vector<16xi32> to vector<16xi32>
        %and3A_412 = arith.constant 16383 : i32
        %and3A_413 = vector.broadcast %and3A_412 : i32 to vector<16xi32>
        %and3A_414 = arith.andi %get3A_411, %and3A_413 : vector<16xi32>
        %swap3A_415 = arith.constant 16 : index
        %swap3A_416 = tpu.vector_load %arg11[%swap3A_415] {strides = array<i32>} : memref<80xi32, #tpu.memory_space<vmem>>, vector<16xi32>,
        %swap3A_417 = vector.shape_cast %swap3A_416 : vector<16xi32> to vector<16xi32>
        %swap3A_418 = vector.shape_cast %and3A_414 : vector<16xi32> to vector<16xi32>
        tpu.vector_store %arg11[%swap3A_415], %swap3A_418 {strides = array<i32>} : memref<80xi32, #tpu.memory_space<vmem>>, vector<16xi32>,
        %shift_right_arithmetic3A_419 = arith.constant 14 : i32
        %shift_right_arithmetic3A_420 = vector.broadcast %shift_right_arithmetic3A_419 : i32 to vector<16xi32>
        %shift_right_arithmetic3A_421 = arith.shrsi %get3A_411, %shift_right_arithmetic3A_420 : vector<16xi32>
        %swap3A_422 = arith.constant 16 : index
        %swap3A_423 = tpu.vector_load %arg15[%swap3A_422] {strides = array<i32>} : memref<80xi32, #tpu.memory_space<vmem>>, vector<16xi32>,
        %swap3A_424 = vector.shape_cast %swap3A_423 : vector<16xi32> to vector<16xi32>
        %swap3A_425 = vector.shape_cast %shift_right_arithmetic3A_421 : vector<16xi32> to vector<16xi32>
        tpu.vector_store %arg15[%swap3A_422], %swap3A_425 {strides = array<i32>} : memref<80xi32, #tpu.memory_space<vmem>>, vector<16xi32>,
        %get3A_426 = arith.constant 32 : index
        %get3A_427 = tpu.vector_load %arg7[%get3A_426] {strides = array<i32>} : memref<80xi32, #tpu.memory_space<vmem>>, vector<16xi32>,
        %get3A_428 = vector.shape_cast %get3A_427 : vector<16xi32> to vector<16xi32>
        %and3A_429 = arith.constant 16383 : i32
        %and3A_430 = vector.broadcast %and3A_429 : i32 to vector<16xi32>
        %and3A_431 = arith.andi %get3A_428, %and3A_430 : vector<16xi32>
        %swap3A_432 = arith.constant 32 : index
        %swap3A_433 = tpu.vector_load %arg11[%swap3A_432] {strides = array<i32>} : memref<80xi32, #tpu.memory_space<vmem>>, vector<16xi32>,
        %swap3A_434 = vector.shape_cast %swap3A_433 : vector<16xi32> to vector<16xi32>
        %swap3A_435 = vector.shape_cast %and3A_431 : vector<16xi32> to vector<16xi32>
        tpu.vector_store %arg11[%swap3A_432], %swap3A_435 {strides = array<i32>} : memref<80xi32, #tpu.memory_space<vmem>>, vector<16xi32>,
        %shift_right_arithmetic3A_436 = arith.constant 14 : i32
        %shift_right_arithmetic3A_437 = vector.broadcast %shift_right_arithmetic3A_436 : i32 to vector<16xi32>
        %shift_right_arithmetic3A_438 = arith.shrsi %get3A_428, %shift_right_arithmetic3A_437 : vector<16xi32>
        %swap3A_439 = arith.constant 32 : index
        %swap3A_440 = tpu.vector_load %arg15[%swap3A_439] {strides = array<i32>} : memref<80xi32, #tpu.memory_space<vmem>>, vector<16xi32>,
        %swap3A_441 = vector.shape_cast %swap3A_440 : vector<16xi32> to vector<16xi32>
        %swap3A_442 = vector.shape_cast %shift_right_arithmetic3A_438 : vector<16xi32> to vector<16xi32>
        tpu.vector_store %arg15[%swap3A_439], %swap3A_442 {strides = array<i32>} : memref<80xi32, #tpu.memory_space<vmem>>, vector<16xi32>,
        %get3A_443 = arith.constant 48 : index
        %get3A_444 = tpu.vector_load %arg7[%get3A_443] {strides = array<i32>} : memref<80xi32, #tpu.memory_space<vmem>>, vector<16xi32>,
        %get3A_445 = vector.shape_cast %get3A_444 : vector<16xi32> to vector<16xi32>
        %and3A_446 = arith.constant 16383 : i32
        %and3A_447 = vector.broadcast %and3A_446 : i32 to vector<16xi32>
        %and3A_448 = arith.andi %get3A_445, %and3A_447 : vector<16xi32>
        %swap3A_449 = arith.constant 48 : index
        %swap3A_450 = tpu.vector_load %arg11[%swap3A_449] {strides = array<i32>} : memref<80xi32, #tpu.memory_space<vmem>>, vector<16xi32>,
        %swap3A_451 = vector.shape_cast %swap3A_450 : vector<16xi32> to vector<16xi32>
        %swap3A_452 = vector.shape_cast %and3A_448 : vector<16xi32> to vector<16xi32>
        tpu.vector_store %arg11[%swap3A_449], %swap3A_452 {strides = array<i32>} : memref<80xi32, #tpu.memory_space<vmem>>, vector<16xi32>,
        %shift_right_arithmetic3A_453 = arith.constant 14 : i32
        %shift_right_arithmetic3A_454 = vector.broadcast %shift_right_arithmetic3A_453 : i32 to vector<16xi32>
        %shift_right_arithmetic3A_455 = arith.shrsi %get3A_445, %shift_right_arithmetic3A_454 : vector<16xi32>
        %swap3A_456 = arith.constant 48 : index
        %swap3A_457 = tpu.vector_load %arg15[%swap3A_456] {strides = array<i32>} : memref<80xi32, #tpu.memory_space<vmem>>, vector<16xi32>,
        %swap3A_458 = vector.shape_cast %swap3A_457 : vector<16xi32> to vector<16xi32>
        %swap3A_459 = vector.shape_cast %shift_right_arithmetic3A_455 : vector<16xi32> to vector<16xi32>
        tpu.vector_store %arg15[%swap3A_456], %swap3A_459 {strides = array<i32>} : memref<80xi32, #tpu.memory_space<vmem>>, vector<16xi32>,
        %get3A_460 = arith.constant 64 : index
        %get3A_461 = tpu.vector_load %arg7[%get3A_460] {strides = array<i32>} : memref<80xi32, #tpu.memory_space<vmem>>, vector<16xi32>,
        %get3A_462 = vector.shape_cast %get3A_461 : vector<16xi32> to vector<16xi32>
        %and3A_463 = arith.constant 16383 : i32
        %and3A_464 = vector.broadcast %and3A_463 : i32 to vector<16xi32>
        %and3A_465 = arith.andi %get3A_462, %and3A_464 : vector<16xi32>
        %swap3A_466 = arith.constant 64 : index
        %swap3A_467 = tpu.vector_load %arg11[%swap3A_466] {strides = array<i32>} : memref<80xi32, #tpu.memory_space<vmem>>, vector<16xi32>,
        %swap3A_468 = vector.shape_cast %swap3A_467 : vector<16xi32> to vector<16xi32>
        %swap3A_469 = vector.shape_cast %and3A_465 : vector<16xi32> to vector<16xi32>
        tpu.vector_store %arg11[%swap3A_466], %swap3A_469 {strides = array<i32>} : memref<80xi32, #tpu.memory_space<vmem>>, vector<16xi32>,
        %shift_right_arithmetic3A_470 = arith.constant 14 : i32
        %shift_right_arithmetic3A_471 = vector.broadcast %shift_right_arithmetic3A_470 : i32 to vector<16xi32>
        %shift_right_arithmetic3A_472 = arith.shrsi %get3A_462, %shift_right_arithmetic3A_471 : vector<16xi32>
        %swap3A_473 = arith.constant 64 : index
        %swap3A_474 = tpu.vector_load %arg15[%swap3A_473] {strides = array<i32>} : memref<80xi32, #tpu.memory_space<vmem>>, vector<16xi32>,
        %swap3A_475 = vector.shape_cast %swap3A_474 : vector<16xi32> to vector<16xi32>
        %swap3A_476 = vector.shape_cast %shift_right_arithmetic3A_472 : vector<16xi32> to vector<16xi32>
        tpu.vector_store %arg15[%swap3A_473], %swap3A_476 {strides = array<i32>} : memref<80xi32, #tpu.memory_space<vmem>>, vector<16xi32>,
        %dma_start3A_477 = arith.constant 0 : i32
        %dma_start3A_478 = arith.constant 0 : i32
        %dma_start3A_479 = tpu.memref_slice %arg2[%dma_start3A_477, %dma_start3A_478] : memref<10000x64xf32, #tpu.memory_space<hbm>> -> memref<10000x64xf32, #tpu.memory_space<hbm>>
        tpu.enqueue_indirect_dma source(%dma_start3A_479 : memref<10000x64xf32, #tpu.memory_space<hbm>>) target(%arg19 : memref<80x64xf32, #tpu.memory_space<vmem>>) offsets(%arg11 : memref<80xi32, #tpu.memory_space<vmem>>) semaphore(%arg27 : memref<!tpu.dma_semaphore, #tpu.memory_space<semaphore_mem>>)
      } else {
      }
      %add3A_340 = arith.constant 4 : i32
      %add3A_341 = arith.addi %add3A_327, %add3A_340 : i32
      %lt3A_342 = arith.constant 125 : i32
      %lt3A_343 = arith.cmpi slt, %add3A_341, %lt3A_342 : i32
      %convert_element_type3A_344 = arith.extui %lt3A_343 : i1 to i32
      %cond3A_345 = arith.constant 0 : i32
      %cond3A_346 = arith.cmpi ne, %convert_element_type3A_344, %cond3A_345 : i32
      scf.if %cond3A_346 {
        %add3A_382 = arith.constant 4 : i32
        %add3A_383 = arith.addi %add3A_327, %add3A_382 : i32
        %mul3A_384 = arith.constant 10000 : i32
        %mul3A_385 = arith.muli %add3A, %mul3A_384 : i32
        %mul3A_386 = arith.constant 80 : i32
        %mul3A_387 = arith.muli %add3A_383, %mul3A_386 : i32
        %add3A_388 = arith.addi %mul3A_385, %mul3A_387 : i32
        %multiple_of3A_389 = tpu.assume_multiple %add3A_388, 8 : i32
        %dma_start3A_390 = tpu.memref_slice %arg3[%multiple_of3A_389] : memref<320000xi32, #tpu.memory_space<hbm>> -> memref<80xi32, #tpu.memory_space<hbm>>
        %dma_start3A_391 = tpu.memref_slice %arg3[%multiple_of3A_389] : memref<320000xi32, #tpu.memory_space<hbm>> -> memref<80xi32, #tpu.memory_space<hbm>>
        tpu.enqueue_dma source(%dma_start3A_391 : memref<80xi32, #tpu.memory_space<hbm>>) target(%arg9 : memref<80xi32, #tpu.memory_space<vmem>>) target_semaphore(%arg25 : memref<!tpu.dma_semaphore, #tpu.memory_space<semaphore_mem>>)
      } else {
      }
      %dma_wait3A_347 = arith.constant 0 : i32
      %dma_wait3A_348 = arith.constant 0 : i32
      %dma_wait3A_349 = tpu.memref_slice %arg2[%dma_wait3A_347, %dma_wait3A_348] : memref<10000x64xf32, #tpu.memory_space<hbm>> -> memref<10000x64xf32, #tpu.memory_space<hbm>>
      tpu.wait_indirect_dma semaphore(%arg29 : memref<!tpu.dma_semaphore, #tpu.memory_space<semaphore_mem>>) src(%dma_wait3A_349 : memref<10000x64xf32, #tpu.memory_space<hbm>>) dst(%arg21 : memref<80x64xf32, #tpu.memory_space<vmem>>)
      %dma_start3A_350 = arith.constant 0 : i32
      %dma_start3A_351 = arith.constant 0 : i32
      %dma_start3A_352 = tpu.memref_slice %arg6[%dma_start3A_350, %dma_start3A_351] : memref<10000x64xf32, #tpu.memory_space<vmem_shared>> -> memref<10000x64xf32, #tpu.memory_space<vmem_shared>>
      tpu.enqueue_indirect_dma source(%arg21 : memref<80x64xf32, #tpu.memory_space<vmem>>) target(%dma_start3A_352 : memref<10000x64xf32, #tpu.memory_space<vmem_shared>>) offsets(%arg17 : memref<80xi32, #tpu.memory_space<vmem>>) semaphore(%arg33 : memref<!tpu.dma_semaphore, #tpu.memory_space<semaphore_mem>>) {add = true}
      %mul3A_353 = arith.constant 4 : i32
      %mul3A_354 = arith.muli %mul3A_353, %scan3A_267 : i32
      %add3A_355 = arith.constant 3 : i32
      %add3A_356 = arith.addi %mul3A_354, %add3A_355 : i32
      %ge3A_357 = arith.constant 2 : i32
      %ge3A_358 = arith.cmpi sge, %add3A_356, %ge3A_357 : i32
      %convert_element_type3A_359 = arith.extui %ge3A_358 : i1 to i32
      %cond3A_360 = arith.constant 0 : i32
      %cond3A_361 = arith.cmpi ne, %convert_element_type3A_359, %cond3A_360 : i32
      scf.if %cond3A_361 {
        %dma_wait3A_382 = arith.constant 0 : i32
        %dma_wait3A_383 = arith.constant 0 : i32
        %dma_wait3A_384 = tpu.memref_slice %arg6[%dma_wait3A_382, %dma_wait3A_383] : memref<10000x64xf32, #tpu.memory_space<vmem_shared>> -> memref<80x64xf32, #tpu.memory_space<vmem_shared>>
        %dma_wait3A_385 = arith.constant 0 : i32
        %dma_wait3A_386 = arith.constant 0 : i32
        %dma_wait3A_387 = tpu.memref_slice %arg6[%dma_wait3A_385, %dma_wait3A_386] : memref<10000x64xf32, #tpu.memory_space<vmem_shared>> -> memref<80x64xf32, #tpu.memory_space<vmem_shared>>
        tpu.wait_dma2 semaphore(%arg32 : memref<!tpu.dma_semaphore, #tpu.memory_space<semaphore_mem>>) src(%arg20 : memref<80x64xf32, #tpu.memory_space<vmem>>) dst(%dma_wait3A_387 : memref<80x64xf32, #tpu.memory_space<vmem_shared>>)
      } else {
      }
      %add3A_362 = arith.constant 2 : i32
      %add3A_363 = arith.addi %add3A_356, %add3A_362 : i32
      %lt3A_364 = arith.constant 125 : i32
      %lt3A_365 = arith.cmpi slt, %add3A_363, %lt3A_364 : i32
      %convert_element_type3A_366 = arith.extui %lt3A_365 : i1 to i32
      %cond3A_367 = arith.constant 0 : i32
      %cond3A_368 = arith.cmpi ne, %convert_element_type3A_366, %cond3A_367 : i32
      scf.if %cond3A_368 {
        %add3A_382 = arith.constant 2 : i32
        %add3A_383 = arith.addi %add3A_356, %add3A_382 : i32
        %mul3A_384 = arith.constant 10000 : i32
        %mul3A_385 = arith.muli %add3A, %mul3A_384 : i32
        %mul3A_386 = arith.constant 80 : i32
        %mul3A_387 = arith.muli %add3A_383, %mul3A_386 : i32
        %add3A_388 = arith.addi %mul3A_385, %mul3A_387 : i32
        %multiple_of3A_389 = tpu.assume_multiple %add3A_388, 8 : i32
        %dma_wait3A_390 = tpu.memref_slice %arg3[%multiple_of3A_389] : memref<320000xi32, #tpu.memory_space<hbm>> -> memref<80xi32, #tpu.memory_space<hbm>>
        %dma_wait3A_391 = tpu.memref_slice %arg3[%multiple_of3A_389] : memref<320000xi32, #tpu.memory_space<hbm>> -> memref<80xi32, #tpu.memory_space<hbm>>
        tpu.wait_dma2 semaphore(%arg24 : memref<!tpu.dma_semaphore, #tpu.memory_space<semaphore_mem>>) src(%dma_wait3A_391 : memref<80xi32, #tpu.memory_space<hbm>>) dst(%arg8 : memref<80xi32, #tpu.memory_space<vmem>>)
        %get3A_392 = arith.constant 0 : index
        %get3A_393 = tpu.vector_load %arg8[%get3A_392] {strides = array<i32>} : memref<80xi32, #tpu.memory_space<vmem>>, vector<16xi32>,
        %get3A_394 = vector.shape_cast %get3A_393 : vector<16xi32> to vector<16xi32>
        %and3A_395 = arith.constant 16383 : i32
        %and3A_396 = vector.broadcast %and3A_395 : i32 to vector<16xi32>
        %and3A_397 = arith.andi %get3A_394, %and3A_396 : vector<16xi32>
        %swap3A_398 = arith.constant 0 : index
        %swap3A_399 = tpu.vector_load %arg12[%swap3A_398] {strides = array<i32>} : memref<80xi32, #tpu.memory_space<vmem>>, vector<16xi32>,
        %swap3A_400 = vector.shape_cast %swap3A_399 : vector<16xi32> to vector<16xi32>
        %swap3A_401 = vector.shape_cast %and3A_397 : vector<16xi32> to vector<16xi32>
        tpu.vector_store %arg12[%swap3A_398], %swap3A_401 {strides = array<i32>} : memref<80xi32, #tpu.memory_space<vmem>>, vector<16xi32>,
        %shift_right_arithmetic3A_402 = arith.constant 14 : i32
        %shift_right_arithmetic3A_403 = vector.broadcast %shift_right_arithmetic3A_402 : i32 to vector<16xi32>
        %shift_right_arithmetic3A_404 = arith.shrsi %get3A_394, %shift_right_arithmetic3A_403 : vector<16xi32>
        %swap3A_405 = arith.constant 0 : index
        %swap3A_406 = tpu.vector_load %arg16[%swap3A_405] {strides = array<i32>} : memref<80xi32, #tpu.memory_space<vmem>>, vector<16xi32>,
        %swap3A_407 = vector.shape_cast %swap3A_406 : vector<16xi32> to vector<16xi32>
        %swap3A_408 = vector.shape_cast %shift_right_arithmetic3A_404 : vector<16xi32> to vector<16xi32>
        tpu.vector_store %arg16[%swap3A_405], %swap3A_408 {strides = array<i32>} : memref<80xi32, #tpu.memory_space<vmem>>, vector<16xi32>,
        %get3A_409 = arith.constant 16 : index
        %get3A_410 = tpu.vector_load %arg8[%get3A_409] {strides = array<i32>} : memref<80xi32, #tpu.memory_space<vmem>>, vector<16xi32>,
        %get3A_411 = vector.shape_cast %get3A_410 : vector<16xi32> to vector<16xi32>
        %and3A_412 = arith.constant 16383 : i32
        %and3A_413 = vector.broadcast %and3A_412 : i32 to vector<16xi32>
        %and3A_414 = arith.andi %get3A_411, %and3A_413 : vector<16xi32>
        %swap3A_415 = arith.constant 16 : index
        %swap3A_416 = tpu.vector_load %arg12[%swap3A_415] {strides = array<i32>} : memref<80xi32, #tpu.memory_space<vmem>>, vector<16xi32>,
        %swap3A_417 = vector.shape_cast %swap3A_416 : vector<16xi32> to vector<16xi32>
        %swap3A_418 = vector.shape_cast %and3A_414 : vector<16xi32> to vector<16xi32>
        tpu.vector_store %arg12[%swap3A_415], %swap3A_418 {strides = array<i32>} : memref<80xi32, #tpu.memory_space<vmem>>, vector<16xi32>,
        %shift_right_arithmetic3A_419 = arith.constant 14 : i32
        %shift_right_arithmetic3A_420 = vector.broadcast %shift_right_arithmetic3A_419 : i32 to vector<16xi32>
        %shift_right_arithmetic3A_421 = arith.shrsi %get3A_411, %shift_right_arithmetic3A_420 : vector<16xi32>
        %swap3A_422 = arith.constant 16 : index
        %swap3A_423 = tpu.vector_load %arg16[%swap3A_422] {strides = array<i32>} : memref<80xi32, #tpu.memory_space<vmem>>, vector<16xi32>,
        %swap3A_424 = vector.shape_cast %swap3A_423 : vector<16xi32> to vector<16xi32>
        %swap3A_425 = vector.shape_cast %shift_right_arithmetic3A_421 : vector<16xi32> to vector<16xi32>
        tpu.vector_store %arg16[%swap3A_422], %swap3A_425 {strides = array<i32>} : memref<80xi32, #tpu.memory_space<vmem>>, vector<16xi32>,
        %get3A_426 = arith.constant 32 : index
        %get3A_427 = tpu.vector_load %arg8[%get3A_426] {strides = array<i32>} : memref<80xi32, #tpu.memory_space<vmem>>, vector<16xi32>,
        %get3A_428 = vector.shape_cast %get3A_427 : vector<16xi32> to vector<16xi32>
        %and3A_429 = arith.constant 16383 : i32
        %and3A_430 = vector.broadcast %and3A_429 : i32 to vector<16xi32>
        %and3A_431 = arith.andi %get3A_428, %and3A_430 : vector<16xi32>
        %swap3A_432 = arith.constant 32 : index
        %swap3A_433 = tpu.vector_load %arg12[%swap3A_432] {strides = array<i32>} : memref<80xi32, #tpu.memory_space<vmem>>, vector<16xi32>,
        %swap3A_434 = vector.shape_cast %swap3A_433 : vector<16xi32> to vector<16xi32>
        %swap3A_435 = vector.shape_cast %and3A_431 : vector<16xi32> to vector<16xi32>
        tpu.vector_store %arg12[%swap3A_432], %swap3A_435 {strides = array<i32>} : memref<80xi32, #tpu.memory_space<vmem>>, vector<16xi32>,
        %shift_right_arithmetic3A_436 = arith.constant 14 : i32
        %shift_right_arithmetic3A_437 = vector.broadcast %shift_right_arithmetic3A_436 : i32 to vector<16xi32>
        %shift_right_arithmetic3A_438 = arith.shrsi %get3A_428, %shift_right_arithmetic3A_437 : vector<16xi32>
        %swap3A_439 = arith.constant 32 : index
        %swap3A_440 = tpu.vector_load %arg16[%swap3A_439] {strides = array<i32>} : memref<80xi32, #tpu.memory_space<vmem>>, vector<16xi32>,
        %swap3A_441 = vector.shape_cast %swap3A_440 : vector<16xi32> to vector<16xi32>
        %swap3A_442 = vector.shape_cast %shift_right_arithmetic3A_438 : vector<16xi32> to vector<16xi32>
        tpu.vector_store %arg16[%swap3A_439], %swap3A_442 {strides = array<i32>} : memref<80xi32, #tpu.memory_space<vmem>>, vector<16xi32>,
        %get3A_443 = arith.constant 48 : index
        %get3A_444 = tpu.vector_load %arg8[%get3A_443] {strides = array<i32>} : memref<80xi32, #tpu.memory_space<vmem>>, vector<16xi32>,
        %get3A_445 = vector.shape_cast %get3A_444 : vector<16xi32> to vector<16xi32>
        %and3A_446 = arith.constant 16383 : i32
        %and3A_447 = vector.broadcast %and3A_446 : i32 to vector<16xi32>
        %and3A_448 = arith.andi %get3A_445, %and3A_447 : vector<16xi32>
        %swap3A_449 = arith.constant 48 : index
        %swap3A_450 = tpu.vector_load %arg12[%swap3A_449] {strides = array<i32>} : memref<80xi32, #tpu.memory_space<vmem>>, vector<16xi32>,
        %swap3A_451 = vector.shape_cast %swap3A_450 : vector<16xi32> to vector<16xi32>
        %swap3A_452 = vector.shape_cast %and3A_448 : vector<16xi32> to vector<16xi32>
        tpu.vector_store %arg12[%swap3A_449], %swap3A_452 {strides = array<i32>} : memref<80xi32, #tpu.memory_space<vmem>>, vector<16xi32>,
        %shift_right_arithmetic3A_453 = arith.constant 14 : i32
        %shift_right_arithmetic3A_454 = vector.broadcast %shift_right_arithmetic3A_453 : i32 to vector<16xi32>
        %shift_right_arithmetic3A_455 = arith.shrsi %get3A_445, %shift_right_arithmetic3A_454 : vector<16xi32>
        %swap3A_456 = arith.constant 48 : index
        %swap3A_457 = tpu.vector_load %arg16[%swap3A_456] {strides = array<i32>} : memref<80xi32, #tpu.memory_space<vmem>>, vector<16xi32>,
        %swap3A_458 = vector.shape_cast %swap3A_457 : vector<16xi32> to vector<16xi32>
        %swap3A_459 = vector.shape_cast %shift_right_arithmetic3A_455 : vector<16xi32> to vector<16xi32>
        tpu.vector_store %arg16[%swap3A_456], %swap3A_459 {strides = array<i32>} : memref<80xi32, #tpu.memory_space<vmem>>, vector<16xi32>,
        %get3A_460 = arith.constant 64 : index
        %get3A_461 = tpu.vector_load %arg8[%get3A_460] {strides = array<i32>} : memref<80xi32, #tpu.memory_space<vmem>>, vector<16xi32>,
        %get3A_462 = vector.shape_cast %get3A_461 : vector<16xi32> to vector<16xi32>
        %and3A_463 = arith.constant 16383 : i32
        %and3A_464 = vector.broadcast %and3A_463 : i32 to vector<16xi32>
        %and3A_465 = arith.andi %get3A_462, %and3A_464 : vector<16xi32>
        %swap3A_466 = arith.constant 64 : index
        %swap3A_467 = tpu.vector_load %arg12[%swap3A_466] {strides = array<i32>} : memref<80xi32, #tpu.memory_space<vmem>>, vector<16xi32>,
        %swap3A_468 = vector.shape_cast %swap3A_467 : vector<16xi32> to vector<16xi32>
        %swap3A_469 = vector.shape_cast %and3A_465 : vector<16xi32> to vector<16xi32>
        tpu.vector_store %arg12[%swap3A_466], %swap3A_469 {strides = array<i32>} : memref<80xi32, #tpu.memory_space<vmem>>, vector<16xi32>,
        %shift_right_arithmetic3A_470 = arith.constant 14 : i32
        %shift_right_arithmetic3A_471 = vector.broadcast %shift_right_arithmetic3A_470 : i32 to vector<16xi32>
        %shift_right_arithmetic3A_472 = arith.shrsi %get3A_462, %shift_right_arithmetic3A_471 : vector<16xi32>
        %swap3A_473 = arith.constant 64 : index
        %swap3A_474 = tpu.vector_load %arg16[%swap3A_473] {strides = array<i32>} : memref<80xi32, #tpu.memory_space<vmem>>, vector<16xi32>,
        %swap3A_475 = vector.shape_cast %swap3A_474 : vector<16xi32> to vector<16xi32>
        %swap3A_476 = vector.shape_cast %shift_right_arithmetic3A_472 : vector<16xi32> to vector<16xi32>
        tpu.vector_store %arg16[%swap3A_473], %swap3A_476 {strides = array<i32>} : memref<80xi32, #tpu.memory_space<vmem>>, vector<16xi32>,
        %dma_start3A_477 = arith.constant 0 : i32
        %dma_start3A_478 = arith.constant 0 : i32
        %dma_start3A_479 = tpu.memref_slice %arg2[%dma_start3A_477, %dma_start3A_478] : memref<10000x64xf32, #tpu.memory_space<hbm>> -> memref<10000x64xf32, #tpu.memory_space<hbm>>
        tpu.enqueue_indirect_dma source(%dma_start3A_479 : memref<10000x64xf32, #tpu.memory_space<hbm>>) target(%arg20 : memref<80x64xf32, #tpu.memory_space<vmem>>) offsets(%arg12 : memref<80xi32, #tpu.memory_space<vmem>>) semaphore(%arg28 : memref<!tpu.dma_semaphore, #tpu.memory_space<semaphore_mem>>)
      } else {
      }
      %add3A_369 = arith.constant 4 : i32
      %add3A_370 = arith.addi %add3A_356, %add3A_369 : i32
      %lt3A_371 = arith.constant 125 : i32
      %lt3A_372 = arith.cmpi slt, %add3A_370, %lt3A_371 : i32
      %convert_element_type3A_373 = arith.extui %lt3A_372 : i1 to i32
      %cond3A_374 = arith.constant 0 : i32
      %cond3A_375 = arith.cmpi ne, %convert_element_type3A_373, %cond3A_374 : i32
      scf.if %cond3A_375 {
        %add3A_382 = arith.constant 4 : i32
        %add3A_383 = arith.addi %add3A_356, %add3A_382 : i32
        %mul3A_384 = arith.constant 10000 : i32
        %mul3A_385 = arith.muli %add3A, %mul3A_384 : i32
        %mul3A_386 = arith.constant 80 : i32
        %mul3A_387 = arith.muli %add3A_383, %mul3A_386 : i32
        %add3A_388 = arith.addi %mul3A_385, %mul3A_387 : i32
        %multiple_of3A_389 = tpu.assume_multiple %add3A_388, 8 : i32
        %dma_start3A_390 = tpu.memref_slice %arg3[%multiple_of3A_389] : memref<320000xi32, #tpu.memory_space<hbm>> -> memref<80xi32, #tpu.memory_space<hbm>>
        %dma_start3A_391 = tpu.memref_slice %arg3[%multiple_of3A_389] : memref<320000xi32, #tpu.memory_space<hbm>> -> memref<80xi32, #tpu.memory_space<hbm>>
        tpu.enqueue_dma source(%dma_start3A_391 : memref<80xi32, #tpu.memory_space<hbm>>) target(%arg10 : memref<80xi32, #tpu.memory_space<vmem>>) target_semaphore(%arg26 : memref<!tpu.dma_semaphore, #tpu.memory_space<semaphore_mem>>)
      } else {
      }
      %dma_wait3A_376 = arith.constant 0 : i32
      %dma_wait3A_377 = arith.constant 0 : i32
      %dma_wait3A_378 = tpu.memref_slice %arg2[%dma_wait3A_376, %dma_wait3A_377] : memref<10000x64xf32, #tpu.memory_space<hbm>> -> memref<10000x64xf32, #tpu.memory_space<hbm>>
      tpu.wait_indirect_dma semaphore(%arg30 : memref<!tpu.dma_semaphore, #tpu.memory_space<semaphore_mem>>) src(%dma_wait3A_378 : memref<10000x64xf32, #tpu.memory_space<hbm>>) dst(%arg22 : memref<80x64xf32, #tpu.memory_space<vmem>>)
      %dma_start3A_379 = arith.constant 0 : i32
      %dma_start3A_380 = arith.constant 0 : i32
      %dma_start3A_381 = tpu.memref_slice %arg6[%dma_start3A_379, %dma_start3A_380] : memref<10000x64xf32, #tpu.memory_space<vmem_shared>> -> memref<10000x64xf32, #tpu.memory_space<vmem_shared>>
      tpu.enqueue_indirect_dma source(%arg22 : memref<80x64xf32, #tpu.memory_space<vmem>>) target(%dma_start3A_381 : memref<10000x64xf32, #tpu.memory_space<vmem_shared>>) offsets(%arg18 : memref<80xi32, #tpu.memory_space<vmem>>) semaphore(%arg34 : memref<!tpu.dma_semaphore, #tpu.memory_space<semaphore_mem>>) {add = true}
    }
    %scan3A_220 = arith.constant 31 : i32
    %ge3A = arith.constant 124 : i32
    %ge3A_221 = arith.constant 2 : i32
    %ge3A_222 = arith.cmpi sge, %ge3A, %ge3A_221 : i32
    %convert_element_type3A_223 = arith.extui %ge3A_222 : i1 to i32
    %cond3A_224 = arith.constant 0 : i32
    %cond3A_225 = arith.cmpi ne, %convert_element_type3A_223, %cond3A_224 : i32
    scf.if %cond3A_225 {
      %dma_wait3A_267 = arith.constant 0 : i32
      %dma_wait3A_268 = arith.constant 0 : i32
      %dma_wait3A_269 = tpu.memref_slice %arg6[%dma_wait3A_267, %dma_wait3A_268] : memref<10000x64xf32, #tpu.memory_space<vmem_shared>> -> memref<80x64xf32, #tpu.memory_space<vmem_shared>>
      %dma_wait3A_270 = arith.constant 0 : i32
      %dma_wait3A_271 = arith.constant 0 : i32
      %dma_wait3A_272 = tpu.memref_slice %arg6[%dma_wait3A_270, %dma_wait3A_271] : memref<10000x64xf32, #tpu.memory_space<vmem_shared>> -> memref<80x64xf32, #tpu.memory_space<vmem_shared>>
      tpu.wait_dma2 semaphore(%arg33 : memref<!tpu.dma_semaphore, #tpu.memory_space<semaphore_mem>>) src(%arg21 : memref<80x64xf32, #tpu.memory_space<vmem>>) dst(%dma_wait3A_272 : memref<80x64xf32, #tpu.memory_space<vmem_shared>>)
    } else {
    }
    %add3A_226 = arith.constant 124 : i32
    %add3A_227 = arith.constant 2 : i32
    %add3A_228 = arith.addi %add3A_226, %add3A_227 : i32
    %lt3A = arith.constant 125 : i32
    %lt3A_229 = arith.cmpi slt, %add3A_228, %lt3A : i32
    %convert_element_type3A_230 = arith.extui %lt3A_229 : i1 to i32
    %cond3A_231 = arith.constant 124 : i32
    %cond3A_232 = arith.constant 0 : i32
    %cond3A_233 = arith.cmpi ne, %convert_element_type3A_230, %cond3A_232 : i32
    scf.if %cond3A_233 {
      %add3A_267 = arith.constant 2 : i32
      %add3A_268 = arith.addi %cond3A_231, %add3A_267 : i32
      %mul3A_269 = arith.constant 10000 : i32
      %mul3A_270 = arith.muli %add3A, %mul3A_269 : i32
      %mul3A_271 = arith.constant 80 : i32
      %mul3A_272 = arith.muli %add3A_268, %mul3A_271 : i32
      %add3A_273 = arith.addi %mul3A_270, %mul3A_272 : i32
      %multiple_of3A_274 = tpu.assume_multiple %add3A_273, 8 : i32
      %dma_wait3A_275 = tpu.memref_slice %arg3[%multiple_of3A_274] : memref<320000xi32, #tpu.memory_space<hbm>> -> memref<80xi32, #tpu.memory_space<hbm>>
      %dma_wait3A_276 = tpu.memref_slice %arg3[%multiple_of3A_274] : memref<320000xi32, #tpu.memory_space<hbm>> -> memref<80xi32, #tpu.memory_space<hbm>>
      tpu.wait_dma2 semaphore(%arg25 : memref<!tpu.dma_semaphore, #tpu.memory_space<semaphore_mem>>) src(%dma_wait3A_276 : memref<80xi32, #tpu.memory_space<hbm>>) dst(%arg9 : memref<80xi32, #tpu.memory_space<vmem>>)
      %get3A_277 = arith.constant 0 : index
      %get3A_278 = tpu.vector_load %arg9[%get3A_277] {strides = array<i32>} : memref<80xi32, #tpu.memory_space<vmem>>, vector<16xi32>,
      %get3A_279 = vector.shape_cast %get3A_278 : vector<16xi32> to vector<16xi32>
      %and3A_280 = arith.constant 16383 : i32
      %and3A_281 = vector.broadcast %and3A_280 : i32 to vector<16xi32>
      %and3A_282 = arith.andi %get3A_279, %and3A_281 : vector<16xi32>
      %swap3A_283 = arith.constant 0 : index
      %swap3A_284 = tpu.vector_load %arg13[%swap3A_283] {strides = array<i32>} : memref<80xi32, #tpu.memory_space<vmem>>, vector<16xi32>,
      %swap3A_285 = vector.shape_cast %swap3A_284 : vector<16xi32> to vector<16xi32>
      %swap3A_286 = vector.shape_cast %and3A_282 : vector<16xi32> to vector<16xi32>
      tpu.vector_store %arg13[%swap3A_283], %swap3A_286 {strides = array<i32>} : memref<80xi32, #tpu.memory_space<vmem>>, vector<16xi32>,
      %shift_right_arithmetic3A_287 = arith.constant 14 : i32
      %shift_right_arithmetic3A_288 = vector.broadcast %shift_right_arithmetic3A_287 : i32 to vector<16xi32>
      %shift_right_arithmetic3A_289 = arith.shrsi %get3A_279, %shift_right_arithmetic3A_288 : vector<16xi32>
      %swap3A_290 = arith.constant 0 : index
      %swap3A_291 = tpu.vector_load %arg17[%swap3A_290] {strides = array<i32>} : memref<80xi32, #tpu.memory_space<vmem>>, vector<16xi32>,
      %swap3A_292 = vector.shape_cast %swap3A_291 : vector<16xi32> to vector<16xi32>
      %swap3A_293 = vector.shape_cast %shift_right_arithmetic3A_289 : vector<16xi32> to vector<16xi32>
      tpu.vector_store %arg17[%swap3A_290], %swap3A_293 {strides = array<i32>} : memref<80xi32, #tpu.memory_space<vmem>>, vector<16xi32>,
      %get3A_294 = arith.constant 16 : index
      %get3A_295 = tpu.vector_load %arg9[%get3A_294] {strides = array<i32>} : memref<80xi32, #tpu.memory_space<vmem>>, vector<16xi32>,
      %get3A_296 = vector.shape_cast %get3A_295 : vector<16xi32> to vector<16xi32>
      %and3A_297 = arith.constant 16383 : i32
      %and3A_298 = vector.broadcast %and3A_297 : i32 to vector<16xi32>
      %and3A_299 = arith.andi %get3A_296, %and3A_298 : vector<16xi32>
      %swap3A_300 = arith.constant 16 : index
      %swap3A_301 = tpu.vector_load %arg13[%swap3A_300] {strides = array<i32>} : memref<80xi32, #tpu.memory_space<vmem>>, vector<16xi32>,
      %swap3A_302 = vector.shape_cast %swap3A_301 : vector<16xi32> to vector<16xi32>
      %swap3A_303 = vector.shape_cast %and3A_299 : vector<16xi32> to vector<16xi32>
      tpu.vector_store %arg13[%swap3A_300], %swap3A_303 {strides = array<i32>} : memref<80xi32, #tpu.memory_space<vmem>>, vector<16xi32>,
      %shift_right_arithmetic3A_304 = arith.constant 14 : i32
      %shift_right_arithmetic3A_305 = vector.broadcast %shift_right_arithmetic3A_304 : i32 to vector<16xi32>
      %shift_right_arithmetic3A_306 = arith.shrsi %get3A_296, %shift_right_arithmetic3A_305 : vector<16xi32>
      %swap3A_307 = arith.constant 16 : index
      %swap3A_308 = tpu.vector_load %arg17[%swap3A_307] {strides = array<i32>} : memref<80xi32, #tpu.memory_space<vmem>>, vector<16xi32>,
      %swap3A_309 = vector.shape_cast %swap3A_308 : vector<16xi32> to vector<16xi32>
      %swap3A_310 = vector.shape_cast %shift_right_arithmetic3A_306 : vector<16xi32> to vector<16xi32>
      tpu.vector_store %arg17[%swap3A_307], %swap3A_310 {strides = array<i32>} : memref<80xi32, #tpu.memory_space<vmem>>, vector<16xi32>,
      %get3A_311 = arith.constant 32 : index
      %get3A_312 = tpu.vector_load %arg9[%get3A_311] {strides = array<i32>} : memref<80xi32, #tpu.memory_space<vmem>>, vector<16xi32>,
      %get3A_313 = vector.shape_cast %get3A_312 : vector<16xi32> to vector<16xi32>
      %and3A_314 = arith.constant 16383 : i32
      %and3A_315 = vector.broadcast %and3A_314 : i32 to vector<16xi32>
      %and3A_316 = arith.andi %get3A_313, %and3A_315 : vector<16xi32>
      %swap3A_317 = arith.constant 32 : index
      %swap3A_318 = tpu.vector_load %arg13[%swap3A_317] {strides = array<i32>} : memref<80xi32, #tpu.memory_space<vmem>>, vector<16xi32>,
      %swap3A_319 = vector.shape_cast %swap3A_318 : vector<16xi32> to vector<16xi32>
      %swap3A_320 = vector.shape_cast %and3A_316 : vector<16xi32> to vector<16xi32>
      tpu.vector_store %arg13[%swap3A_317], %swap3A_320 {strides = array<i32>} : memref<80xi32, #tpu.memory_space<vmem>>, vector<16xi32>,
      %shift_right_arithmetic3A_321 = arith.constant 14 : i32
      %shift_right_arithmetic3A_322 = vector.broadcast %shift_right_arithmetic3A_321 : i32 to vector<16xi32>
      %shift_right_arithmetic3A_323 = arith.shrsi %get3A_313, %shift_right_arithmetic3A_322 : vector<16xi32>
      %swap3A_324 = arith.constant 32 : index
      %swap3A_325 = tpu.vector_load %arg17[%swap3A_324] {strides = array<i32>} : memref<80xi32, #tpu.memory_space<vmem>>, vector<16xi32>,
      %swap3A_326 = vector.shape_cast %swap3A_325 : vector<16xi32> to vector<16xi32>
      %swap3A_327 = vector.shape_cast %shift_right_arithmetic3A_323 : vector<16xi32> to vector<16xi32>
      tpu.vector_store %arg17[%swap3A_324], %swap3A_327 {strides = array<i32>} : memref<80xi32, #tpu.memory_space<vmem>>, vector<16xi32>,
      %get3A_328 = arith.constant 48 : index
      %get3A_329 = tpu.vector_load %arg9[%get3A_328] {strides = array<i32>} : memref<80xi32, #tpu.memory_space<vmem>>, vector<16xi32>,
      %get3A_330 = vector.shape_cast %get3A_329 : vector<16xi32> to vector<16xi32>
      %and3A_331 = arith.constant 16383 : i32
      %and3A_332 = vector.broadcast %and3A_331 : i32 to vector<16xi32>
      %and3A_333 = arith.andi %get3A_330, %and3A_332 : vector<16xi32>
      %swap3A_334 = arith.constant 48 : index
      %swap3A_335 = tpu.vector_load %arg13[%swap3A_334] {strides = array<i32>} : memref<80xi32, #tpu.memory_space<vmem>>, vector<16xi32>,
      %swap3A_336 = vector.shape_cast %swap3A_335 : vector<16xi32> to vector<16xi32>
      %swap3A_337 = vector.shape_cast %and3A_333 : vector<16xi32> to vector<16xi32>
      tpu.vector_store %arg13[%swap3A_334], %swap3A_337 {strides = array<i32>} : memref<80xi32, #tpu.memory_space<vmem>>, vector<16xi32>,
      %shift_right_arithmetic3A_338 = arith.constant 14 : i32
      %shift_right_arithmetic3A_339 = vector.broadcast %shift_right_arithmetic3A_338 : i32 to vector<16xi32>
      %shift_right_arithmetic3A_340 = arith.shrsi %get3A_330, %shift_right_arithmetic3A_339 : vector<16xi32>
      %swap3A_341 = arith.constant 48 : index
      %swap3A_342 = tpu.vector_load %arg17[%swap3A_341] {strides = array<i32>} : memref<80xi32, #tpu.memory_space<vmem>>, vector<16xi32>,
      %swap3A_343 = vector.shape_cast %swap3A_342 : vector<16xi32> to vector<16xi32>
      %swap3A_344 = vector.shape_cast %shift_right_arithmetic3A_340 : vector<16xi32> to vector<16xi32>
      tpu.vector_store %arg17[%swap3A_341], %swap3A_344 {strides = array<i32>} : memref<80xi32, #tpu.memory_space<vmem>>, vector<16xi32>,
      %get3A_345 = arith.constant 64 : index
      %get3A_346 = tpu.vector_load %arg9[%get3A_345] {strides = array<i32>} : memref<80xi32, #tpu.memory_space<vmem>>, vector<16xi32>,
      %get3A_347 = vector.shape_cast %get3A_346 : vector<16xi32> to vector<16xi32>
      %and3A_348 = arith.constant 16383 : i32
      %and3A_349 = vector.broadcast %and3A_348 : i32 to vector<16xi32>
      %and3A_350 = arith.andi %get3A_347, %and3A_349 : vector<16xi32>
      %swap3A_351 = arith.constant 64 : index
      %swap3A_352 = tpu.vector_load %arg13[%swap3A_351] {strides = array<i32>} : memref<80xi32, #tpu.memory_space<vmem>>, vector<16xi32>,
      %swap3A_353 = vector.shape_cast %swap3A_352 : vector<16xi32> to vector<16xi32>
      %swap3A_354 = vector.shape_cast %and3A_350 : vector<16xi32> to vector<16xi32>
      tpu.vector_store %arg13[%swap3A_351], %swap3A_354 {strides = array<i32>} : memref<80xi32, #tpu.memory_space<vmem>>, vector<16xi32>,
      %shift_right_arithmetic3A_355 = arith.constant 14 : i32
      %shift_right_arithmetic3A_356 = vector.broadcast %shift_right_arithmetic3A_355 : i32 to vector<16xi32>
      %shift_right_arithmetic3A_357 = arith.shrsi %get3A_347, %shift_right_arithmetic3A_356 : vector<16xi32>
      %swap3A_358 = arith.constant 64 : index
      %swap3A_359 = tpu.vector_load %arg17[%swap3A_358] {strides = array<i32>} : memref<80xi32, #tpu.memory_space<vmem>>, vector<16xi32>,
      %swap3A_360 = vector.shape_cast %swap3A_359 : vector<16xi32> to vector<16xi32>
      %swap3A_361 = vector.shape_cast %shift_right_arithmetic3A_357 : vector<16xi32> to vector<16xi32>
      tpu.vector_store %arg17[%swap3A_358], %swap3A_361 {strides = array<i32>} : memref<80xi32, #tpu.memory_space<vmem>>, vector<16xi32>,
      %dma_start3A_362 = arith.constant 0 : i32
      %dma_start3A_363 = arith.constant 0 : i32
      %dma_start3A_364 = tpu.memref_slice %arg2[%dma_start3A_362, %dma_start3A_363] : memref<10000x64xf32, #tpu.memory_space<hbm>> -> memref<10000x64xf32, #tpu.memory_space<hbm>>
      tpu.enqueue_indirect_dma source(%dma_start3A_364 : memref<10000x64xf32, #tpu.memory_space<hbm>>) target(%arg21 : memref<80x64xf32, #tpu.memory_space<vmem>>) offsets(%arg13 : memref<80xi32, #tpu.memory_space<vmem>>) semaphore(%arg29 : memref<!tpu.dma_semaphore, #tpu.memory_space<semaphore_mem>>)
    } else {
    }
    %add3A_234 = arith.constant 124 : i32
    %add3A_235 = arith.constant 4 : i32
    %add3A_236 = arith.addi %add3A_234, %add3A_235 : i32
    %lt3A_237 = arith.constant 125 : i32
    %lt3A_238 = arith.cmpi slt, %add3A_236, %lt3A_237 : i32
    %convert_element_type3A_239 = arith.extui %lt3A_238 : i1 to i32
    %cond3A_240 = arith.constant 124 : i32
    %cond3A_241 = arith.constant 0 : i32
    %cond3A_242 = arith.cmpi ne, %convert_element_type3A_239, %cond3A_241 : i32
    scf.if %cond3A_242 {
      %add3A_267 = arith.constant 4 : i32
      %add3A_268 = arith.addi %cond3A_240, %add3A_267 : i32
      %mul3A_269 = arith.constant 10000 : i32
      %mul3A_270 = arith.muli %add3A, %mul3A_269 : i32
      %mul3A_271 = arith.constant 80 : i32
      %mul3A_272 = arith.muli %add3A_268, %mul3A_271 : i32
      %add3A_273 = arith.addi %mul3A_270, %mul3A_272 : i32
      %multiple_of3A_274 = tpu.assume_multiple %add3A_273, 8 : i32
      %dma_start3A_275 = tpu.memref_slice %arg3[%multiple_of3A_274] : memref<320000xi32, #tpu.memory_space<hbm>> -> memref<80xi32, #tpu.memory_space<hbm>>
      %dma_start3A_276 = tpu.memref_slice %arg3[%multiple_of3A_274] : memref<320000xi32, #tpu.memory_space<hbm>> -> memref<80xi32, #tpu.memory_space<hbm>>
      tpu.enqueue_dma source(%dma_start3A_276 : memref<80xi32, #tpu.memory_space<hbm>>) target(%arg7 : memref<80xi32, #tpu.memory_space<vmem>>) target_semaphore(%arg23 : memref<!tpu.dma_semaphore, #tpu.memory_space<semaphore_mem>>)
    } else {
    }
    %dma_wait3A_243 = arith.constant 0 : i32
    %dma_wait3A_244 = arith.constant 0 : i32
    %dma_wait3A_245 = tpu.memref_slice %arg2[%dma_wait3A_243, %dma_wait3A_244] : memref<10000x64xf32, #tpu.memory_space<hbm>> -> memref<10000x64xf32, #tpu.memory_space<hbm>>
    tpu.wait_indirect_dma semaphore(%arg27 : memref<!tpu.dma_semaphore, #tpu.memory_space<semaphore_mem>>) src(%dma_wait3A_245 : memref<10000x64xf32, #tpu.memory_space<hbm>>) dst(%arg19 : memref<80x64xf32, #tpu.memory_space<vmem>>)
    %dma_start3A_246 = arith.constant 0 : i32
    %dma_start3A_247 = arith.constant 0 : i32
    %dma_start3A_248 = tpu.memref_slice %arg6[%dma_start3A_246, %dma_start3A_247] : memref<10000x64xf32, #tpu.memory_space<vmem_shared>> -> memref<10000x64xf32, #tpu.memory_space<vmem_shared>>
    tpu.enqueue_indirect_dma source(%arg19 : memref<80x64xf32, #tpu.memory_space<vmem>>) target(%dma_start3A_248 : memref<10000x64xf32, #tpu.memory_space<vmem_shared>>) offsets(%arg15 : memref<80xi32, #tpu.memory_space<vmem>>) semaphore(%arg31 : memref<!tpu.dma_semaphore, #tpu.memory_space<semaphore_mem>>) {add = true}
    %dma_wait3A_249 = arith.constant 0 : i32
    %dma_wait3A_250 = arith.constant 0 : i32
    %dma_wait3A_251 = tpu.memref_slice %arg6[%dma_wait3A_249, %dma_wait3A_250] : memref<10000x64xf32, #tpu.memory_space<vmem_shared>> -> memref<80x64xf32, #tpu.memory_space<vmem_shared>>
    %dma_wait3A_252 = arith.constant 0 : i32
    %dma_wait3A_253 = arith.constant 0 : i32
    %dma_wait3A_254 = tpu.memref_slice %arg6[%dma_wait3A_252, %dma_wait3A_253] : memref<10000x64xf32, #tpu.memory_space<vmem_shared>> -> memref<80x64xf32, #tpu.memory_space<vmem_shared>>
    tpu.wait_dma2 semaphore(%arg34 : memref<!tpu.dma_semaphore, #tpu.memory_space<semaphore_mem>>) src(%arg22 : memref<80x64xf32, #tpu.memory_space<vmem>>) dst(%dma_wait3A_254 : memref<80x64xf32, #tpu.memory_space<vmem_shared>>)
    %dma_wait3A_255 = arith.constant 0 : i32
    %dma_wait3A_256 = arith.constant 0 : i32
    %dma_wait3A_257 = tpu.memref_slice %arg6[%dma_wait3A_255, %dma_wait3A_256] : memref<10000x64xf32, #tpu.memory_space<vmem_shared>> -> memref<80x64xf32, #tpu.memory_space<vmem_shared>>
    %dma_wait3A_258 = arith.constant 0 : i32
    %dma_wait3A_259 = arith.constant 0 : i32
    %dma_wait3A_260 = tpu.memref_slice %arg6[%dma_wait3A_258, %dma_wait3A_259] : memref<10000x64xf32, #tpu.memory_space<vmem_shared>> -> memref<80x64xf32, #tpu.memory_space<vmem_shared>>
    tpu.wait_dma2 semaphore(%arg31 : memref<!tpu.dma_semaphore, #tpu.memory_space<semaphore_mem>>) src(%arg19 : memref<80x64xf32, #tpu.memory_space<vmem>>) dst(%dma_wait3A_260 : memref<80x64xf32, #tpu.memory_space<vmem_shared>>)
    %barrier3A_261 = arith.constant 0 : index
    tpu.barrier barrier_id(%barrier3A_261)
    "tpu.region"() ({
      %run_scoped3A = tpu.sem_alloc : memref<!tpu.dma_semaphore, #tpu.memory_space<semaphore_mem>>
      %dma_start3A_267 = arith.constant 0 : i32
      %dma_start3A_268 = tpu.memref_slice %arg5[%arg0, %mul3A_2, %dma_start3A_267] : memref<2x10000x64xf32, #tpu.memory_space<hbm>> -> memref<1x624x64xf32, #tpu.memory_space<hbm>>
      %dma_start3A_269 = tpu.memref_squeeze %dma_start3A_268 : memref<1x624x64xf32, #tpu.memory_space<hbm>> -> memref<624x64xf32, #tpu.memory_space<hbm>>
      %dma_start3A_270 = arith.constant 0 : i32
      %dma_start3A_271 = tpu.memref_slice %arg6[%mul3A_2, %dma_start3A_270] : memref<10000x64xf32, #tpu.memory_space<vmem_shared>> -> memref<624x64xf32, #tpu.memory_space<vmem_shared>>
      tpu.enqueue_dma source(%dma_start3A_271 : memref<624x64xf32, #tpu.memory_space<vmem_shared>>) target(%dma_start3A_269 : memref<624x64xf32, #tpu.memory_space<hbm>>) target_semaphore(%run_scoped3A : memref<!tpu.dma_semaphore, #tpu.memory_space<semaphore_mem>>)
      %dma_wait3A_272 = arith.constant 0 : i32
      %dma_wait3A_273 = tpu.memref_slice %arg5[%arg0, %mul3A_2, %dma_wait3A_272] : memref<2x10000x64xf32, #tpu.memory_space<hbm>> -> memref<1x624x64xf32, #tpu.memory_space<hbm>>
      %dma_wait3A_274 = tpu.memref_squeeze %dma_wait3A_273 : memref<1x624x64xf32, #tpu.memory_space<hbm>> -> memref<624x64xf32, #tpu.memory_space<hbm>>
      %dma_wait3A_275 = arith.constant 0 : i32
      %dma_wait3A_276 = tpu.memref_slice %arg6[%mul3A_2, %dma_wait3A_275] : memref<10000x64xf32, #tpu.memory_space<vmem_shared>> -> memref<624x64xf32, #tpu.memory_space<vmem_shared>>
      tpu.wait_dma2 semaphore(%run_scoped3A : memref<!tpu.dma_semaphore, #tpu.memory_space<semaphore_mem>>) src(%dma_wait3A_276 : memref<624x64xf32, #tpu.memory_space<vmem_shared>>) dst(%dma_wait3A_274 : memref<624x64xf32, #tpu.memory_space<hbm>>)
      tpu.yield
    }) : () -> ()
    %eq3A_262 = arith.constant 15 : i32
    %eq3A_263 = arith.cmpi eq, %arg1, %eq3A_262 : i32
    %convert_element_type3A_264 = arith.extui %eq3A_263 : i1 to i32
    %cond3A_265 = arith.constant 0 : i32
    %cond3A_266 = arith.cmpi ne, %convert_element_type3A_264, %cond3A_265 : i32
    scf.if %cond3A_266 {
      "tpu.region"() ({
        %run_scoped3A = tpu.sem_alloc : memref<!tpu.dma_semaphore, #tpu.memory_space<semaphore_mem>>
        %dma_start3A_267 = arith.constant 9984 : i32
        %dma_start3A_268 = arith.constant 0 : i32
        %dma_start3A_269 = tpu.memref_slice %arg5[%arg0, %dma_start3A_267, %dma_start3A_268] : memref<2x10000x64xf32, #tpu.memory_space<hbm>> -> memref<1x16x64xf32, #tpu.memory_space<hbm>>
        %dma_start3A_270 = tpu.memref_squeeze %dma_start3A_269 : memref<1x16x64xf32, #tpu.memory_space<hbm>> -> memref<16x64xf32, #tpu.memory_space<hbm>>
        %dma_start3A_271 = arith.constant 9984 : i32
        %dma_start3A_272 = arith.constant 0 : i32
        %dma_start3A_273 = tpu.memref_slice %arg6[%dma_start3A_271, %dma_start3A_272] : memref<10000x64xf32, #tpu.memory_space<vmem_shared>> -> memref<16x64xf32, #tpu.memory_space<vmem_shared>>
        tpu.enqueue_dma source(%dma_start3A_273 : memref<16x64xf32, #tpu.memory_space<vmem_shared>>) target(%dma_start3A_270 : memref<16x64xf32, #tpu.memory_space<hbm>>) target_semaphore(%run_scoped3A : memref<!tpu.dma_semaphore, #tpu.memory_space<semaphore_mem>>)
        %dma_wait3A_274 = arith.constant 9984 : i32
        %dma_wait3A_275 = arith.constant 0 : i32
        %dma_wait3A_276 = tpu.memref_slice %arg5[%arg0, %dma_wait3A_274, %dma_wait3A_275] : memref<2x10000x64xf32, #tpu.memory_space<hbm>> -> memref<1x16x64xf32, #tpu.memory_space<hbm>>
        %dma_wait3A_277 = tpu.memref_squeeze %dma_wait3A_276 : memref<1x16x64xf32, #tpu.memory_space<hbm>> -> memref<16x64xf32, #tpu.memory_space<hbm>>
        %dma_wait3A_278 = arith.constant 9984 : i32
        %dma_wait3A_279 = arith.constant 0 : i32
        %dma_wait3A_280 = tpu.memref_slice %arg6[%dma_wait3A_278, %dma_wait3A_279] : memref<10000x64xf32, #tpu.memory_space<vmem_shared>> -> memref<16x64xf32, #tpu.memory_space<vmem_shared>>
        tpu.wait_dma2 semaphore(%run_scoped3A : memref<!tpu.dma_semaphore, #tpu.memory_space<semaphore_mem>>) src(%dma_wait3A_280 : memref<16x64xf32, #tpu.memory_space<vmem_shared>>) dst(%dma_wait3A_277 : memref<16x64xf32, #tpu.memory_space<hbm>>)
        tpu.yield
      }) : () -> ()
    } else {
    }
    return
  }
}

#map = affine_map<(d0, d1) -> (0, 0)>
#map1 = affine_map<(d0, d1) -> (0)>
#map2 = affine_map<(d0, d1) -> (0, 0, 0)>
module attributes {stable_mosaic.version = 14 : i64} {
  func.func @body(%arg0: i32, %arg1: i32, %arg2: memref<10000x128xf32, #tpu.memory_space<hbm>>, %arg3: memref<320000xi32, #tpu.memory_space<hbm>>, %arg4: memref<10000x128xf32, #tpu.memory_space<hbm>>, %arg5: memref<2x10000x128xf32, #tpu.memory_space<hbm>>, %arg6: memref<10000x128xf32, #tpu.memory_space<vmem_shared>>, %arg7: memref<80xi32, #tpu.memory_space<vmem>>, %arg8: memref<80xi32, #tpu.memory_space<vmem>>, %arg9: memref<80xi32, #tpu.memory_space<vmem>>, %arg10: memref<80xi32, #tpu.memory_space<vmem>>, %arg11: memref<80xi32, #tpu.memory_space<vmem>>, %arg12: memref<80xi32, #tpu.memory_space<vmem>>, %arg13: memref<80xi32, #tpu.memory_space<vmem>>, %arg14: memref<80xi32, #tpu.memory_space<vmem>>, %arg15: memref<80xi32, #tpu.memory_space<vmem>>, %arg16: memref<80xi32, #tpu.memory_space<vmem>>, %arg17: memref<80xi32, #tpu.memory_space<vmem>>, %arg18: memref<80xi32, #tpu.memory_space<vmem>>, %arg19: memref<80x128xf32, #tpu.memory_space<vmem>>, %arg20: memref<80x128xf32, #tpu.memory_space<vmem>>, %arg21: memref<80x128xf32, #tpu.memory_space<vmem>>, %arg22: memref<80x128xf32, #tpu.memory_space<vmem>>, %arg23: memref<!tpu.dma_semaphore, #tpu.memory_space<semaphore_mem>>, %arg24: memref<!tpu.dma_semaphore, #tpu.memory_space<semaphore_mem>>, %arg25: memref<!tpu.dma_semaphore, #tpu.memory_space<semaphore_mem>>, %arg26: memref<!tpu.dma_semaphore, #tpu.memory_space<semaphore_mem>>, %arg27: memref<!tpu.dma_semaphore, #tpu.memory_space<semaphore_mem>>, %arg28: memref<!tpu.dma_semaphore, #tpu.memory_space<semaphore_mem>>, %arg29: memref<!tpu.dma_semaphore, #tpu.memory_space<semaphore_mem>>, %arg30: memref<!tpu.dma_semaphore, #tpu.memory_space<semaphore_mem>>, %arg31: memref<!tpu.dma_semaphore, #tpu.memory_space<semaphore_mem>>, %arg32: memref<!tpu.dma_semaphore, #tpu.memory_space<semaphore_mem>>, %arg33: memref<!tpu.dma_semaphore, #tpu.memory_space<semaphore_mem>>, %arg34: memref<!tpu.dma_semaphore, #tpu.memory_space<semaphore_mem>>) attributes {dimension_semantics = [#tpu.dimension_semantics<core_parallel>, #tpu.dimension_semantics<subcore_parallel>], iteration_bounds = array<i64: 2, 16>, scalar_prefetch = 0 : i64, scratch_operands = 29 : i64, tpu.core_type = #tpu.core_type<sc_vector_subcore>, window_params = [{transform_indices = #map}, {transform_indices = #map1}, {transform_indices = #map}, {transform_indices = #map2}]} {
    %mul3A = arith.constant 16 : i32
    %mul3A_0 = arith.muli %arg0, %mul3A : i32
    %add3A = arith.addi %mul3A_0, %arg1 : i32
    %mul3A_1 = arith.constant 624 : i32
    %mul3A_2 = arith.muli %arg1, %mul3A_1 : i32
    %mul3A_3 = arith.constant 10000 : i32
    %mul3A_4 = arith.muli %add3A, %mul3A_3 : i32
    %add3A_5 = arith.constant 0 : i32
    %add3A_6 = arith.addi %mul3A_4, %add3A_5 : i32
    %multiple_of3A = tpu.assume_multiple %add3A_6, 8 : i32
    %dma_start3A = tpu.memref_slice %arg3[%multiple_of3A] : memref<320000xi32, #tpu.memory_space<hbm>> -> memref<80xi32, #tpu.memory_space<hbm>>
    %dma_start3A_7 = tpu.memref_slice %arg3[%multiple_of3A] : memref<320000xi32, #tpu.memory_space<hbm>> -> memref<80xi32, #tpu.memory_space<hbm>>
    tpu.enqueue_dma source(%dma_start3A_7 : memref<80xi32, #tpu.memory_space<hbm>>) target(%arg7 : memref<80xi32, #tpu.memory_space<vmem>>) target_semaphore(%arg23 : memref<!tpu.dma_semaphore, #tpu.memory_space<semaphore_mem>>)
    %mul3A_8 = arith.constant 10000 : i32
    %mul3A_9 = arith.muli %add3A, %mul3A_8 : i32
    %add3A_10 = arith.constant 80 : i32
    %add3A_11 = arith.addi %mul3A_9, %add3A_10 : i32
    %multiple_of3A_12 = tpu.assume_multiple %add3A_11, 8 : i32
    %dma_start3A_13 = tpu.memref_slice %arg3[%multiple_of3A_12] : memref<320000xi32, #tpu.memory_space<hbm>> -> memref<80xi32, #tpu.memory_space<hbm>>
    %dma_start3A_14 = tpu.memref_slice %arg3[%multiple_of3A_12] : memref<320000xi32, #tpu.memory_space<hbm>> -> memref<80xi32, #tpu.memory_space<hbm>>
    tpu.enqueue_dma source(%dma_start3A_14 : memref<80xi32, #tpu.memory_space<hbm>>) target(%arg8 : memref<80xi32, #tpu.memory_space<vmem>>) target_semaphore(%arg24 : memref<!tpu.dma_semaphore, #tpu.memory_space<semaphore_mem>>)
    %mul3A_15 = arith.constant 10000 : i32
    %mul3A_16 = arith.muli %add3A, %mul3A_15 : i32
    %add3A_17 = arith.constant 160 : i32
    %add3A_18 = arith.addi %mul3A_16, %add3A_17 : i32
    %multiple_of3A_19 = tpu.assume_multiple %add3A_18, 8 : i32
    %dma_start3A_20 = tpu.memref_slice %arg3[%multiple_of3A_19] : memref<320000xi32, #tpu.memory_space<hbm>> -> memref<80xi32, #tpu.memory_space<hbm>>
    %dma_start3A_21 = tpu.memref_slice %arg3[%multiple_of3A_19] : memref<320000xi32, #tpu.memory_space<hbm>> -> memref<80xi32, #tpu.memory_space<hbm>>
    tpu.enqueue_dma source(%dma_start3A_21 : memref<80xi32, #tpu.memory_space<hbm>>) target(%arg9 : memref<80xi32, #tpu.memory_space<vmem>>) target_semaphore(%arg25 : memref<!tpu.dma_semaphore, #tpu.memory_space<semaphore_mem>>)
    %mul3A_22 = arith.constant 10000 : i32
    %mul3A_23 = arith.muli %add3A, %mul3A_22 : i32
    %add3A_24 = arith.constant 240 : i32
    %add3A_25 = arith.addi %mul3A_23, %add3A_24 : i32
    %multiple_of3A_26 = tpu.assume_multiple %add3A_25, 8 : i32
    %dma_start3A_27 = tpu.memref_slice %arg3[%multiple_of3A_26] : memref<320000xi32, #tpu.memory_space<hbm>> -> memref<80xi32, #tpu.memory_space<hbm>>
    %dma_start3A_28 = tpu.memref_slice %arg3[%multiple_of3A_26] : memref<320000xi32, #tpu.memory_space<hbm>> -> memref<80xi32, #tpu.memory_space<hbm>>
    tpu.enqueue_dma source(%dma_start3A_28 : memref<80xi32, #tpu.memory_space<hbm>>) target(%arg10 : memref<80xi32, #tpu.memory_space<vmem>>) target_semaphore(%arg26 : memref<!tpu.dma_semaphore, #tpu.memory_space<semaphore_mem>>)
    %mul3A_29 = arith.constant 10000 : i32
    %mul3A_30 = arith.muli %add3A, %mul3A_29 : i32
    %add3A_31 = arith.constant 0 : i32
    %add3A_32 = arith.addi %mul3A_30, %add3A_31 : i32
    %multiple_of3A_33 = tpu.assume_multiple %add3A_32, 8 : i32
    %dma_wait3A = tpu.memref_slice %arg3[%multiple_of3A_33] : memref<320000xi32, #tpu.memory_space<hbm>> -> memref<80xi32, #tpu.memory_space<hbm>>
    %dma_wait3A_34 = tpu.memref_slice %arg3[%multiple_of3A_33] : memref<320000xi32, #tpu.memory_space<hbm>> -> memref<80xi32, #tpu.memory_space<hbm>>
    tpu.wait_dma2 semaphore(%arg23 : memref<!tpu.dma_semaphore, #tpu.memory_space<semaphore_mem>>) src(%dma_wait3A_34 : memref<80xi32, #tpu.memory_space<hbm>>) dst(%arg7 : memref<80xi32, #tpu.memory_space<vmem>>)
    %get3A = arith.constant 0 : index
    %get3A_35 = tpu.vector_load %arg7[%get3A] {strides = array<i32>} : memref<80xi32, #tpu.memory_space<vmem>>, vector<16xi32>,
    %get3A_36 = vector.shape_cast %get3A_35 : vector<16xi32> to vector<16xi32>
    %and3A = arith.constant 16383 : i32
    %and3A_37 = vector.broadcast %and3A : i32 to vector<16xi32>
    %and3A_38 = arith.andi %get3A_36, %and3A_37 : vector<16xi32>
    %swap3A = arith.constant 0 : index
    %swap3A_39 = tpu.vector_load %arg11[%swap3A] {strides = array<i32>} : memref<80xi32, #tpu.memory_space<vmem>>, vector<16xi32>,
    %swap3A_40 = vector.shape_cast %swap3A_39 : vector<16xi32> to vector<16xi32>
    %swap3A_41 = vector.shape_cast %and3A_38 : vector<16xi32> to vector<16xi32>
    tpu.vector_store %arg11[%swap3A], %swap3A_41 {strides = array<i32>} : memref<80xi32, #tpu.memory_space<vmem>>, vector<16xi32>,
    %shift_right_arithmetic3A = arith.constant 14 : i32
    %shift_right_arithmetic3A_42 = vector.broadcast %shift_right_arithmetic3A : i32 to vector<16xi32>
    %shift_right_arithmetic3A_43 = arith.shrsi %get3A_36, %shift_right_arithmetic3A_42 : vector<16xi32>
    %swap3A_44 = arith.constant 0 : index
    %swap3A_45 = tpu.vector_load %arg15[%swap3A_44] {strides = array<i32>} : memref<80xi32, #tpu.memory_space<vmem>>, vector<16xi32>,
    %swap3A_46 = vector.shape_cast %swap3A_45 : vector<16xi32> to vector<16xi32>
    %swap3A_47 = vector.shape_cast %shift_right_arithmetic3A_43 : vector<16xi32> to vector<16xi32>
    tpu.vector_store %arg15[%swap3A_44], %swap3A_47 {strides = array<i32>} : memref<80xi32, #tpu.memory_space<vmem>>, vector<16xi32>,
    %get3A_48 = arith.constant 16 : index
    %get3A_49 = tpu.vector_load %arg7[%get3A_48] {strides = array<i32>} : memref<80xi32, #tpu.memory_space<vmem>>, vector<16xi32>,
    %get3A_50 = vector.shape_cast %get3A_49 : vector<16xi32> to vector<16xi32>
    %and3A_51 = arith.constant 16383 : i32
    %and3A_52 = vector.broadcast %and3A_51 : i32 to vector<16xi32>
    %and3A_53 = arith.andi %get3A_50, %and3A_52 : vector<16xi32>
    %swap3A_54 = arith.constant 16 : index
    %swap3A_55 = tpu.vector_load %arg11[%swap3A_54] {strides = array<i32>} : memref<80xi32, #tpu.memory_space<vmem>>, vector<16xi32>,
    %swap3A_56 = vector.shape_cast %swap3A_55 : vector<16xi32> to vector<16xi32>
    %swap3A_57 = vector.shape_cast %and3A_53 : vector<16xi32> to vector<16xi32>
    tpu.vector_store %arg11[%swap3A_54], %swap3A_57 {strides = array<i32>} : memref<80xi32, #tpu.memory_space<vmem>>, vector<16xi32>,
    %shift_right_arithmetic3A_58 = arith.constant 14 : i32
    %shift_right_arithmetic3A_59 = vector.broadcast %shift_right_arithmetic3A_58 : i32 to vector<16xi32>
    %shift_right_arithmetic3A_60 = arith.shrsi %get3A_50, %shift_right_arithmetic3A_59 : vector<16xi32>
    %swap3A_61 = arith.constant 16 : index
    %swap3A_62 = tpu.vector_load %arg15[%swap3A_61] {strides = array<i32>} : memref<80xi32, #tpu.memory_space<vmem>>, vector<16xi32>,
    %swap3A_63 = vector.shape_cast %swap3A_62 : vector<16xi32> to vector<16xi32>
    %swap3A_64 = vector.shape_cast %shift_right_arithmetic3A_60 : vector<16xi32> to vector<16xi32>
    tpu.vector_store %arg15[%swap3A_61], %swap3A_64 {strides = array<i32>} : memref<80xi32, #tpu.memory_space<vmem>>, vector<16xi32>,
    %get3A_65 = arith.constant 32 : index
    %get3A_66 = tpu.vector_load %arg7[%get3A_65] {strides = array<i32>} : memref<80xi32, #tpu.memory_space<vmem>>, vector<16xi32>,
    %get3A_67 = vector.shape_cast %get3A_66 : vector<16xi32> to vector<16xi32>
    %and3A_68 = arith.constant 16383 : i32
    %and3A_69 = vector.broadcast %and3A_68 : i32 to vector<16xi32>
    %and3A_70 = arith.andi %get3A_67, %and3A_69 : vector<16xi32>
    %swap3A_71 = arith.constant 32 : index
    %swap3A_72 = tpu.vector_load %arg11[%swap3A_71] {strides = array<i32>} : memref<80xi32, #tpu.memory_space<vmem>>, vector<16xi32>,
    %swap3A_73 = vector.shape_cast %swap3A_72 : vector<16xi32> to vector<16xi32>
    %swap3A_74 = vector.shape_cast %and3A_70 : vector<16xi32> to vector<16xi32>
    tpu.vector_store %arg11[%swap3A_71], %swap3A_74 {strides = array<i32>} : memref<80xi32, #tpu.memory_space<vmem>>, vector<16xi32>,
    %shift_right_arithmetic3A_75 = arith.constant 14 : i32
    %shift_right_arithmetic3A_76 = vector.broadcast %shift_right_arithmetic3A_75 : i32 to vector<16xi32>
    %shift_right_arithmetic3A_77 = arith.shrsi %get3A_67, %shift_right_arithmetic3A_76 : vector<16xi32>
    %swap3A_78 = arith.constant 32 : index
    %swap3A_79 = tpu.vector_load %arg15[%swap3A_78] {strides = array<i32>} : memref<80xi32, #tpu.memory_space<vmem>>, vector<16xi32>,
    %swap3A_80 = vector.shape_cast %swap3A_79 : vector<16xi32> to vector<16xi32>
    %swap3A_81 = vector.shape_cast %shift_right_arithmetic3A_77 : vector<16xi32> to vector<16xi32>
    tpu.vector_store %arg15[%swap3A_78], %swap3A_81 {strides = array<i32>} : memref<80xi32, #tpu.memory_space<vmem>>, vector<16xi32>,
    %get3A_82 = arith.constant 48 : index
    %get3A_83 = tpu.vector_load %arg7[%get3A_82] {strides = array<i32>} : memref<80xi32, #tpu.memory_space<vmem>>, vector<16xi32>,
    %get3A_84 = vector.shape_cast %get3A_83 : vector<16xi32> to vector<16xi32>
    %and3A_85 = arith.constant 16383 : i32
    %and3A_86 = vector.broadcast %and3A_85 : i32 to vector<16xi32>
    %and3A_87 = arith.andi %get3A_84, %and3A_86 : vector<16xi32>
    %swap3A_88 = arith.constant 48 : index
    %swap3A_89 = tpu.vector_load %arg11[%swap3A_88] {strides = array<i32>} : memref<80xi32, #tpu.memory_space<vmem>>, vector<16xi32>,
    %swap3A_90 = vector.shape_cast %swap3A_89 : vector<16xi32> to vector<16xi32>
    %swap3A_91 = vector.shape_cast %and3A_87 : vector<16xi32> to vector<16xi32>
    tpu.vector_store %arg11[%swap3A_88], %swap3A_91 {strides = array<i32>} : memref<80xi32, #tpu.memory_space<vmem>>, vector<16xi32>,
    %shift_right_arithmetic3A_92 = arith.constant 14 : i32
    %shift_right_arithmetic3A_93 = vector.broadcast %shift_right_arithmetic3A_92 : i32 to vector<16xi32>
    %shift_right_arithmetic3A_94 = arith.shrsi %get3A_84, %shift_right_arithmetic3A_93 : vector<16xi32>
    %swap3A_95 = arith.constant 48 : index
    %swap3A_96 = tpu.vector_load %arg15[%swap3A_95] {strides = array<i32>} : memref<80xi32, #tpu.memory_space<vmem>>, vector<16xi32>,
    %swap3A_97 = vector.shape_cast %swap3A_96 : vector<16xi32> to vector<16xi32>
    %swap3A_98 = vector.shape_cast %shift_right_arithmetic3A_94 : vector<16xi32> to vector<16xi32>
    tpu.vector_store %arg15[%swap3A_95], %swap3A_98 {strides = array<i32>} : memref<80xi32, #tpu.memory_space<vmem>>, vector<16xi32>,
    %get3A_99 = arith.constant 64 : index
    %get3A_100 = tpu.vector_load %arg7[%get3A_99] {strides = array<i32>} : memref<80xi32, #tpu.memory_space<vmem>>, vector<16xi32>,
    %get3A_101 = vector.shape_cast %get3A_100 : vector<16xi32> to vector<16xi32>
    %and3A_102 = arith.constant 16383 : i32
    %and3A_103 = vector.broadcast %and3A_102 : i32 to vector<16xi32>
    %and3A_104 = arith.andi %get3A_101, %and3A_103 : vector<16xi32>
    %swap3A_105 = arith.constant 64 : index
    %swap3A_106 = tpu.vector_load %arg11[%swap3A_105] {strides = array<i32>} : memref<80xi32, #tpu.memory_space<vmem>>, vector<16xi32>,
    %swap3A_107 = vector.shape_cast %swap3A_106 : vector<16xi32> to vector<16xi32>
    %swap3A_108 = vector.shape_cast %and3A_104 : vector<16xi32> to vector<16xi32>
    tpu.vector_store %arg11[%swap3A_105], %swap3A_108 {strides = array<i32>} : memref<80xi32, #tpu.memory_space<vmem>>, vector<16xi32>,
    %shift_right_arithmetic3A_109 = arith.constant 14 : i32
    %shift_right_arithmetic3A_110 = vector.broadcast %shift_right_arithmetic3A_109 : i32 to vector<16xi32>
    %shift_right_arithmetic3A_111 = arith.shrsi %get3A_101, %shift_right_arithmetic3A_110 : vector<16xi32>
    %swap3A_112 = arith.constant 64 : index
    %swap3A_113 = tpu.vector_load %arg15[%swap3A_112] {strides = array<i32>} : memref<80xi32, #tpu.memory_space<vmem>>, vector<16xi32>,
    %swap3A_114 = vector.shape_cast %swap3A_113 : vector<16xi32> to vector<16xi32>
    %swap3A_115 = vector.shape_cast %shift_right_arithmetic3A_111 : vector<16xi32> to vector<16xi32>
    tpu.vector_store %arg15[%swap3A_112], %swap3A_115 {strides = array<i32>} : memref<80xi32, #tpu.memory_space<vmem>>, vector<16xi32>,
    %dma_start3A_116 = arith.constant 0 : i32
    %dma_start3A_117 = arith.constant 0 : i32
    %dma_start3A_118 = tpu.memref_slice %arg2[%dma_start3A_116, %dma_start3A_117] : memref<10000x128xf32, #tpu.memory_space<hbm>> -> memref<10000x128xf32, #tpu.memory_space<hbm>>
    tpu.enqueue_indirect_dma source(%dma_start3A_118 : memref<10000x128xf32, #tpu.memory_space<hbm>>) target(%arg19 : memref<80x128xf32, #tpu.memory_space<vmem>>) offsets(%arg11 : memref<80xi32, #tpu.memory_space<vmem>>) semaphore(%arg27 : memref<!tpu.dma_semaphore, #tpu.memory_space<semaphore_mem>>)
    %mul3A_119 = arith.constant 10000 : i32
    %mul3A_120 = arith.muli %add3A, %mul3A_119 : i32
    %add3A_121 = arith.constant 80 : i32
    %add3A_122 = arith.addi %mul3A_120, %add3A_121 : i32
    %multiple_of3A_123 = tpu.assume_multiple %add3A_122, 8 : i32
    %dma_wait3A_124 = tpu.memref_slice %arg3[%multiple_of3A_123] : memref<320000xi32, #tpu.memory_space<hbm>> -> memref<80xi32, #tpu.memory_space<hbm>>
    %dma_wait3A_125 = tpu.memref_slice %arg3[%multiple_of3A_123] : memref<320000xi32, #tpu.memory_space<hbm>> -> memref<80xi32, #tpu.memory_space<hbm>>
    tpu.wait_dma2 semaphore(%arg24 : memref<!tpu.dma_semaphore, #tpu.memory_space<semaphore_mem>>) src(%dma_wait3A_125 : memref<80xi32, #tpu.memory_space<hbm>>) dst(%arg8 : memref<80xi32, #tpu.memory_space<vmem>>)
    %get3A_126 = arith.constant 0 : index
    %get3A_127 = tpu.vector_load %arg8[%get3A_126] {strides = array<i32>} : memref<80xi32, #tpu.memory_space<vmem>>, vector<16xi32>,
    %get3A_128 = vector.shape_cast %get3A_127 : vector<16xi32> to vector<16xi32>
    %and3A_129 = arith.constant 16383 : i32
    %and3A_130 = vector.broadcast %and3A_129 : i32 to vector<16xi32>
    %and3A_131 = arith.andi %get3A_128, %and3A_130 : vector<16xi32>
    %swap3A_132 = arith.constant 0 : index
    %swap3A_133 = tpu.vector_load %arg12[%swap3A_132] {strides = array<i32>} : memref<80xi32, #tpu.memory_space<vmem>>, vector<16xi32>,
    %swap3A_134 = vector.shape_cast %swap3A_133 : vector<16xi32> to vector<16xi32>
    %swap3A_135 = vector.shape_cast %and3A_131 : vector<16xi32> to vector<16xi32>
    tpu.vector_store %arg12[%swap3A_132], %swap3A_135 {strides = array<i32>} : memref<80xi32, #tpu.memory_space<vmem>>, vector<16xi32>,
    %shift_right_arithmetic3A_136 = arith.constant 14 : i32
    %shift_right_arithmetic3A_137 = vector.broadcast %shift_right_arithmetic3A_136 : i32 to vector<16xi32>
    %shift_right_arithmetic3A_138 = arith.shrsi %get3A_128, %shift_right_arithmetic3A_137 : vector<16xi32>
    %swap3A_139 = arith.constant 0 : index
    %swap3A_140 = tpu.vector_load %arg16[%swap3A_139] {strides = array<i32>} : memref<80xi32, #tpu.memory_space<vmem>>, vector<16xi32>,
    %swap3A_141 = vector.shape_cast %swap3A_140 : vector<16xi32> to vector<16xi32>
    %swap3A_142 = vector.shape_cast %shift_right_arithmetic3A_138 : vector<16xi32> to vector<16xi32>
    tpu.vector_store %arg16[%swap3A_139], %swap3A_142 {strides = array<i32>} : memref<80xi32, #tpu.memory_space<vmem>>, vector<16xi32>,
    %get3A_143 = arith.constant 16 : index
    %get3A_144 = tpu.vector_load %arg8[%get3A_143] {strides = array<i32>} : memref<80xi32, #tpu.memory_space<vmem>>, vector<16xi32>,
    %get3A_145 = vector.shape_cast %get3A_144 : vector<16xi32> to vector<16xi32>
    %and3A_146 = arith.constant 16383 : i32
    %and3A_147 = vector.broadcast %and3A_146 : i32 to vector<16xi32>
    %and3A_148 = arith.andi %get3A_145, %and3A_147 : vector<16xi32>
    %swap3A_149 = arith.constant 16 : index
    %swap3A_150 = tpu.vector_load %arg12[%swap3A_149] {strides = array<i32>} : memref<80xi32, #tpu.memory_space<vmem>>, vector<16xi32>,
    %swap3A_151 = vector.shape_cast %swap3A_150 : vector<16xi32> to vector<16xi32>
    %swap3A_152 = vector.shape_cast %and3A_148 : vector<16xi32> to vector<16xi32>
    tpu.vector_store %arg12[%swap3A_149], %swap3A_152 {strides = array<i32>} : memref<80xi32, #tpu.memory_space<vmem>>, vector<16xi32>,
    %shift_right_arithmetic3A_153 = arith.constant 14 : i32
    %shift_right_arithmetic3A_154 = vector.broadcast %shift_right_arithmetic3A_153 : i32 to vector<16xi32>
    %shift_right_arithmetic3A_155 = arith.shrsi %get3A_145, %shift_right_arithmetic3A_154 : vector<16xi32>
    %swap3A_156 = arith.constant 16 : index
    %swap3A_157 = tpu.vector_load %arg16[%swap3A_156] {strides = array<i32>} : memref<80xi32, #tpu.memory_space<vmem>>, vector<16xi32>,
    %swap3A_158 = vector.shape_cast %swap3A_157 : vector<16xi32> to vector<16xi32>
    %swap3A_159 = vector.shape_cast %shift_right_arithmetic3A_155 : vector<16xi32> to vector<16xi32>
    tpu.vector_store %arg16[%swap3A_156], %swap3A_159 {strides = array<i32>} : memref<80xi32, #tpu.memory_space<vmem>>, vector<16xi32>,
    %get3A_160 = arith.constant 32 : index
    %get3A_161 = tpu.vector_load %arg8[%get3A_160] {strides = array<i32>} : memref<80xi32, #tpu.memory_space<vmem>>, vector<16xi32>,
    %get3A_162 = vector.shape_cast %get3A_161 : vector<16xi32> to vector<16xi32>
    %and3A_163 = arith.constant 16383 : i32
    %and3A_164 = vector.broadcast %and3A_163 : i32 to vector<16xi32>
    %and3A_165 = arith.andi %get3A_162, %and3A_164 : vector<16xi32>
    %swap3A_166 = arith.constant 32 : index
    %swap3A_167 = tpu.vector_load %arg12[%swap3A_166] {strides = array<i32>} : memref<80xi32, #tpu.memory_space<vmem>>, vector<16xi32>,
    %swap3A_168 = vector.shape_cast %swap3A_167 : vector<16xi32> to vector<16xi32>
    %swap3A_169 = vector.shape_cast %and3A_165 : vector<16xi32> to vector<16xi32>
    tpu.vector_store %arg12[%swap3A_166], %swap3A_169 {strides = array<i32>} : memref<80xi32, #tpu.memory_space<vmem>>, vector<16xi32>,
    %shift_right_arithmetic3A_170 = arith.constant 14 : i32
    %shift_right_arithmetic3A_171 = vector.broadcast %shift_right_arithmetic3A_170 : i32 to vector<16xi32>
    %shift_right_arithmetic3A_172 = arith.shrsi %get3A_162, %shift_right_arithmetic3A_171 : vector<16xi32>
    %swap3A_173 = arith.constant 32 : index
    %swap3A_174 = tpu.vector_load %arg16[%swap3A_173] {strides = array<i32>} : memref<80xi32, #tpu.memory_space<vmem>>, vector<16xi32>,
    %swap3A_175 = vector.shape_cast %swap3A_174 : vector<16xi32> to vector<16xi32>
    %swap3A_176 = vector.shape_cast %shift_right_arithmetic3A_172 : vector<16xi32> to vector<16xi32>
    tpu.vector_store %arg16[%swap3A_173], %swap3A_176 {strides = array<i32>} : memref<80xi32, #tpu.memory_space<vmem>>, vector<16xi32>,
    %get3A_177 = arith.constant 48 : index
    %get3A_178 = tpu.vector_load %arg8[%get3A_177] {strides = array<i32>} : memref<80xi32, #tpu.memory_space<vmem>>, vector<16xi32>,
    %get3A_179 = vector.shape_cast %get3A_178 : vector<16xi32> to vector<16xi32>
    %and3A_180 = arith.constant 16383 : i32
    %and3A_181 = vector.broadcast %and3A_180 : i32 to vector<16xi32>
    %and3A_182 = arith.andi %get3A_179, %and3A_181 : vector<16xi32>
    %swap3A_183 = arith.constant 48 : index
    %swap3A_184 = tpu.vector_load %arg12[%swap3A_183] {strides = array<i32>} : memref<80xi32, #tpu.memory_space<vmem>>, vector<16xi32>,
    %swap3A_185 = vector.shape_cast %swap3A_184 : vector<16xi32> to vector<16xi32>
    %swap3A_186 = vector.shape_cast %and3A_182 : vector<16xi32> to vector<16xi32>
    tpu.vector_store %arg12[%swap3A_183], %swap3A_186 {strides = array<i32>} : memref<80xi32, #tpu.memory_space<vmem>>, vector<16xi32>,
    %shift_right_arithmetic3A_187 = arith.constant 14 : i32
    %shift_right_arithmetic3A_188 = vector.broadcast %shift_right_arithmetic3A_187 : i32 to vector<16xi32>
    %shift_right_arithmetic3A_189 = arith.shrsi %get3A_179, %shift_right_arithmetic3A_188 : vector<16xi32>
    %swap3A_190 = arith.constant 48 : index
    %swap3A_191 = tpu.vector_load %arg16[%swap3A_190] {strides = array<i32>} : memref<80xi32, #tpu.memory_space<vmem>>, vector<16xi32>,
    %swap3A_192 = vector.shape_cast %swap3A_191 : vector<16xi32> to vector<16xi32>
    %swap3A_193 = vector.shape_cast %shift_right_arithmetic3A_189 : vector<16xi32> to vector<16xi32>
    tpu.vector_store %arg16[%swap3A_190], %swap3A_193 {strides = array<i32>} : memref<80xi32, #tpu.memory_space<vmem>>, vector<16xi32>,
    %get3A_194 = arith.constant 64 : index
    %get3A_195 = tpu.vector_load %arg8[%get3A_194] {strides = array<i32>} : memref<80xi32, #tpu.memory_space<vmem>>, vector<16xi32>,
    %get3A_196 = vector.shape_cast %get3A_195 : vector<16xi32> to vector<16xi32>
    %and3A_197 = arith.constant 16383 : i32
    %and3A_198 = vector.broadcast %and3A_197 : i32 to vector<16xi32>
    %and3A_199 = arith.andi %get3A_196, %and3A_198 : vector<16xi32>
    %swap3A_200 = arith.constant 64 : index
    %swap3A_201 = tpu.vector_load %arg12[%swap3A_200] {strides = array<i32>} : memref<80xi32, #tpu.memory_space<vmem>>, vector<16xi32>,
    %swap3A_202 = vector.shape_cast %swap3A_201 : vector<16xi32> to vector<16xi32>
    %swap3A_203 = vector.shape_cast %and3A_199 : vector<16xi32> to vector<16xi32>
    tpu.vector_store %arg12[%swap3A_200], %swap3A_203 {strides = array<i32>} : memref<80xi32, #tpu.memory_space<vmem>>, vector<16xi32>,
    %shift_right_arithmetic3A_204 = arith.constant 14 : i32
    %shift_right_arithmetic3A_205 = vector.broadcast %shift_right_arithmetic3A_204 : i32 to vector<16xi32>
    %shift_right_arithmetic3A_206 = arith.shrsi %get3A_196, %shift_right_arithmetic3A_205 : vector<16xi32>
    %swap3A_207 = arith.constant 64 : index
    %swap3A_208 = tpu.vector_load %arg16[%swap3A_207] {strides = array<i32>} : memref<80xi32, #tpu.memory_space<vmem>>, vector<16xi32>,
    %swap3A_209 = vector.shape_cast %swap3A_208 : vector<16xi32> to vector<16xi32>
    %swap3A_210 = vector.shape_cast %shift_right_arithmetic3A_206 : vector<16xi32> to vector<16xi32>
    tpu.vector_store %arg16[%swap3A_207], %swap3A_210 {strides = array<i32>} : memref<80xi32, #tpu.memory_space<vmem>>, vector<16xi32>,
    %dma_start3A_211 = arith.constant 0 : i32
    %dma_start3A_212 = arith.constant 0 : i32
    %dma_start3A_213 = tpu.memref_slice %arg2[%dma_start3A_211, %dma_start3A_212] : memref<10000x128xf32, #tpu.memory_space<hbm>> -> memref<10000x128xf32, #tpu.memory_space<hbm>>
    tpu.enqueue_indirect_dma source(%dma_start3A_213 : memref<10000x128xf32, #tpu.memory_space<hbm>>) target(%arg20 : memref<80x128xf32, #tpu.memory_space<vmem>>) offsets(%arg12 : memref<80xi32, #tpu.memory_space<vmem>>) semaphore(%arg28 : memref<!tpu.dma_semaphore, #tpu.memory_space<semaphore_mem>>)
    "tpu.region"() ({
      %run_scoped3A = tpu.sem_alloc : memref<!tpu.dma_semaphore, #tpu.memory_space<semaphore_mem>>
      %dma_start3A_267 = arith.constant 0 : i32
      %dma_start3A_268 = tpu.memref_slice %arg6[%mul3A_2, %dma_start3A_267] : memref<10000x128xf32, #tpu.memory_space<vmem_shared>> -> memref<624x128xf32, #tpu.memory_space<vmem_shared>>
      %dma_start3A_269 = arith.constant 0 : i32
      %dma_start3A_270 = tpu.memref_slice %arg4[%mul3A_2, %dma_start3A_269] : memref<10000x128xf32, #tpu.memory_space<hbm>> -> memref<624x128xf32, #tpu.memory_space<hbm>>
      tpu.enqueue_dma source(%dma_start3A_270 : memref<624x128xf32, #tpu.memory_space<hbm>>) target(%dma_start3A_268 : memref<624x128xf32, #tpu.memory_space<vmem_shared>>) target_semaphore(%run_scoped3A : memref<!tpu.dma_semaphore, #tpu.memory_space<semaphore_mem>>)
      %dma_wait3A_271 = arith.constant 0 : i32
      %dma_wait3A_272 = tpu.memref_slice %arg6[%mul3A_2, %dma_wait3A_271] : memref<10000x128xf32, #tpu.memory_space<vmem_shared>> -> memref<624x128xf32, #tpu.memory_space<vmem_shared>>
      %dma_wait3A_273 = arith.constant 0 : i32
      %dma_wait3A_274 = tpu.memref_slice %arg4[%mul3A_2, %dma_wait3A_273] : memref<10000x128xf32, #tpu.memory_space<hbm>> -> memref<624x128xf32, #tpu.memory_space<hbm>>
      tpu.wait_dma2 semaphore(%run_scoped3A : memref<!tpu.dma_semaphore, #tpu.memory_space<semaphore_mem>>) src(%dma_wait3A_274 : memref<624x128xf32, #tpu.memory_space<hbm>>) dst(%dma_wait3A_272 : memref<624x128xf32, #tpu.memory_space<vmem_shared>>)
      tpu.yield
    }) : () -> ()
    %eq3A = arith.constant 15 : i32
    %eq3A_214 = arith.cmpi eq, %arg1, %eq3A : i32
    %convert_element_type3A = arith.extui %eq3A_214 : i1 to i32
    %cond3A = arith.constant 0 : i32
    %cond3A_215 = arith.cmpi ne, %convert_element_type3A, %cond3A : i32
    scf.if %cond3A_215 {
      "tpu.region"() ({
        %run_scoped3A = tpu.sem_alloc : memref<!tpu.dma_semaphore, #tpu.memory_space<semaphore_mem>>
        %dma_start3A_267 = arith.constant 9984 : i32
        %dma_start3A_268 = arith.constant 0 : i32
        %dma_start3A_269 = tpu.memref_slice %arg6[%dma_start3A_267, %dma_start3A_268] : memref<10000x128xf32, #tpu.memory_space<vmem_shared>> -> memref<16x128xf32, #tpu.memory_space<vmem_shared>>
        %dma_start3A_270 = arith.constant 9984 : i32
        %dma_start3A_271 = arith.constant 0 : i32
        %dma_start3A_272 = tpu.memref_slice %arg4[%dma_start3A_270, %dma_start3A_271] : memref<10000x128xf32, #tpu.memory_space<hbm>> -> memref<16x128xf32, #tpu.memory_space<hbm>>
        tpu.enqueue_dma source(%dma_start3A_272 : memref<16x128xf32, #tpu.memory_space<hbm>>) target(%dma_start3A_269 : memref<16x128xf32, #tpu.memory_space<vmem_shared>>) target_semaphore(%run_scoped3A : memref<!tpu.dma_semaphore, #tpu.memory_space<semaphore_mem>>)
        %dma_wait3A_273 = arith.constant 9984 : i32
        %dma_wait3A_274 = arith.constant 0 : i32
        %dma_wait3A_275 = tpu.memref_slice %arg6[%dma_wait3A_273, %dma_wait3A_274] : memref<10000x128xf32, #tpu.memory_space<vmem_shared>> -> memref<16x128xf32, #tpu.memory_space<vmem_shared>>
        %dma_wait3A_276 = arith.constant 9984 : i32
        %dma_wait3A_277 = arith.constant 0 : i32
        %dma_wait3A_278 = tpu.memref_slice %arg4[%dma_wait3A_276, %dma_wait3A_277] : memref<10000x128xf32, #tpu.memory_space<hbm>> -> memref<16x128xf32, #tpu.memory_space<hbm>>
        tpu.wait_dma2 semaphore(%run_scoped3A : memref<!tpu.dma_semaphore, #tpu.memory_space<semaphore_mem>>) src(%dma_wait3A_278 : memref<16x128xf32, #tpu.memory_space<hbm>>) dst(%dma_wait3A_275 : memref<16x128xf32, #tpu.memory_space<vmem_shared>>)
        tpu.yield
      }) : () -> ()
    } else {
    }
    %barrier3A = arith.constant 0 : index
    tpu.barrier barrier_id(%barrier3A)
    %scan3A = arith.constant 0 : i32
    %scan3A_216 = arith.constant 0 : i32
    %scan3A_217 = arith.constant 31 : i32
    %scan3A_218 = arith.addi %scan3A_216, %scan3A_217 : i32
    %scan3A_219 = arith.constant 1 : i32
    scf.for %scan3A_267 = %scan3A_216 to %scan3A_218 step %scan3A_219  : i32 {
      %mul3A_268 = arith.constant 4 : i32
      %mul3A_269 = arith.muli %mul3A_268, %scan3A_267 : i32
      %ge3A_270 = arith.constant 2 : i32
      %ge3A_271 = arith.cmpi sge, %mul3A_269, %ge3A_270 : i32
      %convert_element_type3A_272 = arith.extui %ge3A_271 : i1 to i32
      %cond3A_273 = arith.constant 0 : i32
      %cond3A_274 = arith.cmpi ne, %convert_element_type3A_272, %cond3A_273 : i32
      scf.if %cond3A_274 {
        %dma_wait3A_382 = arith.constant 0 : i32
        %dma_wait3A_383 = arith.constant 0 : i32
        %dma_wait3A_384 = tpu.memref_slice %arg6[%dma_wait3A_382, %dma_wait3A_383] : memref<10000x128xf32, #tpu.memory_space<vmem_shared>> -> memref<80x128xf32, #tpu.memory_space<vmem_shared>>
        %dma_wait3A_385 = arith.constant 0 : i32
        %dma_wait3A_386 = arith.constant 0 : i32
        %dma_wait3A_387 = tpu.memref_slice %arg6[%dma_wait3A_385, %dma_wait3A_386] : memref<10000x128xf32, #tpu.memory_space<vmem_shared>> -> memref<80x128xf32, #tpu.memory_space<vmem_shared>>
        tpu.wait_dma2 semaphore(%arg33 : memref<!tpu.dma_semaphore, #tpu.memory_space<semaphore_mem>>) src(%arg21 : memref<80x128xf32, #tpu.memory_space<vmem>>) dst(%dma_wait3A_387 : memref<80x128xf32, #tpu.memory_space<vmem_shared>>)
      } else {
      }
      %add3A_275 = arith.constant 2 : i32
      %add3A_276 = arith.addi %mul3A_269, %add3A_275 : i32
      %lt3A_277 = arith.constant 125 : i32
      %lt3A_278 = arith.cmpi slt, %add3A_276, %lt3A_277 : i32
      %convert_element_type3A_279 = arith.extui %lt3A_278 : i1 to i32
      %cond3A_280 = arith.constant 0 : i32
      %cond3A_281 = arith.cmpi ne, %convert_element_type3A_279, %cond3A_280 : i32
      scf.if %cond3A_281 {
        %add3A_382 = arith.constant 2 : i32
        %add3A_383 = arith.addi %mul3A_269, %add3A_382 : i32
        %mul3A_384 = arith.constant 10000 : i32
        %mul3A_385 = arith.muli %add3A, %mul3A_384 : i32
        %mul3A_386 = arith.constant 80 : i32
        %mul3A_387 = arith.muli %add3A_383, %mul3A_386 : i32
        %add3A_388 = arith.addi %mul3A_385, %mul3A_387 : i32
        %multiple_of3A_389 = tpu.assume_multiple %add3A_388, 8 : i32
        %dma_wait3A_390 = tpu.memref_slice %arg3[%multiple_of3A_389] : memref<320000xi32, #tpu.memory_space<hbm>> -> memref<80xi32, #tpu.memory_space<hbm>>
        %dma_wait3A_391 = tpu.memref_slice %arg3[%multiple_of3A_389] : memref<320000xi32, #tpu.memory_space<hbm>> -> memref<80xi32, #tpu.memory_space<hbm>>
        tpu.wait_dma2 semaphore(%arg25 : memref<!tpu.dma_semaphore, #tpu.memory_space<semaphore_mem>>) src(%dma_wait3A_391 : memref<80xi32, #tpu.memory_space<hbm>>) dst(%arg9 : memref<80xi32, #tpu.memory_space<vmem>>)
        %get3A_392 = arith.constant 0 : index
        %get3A_393 = tpu.vector_load %arg9[%get3A_392] {strides = array<i32>} : memref<80xi32, #tpu.memory_space<vmem>>, vector<16xi32>,
        %get3A_394 = vector.shape_cast %get3A_393 : vector<16xi32> to vector<16xi32>
        %and3A_395 = arith.constant 16383 : i32
        %and3A_396 = vector.broadcast %and3A_395 : i32 to vector<16xi32>
        %and3A_397 = arith.andi %get3A_394, %and3A_396 : vector<16xi32>
        %swap3A_398 = arith.constant 0 : index
        %swap3A_399 = tpu.vector_load %arg13[%swap3A_398] {strides = array<i32>} : memref<80xi32, #tpu.memory_space<vmem>>, vector<16xi32>,
        %swap3A_400 = vector.shape_cast %swap3A_399 : vector<16xi32> to vector<16xi32>
        %swap3A_401 = vector.shape_cast %and3A_397 : vector<16xi32> to vector<16xi32>
        tpu.vector_store %arg13[%swap3A_398], %swap3A_401 {strides = array<i32>} : memref<80xi32, #tpu.memory_space<vmem>>, vector<16xi32>,
        %shift_right_arithmetic3A_402 = arith.constant 14 : i32
        %shift_right_arithmetic3A_403 = vector.broadcast %shift_right_arithmetic3A_402 : i32 to vector<16xi32>
        %shift_right_arithmetic3A_404 = arith.shrsi %get3A_394, %shift_right_arithmetic3A_403 : vector<16xi32>
        %swap3A_405 = arith.constant 0 : index
        %swap3A_406 = tpu.vector_load %arg17[%swap3A_405] {strides = array<i32>} : memref<80xi32, #tpu.memory_space<vmem>>, vector<16xi32>,
        %swap3A_407 = vector.shape_cast %swap3A_406 : vector<16xi32> to vector<16xi32>
        %swap3A_408 = vector.shape_cast %shift_right_arithmetic3A_404 : vector<16xi32> to vector<16xi32>
        tpu.vector_store %arg17[%swap3A_405], %swap3A_408 {strides = array<i32>} : memref<80xi32, #tpu.memory_space<vmem>>, vector<16xi32>,
        %get3A_409 = arith.constant 16 : index
        %get3A_410 = tpu.vector_load %arg9[%get3A_409] {strides = array<i32>} : memref<80xi32, #tpu.memory_space<vmem>>, vector<16xi32>,
        %get3A_411 = vector.shape_cast %get3A_410 : vector<16xi32> to vector<16xi32>
        %and3A_412 = arith.constant 16383 : i32
        %and3A_413 = vector.broadcast %and3A_412 : i32 to vector<16xi32>
        %and3A_414 = arith.andi %get3A_411, %and3A_413 : vector<16xi32>
        %swap3A_415 = arith.constant 16 : index
        %swap3A_416 = tpu.vector_load %arg13[%swap3A_415] {strides = array<i32>} : memref<80xi32, #tpu.memory_space<vmem>>, vector<16xi32>,
        %swap3A_417 = vector.shape_cast %swap3A_416 : vector<16xi32> to vector<16xi32>
        %swap3A_418 = vector.shape_cast %and3A_414 : vector<16xi32> to vector<16xi32>
        tpu.vector_store %arg13[%swap3A_415], %swap3A_418 {strides = array<i32>} : memref<80xi32, #tpu.memory_space<vmem>>, vector<16xi32>,
        %shift_right_arithmetic3A_419 = arith.constant 14 : i32
        %shift_right_arithmetic3A_420 = vector.broadcast %shift_right_arithmetic3A_419 : i32 to vector<16xi32>
        %shift_right_arithmetic3A_421 = arith.shrsi %get3A_411, %shift_right_arithmetic3A_420 : vector<16xi32>
        %swap3A_422 = arith.constant 16 : index
        %swap3A_423 = tpu.vector_load %arg17[%swap3A_422] {strides = array<i32>} : memref<80xi32, #tpu.memory_space<vmem>>, vector<16xi32>,
        %swap3A_424 = vector.shape_cast %swap3A_423 : vector<16xi32> to vector<16xi32>
        %swap3A_425 = vector.shape_cast %shift_right_arithmetic3A_421 : vector<16xi32> to vector<16xi32>
        tpu.vector_store %arg17[%swap3A_422], %swap3A_425 {strides = array<i32>} : memref<80xi32, #tpu.memory_space<vmem>>, vector<16xi32>,
        %get3A_426 = arith.constant 32 : index
        %get3A_427 = tpu.vector_load %arg9[%get3A_426] {strides = array<i32>} : memref<80xi32, #tpu.memory_space<vmem>>, vector<16xi32>,
        %get3A_428 = vector.shape_cast %get3A_427 : vector<16xi32> to vector<16xi32>
        %and3A_429 = arith.constant 16383 : i32
        %and3A_430 = vector.broadcast %and3A_429 : i32 to vector<16xi32>
        %and3A_431 = arith.andi %get3A_428, %and3A_430 : vector<16xi32>
        %swap3A_432 = arith.constant 32 : index
        %swap3A_433 = tpu.vector_load %arg13[%swap3A_432] {strides = array<i32>} : memref<80xi32, #tpu.memory_space<vmem>>, vector<16xi32>,
        %swap3A_434 = vector.shape_cast %swap3A_433 : vector<16xi32> to vector<16xi32>
        %swap3A_435 = vector.shape_cast %and3A_431 : vector<16xi32> to vector<16xi32>
        tpu.vector_store %arg13[%swap3A_432], %swap3A_435 {strides = array<i32>} : memref<80xi32, #tpu.memory_space<vmem>>, vector<16xi32>,
        %shift_right_arithmetic3A_436 = arith.constant 14 : i32
        %shift_right_arithmetic3A_437 = vector.broadcast %shift_right_arithmetic3A_436 : i32 to vector<16xi32>
        %shift_right_arithmetic3A_438 = arith.shrsi %get3A_428, %shift_right_arithmetic3A_437 : vector<16xi32>
        %swap3A_439 = arith.constant 32 : index
        %swap3A_440 = tpu.vector_load %arg17[%swap3A_439] {strides = array<i32>} : memref<80xi32, #tpu.memory_space<vmem>>, vector<16xi32>,
        %swap3A_441 = vector.shape_cast %swap3A_440 : vector<16xi32> to vector<16xi32>
        %swap3A_442 = vector.shape_cast %shift_right_arithmetic3A_438 : vector<16xi32> to vector<16xi32>
        tpu.vector_store %arg17[%swap3A_439], %swap3A_442 {strides = array<i32>} : memref<80xi32, #tpu.memory_space<vmem>>, vector<16xi32>,
        %get3A_443 = arith.constant 48 : index
        %get3A_444 = tpu.vector_load %arg9[%get3A_443] {strides = array<i32>} : memref<80xi32, #tpu.memory_space<vmem>>, vector<16xi32>,
        %get3A_445 = vector.shape_cast %get3A_444 : vector<16xi32> to vector<16xi32>
        %and3A_446 = arith.constant 16383 : i32
        %and3A_447 = vector.broadcast %and3A_446 : i32 to vector<16xi32>
        %and3A_448 = arith.andi %get3A_445, %and3A_447 : vector<16xi32>
        %swap3A_449 = arith.constant 48 : index
        %swap3A_450 = tpu.vector_load %arg13[%swap3A_449] {strides = array<i32>} : memref<80xi32, #tpu.memory_space<vmem>>, vector<16xi32>,
        %swap3A_451 = vector.shape_cast %swap3A_450 : vector<16xi32> to vector<16xi32>
        %swap3A_452 = vector.shape_cast %and3A_448 : vector<16xi32> to vector<16xi32>
        tpu.vector_store %arg13[%swap3A_449], %swap3A_452 {strides = array<i32>} : memref<80xi32, #tpu.memory_space<vmem>>, vector<16xi32>,
        %shift_right_arithmetic3A_453 = arith.constant 14 : i32
        %shift_right_arithmetic3A_454 = vector.broadcast %shift_right_arithmetic3A_453 : i32 to vector<16xi32>
        %shift_right_arithmetic3A_455 = arith.shrsi %get3A_445, %shift_right_arithmetic3A_454 : vector<16xi32>
        %swap3A_456 = arith.constant 48 : index
        %swap3A_457 = tpu.vector_load %arg17[%swap3A_456] {strides = array<i32>} : memref<80xi32, #tpu.memory_space<vmem>>, vector<16xi32>,
        %swap3A_458 = vector.shape_cast %swap3A_457 : vector<16xi32> to vector<16xi32>
        %swap3A_459 = vector.shape_cast %shift_right_arithmetic3A_455 : vector<16xi32> to vector<16xi32>
        tpu.vector_store %arg17[%swap3A_456], %swap3A_459 {strides = array<i32>} : memref<80xi32, #tpu.memory_space<vmem>>, vector<16xi32>,
        %get3A_460 = arith.constant 64 : index
        %get3A_461 = tpu.vector_load %arg9[%get3A_460] {strides = array<i32>} : memref<80xi32, #tpu.memory_space<vmem>>, vector<16xi32>,
        %get3A_462 = vector.shape_cast %get3A_461 : vector<16xi32> to vector<16xi32>
        %and3A_463 = arith.constant 16383 : i32
        %and3A_464 = vector.broadcast %and3A_463 : i32 to vector<16xi32>
        %and3A_465 = arith.andi %get3A_462, %and3A_464 : vector<16xi32>
        %swap3A_466 = arith.constant 64 : index
        %swap3A_467 = tpu.vector_load %arg13[%swap3A_466] {strides = array<i32>} : memref<80xi32, #tpu.memory_space<vmem>>, vector<16xi32>,
        %swap3A_468 = vector.shape_cast %swap3A_467 : vector<16xi32> to vector<16xi32>
        %swap3A_469 = vector.shape_cast %and3A_465 : vector<16xi32> to vector<16xi32>
        tpu.vector_store %arg13[%swap3A_466], %swap3A_469 {strides = array<i32>} : memref<80xi32, #tpu.memory_space<vmem>>, vector<16xi32>,
        %shift_right_arithmetic3A_470 = arith.constant 14 : i32
        %shift_right_arithmetic3A_471 = vector.broadcast %shift_right_arithmetic3A_470 : i32 to vector<16xi32>
        %shift_right_arithmetic3A_472 = arith.shrsi %get3A_462, %shift_right_arithmetic3A_471 : vector<16xi32>
        %swap3A_473 = arith.constant 64 : index
        %swap3A_474 = tpu.vector_load %arg17[%swap3A_473] {strides = array<i32>} : memref<80xi32, #tpu.memory_space<vmem>>, vector<16xi32>,
        %swap3A_475 = vector.shape_cast %swap3A_474 : vector<16xi32> to vector<16xi32>
        %swap3A_476 = vector.shape_cast %shift_right_arithmetic3A_472 : vector<16xi32> to vector<16xi32>
        tpu.vector_store %arg17[%swap3A_473], %swap3A_476 {strides = array<i32>} : memref<80xi32, #tpu.memory_space<vmem>>, vector<16xi32>,
        %dma_start3A_477 = arith.constant 0 : i32
        %dma_start3A_478 = arith.constant 0 : i32
        %dma_start3A_479 = tpu.memref_slice %arg2[%dma_start3A_477, %dma_start3A_478] : memref<10000x128xf32, #tpu.memory_space<hbm>> -> memref<10000x128xf32, #tpu.memory_space<hbm>>
        tpu.enqueue_indirect_dma source(%dma_start3A_479 : memref<10000x128xf32, #tpu.memory_space<hbm>>) target(%arg21 : memref<80x128xf32, #tpu.memory_space<vmem>>) offsets(%arg13 : memref<80xi32, #tpu.memory_space<vmem>>) semaphore(%arg29 : memref<!tpu.dma_semaphore, #tpu.memory_space<semaphore_mem>>)
      } else {
      }
      %add3A_282 = arith.constant 4 : i32
      %add3A_283 = arith.addi %mul3A_269, %add3A_282 : i32
      %lt3A_284 = arith.constant 125 : i32
      %lt3A_285 = arith.cmpi slt, %add3A_283, %lt3A_284 : i32
      %convert_element_type3A_286 = arith.extui %lt3A_285 : i1 to i32
      %cond3A_287 = arith.constant 0 : i32
      %cond3A_288 = arith.cmpi ne, %convert_element_type3A_286, %cond3A_287 : i32
      scf.if %cond3A_288 {
        %add3A_382 = arith.constant 4 : i32
        %add3A_383 = arith.addi %mul3A_269, %add3A_382 : i32
        %mul3A_384 = arith.constant 10000 : i32
        %mul3A_385 = arith.muli %add3A, %mul3A_384 : i32
        %mul3A_386 = arith.constant 80 : i32
        %mul3A_387 = arith.muli %add3A_383, %mul3A_386 : i32
        %add3A_388 = arith.addi %mul3A_385, %mul3A_387 : i32
        %multiple_of3A_389 = tpu.assume_multiple %add3A_388, 8 : i32
        %dma_start3A_390 = tpu.memref_slice %arg3[%multiple_of3A_389] : memref<320000xi32, #tpu.memory_space<hbm>> -> memref<80xi32, #tpu.memory_space<hbm>>
        %dma_start3A_391 = tpu.memref_slice %arg3[%multiple_of3A_389] : memref<320000xi32, #tpu.memory_space<hbm>> -> memref<80xi32, #tpu.memory_space<hbm>>
        tpu.enqueue_dma source(%dma_start3A_391 : memref<80xi32, #tpu.memory_space<hbm>>) target(%arg7 : memref<80xi32, #tpu.memory_space<vmem>>) target_semaphore(%arg23 : memref<!tpu.dma_semaphore, #tpu.memory_space<semaphore_mem>>)
      } else {
      }
      %dma_wait3A_289 = arith.constant 0 : i32
      %dma_wait3A_290 = arith.constant 0 : i32
      %dma_wait3A_291 = tpu.memref_slice %arg2[%dma_wait3A_289, %dma_wait3A_290] : memref<10000x128xf32, #tpu.memory_space<hbm>> -> memref<10000x128xf32, #tpu.memory_space<hbm>>
      tpu.wait_indirect_dma semaphore(%arg27 : memref<!tpu.dma_semaphore, #tpu.memory_space<semaphore_mem>>) src(%dma_wait3A_291 : memref<10000x128xf32, #tpu.memory_space<hbm>>) dst(%arg19 : memref<80x128xf32, #tpu.memory_space<vmem>>)
      %dma_start3A_292 = arith.constant 0 : i32
      %dma_start3A_293 = arith.constant 0 : i32
      %dma_start3A_294 = tpu.memref_slice %arg6[%dma_start3A_292, %dma_start3A_293] : memref<10000x128xf32, #tpu.memory_space<vmem_shared>> -> memref<10000x128xf32, #tpu.memory_space<vmem_shared>>
      tpu.enqueue_indirect_dma source(%arg19 : memref<80x128xf32, #tpu.memory_space<vmem>>) target(%dma_start3A_294 : memref<10000x128xf32, #tpu.memory_space<vmem_shared>>) offsets(%arg15 : memref<80xi32, #tpu.memory_space<vmem>>) semaphore(%arg31 : memref<!tpu.dma_semaphore, #tpu.memory_space<semaphore_mem>>) {add = true}
      %mul3A_295 = arith.constant 4 : i32
      %mul3A_296 = arith.muli %mul3A_295, %scan3A_267 : i32
      %add3A_297 = arith.constant 1 : i32
      %add3A_298 = arith.addi %mul3A_296, %add3A_297 : i32
      %ge3A_299 = arith.constant 2 : i32
      %ge3A_300 = arith.cmpi sge, %add3A_298, %ge3A_299 : i32
      %convert_element_type3A_301 = arith.extui %ge3A_300 : i1 to i32
      %cond3A_302 = arith.constant 0 : i32
      %cond3A_303 = arith.cmpi ne, %convert_element_type3A_301, %cond3A_302 : i32
      scf.if %cond3A_303 {
        %dma_wait3A_382 = arith.constant 0 : i32
        %dma_wait3A_383 = arith.constant 0 : i32
        %dma_wait3A_384 = tpu.memref_slice %arg6[%dma_wait3A_382, %dma_wait3A_383] : memref<10000x128xf32, #tpu.memory_space<vmem_shared>> -> memref<80x128xf32, #tpu.memory_space<vmem_shared>>
        %dma_wait3A_385 = arith.constant 0 : i32
        %dma_wait3A_386 = arith.constant 0 : i32
        %dma_wait3A_387 = tpu.memref_slice %arg6[%dma_wait3A_385, %dma_wait3A_386] : memref<10000x128xf32, #tpu.memory_space<vmem_shared>> -> memref<80x128xf32, #tpu.memory_space<vmem_shared>>
        tpu.wait_dma2 semaphore(%arg34 : memref<!tpu.dma_semaphore, #tpu.memory_space<semaphore_mem>>) src(%arg22 : memref<80x128xf32, #tpu.memory_space<vmem>>) dst(%dma_wait3A_387 : memref<80x128xf32, #tpu.memory_space<vmem_shared>>)
      } else {
      }
      %add3A_304 = arith.constant 2 : i32
      %add3A_305 = arith.addi %add3A_298, %add3A_304 : i32
      %lt3A_306 = arith.constant 125 : i32
      %lt3A_307 = arith.cmpi slt, %add3A_305, %lt3A_306 : i32
      %convert_element_type3A_308 = arith.extui %lt3A_307 : i1 to i32
      %cond3A_309 = arith.constant 0 : i32
      %cond3A_310 = arith.cmpi ne, %convert_element_type3A_308, %cond3A_309 : i32
      scf.if %cond3A_310 {
        %add3A_382 = arith.constant 2 : i32
        %add3A_383 = arith.addi %add3A_298, %add3A_382 : i32
        %mul3A_384 = arith.constant 10000 : i32
        %mul3A_385 = arith.muli %add3A, %mul3A_384 : i32
        %mul3A_386 = arith.constant 80 : i32
        %mul3A_387 = arith.muli %add3A_383, %mul3A_386 : i32
        %add3A_388 = arith.addi %mul3A_385, %mul3A_387 : i32
        %multiple_of3A_389 = tpu.assume_multiple %add3A_388, 8 : i32
        %dma_wait3A_390 = tpu.memref_slice %arg3[%multiple_of3A_389] : memref<320000xi32, #tpu.memory_space<hbm>> -> memref<80xi32, #tpu.memory_space<hbm>>
        %dma_wait3A_391 = tpu.memref_slice %arg3[%multiple_of3A_389] : memref<320000xi32, #tpu.memory_space<hbm>> -> memref<80xi32, #tpu.memory_space<hbm>>
        tpu.wait_dma2 semaphore(%arg26 : memref<!tpu.dma_semaphore, #tpu.memory_space<semaphore_mem>>) src(%dma_wait3A_391 : memref<80xi32, #tpu.memory_space<hbm>>) dst(%arg10 : memref<80xi32, #tpu.memory_space<vmem>>)
        %get3A_392 = arith.constant 0 : index
        %get3A_393 = tpu.vector_load %arg10[%get3A_392] {strides = array<i32>} : memref<80xi32, #tpu.memory_space<vmem>>, vector<16xi32>,
        %get3A_394 = vector.shape_cast %get3A_393 : vector<16xi32> to vector<16xi32>
        %and3A_395 = arith.constant 16383 : i32
        %and3A_396 = vector.broadcast %and3A_395 : i32 to vector<16xi32>
        %and3A_397 = arith.andi %get3A_394, %and3A_396 : vector<16xi32>
        %swap3A_398 = arith.constant 0 : index
        %swap3A_399 = tpu.vector_load %arg14[%swap3A_398] {strides = array<i32>} : memref<80xi32, #tpu.memory_space<vmem>>, vector<16xi32>,
        %swap3A_400 = vector.shape_cast %swap3A_399 : vector<16xi32> to vector<16xi32>
        %swap3A_401 = vector.shape_cast %and3A_397 : vector<16xi32> to vector<16xi32>
        tpu.vector_store %arg14[%swap3A_398], %swap3A_401 {strides = array<i32>} : memref<80xi32, #tpu.memory_space<vmem>>, vector<16xi32>,
        %shift_right_arithmetic3A_402 = arith.constant 14 : i32
        %shift_right_arithmetic3A_403 = vector.broadcast %shift_right_arithmetic3A_402 : i32 to vector<16xi32>
        %shift_right_arithmetic3A_404 = arith.shrsi %get3A_394, %shift_right_arithmetic3A_403 : vector<16xi32>
        %swap3A_405 = arith.constant 0 : index
        %swap3A_406 = tpu.vector_load %arg18[%swap3A_405] {strides = array<i32>} : memref<80xi32, #tpu.memory_space<vmem>>, vector<16xi32>,
        %swap3A_407 = vector.shape_cast %swap3A_406 : vector<16xi32> to vector<16xi32>
        %swap3A_408 = vector.shape_cast %shift_right_arithmetic3A_404 : vector<16xi32> to vector<16xi32>
        tpu.vector_store %arg18[%swap3A_405], %swap3A_408 {strides = array<i32>} : memref<80xi32, #tpu.memory_space<vmem>>, vector<16xi32>,
        %get3A_409 = arith.constant 16 : index
        %get3A_410 = tpu.vector_load %arg10[%get3A_409] {strides = array<i32>} : memref<80xi32, #tpu.memory_space<vmem>>, vector<16xi32>,
        %get3A_411 = vector.shape_cast %get3A_410 : vector<16xi32> to vector<16xi32>
        %and3A_412 = arith.constant 16383 : i32
        %and3A_413 = vector.broadcast %and3A_412 : i32 to vector<16xi32>
        %and3A_414 = arith.andi %get3A_411, %and3A_413 : vector<16xi32>
        %swap3A_415 = arith.constant 16 : index
        %swap3A_416 = tpu.vector_load %arg14[%swap3A_415] {strides = array<i32>} : memref<80xi32, #tpu.memory_space<vmem>>, vector<16xi32>,
        %swap3A_417 = vector.shape_cast %swap3A_416 : vector<16xi32> to vector<16xi32>
        %swap3A_418 = vector.shape_cast %and3A_414 : vector<16xi32> to vector<16xi32>
        tpu.vector_store %arg14[%swap3A_415], %swap3A_418 {strides = array<i32>} : memref<80xi32, #tpu.memory_space<vmem>>, vector<16xi32>,
        %shift_right_arithmetic3A_419 = arith.constant 14 : i32
        %shift_right_arithmetic3A_420 = vector.broadcast %shift_right_arithmetic3A_419 : i32 to vector<16xi32>
        %shift_right_arithmetic3A_421 = arith.shrsi %get3A_411, %shift_right_arithmetic3A_420 : vector<16xi32>
        %swap3A_422 = arith.constant 16 : index
        %swap3A_423 = tpu.vector_load %arg18[%swap3A_422] {strides = array<i32>} : memref<80xi32, #tpu.memory_space<vmem>>, vector<16xi32>,
        %swap3A_424 = vector.shape_cast %swap3A_423 : vector<16xi32> to vector<16xi32>
        %swap3A_425 = vector.shape_cast %shift_right_arithmetic3A_421 : vector<16xi32> to vector<16xi32>
        tpu.vector_store %arg18[%swap3A_422], %swap3A_425 {strides = array<i32>} : memref<80xi32, #tpu.memory_space<vmem>>, vector<16xi32>,
        %get3A_426 = arith.constant 32 : index
        %get3A_427 = tpu.vector_load %arg10[%get3A_426] {strides = array<i32>} : memref<80xi32, #tpu.memory_space<vmem>>, vector<16xi32>,
        %get3A_428 = vector.shape_cast %get3A_427 : vector<16xi32> to vector<16xi32>
        %and3A_429 = arith.constant 16383 : i32
        %and3A_430 = vector.broadcast %and3A_429 : i32 to vector<16xi32>
        %and3A_431 = arith.andi %get3A_428, %and3A_430 : vector<16xi32>
        %swap3A_432 = arith.constant 32 : index
        %swap3A_433 = tpu.vector_load %arg14[%swap3A_432] {strides = array<i32>} : memref<80xi32, #tpu.memory_space<vmem>>, vector<16xi32>,
        %swap3A_434 = vector.shape_cast %swap3A_433 : vector<16xi32> to vector<16xi32>
        %swap3A_435 = vector.shape_cast %and3A_431 : vector<16xi32> to vector<16xi32>
        tpu.vector_store %arg14[%swap3A_432], %swap3A_435 {strides = array<i32>} : memref<80xi32, #tpu.memory_space<vmem>>, vector<16xi32>,
        %shift_right_arithmetic3A_436 = arith.constant 14 : i32
        %shift_right_arithmetic3A_437 = vector.broadcast %shift_right_arithmetic3A_436 : i32 to vector<16xi32>
        %shift_right_arithmetic3A_438 = arith.shrsi %get3A_428, %shift_right_arithmetic3A_437 : vector<16xi32>
        %swap3A_439 = arith.constant 32 : index
        %swap3A_440 = tpu.vector_load %arg18[%swap3A_439] {strides = array<i32>} : memref<80xi32, #tpu.memory_space<vmem>>, vector<16xi32>,
        %swap3A_441 = vector.shape_cast %swap3A_440 : vector<16xi32> to vector<16xi32>
        %swap3A_442 = vector.shape_cast %shift_right_arithmetic3A_438 : vector<16xi32> to vector<16xi32>
        tpu.vector_store %arg18[%swap3A_439], %swap3A_442 {strides = array<i32>} : memref<80xi32, #tpu.memory_space<vmem>>, vector<16xi32>,
        %get3A_443 = arith.constant 48 : index
        %get3A_444 = tpu.vector_load %arg10[%get3A_443] {strides = array<i32>} : memref<80xi32, #tpu.memory_space<vmem>>, vector<16xi32>,
        %get3A_445 = vector.shape_cast %get3A_444 : vector<16xi32> to vector<16xi32>
        %and3A_446 = arith.constant 16383 : i32
        %and3A_447 = vector.broadcast %and3A_446 : i32 to vector<16xi32>
        %and3A_448 = arith.andi %get3A_445, %and3A_447 : vector<16xi32>
        %swap3A_449 = arith.constant 48 : index
        %swap3A_450 = tpu.vector_load %arg14[%swap3A_449] {strides = array<i32>} : memref<80xi32, #tpu.memory_space<vmem>>, vector<16xi32>,
        %swap3A_451 = vector.shape_cast %swap3A_450 : vector<16xi32> to vector<16xi32>
        %swap3A_452 = vector.shape_cast %and3A_448 : vector<16xi32> to vector<16xi32>
        tpu.vector_store %arg14[%swap3A_449], %swap3A_452 {strides = array<i32>} : memref<80xi32, #tpu.memory_space<vmem>>, vector<16xi32>,
        %shift_right_arithmetic3A_453 = arith.constant 14 : i32
        %shift_right_arithmetic3A_454 = vector.broadcast %shift_right_arithmetic3A_453 : i32 to vector<16xi32>
        %shift_right_arithmetic3A_455 = arith.shrsi %get3A_445, %shift_right_arithmetic3A_454 : vector<16xi32>
        %swap3A_456 = arith.constant 48 : index
        %swap3A_457 = tpu.vector_load %arg18[%swap3A_456] {strides = array<i32>} : memref<80xi32, #tpu.memory_space<vmem>>, vector<16xi32>,
        %swap3A_458 = vector.shape_cast %swap3A_457 : vector<16xi32> to vector<16xi32>
        %swap3A_459 = vector.shape_cast %shift_right_arithmetic3A_455 : vector<16xi32> to vector<16xi32>
        tpu.vector_store %arg18[%swap3A_456], %swap3A_459 {strides = array<i32>} : memref<80xi32, #tpu.memory_space<vmem>>, vector<16xi32>,
        %get3A_460 = arith.constant 64 : index
        %get3A_461 = tpu.vector_load %arg10[%get3A_460] {strides = array<i32>} : memref<80xi32, #tpu.memory_space<vmem>>, vector<16xi32>,
        %get3A_462 = vector.shape_cast %get3A_461 : vector<16xi32> to vector<16xi32>
        %and3A_463 = arith.constant 16383 : i32
        %and3A_464 = vector.broadcast %and3A_463 : i32 to vector<16xi32>
        %and3A_465 = arith.andi %get3A_462, %and3A_464 : vector<16xi32>
        %swap3A_466 = arith.constant 64 : index
        %swap3A_467 = tpu.vector_load %arg14[%swap3A_466] {strides = array<i32>} : memref<80xi32, #tpu.memory_space<vmem>>, vector<16xi32>,
        %swap3A_468 = vector.shape_cast %swap3A_467 : vector<16xi32> to vector<16xi32>
        %swap3A_469 = vector.shape_cast %and3A_465 : vector<16xi32> to vector<16xi32>
        tpu.vector_store %arg14[%swap3A_466], %swap3A_469 {strides = array<i32>} : memref<80xi32, #tpu.memory_space<vmem>>, vector<16xi32>,
        %shift_right_arithmetic3A_470 = arith.constant 14 : i32
        %shift_right_arithmetic3A_471 = vector.broadcast %shift_right_arithmetic3A_470 : i32 to vector<16xi32>
        %shift_right_arithmetic3A_472 = arith.shrsi %get3A_462, %shift_right_arithmetic3A_471 : vector<16xi32>
        %swap3A_473 = arith.constant 64 : index
        %swap3A_474 = tpu.vector_load %arg18[%swap3A_473] {strides = array<i32>} : memref<80xi32, #tpu.memory_space<vmem>>, vector<16xi32>,
        %swap3A_475 = vector.shape_cast %swap3A_474 : vector<16xi32> to vector<16xi32>
        %swap3A_476 = vector.shape_cast %shift_right_arithmetic3A_472 : vector<16xi32> to vector<16xi32>
        tpu.vector_store %arg18[%swap3A_473], %swap3A_476 {strides = array<i32>} : memref<80xi32, #tpu.memory_space<vmem>>, vector<16xi32>,
        %dma_start3A_477 = arith.constant 0 : i32
        %dma_start3A_478 = arith.constant 0 : i32
        %dma_start3A_479 = tpu.memref_slice %arg2[%dma_start3A_477, %dma_start3A_478] : memref<10000x128xf32, #tpu.memory_space<hbm>> -> memref<10000x128xf32, #tpu.memory_space<hbm>>
        tpu.enqueue_indirect_dma source(%dma_start3A_479 : memref<10000x128xf32, #tpu.memory_space<hbm>>) target(%arg22 : memref<80x128xf32, #tpu.memory_space<vmem>>) offsets(%arg14 : memref<80xi32, #tpu.memory_space<vmem>>) semaphore(%arg30 : memref<!tpu.dma_semaphore, #tpu.memory_space<semaphore_mem>>)
      } else {
      }
      %add3A_311 = arith.constant 4 : i32
      %add3A_312 = arith.addi %add3A_298, %add3A_311 : i32
      %lt3A_313 = arith.constant 125 : i32
      %lt3A_314 = arith.cmpi slt, %add3A_312, %lt3A_313 : i32
      %convert_element_type3A_315 = arith.extui %lt3A_314 : i1 to i32
      %cond3A_316 = arith.constant 0 : i32
      %cond3A_317 = arith.cmpi ne, %convert_element_type3A_315, %cond3A_316 : i32
      scf.if %cond3A_317 {
        %add3A_382 = arith.constant 4 : i32
        %add3A_383 = arith.addi %add3A_298, %add3A_382 : i32
        %mul3A_384 = arith.constant 10000 : i32
        %mul3A_385 = arith.muli %add3A, %mul3A_384 : i32
        %mul3A_386 = arith.constant 80 : i32
        %mul3A_387 = arith.muli %add3A_383, %mul3A_386 : i32
        %add3A_388 = arith.addi %mul3A_385, %mul3A_387 : i32
        %multiple_of3A_389 = tpu.assume_multiple %add3A_388, 8 : i32
        %dma_start3A_390 = tpu.memref_slice %arg3[%multiple_of3A_389] : memref<320000xi32, #tpu.memory_space<hbm>> -> memref<80xi32, #tpu.memory_space<hbm>>
        %dma_start3A_391 = tpu.memref_slice %arg3[%multiple_of3A_389] : memref<320000xi32, #tpu.memory_space<hbm>> -> memref<80xi32, #tpu.memory_space<hbm>>
        tpu.enqueue_dma source(%dma_start3A_391 : memref<80xi32, #tpu.memory_space<hbm>>) target(%arg8 : memref<80xi32, #tpu.memory_space<vmem>>) target_semaphore(%arg24 : memref<!tpu.dma_semaphore, #tpu.memory_space<semaphore_mem>>)
      } else {
      }
      %dma_wait3A_318 = arith.constant 0 : i32
      %dma_wait3A_319 = arith.constant 0 : i32
      %dma_wait3A_320 = tpu.memref_slice %arg2[%dma_wait3A_318, %dma_wait3A_319] : memref<10000x128xf32, #tpu.memory_space<hbm>> -> memref<10000x128xf32, #tpu.memory_space<hbm>>
      tpu.wait_indirect_dma semaphore(%arg28 : memref<!tpu.dma_semaphore, #tpu.memory_space<semaphore_mem>>) src(%dma_wait3A_320 : memref<10000x128xf32, #tpu.memory_space<hbm>>) dst(%arg20 : memref<80x128xf32, #tpu.memory_space<vmem>>)
      %dma_start3A_321 = arith.constant 0 : i32
      %dma_start3A_322 = arith.constant 0 : i32
      %dma_start3A_323 = tpu.memref_slice %arg6[%dma_start3A_321, %dma_start3A_322] : memref<10000x128xf32, #tpu.memory_space<vmem_shared>> -> memref<10000x128xf32, #tpu.memory_space<vmem_shared>>
      tpu.enqueue_indirect_dma source(%arg20 : memref<80x128xf32, #tpu.memory_space<vmem>>) target(%dma_start3A_323 : memref<10000x128xf32, #tpu.memory_space<vmem_shared>>) offsets(%arg16 : memref<80xi32, #tpu.memory_space<vmem>>) semaphore(%arg32 : memref<!tpu.dma_semaphore, #tpu.memory_space<semaphore_mem>>) {add = true}
      %mul3A_324 = arith.constant 4 : i32
      %mul3A_325 = arith.muli %mul3A_324, %scan3A_267 : i32
      %add3A_326 = arith.constant 2 : i32
      %add3A_327 = arith.addi %mul3A_325, %add3A_326 : i32
      %ge3A_328 = arith.constant 2 : i32
      %ge3A_329 = arith.cmpi sge, %add3A_327, %ge3A_328 : i32
      %convert_element_type3A_330 = arith.extui %ge3A_329 : i1 to i32
      %cond3A_331 = arith.constant 0 : i32
      %cond3A_332 = arith.cmpi ne, %convert_element_type3A_330, %cond3A_331 : i32
      scf.if %cond3A_332 {
        %dma_wait3A_382 = arith.constant 0 : i32
        %dma_wait3A_383 = arith.constant 0 : i32
        %dma_wait3A_384 = tpu.memref_slice %arg6[%dma_wait3A_382, %dma_wait3A_383] : memref<10000x128xf32, #tpu.memory_space<vmem_shared>> -> memref<80x128xf32, #tpu.memory_space<vmem_shared>>
        %dma_wait3A_385 = arith.constant 0 : i32
        %dma_wait3A_386 = arith.constant 0 : i32
        %dma_wait3A_387 = tpu.memref_slice %arg6[%dma_wait3A_385, %dma_wait3A_386] : memref<10000x128xf32, #tpu.memory_space<vmem_shared>> -> memref<80x128xf32, #tpu.memory_space<vmem_shared>>
        tpu.wait_dma2 semaphore(%arg31 : memref<!tpu.dma_semaphore, #tpu.memory_space<semaphore_mem>>) src(%arg19 : memref<80x128xf32, #tpu.memory_space<vmem>>) dst(%dma_wait3A_387 : memref<80x128xf32, #tpu.memory_space<vmem_shared>>)
      } else {
      }
      %add3A_333 = arith.constant 2 : i32
      %add3A_334 = arith.addi %add3A_327, %add3A_333 : i32
      %lt3A_335 = arith.constant 125 : i32
      %lt3A_336 = arith.cmpi slt, %add3A_334, %lt3A_335 : i32
      %convert_element_type3A_337 = arith.extui %lt3A_336 : i1 to i32
      %cond3A_338 = arith.constant 0 : i32
      %cond3A_339 = arith.cmpi ne, %convert_element_type3A_337, %cond3A_338 : i32
      scf.if %cond3A_339 {
        %add3A_382 = arith.constant 2 : i32
        %add3A_383 = arith.addi %add3A_327, %add3A_382 : i32
        %mul3A_384 = arith.constant 10000 : i32
        %mul3A_385 = arith.muli %add3A, %mul3A_384 : i32
        %mul3A_386 = arith.constant 80 : i32
        %mul3A_387 = arith.muli %add3A_383, %mul3A_386 : i32
        %add3A_388 = arith.addi %mul3A_385, %mul3A_387 : i32
        %multiple_of3A_389 = tpu.assume_multiple %add3A_388, 8 : i32
        %dma_wait3A_390 = tpu.memref_slice %arg3[%multiple_of3A_389] : memref<320000xi32, #tpu.memory_space<hbm>> -> memref<80xi32, #tpu.memory_space<hbm>>
        %dma_wait3A_391 = tpu.memref_slice %arg3[%multiple_of3A_389] : memref<320000xi32, #tpu.memory_space<hbm>> -> memref<80xi32, #tpu.memory_space<hbm>>
        tpu.wait_dma2 semaphore(%arg23 : memref<!tpu.dma_semaphore, #tpu.memory_space<semaphore_mem>>) src(%dma_wait3A_391 : memref<80xi32, #tpu.memory_space<hbm>>) dst(%arg7 : memref<80xi32, #tpu.memory_space<vmem>>)
        %get3A_392 = arith.constant 0 : index
        %get3A_393 = tpu.vector_load %arg7[%get3A_392] {strides = array<i32>} : memref<80xi32, #tpu.memory_space<vmem>>, vector<16xi32>,
        %get3A_394 = vector.shape_cast %get3A_393 : vector<16xi32> to vector<16xi32>
        %and3A_395 = arith.constant 16383 : i32
        %and3A_396 = vector.broadcast %and3A_395 : i32 to vector<16xi32>
        %and3A_397 = arith.andi %get3A_394, %and3A_396 : vector<16xi32>
        %swap3A_398 = arith.constant 0 : index
        %swap3A_399 = tpu.vector_load %arg11[%swap3A_398] {strides = array<i32>} : memref<80xi32, #tpu.memory_space<vmem>>, vector<16xi32>,
        %swap3A_400 = vector.shape_cast %swap3A_399 : vector<16xi32> to vector<16xi32>
        %swap3A_401 = vector.shape_cast %and3A_397 : vector<16xi32> to vector<16xi32>
        tpu.vector_store %arg11[%swap3A_398], %swap3A_401 {strides = array<i32>} : memref<80xi32, #tpu.memory_space<vmem>>, vector<16xi32>,
        %shift_right_arithmetic3A_402 = arith.constant 14 : i32
        %shift_right_arithmetic3A_403 = vector.broadcast %shift_right_arithmetic3A_402 : i32 to vector<16xi32>
        %shift_right_arithmetic3A_404 = arith.shrsi %get3A_394, %shift_right_arithmetic3A_403 : vector<16xi32>
        %swap3A_405 = arith.constant 0 : index
        %swap3A_406 = tpu.vector_load %arg15[%swap3A_405] {strides = array<i32>} : memref<80xi32, #tpu.memory_space<vmem>>, vector<16xi32>,
        %swap3A_407 = vector.shape_cast %swap3A_406 : vector<16xi32> to vector<16xi32>
        %swap3A_408 = vector.shape_cast %shift_right_arithmetic3A_404 : vector<16xi32> to vector<16xi32>
        tpu.vector_store %arg15[%swap3A_405], %swap3A_408 {strides = array<i32>} : memref<80xi32, #tpu.memory_space<vmem>>, vector<16xi32>,
        %get3A_409 = arith.constant 16 : index
        %get3A_410 = tpu.vector_load %arg7[%get3A_409] {strides = array<i32>} : memref<80xi32, #tpu.memory_space<vmem>>, vector<16xi32>,
        %get3A_411 = vector.shape_cast %get3A_410 : vector<16xi32> to vector<16xi32>
        %and3A_412 = arith.constant 16383 : i32
        %and3A_413 = vector.broadcast %and3A_412 : i32 to vector<16xi32>
        %and3A_414 = arith.andi %get3A_411, %and3A_413 : vector<16xi32>
        %swap3A_415 = arith.constant 16 : index
        %swap3A_416 = tpu.vector_load %arg11[%swap3A_415] {strides = array<i32>} : memref<80xi32, #tpu.memory_space<vmem>>, vector<16xi32>,
        %swap3A_417 = vector.shape_cast %swap3A_416 : vector<16xi32> to vector<16xi32>
        %swap3A_418 = vector.shape_cast %and3A_414 : vector<16xi32> to vector<16xi32>
        tpu.vector_store %arg11[%swap3A_415], %swap3A_418 {strides = array<i32>} : memref<80xi32, #tpu.memory_space<vmem>>, vector<16xi32>,
        %shift_right_arithmetic3A_419 = arith.constant 14 : i32
        %shift_right_arithmetic3A_420 = vector.broadcast %shift_right_arithmetic3A_419 : i32 to vector<16xi32>
        %shift_right_arithmetic3A_421 = arith.shrsi %get3A_411, %shift_right_arithmetic3A_420 : vector<16xi32>
        %swap3A_422 = arith.constant 16 : index
        %swap3A_423 = tpu.vector_load %arg15[%swap3A_422] {strides = array<i32>} : memref<80xi32, #tpu.memory_space<vmem>>, vector<16xi32>,
        %swap3A_424 = vector.shape_cast %swap3A_423 : vector<16xi32> to vector<16xi32>
        %swap3A_425 = vector.shape_cast %shift_right_arithmetic3A_421 : vector<16xi32> to vector<16xi32>
        tpu.vector_store %arg15[%swap3A_422], %swap3A_425 {strides = array<i32>} : memref<80xi32, #tpu.memory_space<vmem>>, vector<16xi32>,
        %get3A_426 = arith.constant 32 : index
        %get3A_427 = tpu.vector_load %arg7[%get3A_426] {strides = array<i32>} : memref<80xi32, #tpu.memory_space<vmem>>, vector<16xi32>,
        %get3A_428 = vector.shape_cast %get3A_427 : vector<16xi32> to vector<16xi32>
        %and3A_429 = arith.constant 16383 : i32
        %and3A_430 = vector.broadcast %and3A_429 : i32 to vector<16xi32>
        %and3A_431 = arith.andi %get3A_428, %and3A_430 : vector<16xi32>
        %swap3A_432 = arith.constant 32 : index
        %swap3A_433 = tpu.vector_load %arg11[%swap3A_432] {strides = array<i32>} : memref<80xi32, #tpu.memory_space<vmem>>, vector<16xi32>,
        %swap3A_434 = vector.shape_cast %swap3A_433 : vector<16xi32> to vector<16xi32>
        %swap3A_435 = vector.shape_cast %and3A_431 : vector<16xi32> to vector<16xi32>
        tpu.vector_store %arg11[%swap3A_432], %swap3A_435 {strides = array<i32>} : memref<80xi32, #tpu.memory_space<vmem>>, vector<16xi32>,
        %shift_right_arithmetic3A_436 = arith.constant 14 : i32
        %shift_right_arithmetic3A_437 = vector.broadcast %shift_right_arithmetic3A_436 : i32 to vector<16xi32>
        %shift_right_arithmetic3A_438 = arith.shrsi %get3A_428, %shift_right_arithmetic3A_437 : vector<16xi32>
        %swap3A_439 = arith.constant 32 : index
        %swap3A_440 = tpu.vector_load %arg15[%swap3A_439] {strides = array<i32>} : memref<80xi32, #tpu.memory_space<vmem>>, vector<16xi32>,
        %swap3A_441 = vector.shape_cast %swap3A_440 : vector<16xi32> to vector<16xi32>
        %swap3A_442 = vector.shape_cast %shift_right_arithmetic3A_438 : vector<16xi32> to vector<16xi32>
        tpu.vector_store %arg15[%swap3A_439], %swap3A_442 {strides = array<i32>} : memref<80xi32, #tpu.memory_space<vmem>>, vector<16xi32>,
        %get3A_443 = arith.constant 48 : index
        %get3A_444 = tpu.vector_load %arg7[%get3A_443] {strides = array<i32>} : memref<80xi32, #tpu.memory_space<vmem>>, vector<16xi32>,
        %get3A_445 = vector.shape_cast %get3A_444 : vector<16xi32> to vector<16xi32>
        %and3A_446 = arith.constant 16383 : i32
        %and3A_447 = vector.broadcast %and3A_446 : i32 to vector<16xi32>
        %and3A_448 = arith.andi %get3A_445, %and3A_447 : vector<16xi32>
        %swap3A_449 = arith.constant 48 : index
        %swap3A_450 = tpu.vector_load %arg11[%swap3A_449] {strides = array<i32>} : memref<80xi32, #tpu.memory_space<vmem>>, vector<16xi32>,
        %swap3A_451 = vector.shape_cast %swap3A_450 : vector<16xi32> to vector<16xi32>
        %swap3A_452 = vector.shape_cast %and3A_448 : vector<16xi32> to vector<16xi32>
        tpu.vector_store %arg11[%swap3A_449], %swap3A_452 {strides = array<i32>} : memref<80xi32, #tpu.memory_space<vmem>>, vector<16xi32>,
        %shift_right_arithmetic3A_453 = arith.constant 14 : i32
        %shift_right_arithmetic3A_454 = vector.broadcast %shift_right_arithmetic3A_453 : i32 to vector<16xi32>
        %shift_right_arithmetic3A_455 = arith.shrsi %get3A_445, %shift_right_arithmetic3A_454 : vector<16xi32>
        %swap3A_456 = arith.constant 48 : index
        %swap3A_457 = tpu.vector_load %arg15[%swap3A_456] {strides = array<i32>} : memref<80xi32, #tpu.memory_space<vmem>>, vector<16xi32>,
        %swap3A_458 = vector.shape_cast %swap3A_457 : vector<16xi32> to vector<16xi32>
        %swap3A_459 = vector.shape_cast %shift_right_arithmetic3A_455 : vector<16xi32> to vector<16xi32>
        tpu.vector_store %arg15[%swap3A_456], %swap3A_459 {strides = array<i32>} : memref<80xi32, #tpu.memory_space<vmem>>, vector<16xi32>,
        %get3A_460 = arith.constant 64 : index
        %get3A_461 = tpu.vector_load %arg7[%get3A_460] {strides = array<i32>} : memref<80xi32, #tpu.memory_space<vmem>>, vector<16xi32>,
        %get3A_462 = vector.shape_cast %get3A_461 : vector<16xi32> to vector<16xi32>
        %and3A_463 = arith.constant 16383 : i32
        %and3A_464 = vector.broadcast %and3A_463 : i32 to vector<16xi32>
        %and3A_465 = arith.andi %get3A_462, %and3A_464 : vector<16xi32>
        %swap3A_466 = arith.constant 64 : index
        %swap3A_467 = tpu.vector_load %arg11[%swap3A_466] {strides = array<i32>} : memref<80xi32, #tpu.memory_space<vmem>>, vector<16xi32>,
        %swap3A_468 = vector.shape_cast %swap3A_467 : vector<16xi32> to vector<16xi32>
        %swap3A_469 = vector.shape_cast %and3A_465 : vector<16xi32> to vector<16xi32>
        tpu.vector_store %arg11[%swap3A_466], %swap3A_469 {strides = array<i32>} : memref<80xi32, #tpu.memory_space<vmem>>, vector<16xi32>,
        %shift_right_arithmetic3A_470 = arith.constant 14 : i32
        %shift_right_arithmetic3A_471 = vector.broadcast %shift_right_arithmetic3A_470 : i32 to vector<16xi32>
        %shift_right_arithmetic3A_472 = arith.shrsi %get3A_462, %shift_right_arithmetic3A_471 : vector<16xi32>
        %swap3A_473 = arith.constant 64 : index
        %swap3A_474 = tpu.vector_load %arg15[%swap3A_473] {strides = array<i32>} : memref<80xi32, #tpu.memory_space<vmem>>, vector<16xi32>,
        %swap3A_475 = vector.shape_cast %swap3A_474 : vector<16xi32> to vector<16xi32>
        %swap3A_476 = vector.shape_cast %shift_right_arithmetic3A_472 : vector<16xi32> to vector<16xi32>
        tpu.vector_store %arg15[%swap3A_473], %swap3A_476 {strides = array<i32>} : memref<80xi32, #tpu.memory_space<vmem>>, vector<16xi32>,
        %dma_start3A_477 = arith.constant 0 : i32
        %dma_start3A_478 = arith.constant 0 : i32
        %dma_start3A_479 = tpu.memref_slice %arg2[%dma_start3A_477, %dma_start3A_478] : memref<10000x128xf32, #tpu.memory_space<hbm>> -> memref<10000x128xf32, #tpu.memory_space<hbm>>
        tpu.enqueue_indirect_dma source(%dma_start3A_479 : memref<10000x128xf32, #tpu.memory_space<hbm>>) target(%arg19 : memref<80x128xf32, #tpu.memory_space<vmem>>) offsets(%arg11 : memref<80xi32, #tpu.memory_space<vmem>>) semaphore(%arg27 : memref<!tpu.dma_semaphore, #tpu.memory_space<semaphore_mem>>)
      } else {
      }
      %add3A_340 = arith.constant 4 : i32
      %add3A_341 = arith.addi %add3A_327, %add3A_340 : i32
      %lt3A_342 = arith.constant 125 : i32
      %lt3A_343 = arith.cmpi slt, %add3A_341, %lt3A_342 : i32
      %convert_element_type3A_344 = arith.extui %lt3A_343 : i1 to i32
      %cond3A_345 = arith.constant 0 : i32
      %cond3A_346 = arith.cmpi ne, %convert_element_type3A_344, %cond3A_345 : i32
      scf.if %cond3A_346 {
        %add3A_382 = arith.constant 4 : i32
        %add3A_383 = arith.addi %add3A_327, %add3A_382 : i32
        %mul3A_384 = arith.constant 10000 : i32
        %mul3A_385 = arith.muli %add3A, %mul3A_384 : i32
        %mul3A_386 = arith.constant 80 : i32
        %mul3A_387 = arith.muli %add3A_383, %mul3A_386 : i32
        %add3A_388 = arith.addi %mul3A_385, %mul3A_387 : i32
        %multiple_of3A_389 = tpu.assume_multiple %add3A_388, 8 : i32
        %dma_start3A_390 = tpu.memref_slice %arg3[%multiple_of3A_389] : memref<320000xi32, #tpu.memory_space<hbm>> -> memref<80xi32, #tpu.memory_space<hbm>>
        %dma_start3A_391 = tpu.memref_slice %arg3[%multiple_of3A_389] : memref<320000xi32, #tpu.memory_space<hbm>> -> memref<80xi32, #tpu.memory_space<hbm>>
        tpu.enqueue_dma source(%dma_start3A_391 : memref<80xi32, #tpu.memory_space<hbm>>) target(%arg9 : memref<80xi32, #tpu.memory_space<vmem>>) target_semaphore(%arg25 : memref<!tpu.dma_semaphore, #tpu.memory_space<semaphore_mem>>)
      } else {
      }
      %dma_wait3A_347 = arith.constant 0 : i32
      %dma_wait3A_348 = arith.constant 0 : i32
      %dma_wait3A_349 = tpu.memref_slice %arg2[%dma_wait3A_347, %dma_wait3A_348] : memref<10000x128xf32, #tpu.memory_space<hbm>> -> memref<10000x128xf32, #tpu.memory_space<hbm>>
      tpu.wait_indirect_dma semaphore(%arg29 : memref<!tpu.dma_semaphore, #tpu.memory_space<semaphore_mem>>) src(%dma_wait3A_349 : memref<10000x128xf32, #tpu.memory_space<hbm>>) dst(%arg21 : memref<80x128xf32, #tpu.memory_space<vmem>>)
      %dma_start3A_350 = arith.constant 0 : i32
      %dma_start3A_351 = arith.constant 0 : i32
      %dma_start3A_352 = tpu.memref_slice %arg6[%dma_start3A_350, %dma_start3A_351] : memref<10000x128xf32, #tpu.memory_space<vmem_shared>> -> memref<10000x128xf32, #tpu.memory_space<vmem_shared>>
      tpu.enqueue_indirect_dma source(%arg21 : memref<80x128xf32, #tpu.memory_space<vmem>>) target(%dma_start3A_352 : memref<10000x128xf32, #tpu.memory_space<vmem_shared>>) offsets(%arg17 : memref<80xi32, #tpu.memory_space<vmem>>) semaphore(%arg33 : memref<!tpu.dma_semaphore, #tpu.memory_space<semaphore_mem>>) {add = true}
      %mul3A_353 = arith.constant 4 : i32
      %mul3A_354 = arith.muli %mul3A_353, %scan3A_267 : i32
      %add3A_355 = arith.constant 3 : i32
      %add3A_356 = arith.addi %mul3A_354, %add3A_355 : i32
      %ge3A_357 = arith.constant 2 : i32
      %ge3A_358 = arith.cmpi sge, %add3A_356, %ge3A_357 : i32
      %convert_element_type3A_359 = arith.extui %ge3A_358 : i1 to i32
      %cond3A_360 = arith.constant 0 : i32
      %cond3A_361 = arith.cmpi ne, %convert_element_type3A_359, %cond3A_360 : i32
      scf.if %cond3A_361 {
        %dma_wait3A_382 = arith.constant 0 : i32
        %dma_wait3A_383 = arith.constant 0 : i32
        %dma_wait3A_384 = tpu.memref_slice %arg6[%dma_wait3A_382, %dma_wait3A_383] : memref<10000x128xf32, #tpu.memory_space<vmem_shared>> -> memref<80x128xf32, #tpu.memory_space<vmem_shared>>
        %dma_wait3A_385 = arith.constant 0 : i32
        %dma_wait3A_386 = arith.constant 0 : i32
        %dma_wait3A_387 = tpu.memref_slice %arg6[%dma_wait3A_385, %dma_wait3A_386] : memref<10000x128xf32, #tpu.memory_space<vmem_shared>> -> memref<80x128xf32, #tpu.memory_space<vmem_shared>>
        tpu.wait_dma2 semaphore(%arg32 : memref<!tpu.dma_semaphore, #tpu.memory_space<semaphore_mem>>) src(%arg20 : memref<80x128xf32, #tpu.memory_space<vmem>>) dst(%dma_wait3A_387 : memref<80x128xf32, #tpu.memory_space<vmem_shared>>)
      } else {
      }
      %add3A_362 = arith.constant 2 : i32
      %add3A_363 = arith.addi %add3A_356, %add3A_362 : i32
      %lt3A_364 = arith.constant 125 : i32
      %lt3A_365 = arith.cmpi slt, %add3A_363, %lt3A_364 : i32
      %convert_element_type3A_366 = arith.extui %lt3A_365 : i1 to i32
      %cond3A_367 = arith.constant 0 : i32
      %cond3A_368 = arith.cmpi ne, %convert_element_type3A_366, %cond3A_367 : i32
      scf.if %cond3A_368 {
        %add3A_382 = arith.constant 2 : i32
        %add3A_383 = arith.addi %add3A_356, %add3A_382 : i32
        %mul3A_384 = arith.constant 10000 : i32
        %mul3A_385 = arith.muli %add3A, %mul3A_384 : i32
        %mul3A_386 = arith.constant 80 : i32
        %mul3A_387 = arith.muli %add3A_383, %mul3A_386 : i32
        %add3A_388 = arith.addi %mul3A_385, %mul3A_387 : i32
        %multiple_of3A_389 = tpu.assume_multiple %add3A_388, 8 : i32
        %dma_wait3A_390 = tpu.memref_slice %arg3[%multiple_of3A_389] : memref<320000xi32, #tpu.memory_space<hbm>> -> memref<80xi32, #tpu.memory_space<hbm>>
        %dma_wait3A_391 = tpu.memref_slice %arg3[%multiple_of3A_389] : memref<320000xi32, #tpu.memory_space<hbm>> -> memref<80xi32, #tpu.memory_space<hbm>>
        tpu.wait_dma2 semaphore(%arg24 : memref<!tpu.dma_semaphore, #tpu.memory_space<semaphore_mem>>) src(%dma_wait3A_391 : memref<80xi32, #tpu.memory_space<hbm>>) dst(%arg8 : memref<80xi32, #tpu.memory_space<vmem>>)
        %get3A_392 = arith.constant 0 : index
        %get3A_393 = tpu.vector_load %arg8[%get3A_392] {strides = array<i32>} : memref<80xi32, #tpu.memory_space<vmem>>, vector<16xi32>,
        %get3A_394 = vector.shape_cast %get3A_393 : vector<16xi32> to vector<16xi32>
        %and3A_395 = arith.constant 16383 : i32
        %and3A_396 = vector.broadcast %and3A_395 : i32 to vector<16xi32>
        %and3A_397 = arith.andi %get3A_394, %and3A_396 : vector<16xi32>
        %swap3A_398 = arith.constant 0 : index
        %swap3A_399 = tpu.vector_load %arg12[%swap3A_398] {strides = array<i32>} : memref<80xi32, #tpu.memory_space<vmem>>, vector<16xi32>,
        %swap3A_400 = vector.shape_cast %swap3A_399 : vector<16xi32> to vector<16xi32>
        %swap3A_401 = vector.shape_cast %and3A_397 : vector<16xi32> to vector<16xi32>
        tpu.vector_store %arg12[%swap3A_398], %swap3A_401 {strides = array<i32>} : memref<80xi32, #tpu.memory_space<vmem>>, vector<16xi32>,
        %shift_right_arithmetic3A_402 = arith.constant 14 : i32
        %shift_right_arithmetic3A_403 = vector.broadcast %shift_right_arithmetic3A_402 : i32 to vector<16xi32>
        %shift_right_arithmetic3A_404 = arith.shrsi %get3A_394, %shift_right_arithmetic3A_403 : vector<16xi32>
        %swap3A_405 = arith.constant 0 : index
        %swap3A_406 = tpu.vector_load %arg16[%swap3A_405] {strides = array<i32>} : memref<80xi32, #tpu.memory_space<vmem>>, vector<16xi32>,
        %swap3A_407 = vector.shape_cast %swap3A_406 : vector<16xi32> to vector<16xi32>
        %swap3A_408 = vector.shape_cast %shift_right_arithmetic3A_404 : vector<16xi32> to vector<16xi32>
        tpu.vector_store %arg16[%swap3A_405], %swap3A_408 {strides = array<i32>} : memref<80xi32, #tpu.memory_space<vmem>>, vector<16xi32>,
        %get3A_409 = arith.constant 16 : index
        %get3A_410 = tpu.vector_load %arg8[%get3A_409] {strides = array<i32>} : memref<80xi32, #tpu.memory_space<vmem>>, vector<16xi32>,
        %get3A_411 = vector.shape_cast %get3A_410 : vector<16xi32> to vector<16xi32>
        %and3A_412 = arith.constant 16383 : i32
        %and3A_413 = vector.broadcast %and3A_412 : i32 to vector<16xi32>
        %and3A_414 = arith.andi %get3A_411, %and3A_413 : vector<16xi32>
        %swap3A_415 = arith.constant 16 : index
        %swap3A_416 = tpu.vector_load %arg12[%swap3A_415] {strides = array<i32>} : memref<80xi32, #tpu.memory_space<vmem>>, vector<16xi32>,
        %swap3A_417 = vector.shape_cast %swap3A_416 : vector<16xi32> to vector<16xi32>
        %swap3A_418 = vector.shape_cast %and3A_414 : vector<16xi32> to vector<16xi32>
        tpu.vector_store %arg12[%swap3A_415], %swap3A_418 {strides = array<i32>} : memref<80xi32, #tpu.memory_space<vmem>>, vector<16xi32>,
        %shift_right_arithmetic3A_419 = arith.constant 14 : i32
        %shift_right_arithmetic3A_420 = vector.broadcast %shift_right_arithmetic3A_419 : i32 to vector<16xi32>
        %shift_right_arithmetic3A_421 = arith.shrsi %get3A_411, %shift_right_arithmetic3A_420 : vector<16xi32>
        %swap3A_422 = arith.constant 16 : index
        %swap3A_423 = tpu.vector_load %arg16[%swap3A_422] {strides = array<i32>} : memref<80xi32, #tpu.memory_space<vmem>>, vector<16xi32>,
        %swap3A_424 = vector.shape_cast %swap3A_423 : vector<16xi32> to vector<16xi32>
        %swap3A_425 = vector.shape_cast %shift_right_arithmetic3A_421 : vector<16xi32> to vector<16xi32>
        tpu.vector_store %arg16[%swap3A_422], %swap3A_425 {strides = array<i32>} : memref<80xi32, #tpu.memory_space<vmem>>, vector<16xi32>,
        %get3A_426 = arith.constant 32 : index
        %get3A_427 = tpu.vector_load %arg8[%get3A_426] {strides = array<i32>} : memref<80xi32, #tpu.memory_space<vmem>>, vector<16xi32>,
        %get3A_428 = vector.shape_cast %get3A_427 : vector<16xi32> to vector<16xi32>
        %and3A_429 = arith.constant 16383 : i32
        %and3A_430 = vector.broadcast %and3A_429 : i32 to vector<16xi32>
        %and3A_431 = arith.andi %get3A_428, %and3A_430 : vector<16xi32>
        %swap3A_432 = arith.constant 32 : index
        %swap3A_433 = tpu.vector_load %arg12[%swap3A_432] {strides = array<i32>} : memref<80xi32, #tpu.memory_space<vmem>>, vector<16xi32>,
        %swap3A_434 = vector.shape_cast %swap3A_433 : vector<16xi32> to vector<16xi32>
        %swap3A_435 = vector.shape_cast %and3A_431 : vector<16xi32> to vector<16xi32>
        tpu.vector_store %arg12[%swap3A_432], %swap3A_435 {strides = array<i32>} : memref<80xi32, #tpu.memory_space<vmem>>, vector<16xi32>,
        %shift_right_arithmetic3A_436 = arith.constant 14 : i32
        %shift_right_arithmetic3A_437 = vector.broadcast %shift_right_arithmetic3A_436 : i32 to vector<16xi32>
        %shift_right_arithmetic3A_438 = arith.shrsi %get3A_428, %shift_right_arithmetic3A_437 : vector<16xi32>
        %swap3A_439 = arith.constant 32 : index
        %swap3A_440 = tpu.vector_load %arg16[%swap3A_439] {strides = array<i32>} : memref<80xi32, #tpu.memory_space<vmem>>, vector<16xi32>,
        %swap3A_441 = vector.shape_cast %swap3A_440 : vector<16xi32> to vector<16xi32>
        %swap3A_442 = vector.shape_cast %shift_right_arithmetic3A_438 : vector<16xi32> to vector<16xi32>
        tpu.vector_store %arg16[%swap3A_439], %swap3A_442 {strides = array<i32>} : memref<80xi32, #tpu.memory_space<vmem>>, vector<16xi32>,
        %get3A_443 = arith.constant 48 : index
        %get3A_444 = tpu.vector_load %arg8[%get3A_443] {strides = array<i32>} : memref<80xi32, #tpu.memory_space<vmem>>, vector<16xi32>,
        %get3A_445 = vector.shape_cast %get3A_444 : vector<16xi32> to vector<16xi32>
        %and3A_446 = arith.constant 16383 : i32
        %and3A_447 = vector.broadcast %and3A_446 : i32 to vector<16xi32>
        %and3A_448 = arith.andi %get3A_445, %and3A_447 : vector<16xi32>
        %swap3A_449 = arith.constant 48 : index
        %swap3A_450 = tpu.vector_load %arg12[%swap3A_449] {strides = array<i32>} : memref<80xi32, #tpu.memory_space<vmem>>, vector<16xi32>,
        %swap3A_451 = vector.shape_cast %swap3A_450 : vector<16xi32> to vector<16xi32>
        %swap3A_452 = vector.shape_cast %and3A_448 : vector<16xi32> to vector<16xi32>
        tpu.vector_store %arg12[%swap3A_449], %swap3A_452 {strides = array<i32>} : memref<80xi32, #tpu.memory_space<vmem>>, vector<16xi32>,
        %shift_right_arithmetic3A_453 = arith.constant 14 : i32
        %shift_right_arithmetic3A_454 = vector.broadcast %shift_right_arithmetic3A_453 : i32 to vector<16xi32>
        %shift_right_arithmetic3A_455 = arith.shrsi %get3A_445, %shift_right_arithmetic3A_454 : vector<16xi32>
        %swap3A_456 = arith.constant 48 : index
        %swap3A_457 = tpu.vector_load %arg16[%swap3A_456] {strides = array<i32>} : memref<80xi32, #tpu.memory_space<vmem>>, vector<16xi32>,
        %swap3A_458 = vector.shape_cast %swap3A_457 : vector<16xi32> to vector<16xi32>
        %swap3A_459 = vector.shape_cast %shift_right_arithmetic3A_455 : vector<16xi32> to vector<16xi32>
        tpu.vector_store %arg16[%swap3A_456], %swap3A_459 {strides = array<i32>} : memref<80xi32, #tpu.memory_space<vmem>>, vector<16xi32>,
        %get3A_460 = arith.constant 64 : index
        %get3A_461 = tpu.vector_load %arg8[%get3A_460] {strides = array<i32>} : memref<80xi32, #tpu.memory_space<vmem>>, vector<16xi32>,
        %get3A_462 = vector.shape_cast %get3A_461 : vector<16xi32> to vector<16xi32>
        %and3A_463 = arith.constant 16383 : i32
        %and3A_464 = vector.broadcast %and3A_463 : i32 to vector<16xi32>
        %and3A_465 = arith.andi %get3A_462, %and3A_464 : vector<16xi32>
        %swap3A_466 = arith.constant 64 : index
        %swap3A_467 = tpu.vector_load %arg12[%swap3A_466] {strides = array<i32>} : memref<80xi32, #tpu.memory_space<vmem>>, vector<16xi32>,
        %swap3A_468 = vector.shape_cast %swap3A_467 : vector<16xi32> to vector<16xi32>
        %swap3A_469 = vector.shape_cast %and3A_465 : vector<16xi32> to vector<16xi32>
        tpu.vector_store %arg12[%swap3A_466], %swap3A_469 {strides = array<i32>} : memref<80xi32, #tpu.memory_space<vmem>>, vector<16xi32>,
        %shift_right_arithmetic3A_470 = arith.constant 14 : i32
        %shift_right_arithmetic3A_471 = vector.broadcast %shift_right_arithmetic3A_470 : i32 to vector<16xi32>
        %shift_right_arithmetic3A_472 = arith.shrsi %get3A_462, %shift_right_arithmetic3A_471 : vector<16xi32>
        %swap3A_473 = arith.constant 64 : index
        %swap3A_474 = tpu.vector_load %arg16[%swap3A_473] {strides = array<i32>} : memref<80xi32, #tpu.memory_space<vmem>>, vector<16xi32>,
        %swap3A_475 = vector.shape_cast %swap3A_474 : vector<16xi32> to vector<16xi32>
        %swap3A_476 = vector.shape_cast %shift_right_arithmetic3A_472 : vector<16xi32> to vector<16xi32>
        tpu.vector_store %arg16[%swap3A_473], %swap3A_476 {strides = array<i32>} : memref<80xi32, #tpu.memory_space<vmem>>, vector<16xi32>,
        %dma_start3A_477 = arith.constant 0 : i32
        %dma_start3A_478 = arith.constant 0 : i32
        %dma_start3A_479 = tpu.memref_slice %arg2[%dma_start3A_477, %dma_start3A_478] : memref<10000x128xf32, #tpu.memory_space<hbm>> -> memref<10000x128xf32, #tpu.memory_space<hbm>>
        tpu.enqueue_indirect_dma source(%dma_start3A_479 : memref<10000x128xf32, #tpu.memory_space<hbm>>) target(%arg20 : memref<80x128xf32, #tpu.memory_space<vmem>>) offsets(%arg12 : memref<80xi32, #tpu.memory_space<vmem>>) semaphore(%arg28 : memref<!tpu.dma_semaphore, #tpu.memory_space<semaphore_mem>>)
      } else {
      }
      %add3A_369 = arith.constant 4 : i32
      %add3A_370 = arith.addi %add3A_356, %add3A_369 : i32
      %lt3A_371 = arith.constant 125 : i32
      %lt3A_372 = arith.cmpi slt, %add3A_370, %lt3A_371 : i32
      %convert_element_type3A_373 = arith.extui %lt3A_372 : i1 to i32
      %cond3A_374 = arith.constant 0 : i32
      %cond3A_375 = arith.cmpi ne, %convert_element_type3A_373, %cond3A_374 : i32
      scf.if %cond3A_375 {
        %add3A_382 = arith.constant 4 : i32
        %add3A_383 = arith.addi %add3A_356, %add3A_382 : i32
        %mul3A_384 = arith.constant 10000 : i32
        %mul3A_385 = arith.muli %add3A, %mul3A_384 : i32
        %mul3A_386 = arith.constant 80 : i32
        %mul3A_387 = arith.muli %add3A_383, %mul3A_386 : i32
        %add3A_388 = arith.addi %mul3A_385, %mul3A_387 : i32
        %multiple_of3A_389 = tpu.assume_multiple %add3A_388, 8 : i32
        %dma_start3A_390 = tpu.memref_slice %arg3[%multiple_of3A_389] : memref<320000xi32, #tpu.memory_space<hbm>> -> memref<80xi32, #tpu.memory_space<hbm>>
        %dma_start3A_391 = tpu.memref_slice %arg3[%multiple_of3A_389] : memref<320000xi32, #tpu.memory_space<hbm>> -> memref<80xi32, #tpu.memory_space<hbm>>
        tpu.enqueue_dma source(%dma_start3A_391 : memref<80xi32, #tpu.memory_space<hbm>>) target(%arg10 : memref<80xi32, #tpu.memory_space<vmem>>) target_semaphore(%arg26 : memref<!tpu.dma_semaphore, #tpu.memory_space<semaphore_mem>>)
      } else {
      }
      %dma_wait3A_376 = arith.constant 0 : i32
      %dma_wait3A_377 = arith.constant 0 : i32
      %dma_wait3A_378 = tpu.memref_slice %arg2[%dma_wait3A_376, %dma_wait3A_377] : memref<10000x128xf32, #tpu.memory_space<hbm>> -> memref<10000x128xf32, #tpu.memory_space<hbm>>
      tpu.wait_indirect_dma semaphore(%arg30 : memref<!tpu.dma_semaphore, #tpu.memory_space<semaphore_mem>>) src(%dma_wait3A_378 : memref<10000x128xf32, #tpu.memory_space<hbm>>) dst(%arg22 : memref<80x128xf32, #tpu.memory_space<vmem>>)
      %dma_start3A_379 = arith.constant 0 : i32
      %dma_start3A_380 = arith.constant 0 : i32
      %dma_start3A_381 = tpu.memref_slice %arg6[%dma_start3A_379, %dma_start3A_380] : memref<10000x128xf32, #tpu.memory_space<vmem_shared>> -> memref<10000x128xf32, #tpu.memory_space<vmem_shared>>
      tpu.enqueue_indirect_dma source(%arg22 : memref<80x128xf32, #tpu.memory_space<vmem>>) target(%dma_start3A_381 : memref<10000x128xf32, #tpu.memory_space<vmem_shared>>) offsets(%arg18 : memref<80xi32, #tpu.memory_space<vmem>>) semaphore(%arg34 : memref<!tpu.dma_semaphore, #tpu.memory_space<semaphore_mem>>) {add = true}
    }
    %scan3A_220 = arith.constant 31 : i32
    %ge3A = arith.constant 124 : i32
    %ge3A_221 = arith.constant 2 : i32
    %ge3A_222 = arith.cmpi sge, %ge3A, %ge3A_221 : i32
    %convert_element_type3A_223 = arith.extui %ge3A_222 : i1 to i32
    %cond3A_224 = arith.constant 0 : i32
    %cond3A_225 = arith.cmpi ne, %convert_element_type3A_223, %cond3A_224 : i32
    scf.if %cond3A_225 {
      %dma_wait3A_267 = arith.constant 0 : i32
      %dma_wait3A_268 = arith.constant 0 : i32
      %dma_wait3A_269 = tpu.memref_slice %arg6[%dma_wait3A_267, %dma_wait3A_268] : memref<10000x128xf32, #tpu.memory_space<vmem_shared>> -> memref<80x128xf32, #tpu.memory_space<vmem_shared>>
      %dma_wait3A_270 = arith.constant 0 : i32
      %dma_wait3A_271 = arith.constant 0 : i32
      %dma_wait3A_272 = tpu.memref_slice %arg6[%dma_wait3A_270, %dma_wait3A_271] : memref<10000x128xf32, #tpu.memory_space<vmem_shared>> -> memref<80x128xf32, #tpu.memory_space<vmem_shared>>
      tpu.wait_dma2 semaphore(%arg33 : memref<!tpu.dma_semaphore, #tpu.memory_space<semaphore_mem>>) src(%arg21 : memref<80x128xf32, #tpu.memory_space<vmem>>) dst(%dma_wait3A_272 : memref<80x128xf32, #tpu.memory_space<vmem_shared>>)
    } else {
    }
    %add3A_226 = arith.constant 124 : i32
    %add3A_227 = arith.constant 2 : i32
    %add3A_228 = arith.addi %add3A_226, %add3A_227 : i32
    %lt3A = arith.constant 125 : i32
    %lt3A_229 = arith.cmpi slt, %add3A_228, %lt3A : i32
    %convert_element_type3A_230 = arith.extui %lt3A_229 : i1 to i32
    %cond3A_231 = arith.constant 124 : i32
    %cond3A_232 = arith.constant 0 : i32
    %cond3A_233 = arith.cmpi ne, %convert_element_type3A_230, %cond3A_232 : i32
    scf.if %cond3A_233 {
      %add3A_267 = arith.constant 2 : i32
      %add3A_268 = arith.addi %cond3A_231, %add3A_267 : i32
      %mul3A_269 = arith.constant 10000 : i32
      %mul3A_270 = arith.muli %add3A, %mul3A_269 : i32
      %mul3A_271 = arith.constant 80 : i32
      %mul3A_272 = arith.muli %add3A_268, %mul3A_271 : i32
      %add3A_273 = arith.addi %mul3A_270, %mul3A_272 : i32
      %multiple_of3A_274 = tpu.assume_multiple %add3A_273, 8 : i32
      %dma_wait3A_275 = tpu.memref_slice %arg3[%multiple_of3A_274] : memref<320000xi32, #tpu.memory_space<hbm>> -> memref<80xi32, #tpu.memory_space<hbm>>
      %dma_wait3A_276 = tpu.memref_slice %arg3[%multiple_of3A_274] : memref<320000xi32, #tpu.memory_space<hbm>> -> memref<80xi32, #tpu.memory_space<hbm>>
      tpu.wait_dma2 semaphore(%arg25 : memref<!tpu.dma_semaphore, #tpu.memory_space<semaphore_mem>>) src(%dma_wait3A_276 : memref<80xi32, #tpu.memory_space<hbm>>) dst(%arg9 : memref<80xi32, #tpu.memory_space<vmem>>)
      %get3A_277 = arith.constant 0 : index
      %get3A_278 = tpu.vector_load %arg9[%get3A_277] {strides = array<i32>} : memref<80xi32, #tpu.memory_space<vmem>>, vector<16xi32>,
      %get3A_279 = vector.shape_cast %get3A_278 : vector<16xi32> to vector<16xi32>
      %and3A_280 = arith.constant 16383 : i32
      %and3A_281 = vector.broadcast %and3A_280 : i32 to vector<16xi32>
      %and3A_282 = arith.andi %get3A_279, %and3A_281 : vector<16xi32>
      %swap3A_283 = arith.constant 0 : index
      %swap3A_284 = tpu.vector_load %arg13[%swap3A_283] {strides = array<i32>} : memref<80xi32, #tpu.memory_space<vmem>>, vector<16xi32>,
      %swap3A_285 = vector.shape_cast %swap3A_284 : vector<16xi32> to vector<16xi32>
      %swap3A_286 = vector.shape_cast %and3A_282 : vector<16xi32> to vector<16xi32>
      tpu.vector_store %arg13[%swap3A_283], %swap3A_286 {strides = array<i32>} : memref<80xi32, #tpu.memory_space<vmem>>, vector<16xi32>,
      %shift_right_arithmetic3A_287 = arith.constant 14 : i32
      %shift_right_arithmetic3A_288 = vector.broadcast %shift_right_arithmetic3A_287 : i32 to vector<16xi32>
      %shift_right_arithmetic3A_289 = arith.shrsi %get3A_279, %shift_right_arithmetic3A_288 : vector<16xi32>
      %swap3A_290 = arith.constant 0 : index
      %swap3A_291 = tpu.vector_load %arg17[%swap3A_290] {strides = array<i32>} : memref<80xi32, #tpu.memory_space<vmem>>, vector<16xi32>,
      %swap3A_292 = vector.shape_cast %swap3A_291 : vector<16xi32> to vector<16xi32>
      %swap3A_293 = vector.shape_cast %shift_right_arithmetic3A_289 : vector<16xi32> to vector<16xi32>
      tpu.vector_store %arg17[%swap3A_290], %swap3A_293 {strides = array<i32>} : memref<80xi32, #tpu.memory_space<vmem>>, vector<16xi32>,
      %get3A_294 = arith.constant 16 : index
      %get3A_295 = tpu.vector_load %arg9[%get3A_294] {strides = array<i32>} : memref<80xi32, #tpu.memory_space<vmem>>, vector<16xi32>,
      %get3A_296 = vector.shape_cast %get3A_295 : vector<16xi32> to vector<16xi32>
      %and3A_297 = arith.constant 16383 : i32
      %and3A_298 = vector.broadcast %and3A_297 : i32 to vector<16xi32>
      %and3A_299 = arith.andi %get3A_296, %and3A_298 : vector<16xi32>
      %swap3A_300 = arith.constant 16 : index
      %swap3A_301 = tpu.vector_load %arg13[%swap3A_300] {strides = array<i32>} : memref<80xi32, #tpu.memory_space<vmem>>, vector<16xi32>,
      %swap3A_302 = vector.shape_cast %swap3A_301 : vector<16xi32> to vector<16xi32>
      %swap3A_303 = vector.shape_cast %and3A_299 : vector<16xi32> to vector<16xi32>
      tpu.vector_store %arg13[%swap3A_300], %swap3A_303 {strides = array<i32>} : memref<80xi32, #tpu.memory_space<vmem>>, vector<16xi32>,
      %shift_right_arithmetic3A_304 = arith.constant 14 : i32
      %shift_right_arithmetic3A_305 = vector.broadcast %shift_right_arithmetic3A_304 : i32 to vector<16xi32>
      %shift_right_arithmetic3A_306 = arith.shrsi %get3A_296, %shift_right_arithmetic3A_305 : vector<16xi32>
      %swap3A_307 = arith.constant 16 : index
      %swap3A_308 = tpu.vector_load %arg17[%swap3A_307] {strides = array<i32>} : memref<80xi32, #tpu.memory_space<vmem>>, vector<16xi32>,
      %swap3A_309 = vector.shape_cast %swap3A_308 : vector<16xi32> to vector<16xi32>
      %swap3A_310 = vector.shape_cast %shift_right_arithmetic3A_306 : vector<16xi32> to vector<16xi32>
      tpu.vector_store %arg17[%swap3A_307], %swap3A_310 {strides = array<i32>} : memref<80xi32, #tpu.memory_space<vmem>>, vector<16xi32>,
      %get3A_311 = arith.constant 32 : index
      %get3A_312 = tpu.vector_load %arg9[%get3A_311] {strides = array<i32>} : memref<80xi32, #tpu.memory_space<vmem>>, vector<16xi32>,
      %get3A_313 = vector.shape_cast %get3A_312 : vector<16xi32> to vector<16xi32>
      %and3A_314 = arith.constant 16383 : i32
      %and3A_315 = vector.broadcast %and3A_314 : i32 to vector<16xi32>
      %and3A_316 = arith.andi %get3A_313, %and3A_315 : vector<16xi32>
      %swap3A_317 = arith.constant 32 : index
      %swap3A_318 = tpu.vector_load %arg13[%swap3A_317] {strides = array<i32>} : memref<80xi32, #tpu.memory_space<vmem>>, vector<16xi32>,
      %swap3A_319 = vector.shape_cast %swap3A_318 : vector<16xi32> to vector<16xi32>
      %swap3A_320 = vector.shape_cast %and3A_316 : vector<16xi32> to vector<16xi32>
      tpu.vector_store %arg13[%swap3A_317], %swap3A_320 {strides = array<i32>} : memref<80xi32, #tpu.memory_space<vmem>>, vector<16xi32>,
      %shift_right_arithmetic3A_321 = arith.constant 14 : i32
      %shift_right_arithmetic3A_322 = vector.broadcast %shift_right_arithmetic3A_321 : i32 to vector<16xi32>
      %shift_right_arithmetic3A_323 = arith.shrsi %get3A_313, %shift_right_arithmetic3A_322 : vector<16xi32>
      %swap3A_324 = arith.constant 32 : index
      %swap3A_325 = tpu.vector_load %arg17[%swap3A_324] {strides = array<i32>} : memref<80xi32, #tpu.memory_space<vmem>>, vector<16xi32>,
      %swap3A_326 = vector.shape_cast %swap3A_325 : vector<16xi32> to vector<16xi32>
      %swap3A_327 = vector.shape_cast %shift_right_arithmetic3A_323 : vector<16xi32> to vector<16xi32>
      tpu.vector_store %arg17[%swap3A_324], %swap3A_327 {strides = array<i32>} : memref<80xi32, #tpu.memory_space<vmem>>, vector<16xi32>,
      %get3A_328 = arith.constant 48 : index
      %get3A_329 = tpu.vector_load %arg9[%get3A_328] {strides = array<i32>} : memref<80xi32, #tpu.memory_space<vmem>>, vector<16xi32>,
      %get3A_330 = vector.shape_cast %get3A_329 : vector<16xi32> to vector<16xi32>
      %and3A_331 = arith.constant 16383 : i32
      %and3A_332 = vector.broadcast %and3A_331 : i32 to vector<16xi32>
      %and3A_333 = arith.andi %get3A_330, %and3A_332 : vector<16xi32>
      %swap3A_334 = arith.constant 48 : index
      %swap3A_335 = tpu.vector_load %arg13[%swap3A_334] {strides = array<i32>} : memref<80xi32, #tpu.memory_space<vmem>>, vector<16xi32>,
      %swap3A_336 = vector.shape_cast %swap3A_335 : vector<16xi32> to vector<16xi32>
      %swap3A_337 = vector.shape_cast %and3A_333 : vector<16xi32> to vector<16xi32>
      tpu.vector_store %arg13[%swap3A_334], %swap3A_337 {strides = array<i32>} : memref<80xi32, #tpu.memory_space<vmem>>, vector<16xi32>,
      %shift_right_arithmetic3A_338 = arith.constant 14 : i32
      %shift_right_arithmetic3A_339 = vector.broadcast %shift_right_arithmetic3A_338 : i32 to vector<16xi32>
      %shift_right_arithmetic3A_340 = arith.shrsi %get3A_330, %shift_right_arithmetic3A_339 : vector<16xi32>
      %swap3A_341 = arith.constant 48 : index
      %swap3A_342 = tpu.vector_load %arg17[%swap3A_341] {strides = array<i32>} : memref<80xi32, #tpu.memory_space<vmem>>, vector<16xi32>,
      %swap3A_343 = vector.shape_cast %swap3A_342 : vector<16xi32> to vector<16xi32>
      %swap3A_344 = vector.shape_cast %shift_right_arithmetic3A_340 : vector<16xi32> to vector<16xi32>
      tpu.vector_store %arg17[%swap3A_341], %swap3A_344 {strides = array<i32>} : memref<80xi32, #tpu.memory_space<vmem>>, vector<16xi32>,
      %get3A_345 = arith.constant 64 : index
      %get3A_346 = tpu.vector_load %arg9[%get3A_345] {strides = array<i32>} : memref<80xi32, #tpu.memory_space<vmem>>, vector<16xi32>,
      %get3A_347 = vector.shape_cast %get3A_346 : vector<16xi32> to vector<16xi32>
      %and3A_348 = arith.constant 16383 : i32
      %and3A_349 = vector.broadcast %and3A_348 : i32 to vector<16xi32>
      %and3A_350 = arith.andi %get3A_347, %and3A_349 : vector<16xi32>
      %swap3A_351 = arith.constant 64 : index
      %swap3A_352 = tpu.vector_load %arg13[%swap3A_351] {strides = array<i32>} : memref<80xi32, #tpu.memory_space<vmem>>, vector<16xi32>,
      %swap3A_353 = vector.shape_cast %swap3A_352 : vector<16xi32> to vector<16xi32>
      %swap3A_354 = vector.shape_cast %and3A_350 : vector<16xi32> to vector<16xi32>
      tpu.vector_store %arg13[%swap3A_351], %swap3A_354 {strides = array<i32>} : memref<80xi32, #tpu.memory_space<vmem>>, vector<16xi32>,
      %shift_right_arithmetic3A_355 = arith.constant 14 : i32
      %shift_right_arithmetic3A_356 = vector.broadcast %shift_right_arithmetic3A_355 : i32 to vector<16xi32>
      %shift_right_arithmetic3A_357 = arith.shrsi %get3A_347, %shift_right_arithmetic3A_356 : vector<16xi32>
      %swap3A_358 = arith.constant 64 : index
      %swap3A_359 = tpu.vector_load %arg17[%swap3A_358] {strides = array<i32>} : memref<80xi32, #tpu.memory_space<vmem>>, vector<16xi32>,
      %swap3A_360 = vector.shape_cast %swap3A_359 : vector<16xi32> to vector<16xi32>
      %swap3A_361 = vector.shape_cast %shift_right_arithmetic3A_357 : vector<16xi32> to vector<16xi32>
      tpu.vector_store %arg17[%swap3A_358], %swap3A_361 {strides = array<i32>} : memref<80xi32, #tpu.memory_space<vmem>>, vector<16xi32>,
      %dma_start3A_362 = arith.constant 0 : i32
      %dma_start3A_363 = arith.constant 0 : i32
      %dma_start3A_364 = tpu.memref_slice %arg2[%dma_start3A_362, %dma_start3A_363] : memref<10000x128xf32, #tpu.memory_space<hbm>> -> memref<10000x128xf32, #tpu.memory_space<hbm>>
      tpu.enqueue_indirect_dma source(%dma_start3A_364 : memref<10000x128xf32, #tpu.memory_space<hbm>>) target(%arg21 : memref<80x128xf32, #tpu.memory_space<vmem>>) offsets(%arg13 : memref<80xi32, #tpu.memory_space<vmem>>) semaphore(%arg29 : memref<!tpu.dma_semaphore, #tpu.memory_space<semaphore_mem>>)
    } else {
    }
    %add3A_234 = arith.constant 124 : i32
    %add3A_235 = arith.constant 4 : i32
    %add3A_236 = arith.addi %add3A_234, %add3A_235 : i32
    %lt3A_237 = arith.constant 125 : i32
    %lt3A_238 = arith.cmpi slt, %add3A_236, %lt3A_237 : i32
    %convert_element_type3A_239 = arith.extui %lt3A_238 : i1 to i32
    %cond3A_240 = arith.constant 124 : i32
    %cond3A_241 = arith.constant 0 : i32
    %cond3A_242 = arith.cmpi ne, %convert_element_type3A_239, %cond3A_241 : i32
    scf.if %cond3A_242 {
      %add3A_267 = arith.constant 4 : i32
      %add3A_268 = arith.addi %cond3A_240, %add3A_267 : i32
      %mul3A_269 = arith.constant 10000 : i32
      %mul3A_270 = arith.muli %add3A, %mul3A_269 : i32
      %mul3A_271 = arith.constant 80 : i32
      %mul3A_272 = arith.muli %add3A_268, %mul3A_271 : i32
      %add3A_273 = arith.addi %mul3A_270, %mul3A_272 : i32
      %multiple_of3A_274 = tpu.assume_multiple %add3A_273, 8 : i32
      %dma_start3A_275 = tpu.memref_slice %arg3[%multiple_of3A_274] : memref<320000xi32, #tpu.memory_space<hbm>> -> memref<80xi32, #tpu.memory_space<hbm>>
      %dma_start3A_276 = tpu.memref_slice %arg3[%multiple_of3A_274] : memref<320000xi32, #tpu.memory_space<hbm>> -> memref<80xi32, #tpu.memory_space<hbm>>
      tpu.enqueue_dma source(%dma_start3A_276 : memref<80xi32, #tpu.memory_space<hbm>>) target(%arg7 : memref<80xi32, #tpu.memory_space<vmem>>) target_semaphore(%arg23 : memref<!tpu.dma_semaphore, #tpu.memory_space<semaphore_mem>>)
    } else {
    }
    %dma_wait3A_243 = arith.constant 0 : i32
    %dma_wait3A_244 = arith.constant 0 : i32
    %dma_wait3A_245 = tpu.memref_slice %arg2[%dma_wait3A_243, %dma_wait3A_244] : memref<10000x128xf32, #tpu.memory_space<hbm>> -> memref<10000x128xf32, #tpu.memory_space<hbm>>
    tpu.wait_indirect_dma semaphore(%arg27 : memref<!tpu.dma_semaphore, #tpu.memory_space<semaphore_mem>>) src(%dma_wait3A_245 : memref<10000x128xf32, #tpu.memory_space<hbm>>) dst(%arg19 : memref<80x128xf32, #tpu.memory_space<vmem>>)
    %dma_start3A_246 = arith.constant 0 : i32
    %dma_start3A_247 = arith.constant 0 : i32
    %dma_start3A_248 = tpu.memref_slice %arg6[%dma_start3A_246, %dma_start3A_247] : memref<10000x128xf32, #tpu.memory_space<vmem_shared>> -> memref<10000x128xf32, #tpu.memory_space<vmem_shared>>
    tpu.enqueue_indirect_dma source(%arg19 : memref<80x128xf32, #tpu.memory_space<vmem>>) target(%dma_start3A_248 : memref<10000x128xf32, #tpu.memory_space<vmem_shared>>) offsets(%arg15 : memref<80xi32, #tpu.memory_space<vmem>>) semaphore(%arg31 : memref<!tpu.dma_semaphore, #tpu.memory_space<semaphore_mem>>) {add = true}
    %dma_wait3A_249 = arith.constant 0 : i32
    %dma_wait3A_250 = arith.constant 0 : i32
    %dma_wait3A_251 = tpu.memref_slice %arg6[%dma_wait3A_249, %dma_wait3A_250] : memref<10000x128xf32, #tpu.memory_space<vmem_shared>> -> memref<80x128xf32, #tpu.memory_space<vmem_shared>>
    %dma_wait3A_252 = arith.constant 0 : i32
    %dma_wait3A_253 = arith.constant 0 : i32
    %dma_wait3A_254 = tpu.memref_slice %arg6[%dma_wait3A_252, %dma_wait3A_253] : memref<10000x128xf32, #tpu.memory_space<vmem_shared>> -> memref<80x128xf32, #tpu.memory_space<vmem_shared>>
    tpu.wait_dma2 semaphore(%arg34 : memref<!tpu.dma_semaphore, #tpu.memory_space<semaphore_mem>>) src(%arg22 : memref<80x128xf32, #tpu.memory_space<vmem>>) dst(%dma_wait3A_254 : memref<80x128xf32, #tpu.memory_space<vmem_shared>>)
    %dma_wait3A_255 = arith.constant 0 : i32
    %dma_wait3A_256 = arith.constant 0 : i32
    %dma_wait3A_257 = tpu.memref_slice %arg6[%dma_wait3A_255, %dma_wait3A_256] : memref<10000x128xf32, #tpu.memory_space<vmem_shared>> -> memref<80x128xf32, #tpu.memory_space<vmem_shared>>
    %dma_wait3A_258 = arith.constant 0 : i32
    %dma_wait3A_259 = arith.constant 0 : i32
    %dma_wait3A_260 = tpu.memref_slice %arg6[%dma_wait3A_258, %dma_wait3A_259] : memref<10000x128xf32, #tpu.memory_space<vmem_shared>> -> memref<80x128xf32, #tpu.memory_space<vmem_shared>>
    tpu.wait_dma2 semaphore(%arg31 : memref<!tpu.dma_semaphore, #tpu.memory_space<semaphore_mem>>) src(%arg19 : memref<80x128xf32, #tpu.memory_space<vmem>>) dst(%dma_wait3A_260 : memref<80x128xf32, #tpu.memory_space<vmem_shared>>)
    %barrier3A_261 = arith.constant 0 : index
    tpu.barrier barrier_id(%barrier3A_261)
    "tpu.region"() ({
      %run_scoped3A = tpu.sem_alloc : memref<!tpu.dma_semaphore, #tpu.memory_space<semaphore_mem>>
      %dma_start3A_267 = arith.constant 0 : i32
      %dma_start3A_268 = tpu.memref_slice %arg5[%arg0, %mul3A_2, %dma_start3A_267] : memref<2x10000x128xf32, #tpu.memory_space<hbm>> -> memref<1x624x128xf32, #tpu.memory_space<hbm>>
      %dma_start3A_269 = tpu.memref_squeeze %dma_start3A_268 : memref<1x624x128xf32, #tpu.memory_space<hbm>> -> memref<624x128xf32, #tpu.memory_space<hbm>>
      %dma_start3A_270 = arith.constant 0 : i32
      %dma_start3A_271 = tpu.memref_slice %arg6[%mul3A_2, %dma_start3A_270] : memref<10000x128xf32, #tpu.memory_space<vmem_shared>> -> memref<624x128xf32, #tpu.memory_space<vmem_shared>>
      tpu.enqueue_dma source(%dma_start3A_271 : memref<624x128xf32, #tpu.memory_space<vmem_shared>>) target(%dma_start3A_269 : memref<624x128xf32, #tpu.memory_space<hbm>>) target_semaphore(%run_scoped3A : memref<!tpu.dma_semaphore, #tpu.memory_space<semaphore_mem>>)
      %dma_wait3A_272 = arith.constant 0 : i32
      %dma_wait3A_273 = tpu.memref_slice %arg5[%arg0, %mul3A_2, %dma_wait3A_272] : memref<2x10000x128xf32, #tpu.memory_space<hbm>> -> memref<1x624x128xf32, #tpu.memory_space<hbm>>
      %dma_wait3A_274 = tpu.memref_squeeze %dma_wait3A_273 : memref<1x624x128xf32, #tpu.memory_space<hbm>> -> memref<624x128xf32, #tpu.memory_space<hbm>>
      %dma_wait3A_275 = arith.constant 0 : i32
      %dma_wait3A_276 = tpu.memref_slice %arg6[%mul3A_2, %dma_wait3A_275] : memref<10000x128xf32, #tpu.memory_space<vmem_shared>> -> memref<624x128xf32, #tpu.memory_space<vmem_shared>>
      tpu.wait_dma2 semaphore(%run_scoped3A : memref<!tpu.dma_semaphore, #tpu.memory_space<semaphore_mem>>) src(%dma_wait3A_276 : memref<624x128xf32, #tpu.memory_space<vmem_shared>>) dst(%dma_wait3A_274 : memref<624x128xf32, #tpu.memory_space<hbm>>)
      tpu.yield
    }) : () -> ()
    %eq3A_262 = arith.constant 15 : i32
    %eq3A_263 = arith.cmpi eq, %arg1, %eq3A_262 : i32
    %convert_element_type3A_264 = arith.extui %eq3A_263 : i1 to i32
    %cond3A_265 = arith.constant 0 : i32
    %cond3A_266 = arith.cmpi ne, %convert_element_type3A_264, %cond3A_265 : i32
    scf.if %cond3A_266 {
      "tpu.region"() ({
        %run_scoped3A = tpu.sem_alloc : memref<!tpu.dma_semaphore, #tpu.memory_space<semaphore_mem>>
        %dma_start3A_267 = arith.constant 9984 : i32
        %dma_start3A_268 = arith.constant 0 : i32
        %dma_start3A_269 = tpu.memref_slice %arg5[%arg0, %dma_start3A_267, %dma_start3A_268] : memref<2x10000x128xf32, #tpu.memory_space<hbm>> -> memref<1x16x128xf32, #tpu.memory_space<hbm>>
        %dma_start3A_270 = tpu.memref_squeeze %dma_start3A_269 : memref<1x16x128xf32, #tpu.memory_space<hbm>> -> memref<16x128xf32, #tpu.memory_space<hbm>>
        %dma_start3A_271 = arith.constant 9984 : i32
        %dma_start3A_272 = arith.constant 0 : i32
        %dma_start3A_273 = tpu.memref_slice %arg6[%dma_start3A_271, %dma_start3A_272] : memref<10000x128xf32, #tpu.memory_space<vmem_shared>> -> memref<16x128xf32, #tpu.memory_space<vmem_shared>>
        tpu.enqueue_dma source(%dma_start3A_273 : memref<16x128xf32, #tpu.memory_space<vmem_shared>>) target(%dma_start3A_270 : memref<16x128xf32, #tpu.memory_space<hbm>>) target_semaphore(%run_scoped3A : memref<!tpu.dma_semaphore, #tpu.memory_space<semaphore_mem>>)
        %dma_wait3A_274 = arith.constant 9984 : i32
        %dma_wait3A_275 = arith.constant 0 : i32
        %dma_wait3A_276 = tpu.memref_slice %arg5[%arg0, %dma_wait3A_274, %dma_wait3A_275] : memref<2x10000x128xf32, #tpu.memory_space<hbm>> -> memref<1x16x128xf32, #tpu.memory_space<hbm>>
        %dma_wait3A_277 = tpu.memref_squeeze %dma_wait3A_276 : memref<1x16x128xf32, #tpu.memory_space<hbm>> -> memref<16x128xf32, #tpu.memory_space<hbm>>
        %dma_wait3A_278 = arith.constant 9984 : i32
        %dma_wait3A_279 = arith.constant 0 : i32
        %dma_wait3A_280 = tpu.memref_slice %arg6[%dma_wait3A_278, %dma_wait3A_279] : memref<10000x128xf32, #tpu.memory_space<vmem_shared>> -> memref<16x128xf32, #tpu.memory_space<vmem_shared>>
        tpu.wait_dma2 semaphore(%run_scoped3A : memref<!tpu.dma_semaphore, #tpu.memory_space<semaphore_mem>>) src(%dma_wait3A_280 : memref<16x128xf32, #tpu.memory_space<vmem_shared>>) dst(%dma_wait3A_277 : memref<16x128xf32, #tpu.memory_space<hbm>>)
        tpu.yield
      }) : () -> ()
    } else {
    }
    return
  }
}

#map = affine_map<(d0, d1) -> (0, 0)>
#map1 = affine_map<(d0, d1) -> (0)>
#map2 = affine_map<(d0, d1) -> (0, 0, 0)>
module attributes {stable_mosaic.version = 14 : i64} {
  func.func @body(%arg0: i32, %arg1: i32, %arg2: memref<10000x128xf32, #tpu.memory_space<hbm>>, %arg3: memref<320000xi32, #tpu.memory_space<hbm>>, %arg4: memref<10000x128xf32, #tpu.memory_space<hbm>>, %arg5: memref<2x10000x128xf32, #tpu.memory_space<hbm>>, %arg6: memref<10000x128xf32, #tpu.memory_space<vmem_shared>>, %arg7: memref<80xi32, #tpu.memory_space<vmem>>, %arg8: memref<80xi32, #tpu.memory_space<vmem>>, %arg9: memref<80xi32, #tpu.memory_space<vmem>>, %arg10: memref<80xi32, #tpu.memory_space<vmem>>, %arg11: memref<80xi32, #tpu.memory_space<vmem>>, %arg12: memref<80xi32, #tpu.memory_space<vmem>>, %arg13: memref<80xi32, #tpu.memory_space<vmem>>, %arg14: memref<80xi32, #tpu.memory_space<vmem>>, %arg15: memref<80xi32, #tpu.memory_space<vmem>>, %arg16: memref<80xi32, #tpu.memory_space<vmem>>, %arg17: memref<80xi32, #tpu.memory_space<vmem>>, %arg18: memref<80xi32, #tpu.memory_space<vmem>>, %arg19: memref<80x128xf32, #tpu.memory_space<vmem>>, %arg20: memref<80x128xf32, #tpu.memory_space<vmem>>, %arg21: memref<80x128xf32, #tpu.memory_space<vmem>>, %arg22: memref<80x128xf32, #tpu.memory_space<vmem>>, %arg23: memref<!tpu.dma_semaphore, #tpu.memory_space<semaphore_mem>>, %arg24: memref<!tpu.dma_semaphore, #tpu.memory_space<semaphore_mem>>, %arg25: memref<!tpu.dma_semaphore, #tpu.memory_space<semaphore_mem>>, %arg26: memref<!tpu.dma_semaphore, #tpu.memory_space<semaphore_mem>>, %arg27: memref<!tpu.dma_semaphore, #tpu.memory_space<semaphore_mem>>, %arg28: memref<!tpu.dma_semaphore, #tpu.memory_space<semaphore_mem>>, %arg29: memref<!tpu.dma_semaphore, #tpu.memory_space<semaphore_mem>>, %arg30: memref<!tpu.dma_semaphore, #tpu.memory_space<semaphore_mem>>, %arg31: memref<!tpu.dma_semaphore, #tpu.memory_space<semaphore_mem>>, %arg32: memref<!tpu.dma_semaphore, #tpu.memory_space<semaphore_mem>>, %arg33: memref<!tpu.dma_semaphore, #tpu.memory_space<semaphore_mem>>, %arg34: memref<!tpu.dma_semaphore, #tpu.memory_space<semaphore_mem>>) attributes {dimension_semantics = [#tpu.dimension_semantics<core_parallel>, #tpu.dimension_semantics<subcore_parallel>], iteration_bounds = array<i64: 2, 16>, scalar_prefetch = 0 : i64, scratch_operands = 29 : i64, tpu.core_type = #tpu.core_type<sc_vector_subcore>, window_params = [{transform_indices = #map}, {transform_indices = #map1}, {transform_indices = #map}, {transform_indices = #map2}]} {
    %mul3A = arith.constant 16 : i32
    %mul3A_0 = arith.muli %arg0, %mul3A : i32
    %add3A = arith.addi %mul3A_0, %arg1 : i32
    %mul3A_1 = arith.constant 624 : i32
    %mul3A_2 = arith.muli %arg1, %mul3A_1 : i32
    %mul3A_3 = arith.constant 10000 : i32
    %mul3A_4 = arith.muli %add3A, %mul3A_3 : i32
    %add3A_5 = arith.constant 0 : i32
    %add3A_6 = arith.addi %mul3A_4, %add3A_5 : i32
    %multiple_of3A = tpu.assume_multiple %add3A_6, 8 : i32
    %dma_start3A = tpu.memref_slice %arg3[%multiple_of3A] : memref<320000xi32, #tpu.memory_space<hbm>> -> memref<80xi32, #tpu.memory_space<hbm>>
    %dma_start3A_7 = tpu.memref_slice %arg3[%multiple_of3A] : memref<320000xi32, #tpu.memory_space<hbm>> -> memref<80xi32, #tpu.memory_space<hbm>>
    tpu.enqueue_dma source(%dma_start3A_7 : memref<80xi32, #tpu.memory_space<hbm>>) target(%arg7 : memref<80xi32, #tpu.memory_space<vmem>>) target_semaphore(%arg23 : memref<!tpu.dma_semaphore, #tpu.memory_space<semaphore_mem>>)
    %mul3A_8 = arith.constant 10000 : i32
    %mul3A_9 = arith.muli %add3A, %mul3A_8 : i32
    %add3A_10 = arith.constant 80 : i32
    %add3A_11 = arith.addi %mul3A_9, %add3A_10 : i32
    %multiple_of3A_12 = tpu.assume_multiple %add3A_11, 8 : i32
    %dma_start3A_13 = tpu.memref_slice %arg3[%multiple_of3A_12] : memref<320000xi32, #tpu.memory_space<hbm>> -> memref<80xi32, #tpu.memory_space<hbm>>
    %dma_start3A_14 = tpu.memref_slice %arg3[%multiple_of3A_12] : memref<320000xi32, #tpu.memory_space<hbm>> -> memref<80xi32, #tpu.memory_space<hbm>>
    tpu.enqueue_dma source(%dma_start3A_14 : memref<80xi32, #tpu.memory_space<hbm>>) target(%arg8 : memref<80xi32, #tpu.memory_space<vmem>>) target_semaphore(%arg24 : memref<!tpu.dma_semaphore, #tpu.memory_space<semaphore_mem>>)
    %mul3A_15 = arith.constant 10000 : i32
    %mul3A_16 = arith.muli %add3A, %mul3A_15 : i32
    %add3A_17 = arith.constant 160 : i32
    %add3A_18 = arith.addi %mul3A_16, %add3A_17 : i32
    %multiple_of3A_19 = tpu.assume_multiple %add3A_18, 8 : i32
    %dma_start3A_20 = tpu.memref_slice %arg3[%multiple_of3A_19] : memref<320000xi32, #tpu.memory_space<hbm>> -> memref<80xi32, #tpu.memory_space<hbm>>
    %dma_start3A_21 = tpu.memref_slice %arg3[%multiple_of3A_19] : memref<320000xi32, #tpu.memory_space<hbm>> -> memref<80xi32, #tpu.memory_space<hbm>>
    tpu.enqueue_dma source(%dma_start3A_21 : memref<80xi32, #tpu.memory_space<hbm>>) target(%arg9 : memref<80xi32, #tpu.memory_space<vmem>>) target_semaphore(%arg25 : memref<!tpu.dma_semaphore, #tpu.memory_space<semaphore_mem>>)
    %mul3A_22 = arith.constant 10000 : i32
    %mul3A_23 = arith.muli %add3A, %mul3A_22 : i32
    %add3A_24 = arith.constant 240 : i32
    %add3A_25 = arith.addi %mul3A_23, %add3A_24 : i32
    %multiple_of3A_26 = tpu.assume_multiple %add3A_25, 8 : i32
    %dma_start3A_27 = tpu.memref_slice %arg3[%multiple_of3A_26] : memref<320000xi32, #tpu.memory_space<hbm>> -> memref<80xi32, #tpu.memory_space<hbm>>
    %dma_start3A_28 = tpu.memref_slice %arg3[%multiple_of3A_26] : memref<320000xi32, #tpu.memory_space<hbm>> -> memref<80xi32, #tpu.memory_space<hbm>>
    tpu.enqueue_dma source(%dma_start3A_28 : memref<80xi32, #tpu.memory_space<hbm>>) target(%arg10 : memref<80xi32, #tpu.memory_space<vmem>>) target_semaphore(%arg26 : memref<!tpu.dma_semaphore, #tpu.memory_space<semaphore_mem>>)
    %mul3A_29 = arith.constant 10000 : i32
    %mul3A_30 = arith.muli %add3A, %mul3A_29 : i32
    %add3A_31 = arith.constant 0 : i32
    %add3A_32 = arith.addi %mul3A_30, %add3A_31 : i32
    %multiple_of3A_33 = tpu.assume_multiple %add3A_32, 8 : i32
    %dma_wait3A = tpu.memref_slice %arg3[%multiple_of3A_33] : memref<320000xi32, #tpu.memory_space<hbm>> -> memref<80xi32, #tpu.memory_space<hbm>>
    %dma_wait3A_34 = tpu.memref_slice %arg3[%multiple_of3A_33] : memref<320000xi32, #tpu.memory_space<hbm>> -> memref<80xi32, #tpu.memory_space<hbm>>
    tpu.wait_dma2 semaphore(%arg23 : memref<!tpu.dma_semaphore, #tpu.memory_space<semaphore_mem>>) src(%dma_wait3A_34 : memref<80xi32, #tpu.memory_space<hbm>>) dst(%arg7 : memref<80xi32, #tpu.memory_space<vmem>>)
    %get3A = arith.constant 0 : index
    %get3A_35 = tpu.vector_load %arg7[%get3A] {strides = array<i32>} : memref<80xi32, #tpu.memory_space<vmem>>, vector<16xi32>,
    %get3A_36 = vector.shape_cast %get3A_35 : vector<16xi32> to vector<16xi32>
    %and3A = arith.constant 16383 : i32
    %and3A_37 = vector.broadcast %and3A : i32 to vector<16xi32>
    %and3A_38 = arith.andi %get3A_36, %and3A_37 : vector<16xi32>
    %swap3A = arith.constant 0 : index
    %swap3A_39 = tpu.vector_load %arg11[%swap3A] {strides = array<i32>} : memref<80xi32, #tpu.memory_space<vmem>>, vector<16xi32>,
    %swap3A_40 = vector.shape_cast %swap3A_39 : vector<16xi32> to vector<16xi32>
    %swap3A_41 = vector.shape_cast %and3A_38 : vector<16xi32> to vector<16xi32>
    tpu.vector_store %arg11[%swap3A], %swap3A_41 {strides = array<i32>} : memref<80xi32, #tpu.memory_space<vmem>>, vector<16xi32>,
    %shift_right_arithmetic3A = arith.constant 14 : i32
    %shift_right_arithmetic3A_42 = vector.broadcast %shift_right_arithmetic3A : i32 to vector<16xi32>
    %shift_right_arithmetic3A_43 = arith.shrsi %get3A_36, %shift_right_arithmetic3A_42 : vector<16xi32>
    %swap3A_44 = arith.constant 0 : index
    %swap3A_45 = tpu.vector_load %arg15[%swap3A_44] {strides = array<i32>} : memref<80xi32, #tpu.memory_space<vmem>>, vector<16xi32>,
    %swap3A_46 = vector.shape_cast %swap3A_45 : vector<16xi32> to vector<16xi32>
    %swap3A_47 = vector.shape_cast %shift_right_arithmetic3A_43 : vector<16xi32> to vector<16xi32>
    tpu.vector_store %arg15[%swap3A_44], %swap3A_47 {strides = array<i32>} : memref<80xi32, #tpu.memory_space<vmem>>, vector<16xi32>,
    %get3A_48 = arith.constant 16 : index
    %get3A_49 = tpu.vector_load %arg7[%get3A_48] {strides = array<i32>} : memref<80xi32, #tpu.memory_space<vmem>>, vector<16xi32>,
    %get3A_50 = vector.shape_cast %get3A_49 : vector<16xi32> to vector<16xi32>
    %and3A_51 = arith.constant 16383 : i32
    %and3A_52 = vector.broadcast %and3A_51 : i32 to vector<16xi32>
    %and3A_53 = arith.andi %get3A_50, %and3A_52 : vector<16xi32>
    %swap3A_54 = arith.constant 16 : index
    %swap3A_55 = tpu.vector_load %arg11[%swap3A_54] {strides = array<i32>} : memref<80xi32, #tpu.memory_space<vmem>>, vector<16xi32>,
    %swap3A_56 = vector.shape_cast %swap3A_55 : vector<16xi32> to vector<16xi32>
    %swap3A_57 = vector.shape_cast %and3A_53 : vector<16xi32> to vector<16xi32>
    tpu.vector_store %arg11[%swap3A_54], %swap3A_57 {strides = array<i32>} : memref<80xi32, #tpu.memory_space<vmem>>, vector<16xi32>,
    %shift_right_arithmetic3A_58 = arith.constant 14 : i32
    %shift_right_arithmetic3A_59 = vector.broadcast %shift_right_arithmetic3A_58 : i32 to vector<16xi32>
    %shift_right_arithmetic3A_60 = arith.shrsi %get3A_50, %shift_right_arithmetic3A_59 : vector<16xi32>
    %swap3A_61 = arith.constant 16 : index
    %swap3A_62 = tpu.vector_load %arg15[%swap3A_61] {strides = array<i32>} : memref<80xi32, #tpu.memory_space<vmem>>, vector<16xi32>,
    %swap3A_63 = vector.shape_cast %swap3A_62 : vector<16xi32> to vector<16xi32>
    %swap3A_64 = vector.shape_cast %shift_right_arithmetic3A_60 : vector<16xi32> to vector<16xi32>
    tpu.vector_store %arg15[%swap3A_61], %swap3A_64 {strides = array<i32>} : memref<80xi32, #tpu.memory_space<vmem>>, vector<16xi32>,
    %get3A_65 = arith.constant 32 : index
    %get3A_66 = tpu.vector_load %arg7[%get3A_65] {strides = array<i32>} : memref<80xi32, #tpu.memory_space<vmem>>, vector<16xi32>,
    %get3A_67 = vector.shape_cast %get3A_66 : vector<16xi32> to vector<16xi32>
    %and3A_68 = arith.constant 16383 : i32
    %and3A_69 = vector.broadcast %and3A_68 : i32 to vector<16xi32>
    %and3A_70 = arith.andi %get3A_67, %and3A_69 : vector<16xi32>
    %swap3A_71 = arith.constant 32 : index
    %swap3A_72 = tpu.vector_load %arg11[%swap3A_71] {strides = array<i32>} : memref<80xi32, #tpu.memory_space<vmem>>, vector<16xi32>,
    %swap3A_73 = vector.shape_cast %swap3A_72 : vector<16xi32> to vector<16xi32>
    %swap3A_74 = vector.shape_cast %and3A_70 : vector<16xi32> to vector<16xi32>
    tpu.vector_store %arg11[%swap3A_71], %swap3A_74 {strides = array<i32>} : memref<80xi32, #tpu.memory_space<vmem>>, vector<16xi32>,
    %shift_right_arithmetic3A_75 = arith.constant 14 : i32
    %shift_right_arithmetic3A_76 = vector.broadcast %shift_right_arithmetic3A_75 : i32 to vector<16xi32>
    %shift_right_arithmetic3A_77 = arith.shrsi %get3A_67, %shift_right_arithmetic3A_76 : vector<16xi32>
    %swap3A_78 = arith.constant 32 : index
    %swap3A_79 = tpu.vector_load %arg15[%swap3A_78] {strides = array<i32>} : memref<80xi32, #tpu.memory_space<vmem>>, vector<16xi32>,
    %swap3A_80 = vector.shape_cast %swap3A_79 : vector<16xi32> to vector<16xi32>
    %swap3A_81 = vector.shape_cast %shift_right_arithmetic3A_77 : vector<16xi32> to vector<16xi32>
    tpu.vector_store %arg15[%swap3A_78], %swap3A_81 {strides = array<i32>} : memref<80xi32, #tpu.memory_space<vmem>>, vector<16xi32>,
    %get3A_82 = arith.constant 48 : index
    %get3A_83 = tpu.vector_load %arg7[%get3A_82] {strides = array<i32>} : memref<80xi32, #tpu.memory_space<vmem>>, vector<16xi32>,
    %get3A_84 = vector.shape_cast %get3A_83 : vector<16xi32> to vector<16xi32>
    %and3A_85 = arith.constant 16383 : i32
    %and3A_86 = vector.broadcast %and3A_85 : i32 to vector<16xi32>
    %and3A_87 = arith.andi %get3A_84, %and3A_86 : vector<16xi32>
    %swap3A_88 = arith.constant 48 : index
    %swap3A_89 = tpu.vector_load %arg11[%swap3A_88] {strides = array<i32>} : memref<80xi32, #tpu.memory_space<vmem>>, vector<16xi32>,
    %swap3A_90 = vector.shape_cast %swap3A_89 : vector<16xi32> to vector<16xi32>
    %swap3A_91 = vector.shape_cast %and3A_87 : vector<16xi32> to vector<16xi32>
    tpu.vector_store %arg11[%swap3A_88], %swap3A_91 {strides = array<i32>} : memref<80xi32, #tpu.memory_space<vmem>>, vector<16xi32>,
    %shift_right_arithmetic3A_92 = arith.constant 14 : i32
    %shift_right_arithmetic3A_93 = vector.broadcast %shift_right_arithmetic3A_92 : i32 to vector<16xi32>
    %shift_right_arithmetic3A_94 = arith.shrsi %get3A_84, %shift_right_arithmetic3A_93 : vector<16xi32>
    %swap3A_95 = arith.constant 48 : index
    %swap3A_96 = tpu.vector_load %arg15[%swap3A_95] {strides = array<i32>} : memref<80xi32, #tpu.memory_space<vmem>>, vector<16xi32>,
    %swap3A_97 = vector.shape_cast %swap3A_96 : vector<16xi32> to vector<16xi32>
    %swap3A_98 = vector.shape_cast %shift_right_arithmetic3A_94 : vector<16xi32> to vector<16xi32>
    tpu.vector_store %arg15[%swap3A_95], %swap3A_98 {strides = array<i32>} : memref<80xi32, #tpu.memory_space<vmem>>, vector<16xi32>,
    %get3A_99 = arith.constant 64 : index
    %get3A_100 = tpu.vector_load %arg7[%get3A_99] {strides = array<i32>} : memref<80xi32, #tpu.memory_space<vmem>>, vector<16xi32>,
    %get3A_101 = vector.shape_cast %get3A_100 : vector<16xi32> to vector<16xi32>
    %and3A_102 = arith.constant 16383 : i32
    %and3A_103 = vector.broadcast %and3A_102 : i32 to vector<16xi32>
    %and3A_104 = arith.andi %get3A_101, %and3A_103 : vector<16xi32>
    %swap3A_105 = arith.constant 64 : index
    %swap3A_106 = tpu.vector_load %arg11[%swap3A_105] {strides = array<i32>} : memref<80xi32, #tpu.memory_space<vmem>>, vector<16xi32>,
    %swap3A_107 = vector.shape_cast %swap3A_106 : vector<16xi32> to vector<16xi32>
    %swap3A_108 = vector.shape_cast %and3A_104 : vector<16xi32> to vector<16xi32>
    tpu.vector_store %arg11[%swap3A_105], %swap3A_108 {strides = array<i32>} : memref<80xi32, #tpu.memory_space<vmem>>, vector<16xi32>,
    %shift_right_arithmetic3A_109 = arith.constant 14 : i32
    %shift_right_arithmetic3A_110 = vector.broadcast %shift_right_arithmetic3A_109 : i32 to vector<16xi32>
    %shift_right_arithmetic3A_111 = arith.shrsi %get3A_101, %shift_right_arithmetic3A_110 : vector<16xi32>
    %swap3A_112 = arith.constant 64 : index
    %swap3A_113 = tpu.vector_load %arg15[%swap3A_112] {strides = array<i32>} : memref<80xi32, #tpu.memory_space<vmem>>, vector<16xi32>,
    %swap3A_114 = vector.shape_cast %swap3A_113 : vector<16xi32> to vector<16xi32>
    %swap3A_115 = vector.shape_cast %shift_right_arithmetic3A_111 : vector<16xi32> to vector<16xi32>
    tpu.vector_store %arg15[%swap3A_112], %swap3A_115 {strides = array<i32>} : memref<80xi32, #tpu.memory_space<vmem>>, vector<16xi32>,
    %dma_start3A_116 = arith.constant 0 : i32
    %dma_start3A_117 = arith.constant 0 : i32
    %dma_start3A_118 = tpu.memref_slice %arg2[%dma_start3A_116, %dma_start3A_117] : memref<10000x128xf32, #tpu.memory_space<hbm>> -> memref<10000x128xf32, #tpu.memory_space<hbm>>
    tpu.enqueue_indirect_dma source(%dma_start3A_118 : memref<10000x128xf32, #tpu.memory_space<hbm>>) target(%arg19 : memref<80x128xf32, #tpu.memory_space<vmem>>) offsets(%arg11 : memref<80xi32, #tpu.memory_space<vmem>>) semaphore(%arg27 : memref<!tpu.dma_semaphore, #tpu.memory_space<semaphore_mem>>)
    %mul3A_119 = arith.constant 10000 : i32
    %mul3A_120 = arith.muli %add3A, %mul3A_119 : i32
    %add3A_121 = arith.constant 80 : i32
    %add3A_122 = arith.addi %mul3A_120, %add3A_121 : i32
    %multiple_of3A_123 = tpu.assume_multiple %add3A_122, 8 : i32
    %dma_wait3A_124 = tpu.memref_slice %arg3[%multiple_of3A_123] : memref<320000xi32, #tpu.memory_space<hbm>> -> memref<80xi32, #tpu.memory_space<hbm>>
    %dma_wait3A_125 = tpu.memref_slice %arg3[%multiple_of3A_123] : memref<320000xi32, #tpu.memory_space<hbm>> -> memref<80xi32, #tpu.memory_space<hbm>>
    tpu.wait_dma2 semaphore(%arg24 : memref<!tpu.dma_semaphore, #tpu.memory_space<semaphore_mem>>) src(%dma_wait3A_125 : memref<80xi32, #tpu.memory_space<hbm>>) dst(%arg8 : memref<80xi32, #tpu.memory_space<vmem>>)
    %get3A_126 = arith.constant 0 : index
    %get3A_127 = tpu.vector_load %arg8[%get3A_126] {strides = array<i32>} : memref<80xi32, #tpu.memory_space<vmem>>, vector<16xi32>,
    %get3A_128 = vector.shape_cast %get3A_127 : vector<16xi32> to vector<16xi32>
    %and3A_129 = arith.constant 16383 : i32
    %and3A_130 = vector.broadcast %and3A_129 : i32 to vector<16xi32>
    %and3A_131 = arith.andi %get3A_128, %and3A_130 : vector<16xi32>
    %swap3A_132 = arith.constant 0 : index
    %swap3A_133 = tpu.vector_load %arg12[%swap3A_132] {strides = array<i32>} : memref<80xi32, #tpu.memory_space<vmem>>, vector<16xi32>,
    %swap3A_134 = vector.shape_cast %swap3A_133 : vector<16xi32> to vector<16xi32>
    %swap3A_135 = vector.shape_cast %and3A_131 : vector<16xi32> to vector<16xi32>
    tpu.vector_store %arg12[%swap3A_132], %swap3A_135 {strides = array<i32>} : memref<80xi32, #tpu.memory_space<vmem>>, vector<16xi32>,
    %shift_right_arithmetic3A_136 = arith.constant 14 : i32
    %shift_right_arithmetic3A_137 = vector.broadcast %shift_right_arithmetic3A_136 : i32 to vector<16xi32>
    %shift_right_arithmetic3A_138 = arith.shrsi %get3A_128, %shift_right_arithmetic3A_137 : vector<16xi32>
    %swap3A_139 = arith.constant 0 : index
    %swap3A_140 = tpu.vector_load %arg16[%swap3A_139] {strides = array<i32>} : memref<80xi32, #tpu.memory_space<vmem>>, vector<16xi32>,
    %swap3A_141 = vector.shape_cast %swap3A_140 : vector<16xi32> to vector<16xi32>
    %swap3A_142 = vector.shape_cast %shift_right_arithmetic3A_138 : vector<16xi32> to vector<16xi32>
    tpu.vector_store %arg16[%swap3A_139], %swap3A_142 {strides = array<i32>} : memref<80xi32, #tpu.memory_space<vmem>>, vector<16xi32>,
    %get3A_143 = arith.constant 16 : index
    %get3A_144 = tpu.vector_load %arg8[%get3A_143] {strides = array<i32>} : memref<80xi32, #tpu.memory_space<vmem>>, vector<16xi32>,
    %get3A_145 = vector.shape_cast %get3A_144 : vector<16xi32> to vector<16xi32>
    %and3A_146 = arith.constant 16383 : i32
    %and3A_147 = vector.broadcast %and3A_146 : i32 to vector<16xi32>
    %and3A_148 = arith.andi %get3A_145, %and3A_147 : vector<16xi32>
    %swap3A_149 = arith.constant 16 : index
    %swap3A_150 = tpu.vector_load %arg12[%swap3A_149] {strides = array<i32>} : memref<80xi32, #tpu.memory_space<vmem>>, vector<16xi32>,
    %swap3A_151 = vector.shape_cast %swap3A_150 : vector<16xi32> to vector<16xi32>
    %swap3A_152 = vector.shape_cast %and3A_148 : vector<16xi32> to vector<16xi32>
    tpu.vector_store %arg12[%swap3A_149], %swap3A_152 {strides = array<i32>} : memref<80xi32, #tpu.memory_space<vmem>>, vector<16xi32>,
    %shift_right_arithmetic3A_153 = arith.constant 14 : i32
    %shift_right_arithmetic3A_154 = vector.broadcast %shift_right_arithmetic3A_153 : i32 to vector<16xi32>
    %shift_right_arithmetic3A_155 = arith.shrsi %get3A_145, %shift_right_arithmetic3A_154 : vector<16xi32>
    %swap3A_156 = arith.constant 16 : index
    %swap3A_157 = tpu.vector_load %arg16[%swap3A_156] {strides = array<i32>} : memref<80xi32, #tpu.memory_space<vmem>>, vector<16xi32>,
    %swap3A_158 = vector.shape_cast %swap3A_157 : vector<16xi32> to vector<16xi32>
    %swap3A_159 = vector.shape_cast %shift_right_arithmetic3A_155 : vector<16xi32> to vector<16xi32>
    tpu.vector_store %arg16[%swap3A_156], %swap3A_159 {strides = array<i32>} : memref<80xi32, #tpu.memory_space<vmem>>, vector<16xi32>,
    %get3A_160 = arith.constant 32 : index
    %get3A_161 = tpu.vector_load %arg8[%get3A_160] {strides = array<i32>} : memref<80xi32, #tpu.memory_space<vmem>>, vector<16xi32>,
    %get3A_162 = vector.shape_cast %get3A_161 : vector<16xi32> to vector<16xi32>
    %and3A_163 = arith.constant 16383 : i32
    %and3A_164 = vector.broadcast %and3A_163 : i32 to vector<16xi32>
    %and3A_165 = arith.andi %get3A_162, %and3A_164 : vector<16xi32>
    %swap3A_166 = arith.constant 32 : index
    %swap3A_167 = tpu.vector_load %arg12[%swap3A_166] {strides = array<i32>} : memref<80xi32, #tpu.memory_space<vmem>>, vector<16xi32>,
    %swap3A_168 = vector.shape_cast %swap3A_167 : vector<16xi32> to vector<16xi32>
    %swap3A_169 = vector.shape_cast %and3A_165 : vector<16xi32> to vector<16xi32>
    tpu.vector_store %arg12[%swap3A_166], %swap3A_169 {strides = array<i32>} : memref<80xi32, #tpu.memory_space<vmem>>, vector<16xi32>,
    %shift_right_arithmetic3A_170 = arith.constant 14 : i32
    %shift_right_arithmetic3A_171 = vector.broadcast %shift_right_arithmetic3A_170 : i32 to vector<16xi32>
    %shift_right_arithmetic3A_172 = arith.shrsi %get3A_162, %shift_right_arithmetic3A_171 : vector<16xi32>
    %swap3A_173 = arith.constant 32 : index
    %swap3A_174 = tpu.vector_load %arg16[%swap3A_173] {strides = array<i32>} : memref<80xi32, #tpu.memory_space<vmem>>, vector<16xi32>,
    %swap3A_175 = vector.shape_cast %swap3A_174 : vector<16xi32> to vector<16xi32>
    %swap3A_176 = vector.shape_cast %shift_right_arithmetic3A_172 : vector<16xi32> to vector<16xi32>
    tpu.vector_store %arg16[%swap3A_173], %swap3A_176 {strides = array<i32>} : memref<80xi32, #tpu.memory_space<vmem>>, vector<16xi32>,
    %get3A_177 = arith.constant 48 : index
    %get3A_178 = tpu.vector_load %arg8[%get3A_177] {strides = array<i32>} : memref<80xi32, #tpu.memory_space<vmem>>, vector<16xi32>,
    %get3A_179 = vector.shape_cast %get3A_178 : vector<16xi32> to vector<16xi32>
    %and3A_180 = arith.constant 16383 : i32
    %and3A_181 = vector.broadcast %and3A_180 : i32 to vector<16xi32>
    %and3A_182 = arith.andi %get3A_179, %and3A_181 : vector<16xi32>
    %swap3A_183 = arith.constant 48 : index
    %swap3A_184 = tpu.vector_load %arg12[%swap3A_183] {strides = array<i32>} : memref<80xi32, #tpu.memory_space<vmem>>, vector<16xi32>,
    %swap3A_185 = vector.shape_cast %swap3A_184 : vector<16xi32> to vector<16xi32>
    %swap3A_186 = vector.shape_cast %and3A_182 : vector<16xi32> to vector<16xi32>
    tpu.vector_store %arg12[%swap3A_183], %swap3A_186 {strides = array<i32>} : memref<80xi32, #tpu.memory_space<vmem>>, vector<16xi32>,
    %shift_right_arithmetic3A_187 = arith.constant 14 : i32
    %shift_right_arithmetic3A_188 = vector.broadcast %shift_right_arithmetic3A_187 : i32 to vector<16xi32>
    %shift_right_arithmetic3A_189 = arith.shrsi %get3A_179, %shift_right_arithmetic3A_188 : vector<16xi32>
    %swap3A_190 = arith.constant 48 : index
    %swap3A_191 = tpu.vector_load %arg16[%swap3A_190] {strides = array<i32>} : memref<80xi32, #tpu.memory_space<vmem>>, vector<16xi32>,
    %swap3A_192 = vector.shape_cast %swap3A_191 : vector<16xi32> to vector<16xi32>
    %swap3A_193 = vector.shape_cast %shift_right_arithmetic3A_189 : vector<16xi32> to vector<16xi32>
    tpu.vector_store %arg16[%swap3A_190], %swap3A_193 {strides = array<i32>} : memref<80xi32, #tpu.memory_space<vmem>>, vector<16xi32>,
    %get3A_194 = arith.constant 64 : index
    %get3A_195 = tpu.vector_load %arg8[%get3A_194] {strides = array<i32>} : memref<80xi32, #tpu.memory_space<vmem>>, vector<16xi32>,
    %get3A_196 = vector.shape_cast %get3A_195 : vector<16xi32> to vector<16xi32>
    %and3A_197 = arith.constant 16383 : i32
    %and3A_198 = vector.broadcast %and3A_197 : i32 to vector<16xi32>
    %and3A_199 = arith.andi %get3A_196, %and3A_198 : vector<16xi32>
    %swap3A_200 = arith.constant 64 : index
    %swap3A_201 = tpu.vector_load %arg12[%swap3A_200] {strides = array<i32>} : memref<80xi32, #tpu.memory_space<vmem>>, vector<16xi32>,
    %swap3A_202 = vector.shape_cast %swap3A_201 : vector<16xi32> to vector<16xi32>
    %swap3A_203 = vector.shape_cast %and3A_199 : vector<16xi32> to vector<16xi32>
    tpu.vector_store %arg12[%swap3A_200], %swap3A_203 {strides = array<i32>} : memref<80xi32, #tpu.memory_space<vmem>>, vector<16xi32>,
    %shift_right_arithmetic3A_204 = arith.constant 14 : i32
    %shift_right_arithmetic3A_205 = vector.broadcast %shift_right_arithmetic3A_204 : i32 to vector<16xi32>
    %shift_right_arithmetic3A_206 = arith.shrsi %get3A_196, %shift_right_arithmetic3A_205 : vector<16xi32>
    %swap3A_207 = arith.constant 64 : index
    %swap3A_208 = tpu.vector_load %arg16[%swap3A_207] {strides = array<i32>} : memref<80xi32, #tpu.memory_space<vmem>>, vector<16xi32>,
    %swap3A_209 = vector.shape_cast %swap3A_208 : vector<16xi32> to vector<16xi32>
    %swap3A_210 = vector.shape_cast %shift_right_arithmetic3A_206 : vector<16xi32> to vector<16xi32>
    tpu.vector_store %arg16[%swap3A_207], %swap3A_210 {strides = array<i32>} : memref<80xi32, #tpu.memory_space<vmem>>, vector<16xi32>,
    %dma_start3A_211 = arith.constant 0 : i32
    %dma_start3A_212 = arith.constant 0 : i32
    %dma_start3A_213 = tpu.memref_slice %arg2[%dma_start3A_211, %dma_start3A_212] : memref<10000x128xf32, #tpu.memory_space<hbm>> -> memref<10000x128xf32, #tpu.memory_space<hbm>>
    tpu.enqueue_indirect_dma source(%dma_start3A_213 : memref<10000x128xf32, #tpu.memory_space<hbm>>) target(%arg20 : memref<80x128xf32, #tpu.memory_space<vmem>>) offsets(%arg12 : memref<80xi32, #tpu.memory_space<vmem>>) semaphore(%arg28 : memref<!tpu.dma_semaphore, #tpu.memory_space<semaphore_mem>>)
    "tpu.region"() ({
      %run_scoped3A = tpu.sem_alloc : memref<!tpu.dma_semaphore, #tpu.memory_space<semaphore_mem>>
      %dma_start3A_267 = arith.constant 0 : i32
      %dma_start3A_268 = tpu.memref_slice %arg6[%mul3A_2, %dma_start3A_267] : memref<10000x128xf32, #tpu.memory_space<vmem_shared>> -> memref<624x128xf32, #tpu.memory_space<vmem_shared>>
      %dma_start3A_269 = arith.constant 0 : i32
      %dma_start3A_270 = tpu.memref_slice %arg4[%mul3A_2, %dma_start3A_269] : memref<10000x128xf32, #tpu.memory_space<hbm>> -> memref<624x128xf32, #tpu.memory_space<hbm>>
      tpu.enqueue_dma source(%dma_start3A_270 : memref<624x128xf32, #tpu.memory_space<hbm>>) target(%dma_start3A_268 : memref<624x128xf32, #tpu.memory_space<vmem_shared>>) target_semaphore(%run_scoped3A : memref<!tpu.dma_semaphore, #tpu.memory_space<semaphore_mem>>)
      %dma_wait3A_271 = arith.constant 0 : i32
      %dma_wait3A_272 = tpu.memref_slice %arg6[%mul3A_2, %dma_wait3A_271] : memref<10000x128xf32, #tpu.memory_space<vmem_shared>> -> memref<624x128xf32, #tpu.memory_space<vmem_shared>>
      %dma_wait3A_273 = arith.constant 0 : i32
      %dma_wait3A_274 = tpu.memref_slice %arg4[%mul3A_2, %dma_wait3A_273] : memref<10000x128xf32, #tpu.memory_space<hbm>> -> memref<624x128xf32, #tpu.memory_space<hbm>>
      tpu.wait_dma2 semaphore(%run_scoped3A : memref<!tpu.dma_semaphore, #tpu.memory_space<semaphore_mem>>) src(%dma_wait3A_274 : memref<624x128xf32, #tpu.memory_space<hbm>>) dst(%dma_wait3A_272 : memref<624x128xf32, #tpu.memory_space<vmem_shared>>)
      tpu.yield
    }) : () -> ()
    %eq3A = arith.constant 15 : i32
    %eq3A_214 = arith.cmpi eq, %arg1, %eq3A : i32
    %convert_element_type3A = arith.extui %eq3A_214 : i1 to i32
    %cond3A = arith.constant 0 : i32
    %cond3A_215 = arith.cmpi ne, %convert_element_type3A, %cond3A : i32
    scf.if %cond3A_215 {
      "tpu.region"() ({
        %run_scoped3A = tpu.sem_alloc : memref<!tpu.dma_semaphore, #tpu.memory_space<semaphore_mem>>
        %dma_start3A_267 = arith.constant 9984 : i32
        %dma_start3A_268 = arith.constant 0 : i32
        %dma_start3A_269 = tpu.memref_slice %arg6[%dma_start3A_267, %dma_start3A_268] : memref<10000x128xf32, #tpu.memory_space<vmem_shared>> -> memref<16x128xf32, #tpu.memory_space<vmem_shared>>
        %dma_start3A_270 = arith.constant 9984 : i32
        %dma_start3A_271 = arith.constant 0 : i32
        %dma_start3A_272 = tpu.memref_slice %arg4[%dma_start3A_270, %dma_start3A_271] : memref<10000x128xf32, #tpu.memory_space<hbm>> -> memref<16x128xf32, #tpu.memory_space<hbm>>
        tpu.enqueue_dma source(%dma_start3A_272 : memref<16x128xf32, #tpu.memory_space<hbm>>) target(%dma_start3A_269 : memref<16x128xf32, #tpu.memory_space<vmem_shared>>) target_semaphore(%run_scoped3A : memref<!tpu.dma_semaphore, #tpu.memory_space<semaphore_mem>>)
        %dma_wait3A_273 = arith.constant 9984 : i32
        %dma_wait3A_274 = arith.constant 0 : i32
        %dma_wait3A_275 = tpu.memref_slice %arg6[%dma_wait3A_273, %dma_wait3A_274] : memref<10000x128xf32, #tpu.memory_space<vmem_shared>> -> memref<16x128xf32, #tpu.memory_space<vmem_shared>>
        %dma_wait3A_276 = arith.constant 9984 : i32
        %dma_wait3A_277 = arith.constant 0 : i32
        %dma_wait3A_278 = tpu.memref_slice %arg4[%dma_wait3A_276, %dma_wait3A_277] : memref<10000x128xf32, #tpu.memory_space<hbm>> -> memref<16x128xf32, #tpu.memory_space<hbm>>
        tpu.wait_dma2 semaphore(%run_scoped3A : memref<!tpu.dma_semaphore, #tpu.memory_space<semaphore_mem>>) src(%dma_wait3A_278 : memref<16x128xf32, #tpu.memory_space<hbm>>) dst(%dma_wait3A_275 : memref<16x128xf32, #tpu.memory_space<vmem_shared>>)
        tpu.yield
      }) : () -> ()
    } else {
    }
    %barrier3A = arith.constant 0 : index
    tpu.barrier barrier_id(%barrier3A)
    %scan3A = arith.constant 0 : i32
    %scan3A_216 = arith.constant 0 : i32
    %scan3A_217 = arith.constant 31 : i32
    %scan3A_218 = arith.addi %scan3A_216, %scan3A_217 : i32
    %scan3A_219 = arith.constant 1 : i32
    scf.for %scan3A_267 = %scan3A_216 to %scan3A_218 step %scan3A_219  : i32 {
      %mul3A_268 = arith.constant 4 : i32
      %mul3A_269 = arith.muli %mul3A_268, %scan3A_267 : i32
      %ge3A_270 = arith.constant 2 : i32
      %ge3A_271 = arith.cmpi sge, %mul3A_269, %ge3A_270 : i32
      %convert_element_type3A_272 = arith.extui %ge3A_271 : i1 to i32
      %cond3A_273 = arith.constant 0 : i32
      %cond3A_274 = arith.cmpi ne, %convert_element_type3A_272, %cond3A_273 : i32
      scf.if %cond3A_274 {
        %dma_wait3A_382 = arith.constant 0 : i32
        %dma_wait3A_383 = arith.constant 0 : i32
        %dma_wait3A_384 = tpu.memref_slice %arg6[%dma_wait3A_382, %dma_wait3A_383] : memref<10000x128xf32, #tpu.memory_space<vmem_shared>> -> memref<80x128xf32, #tpu.memory_space<vmem_shared>>
        %dma_wait3A_385 = arith.constant 0 : i32
        %dma_wait3A_386 = arith.constant 0 : i32
        %dma_wait3A_387 = tpu.memref_slice %arg6[%dma_wait3A_385, %dma_wait3A_386] : memref<10000x128xf32, #tpu.memory_space<vmem_shared>> -> memref<80x128xf32, #tpu.memory_space<vmem_shared>>
        tpu.wait_dma2 semaphore(%arg33 : memref<!tpu.dma_semaphore, #tpu.memory_space<semaphore_mem>>) src(%arg21 : memref<80x128xf32, #tpu.memory_space<vmem>>) dst(%dma_wait3A_387 : memref<80x128xf32, #tpu.memory_space<vmem_shared>>)
      } else {
      }
      %add3A_275 = arith.constant 2 : i32
      %add3A_276 = arith.addi %mul3A_269, %add3A_275 : i32
      %lt3A_277 = arith.constant 125 : i32
      %lt3A_278 = arith.cmpi slt, %add3A_276, %lt3A_277 : i32
      %convert_element_type3A_279 = arith.extui %lt3A_278 : i1 to i32
      %cond3A_280 = arith.constant 0 : i32
      %cond3A_281 = arith.cmpi ne, %convert_element_type3A_279, %cond3A_280 : i32
      scf.if %cond3A_281 {
        %add3A_382 = arith.constant 2 : i32
        %add3A_383 = arith.addi %mul3A_269, %add3A_382 : i32
        %mul3A_384 = arith.constant 10000 : i32
        %mul3A_385 = arith.muli %add3A, %mul3A_384 : i32
        %mul3A_386 = arith.constant 80 : i32
        %mul3A_387 = arith.muli %add3A_383, %mul3A_386 : i32
        %add3A_388 = arith.addi %mul3A_385, %mul3A_387 : i32
        %multiple_of3A_389 = tpu.assume_multiple %add3A_388, 8 : i32
        %dma_wait3A_390 = tpu.memref_slice %arg3[%multiple_of3A_389] : memref<320000xi32, #tpu.memory_space<hbm>> -> memref<80xi32, #tpu.memory_space<hbm>>
        %dma_wait3A_391 = tpu.memref_slice %arg3[%multiple_of3A_389] : memref<320000xi32, #tpu.memory_space<hbm>> -> memref<80xi32, #tpu.memory_space<hbm>>
        tpu.wait_dma2 semaphore(%arg25 : memref<!tpu.dma_semaphore, #tpu.memory_space<semaphore_mem>>) src(%dma_wait3A_391 : memref<80xi32, #tpu.memory_space<hbm>>) dst(%arg9 : memref<80xi32, #tpu.memory_space<vmem>>)
        %get3A_392 = arith.constant 0 : index
        %get3A_393 = tpu.vector_load %arg9[%get3A_392] {strides = array<i32>} : memref<80xi32, #tpu.memory_space<vmem>>, vector<16xi32>,
        %get3A_394 = vector.shape_cast %get3A_393 : vector<16xi32> to vector<16xi32>
        %and3A_395 = arith.constant 16383 : i32
        %and3A_396 = vector.broadcast %and3A_395 : i32 to vector<16xi32>
        %and3A_397 = arith.andi %get3A_394, %and3A_396 : vector<16xi32>
        %swap3A_398 = arith.constant 0 : index
        %swap3A_399 = tpu.vector_load %arg13[%swap3A_398] {strides = array<i32>} : memref<80xi32, #tpu.memory_space<vmem>>, vector<16xi32>,
        %swap3A_400 = vector.shape_cast %swap3A_399 : vector<16xi32> to vector<16xi32>
        %swap3A_401 = vector.shape_cast %and3A_397 : vector<16xi32> to vector<16xi32>
        tpu.vector_store %arg13[%swap3A_398], %swap3A_401 {strides = array<i32>} : memref<80xi32, #tpu.memory_space<vmem>>, vector<16xi32>,
        %shift_right_arithmetic3A_402 = arith.constant 14 : i32
        %shift_right_arithmetic3A_403 = vector.broadcast %shift_right_arithmetic3A_402 : i32 to vector<16xi32>
        %shift_right_arithmetic3A_404 = arith.shrsi %get3A_394, %shift_right_arithmetic3A_403 : vector<16xi32>
        %swap3A_405 = arith.constant 0 : index
        %swap3A_406 = tpu.vector_load %arg17[%swap3A_405] {strides = array<i32>} : memref<80xi32, #tpu.memory_space<vmem>>, vector<16xi32>,
        %swap3A_407 = vector.shape_cast %swap3A_406 : vector<16xi32> to vector<16xi32>
        %swap3A_408 = vector.shape_cast %shift_right_arithmetic3A_404 : vector<16xi32> to vector<16xi32>
        tpu.vector_store %arg17[%swap3A_405], %swap3A_408 {strides = array<i32>} : memref<80xi32, #tpu.memory_space<vmem>>, vector<16xi32>,
        %get3A_409 = arith.constant 16 : index
        %get3A_410 = tpu.vector_load %arg9[%get3A_409] {strides = array<i32>} : memref<80xi32, #tpu.memory_space<vmem>>, vector<16xi32>,
        %get3A_411 = vector.shape_cast %get3A_410 : vector<16xi32> to vector<16xi32>
        %and3A_412 = arith.constant 16383 : i32
        %and3A_413 = vector.broadcast %and3A_412 : i32 to vector<16xi32>
        %and3A_414 = arith.andi %get3A_411, %and3A_413 : vector<16xi32>
        %swap3A_415 = arith.constant 16 : index
        %swap3A_416 = tpu.vector_load %arg13[%swap3A_415] {strides = array<i32>} : memref<80xi32, #tpu.memory_space<vmem>>, vector<16xi32>,
        %swap3A_417 = vector.shape_cast %swap3A_416 : vector<16xi32> to vector<16xi32>
        %swap3A_418 = vector.shape_cast %and3A_414 : vector<16xi32> to vector<16xi32>
        tpu.vector_store %arg13[%swap3A_415], %swap3A_418 {strides = array<i32>} : memref<80xi32, #tpu.memory_space<vmem>>, vector<16xi32>,
        %shift_right_arithmetic3A_419 = arith.constant 14 : i32
        %shift_right_arithmetic3A_420 = vector.broadcast %shift_right_arithmetic3A_419 : i32 to vector<16xi32>
        %shift_right_arithmetic3A_421 = arith.shrsi %get3A_411, %shift_right_arithmetic3A_420 : vector<16xi32>
        %swap3A_422 = arith.constant 16 : index
        %swap3A_423 = tpu.vector_load %arg17[%swap3A_422] {strides = array<i32>} : memref<80xi32, #tpu.memory_space<vmem>>, vector<16xi32>,
        %swap3A_424 = vector.shape_cast %swap3A_423 : vector<16xi32> to vector<16xi32>
        %swap3A_425 = vector.shape_cast %shift_right_arithmetic3A_421 : vector<16xi32> to vector<16xi32>
        tpu.vector_store %arg17[%swap3A_422], %swap3A_425 {strides = array<i32>} : memref<80xi32, #tpu.memory_space<vmem>>, vector<16xi32>,
        %get3A_426 = arith.constant 32 : index
        %get3A_427 = tpu.vector_load %arg9[%get3A_426] {strides = array<i32>} : memref<80xi32, #tpu.memory_space<vmem>>, vector<16xi32>,
        %get3A_428 = vector.shape_cast %get3A_427 : vector<16xi32> to vector<16xi32>
        %and3A_429 = arith.constant 16383 : i32
        %and3A_430 = vector.broadcast %and3A_429 : i32 to vector<16xi32>
        %and3A_431 = arith.andi %get3A_428, %and3A_430 : vector<16xi32>
        %swap3A_432 = arith.constant 32 : index
        %swap3A_433 = tpu.vector_load %arg13[%swap3A_432] {strides = array<i32>} : memref<80xi32, #tpu.memory_space<vmem>>, vector<16xi32>,
        %swap3A_434 = vector.shape_cast %swap3A_433 : vector<16xi32> to vector<16xi32>
        %swap3A_435 = vector.shape_cast %and3A_431 : vector<16xi32> to vector<16xi32>
        tpu.vector_store %arg13[%swap3A_432], %swap3A_435 {strides = array<i32>} : memref<80xi32, #tpu.memory_space<vmem>>, vector<16xi32>,
        %shift_right_arithmetic3A_436 = arith.constant 14 : i32
        %shift_right_arithmetic3A_437 = vector.broadcast %shift_right_arithmetic3A_436 : i32 to vector<16xi32>
        %shift_right_arithmetic3A_438 = arith.shrsi %get3A_428, %shift_right_arithmetic3A_437 : vector<16xi32>
        %swap3A_439 = arith.constant 32 : index
        %swap3A_440 = tpu.vector_load %arg17[%swap3A_439] {strides = array<i32>} : memref<80xi32, #tpu.memory_space<vmem>>, vector<16xi32>,
        %swap3A_441 = vector.shape_cast %swap3A_440 : vector<16xi32> to vector<16xi32>
        %swap3A_442 = vector.shape_cast %shift_right_arithmetic3A_438 : vector<16xi32> to vector<16xi32>
        tpu.vector_store %arg17[%swap3A_439], %swap3A_442 {strides = array<i32>} : memref<80xi32, #tpu.memory_space<vmem>>, vector<16xi32>,
        %get3A_443 = arith.constant 48 : index
        %get3A_444 = tpu.vector_load %arg9[%get3A_443] {strides = array<i32>} : memref<80xi32, #tpu.memory_space<vmem>>, vector<16xi32>,
        %get3A_445 = vector.shape_cast %get3A_444 : vector<16xi32> to vector<16xi32>
        %and3A_446 = arith.constant 16383 : i32
        %and3A_447 = vector.broadcast %and3A_446 : i32 to vector<16xi32>
        %and3A_448 = arith.andi %get3A_445, %and3A_447 : vector<16xi32>
        %swap3A_449 = arith.constant 48 : index
        %swap3A_450 = tpu.vector_load %arg13[%swap3A_449] {strides = array<i32>} : memref<80xi32, #tpu.memory_space<vmem>>, vector<16xi32>,
        %swap3A_451 = vector.shape_cast %swap3A_450 : vector<16xi32> to vector<16xi32>
        %swap3A_452 = vector.shape_cast %and3A_448 : vector<16xi32> to vector<16xi32>
        tpu.vector_store %arg13[%swap3A_449], %swap3A_452 {strides = array<i32>} : memref<80xi32, #tpu.memory_space<vmem>>, vector<16xi32>,
        %shift_right_arithmetic3A_453 = arith.constant 14 : i32
        %shift_right_arithmetic3A_454 = vector.broadcast %shift_right_arithmetic3A_453 : i32 to vector<16xi32>
        %shift_right_arithmetic3A_455 = arith.shrsi %get3A_445, %shift_right_arithmetic3A_454 : vector<16xi32>
        %swap3A_456 = arith.constant 48 : index
        %swap3A_457 = tpu.vector_load %arg17[%swap3A_456] {strides = array<i32>} : memref<80xi32, #tpu.memory_space<vmem>>, vector<16xi32>,
        %swap3A_458 = vector.shape_cast %swap3A_457 : vector<16xi32> to vector<16xi32>
        %swap3A_459 = vector.shape_cast %shift_right_arithmetic3A_455 : vector<16xi32> to vector<16xi32>
        tpu.vector_store %arg17[%swap3A_456], %swap3A_459 {strides = array<i32>} : memref<80xi32, #tpu.memory_space<vmem>>, vector<16xi32>,
        %get3A_460 = arith.constant 64 : index
        %get3A_461 = tpu.vector_load %arg9[%get3A_460] {strides = array<i32>} : memref<80xi32, #tpu.memory_space<vmem>>, vector<16xi32>,
        %get3A_462 = vector.shape_cast %get3A_461 : vector<16xi32> to vector<16xi32>
        %and3A_463 = arith.constant 16383 : i32
        %and3A_464 = vector.broadcast %and3A_463 : i32 to vector<16xi32>
        %and3A_465 = arith.andi %get3A_462, %and3A_464 : vector<16xi32>
        %swap3A_466 = arith.constant 64 : index
        %swap3A_467 = tpu.vector_load %arg13[%swap3A_466] {strides = array<i32>} : memref<80xi32, #tpu.memory_space<vmem>>, vector<16xi32>,
        %swap3A_468 = vector.shape_cast %swap3A_467 : vector<16xi32> to vector<16xi32>
        %swap3A_469 = vector.shape_cast %and3A_465 : vector<16xi32> to vector<16xi32>
        tpu.vector_store %arg13[%swap3A_466], %swap3A_469 {strides = array<i32>} : memref<80xi32, #tpu.memory_space<vmem>>, vector<16xi32>,
        %shift_right_arithmetic3A_470 = arith.constant 14 : i32
        %shift_right_arithmetic3A_471 = vector.broadcast %shift_right_arithmetic3A_470 : i32 to vector<16xi32>
        %shift_right_arithmetic3A_472 = arith.shrsi %get3A_462, %shift_right_arithmetic3A_471 : vector<16xi32>
        %swap3A_473 = arith.constant 64 : index
        %swap3A_474 = tpu.vector_load %arg17[%swap3A_473] {strides = array<i32>} : memref<80xi32, #tpu.memory_space<vmem>>, vector<16xi32>,
        %swap3A_475 = vector.shape_cast %swap3A_474 : vector<16xi32> to vector<16xi32>
        %swap3A_476 = vector.shape_cast %shift_right_arithmetic3A_472 : vector<16xi32> to vector<16xi32>
        tpu.vector_store %arg17[%swap3A_473], %swap3A_476 {strides = array<i32>} : memref<80xi32, #tpu.memory_space<vmem>>, vector<16xi32>,
        %dma_start3A_477 = arith.constant 0 : i32
        %dma_start3A_478 = arith.constant 0 : i32
        %dma_start3A_479 = tpu.memref_slice %arg2[%dma_start3A_477, %dma_start3A_478] : memref<10000x128xf32, #tpu.memory_space<hbm>> -> memref<10000x128xf32, #tpu.memory_space<hbm>>
        tpu.enqueue_indirect_dma source(%dma_start3A_479 : memref<10000x128xf32, #tpu.memory_space<hbm>>) target(%arg21 : memref<80x128xf32, #tpu.memory_space<vmem>>) offsets(%arg13 : memref<80xi32, #tpu.memory_space<vmem>>) semaphore(%arg29 : memref<!tpu.dma_semaphore, #tpu.memory_space<semaphore_mem>>)
      } else {
      }
      %add3A_282 = arith.constant 4 : i32
      %add3A_283 = arith.addi %mul3A_269, %add3A_282 : i32
      %lt3A_284 = arith.constant 125 : i32
      %lt3A_285 = arith.cmpi slt, %add3A_283, %lt3A_284 : i32
      %convert_element_type3A_286 = arith.extui %lt3A_285 : i1 to i32
      %cond3A_287 = arith.constant 0 : i32
      %cond3A_288 = arith.cmpi ne, %convert_element_type3A_286, %cond3A_287 : i32
      scf.if %cond3A_288 {
        %add3A_382 = arith.constant 4 : i32
        %add3A_383 = arith.addi %mul3A_269, %add3A_382 : i32
        %mul3A_384 = arith.constant 10000 : i32
        %mul3A_385 = arith.muli %add3A, %mul3A_384 : i32
        %mul3A_386 = arith.constant 80 : i32
        %mul3A_387 = arith.muli %add3A_383, %mul3A_386 : i32
        %add3A_388 = arith.addi %mul3A_385, %mul3A_387 : i32
        %multiple_of3A_389 = tpu.assume_multiple %add3A_388, 8 : i32
        %dma_start3A_390 = tpu.memref_slice %arg3[%multiple_of3A_389] : memref<320000xi32, #tpu.memory_space<hbm>> -> memref<80xi32, #tpu.memory_space<hbm>>
        %dma_start3A_391 = tpu.memref_slice %arg3[%multiple_of3A_389] : memref<320000xi32, #tpu.memory_space<hbm>> -> memref<80xi32, #tpu.memory_space<hbm>>
        tpu.enqueue_dma source(%dma_start3A_391 : memref<80xi32, #tpu.memory_space<hbm>>) target(%arg7 : memref<80xi32, #tpu.memory_space<vmem>>) target_semaphore(%arg23 : memref<!tpu.dma_semaphore, #tpu.memory_space<semaphore_mem>>)
      } else {
      }
      %dma_wait3A_289 = arith.constant 0 : i32
      %dma_wait3A_290 = arith.constant 0 : i32
      %dma_wait3A_291 = tpu.memref_slice %arg2[%dma_wait3A_289, %dma_wait3A_290] : memref<10000x128xf32, #tpu.memory_space<hbm>> -> memref<10000x128xf32, #tpu.memory_space<hbm>>
      tpu.wait_indirect_dma semaphore(%arg27 : memref<!tpu.dma_semaphore, #tpu.memory_space<semaphore_mem>>) src(%dma_wait3A_291 : memref<10000x128xf32, #tpu.memory_space<hbm>>) dst(%arg19 : memref<80x128xf32, #tpu.memory_space<vmem>>)
      %dma_start3A_292 = arith.constant 0 : i32
      %dma_start3A_293 = arith.constant 0 : i32
      %dma_start3A_294 = tpu.memref_slice %arg6[%dma_start3A_292, %dma_start3A_293] : memref<10000x128xf32, #tpu.memory_space<vmem_shared>> -> memref<10000x128xf32, #tpu.memory_space<vmem_shared>>
      tpu.enqueue_indirect_dma source(%arg19 : memref<80x128xf32, #tpu.memory_space<vmem>>) target(%dma_start3A_294 : memref<10000x128xf32, #tpu.memory_space<vmem_shared>>) offsets(%arg15 : memref<80xi32, #tpu.memory_space<vmem>>) semaphore(%arg31 : memref<!tpu.dma_semaphore, #tpu.memory_space<semaphore_mem>>) {add = true}
      %mul3A_295 = arith.constant 4 : i32
      %mul3A_296 = arith.muli %mul3A_295, %scan3A_267 : i32
      %add3A_297 = arith.constant 1 : i32
      %add3A_298 = arith.addi %mul3A_296, %add3A_297 : i32
      %ge3A_299 = arith.constant 2 : i32
      %ge3A_300 = arith.cmpi sge, %add3A_298, %ge3A_299 : i32
      %convert_element_type3A_301 = arith.extui %ge3A_300 : i1 to i32
      %cond3A_302 = arith.constant 0 : i32
      %cond3A_303 = arith.cmpi ne, %convert_element_type3A_301, %cond3A_302 : i32
      scf.if %cond3A_303 {
        %dma_wait3A_382 = arith.constant 0 : i32
        %dma_wait3A_383 = arith.constant 0 : i32
        %dma_wait3A_384 = tpu.memref_slice %arg6[%dma_wait3A_382, %dma_wait3A_383] : memref<10000x128xf32, #tpu.memory_space<vmem_shared>> -> memref<80x128xf32, #tpu.memory_space<vmem_shared>>
        %dma_wait3A_385 = arith.constant 0 : i32
        %dma_wait3A_386 = arith.constant 0 : i32
        %dma_wait3A_387 = tpu.memref_slice %arg6[%dma_wait3A_385, %dma_wait3A_386] : memref<10000x128xf32, #tpu.memory_space<vmem_shared>> -> memref<80x128xf32, #tpu.memory_space<vmem_shared>>
        tpu.wait_dma2 semaphore(%arg34 : memref<!tpu.dma_semaphore, #tpu.memory_space<semaphore_mem>>) src(%arg22 : memref<80x128xf32, #tpu.memory_space<vmem>>) dst(%dma_wait3A_387 : memref<80x128xf32, #tpu.memory_space<vmem_shared>>)
      } else {
      }
      %add3A_304 = arith.constant 2 : i32
      %add3A_305 = arith.addi %add3A_298, %add3A_304 : i32
      %lt3A_306 = arith.constant 125 : i32
      %lt3A_307 = arith.cmpi slt, %add3A_305, %lt3A_306 : i32
      %convert_element_type3A_308 = arith.extui %lt3A_307 : i1 to i32
      %cond3A_309 = arith.constant 0 : i32
      %cond3A_310 = arith.cmpi ne, %convert_element_type3A_308, %cond3A_309 : i32
      scf.if %cond3A_310 {
        %add3A_382 = arith.constant 2 : i32
        %add3A_383 = arith.addi %add3A_298, %add3A_382 : i32
        %mul3A_384 = arith.constant 10000 : i32
        %mul3A_385 = arith.muli %add3A, %mul3A_384 : i32
        %mul3A_386 = arith.constant 80 : i32
        %mul3A_387 = arith.muli %add3A_383, %mul3A_386 : i32
        %add3A_388 = arith.addi %mul3A_385, %mul3A_387 : i32
        %multiple_of3A_389 = tpu.assume_multiple %add3A_388, 8 : i32
        %dma_wait3A_390 = tpu.memref_slice %arg3[%multiple_of3A_389] : memref<320000xi32, #tpu.memory_space<hbm>> -> memref<80xi32, #tpu.memory_space<hbm>>
        %dma_wait3A_391 = tpu.memref_slice %arg3[%multiple_of3A_389] : memref<320000xi32, #tpu.memory_space<hbm>> -> memref<80xi32, #tpu.memory_space<hbm>>
        tpu.wait_dma2 semaphore(%arg26 : memref<!tpu.dma_semaphore, #tpu.memory_space<semaphore_mem>>) src(%dma_wait3A_391 : memref<80xi32, #tpu.memory_space<hbm>>) dst(%arg10 : memref<80xi32, #tpu.memory_space<vmem>>)
        %get3A_392 = arith.constant 0 : index
        %get3A_393 = tpu.vector_load %arg10[%get3A_392] {strides = array<i32>} : memref<80xi32, #tpu.memory_space<vmem>>, vector<16xi32>,
        %get3A_394 = vector.shape_cast %get3A_393 : vector<16xi32> to vector<16xi32>
        %and3A_395 = arith.constant 16383 : i32
        %and3A_396 = vector.broadcast %and3A_395 : i32 to vector<16xi32>
        %and3A_397 = arith.andi %get3A_394, %and3A_396 : vector<16xi32>
        %swap3A_398 = arith.constant 0 : index
        %swap3A_399 = tpu.vector_load %arg14[%swap3A_398] {strides = array<i32>} : memref<80xi32, #tpu.memory_space<vmem>>, vector<16xi32>,
        %swap3A_400 = vector.shape_cast %swap3A_399 : vector<16xi32> to vector<16xi32>
        %swap3A_401 = vector.shape_cast %and3A_397 : vector<16xi32> to vector<16xi32>
        tpu.vector_store %arg14[%swap3A_398], %swap3A_401 {strides = array<i32>} : memref<80xi32, #tpu.memory_space<vmem>>, vector<16xi32>,
        %shift_right_arithmetic3A_402 = arith.constant 14 : i32
        %shift_right_arithmetic3A_403 = vector.broadcast %shift_right_arithmetic3A_402 : i32 to vector<16xi32>
        %shift_right_arithmetic3A_404 = arith.shrsi %get3A_394, %shift_right_arithmetic3A_403 : vector<16xi32>
        %swap3A_405 = arith.constant 0 : index
        %swap3A_406 = tpu.vector_load %arg18[%swap3A_405] {strides = array<i32>} : memref<80xi32, #tpu.memory_space<vmem>>, vector<16xi32>,
        %swap3A_407 = vector.shape_cast %swap3A_406 : vector<16xi32> to vector<16xi32>
        %swap3A_408 = vector.shape_cast %shift_right_arithmetic3A_404 : vector<16xi32> to vector<16xi32>
        tpu.vector_store %arg18[%swap3A_405], %swap3A_408 {strides = array<i32>} : memref<80xi32, #tpu.memory_space<vmem>>, vector<16xi32>,
        %get3A_409 = arith.constant 16 : index
        %get3A_410 = tpu.vector_load %arg10[%get3A_409] {strides = array<i32>} : memref<80xi32, #tpu.memory_space<vmem>>, vector<16xi32>,
        %get3A_411 = vector.shape_cast %get3A_410 : vector<16xi32> to vector<16xi32>
        %and3A_412 = arith.constant 16383 : i32
        %and3A_413 = vector.broadcast %and3A_412 : i32 to vector<16xi32>
        %and3A_414 = arith.andi %get3A_411, %and3A_413 : vector<16xi32>
        %swap3A_415 = arith.constant 16 : index
        %swap3A_416 = tpu.vector_load %arg14[%swap3A_415] {strides = array<i32>} : memref<80xi32, #tpu.memory_space<vmem>>, vector<16xi32>,
        %swap3A_417 = vector.shape_cast %swap3A_416 : vector<16xi32> to vector<16xi32>
        %swap3A_418 = vector.shape_cast %and3A_414 : vector<16xi32> to vector<16xi32>
        tpu.vector_store %arg14[%swap3A_415], %swap3A_418 {strides = array<i32>} : memref<80xi32, #tpu.memory_space<vmem>>, vector<16xi32>,
        %shift_right_arithmetic3A_419 = arith.constant 14 : i32
        %shift_right_arithmetic3A_420 = vector.broadcast %shift_right_arithmetic3A_419 : i32 to vector<16xi32>
        %shift_right_arithmetic3A_421 = arith.shrsi %get3A_411, %shift_right_arithmetic3A_420 : vector<16xi32>
        %swap3A_422 = arith.constant 16 : index
        %swap3A_423 = tpu.vector_load %arg18[%swap3A_422] {strides = array<i32>} : memref<80xi32, #tpu.memory_space<vmem>>, vector<16xi32>,
        %swap3A_424 = vector.shape_cast %swap3A_423 : vector<16xi32> to vector<16xi32>
        %swap3A_425 = vector.shape_cast %shift_right_arithmetic3A_421 : vector<16xi32> to vector<16xi32>
        tpu.vector_store %arg18[%swap3A_422], %swap3A_425 {strides = array<i32>} : memref<80xi32, #tpu.memory_space<vmem>>, vector<16xi32>,
        %get3A_426 = arith.constant 32 : index
        %get3A_427 = tpu.vector_load %arg10[%get3A_426] {strides = array<i32>} : memref<80xi32, #tpu.memory_space<vmem>>, vector<16xi32>,
        %get3A_428 = vector.shape_cast %get3A_427 : vector<16xi32> to vector<16xi32>
        %and3A_429 = arith.constant 16383 : i32
        %and3A_430 = vector.broadcast %and3A_429 : i32 to vector<16xi32>
        %and3A_431 = arith.andi %get3A_428, %and3A_430 : vector<16xi32>
        %swap3A_432 = arith.constant 32 : index
        %swap3A_433 = tpu.vector_load %arg14[%swap3A_432] {strides = array<i32>} : memref<80xi32, #tpu.memory_space<vmem>>, vector<16xi32>,
        %swap3A_434 = vector.shape_cast %swap3A_433 : vector<16xi32> to vector<16xi32>
        %swap3A_435 = vector.shape_cast %and3A_431 : vector<16xi32> to vector<16xi32>
        tpu.vector_store %arg14[%swap3A_432], %swap3A_435 {strides = array<i32>} : memref<80xi32, #tpu.memory_space<vmem>>, vector<16xi32>,
        %shift_right_arithmetic3A_436 = arith.constant 14 : i32
        %shift_right_arithmetic3A_437 = vector.broadcast %shift_right_arithmetic3A_436 : i32 to vector<16xi32>
        %shift_right_arithmetic3A_438 = arith.shrsi %get3A_428, %shift_right_arithmetic3A_437 : vector<16xi32>
        %swap3A_439 = arith.constant 32 : index
        %swap3A_440 = tpu.vector_load %arg18[%swap3A_439] {strides = array<i32>} : memref<80xi32, #tpu.memory_space<vmem>>, vector<16xi32>,
        %swap3A_441 = vector.shape_cast %swap3A_440 : vector<16xi32> to vector<16xi32>
        %swap3A_442 = vector.shape_cast %shift_right_arithmetic3A_438 : vector<16xi32> to vector<16xi32>
        tpu.vector_store %arg18[%swap3A_439], %swap3A_442 {strides = array<i32>} : memref<80xi32, #tpu.memory_space<vmem>>, vector<16xi32>,
        %get3A_443 = arith.constant 48 : index
        %get3A_444 = tpu.vector_load %arg10[%get3A_443] {strides = array<i32>} : memref<80xi32, #tpu.memory_space<vmem>>, vector<16xi32>,
        %get3A_445 = vector.shape_cast %get3A_444 : vector<16xi32> to vector<16xi32>
        %and3A_446 = arith.constant 16383 : i32
        %and3A_447 = vector.broadcast %and3A_446 : i32 to vector<16xi32>
        %and3A_448 = arith.andi %get3A_445, %and3A_447 : vector<16xi32>
        %swap3A_449 = arith.constant 48 : index
        %swap3A_450 = tpu.vector_load %arg14[%swap3A_449] {strides = array<i32>} : memref<80xi32, #tpu.memory_space<vmem>>, vector<16xi32>,
        %swap3A_451 = vector.shape_cast %swap3A_450 : vector<16xi32> to vector<16xi32>
        %swap3A_452 = vector.shape_cast %and3A_448 : vector<16xi32> to vector<16xi32>
        tpu.vector_store %arg14[%swap3A_449], %swap3A_452 {strides = array<i32>} : memref<80xi32, #tpu.memory_space<vmem>>, vector<16xi32>,
        %shift_right_arithmetic3A_453 = arith.constant 14 : i32
        %shift_right_arithmetic3A_454 = vector.broadcast %shift_right_arithmetic3A_453 : i32 to vector<16xi32>
        %shift_right_arithmetic3A_455 = arith.shrsi %get3A_445, %shift_right_arithmetic3A_454 : vector<16xi32>
        %swap3A_456 = arith.constant 48 : index
        %swap3A_457 = tpu.vector_load %arg18[%swap3A_456] {strides = array<i32>} : memref<80xi32, #tpu.memory_space<vmem>>, vector<16xi32>,
        %swap3A_458 = vector.shape_cast %swap3A_457 : vector<16xi32> to vector<16xi32>
        %swap3A_459 = vector.shape_cast %shift_right_arithmetic3A_455 : vector<16xi32> to vector<16xi32>
        tpu.vector_store %arg18[%swap3A_456], %swap3A_459 {strides = array<i32>} : memref<80xi32, #tpu.memory_space<vmem>>, vector<16xi32>,
        %get3A_460 = arith.constant 64 : index
        %get3A_461 = tpu.vector_load %arg10[%get3A_460] {strides = array<i32>} : memref<80xi32, #tpu.memory_space<vmem>>, vector<16xi32>,
        %get3A_462 = vector.shape_cast %get3A_461 : vector<16xi32> to vector<16xi32>
        %and3A_463 = arith.constant 16383 : i32
        %and3A_464 = vector.broadcast %and3A_463 : i32 to vector<16xi32>
        %and3A_465 = arith.andi %get3A_462, %and3A_464 : vector<16xi32>
        %swap3A_466 = arith.constant 64 : index
        %swap3A_467 = tpu.vector_load %arg14[%swap3A_466] {strides = array<i32>} : memref<80xi32, #tpu.memory_space<vmem>>, vector<16xi32>,
        %swap3A_468 = vector.shape_cast %swap3A_467 : vector<16xi32> to vector<16xi32>
        %swap3A_469 = vector.shape_cast %and3A_465 : vector<16xi32> to vector<16xi32>
        tpu.vector_store %arg14[%swap3A_466], %swap3A_469 {strides = array<i32>} : memref<80xi32, #tpu.memory_space<vmem>>, vector<16xi32>,
        %shift_right_arithmetic3A_470 = arith.constant 14 : i32
        %shift_right_arithmetic3A_471 = vector.broadcast %shift_right_arithmetic3A_470 : i32 to vector<16xi32>
        %shift_right_arithmetic3A_472 = arith.shrsi %get3A_462, %shift_right_arithmetic3A_471 : vector<16xi32>
        %swap3A_473 = arith.constant 64 : index
        %swap3A_474 = tpu.vector_load %arg18[%swap3A_473] {strides = array<i32>} : memref<80xi32, #tpu.memory_space<vmem>>, vector<16xi32>,
        %swap3A_475 = vector.shape_cast %swap3A_474 : vector<16xi32> to vector<16xi32>
        %swap3A_476 = vector.shape_cast %shift_right_arithmetic3A_472 : vector<16xi32> to vector<16xi32>
        tpu.vector_store %arg18[%swap3A_473], %swap3A_476 {strides = array<i32>} : memref<80xi32, #tpu.memory_space<vmem>>, vector<16xi32>,
        %dma_start3A_477 = arith.constant 0 : i32
        %dma_start3A_478 = arith.constant 0 : i32
        %dma_start3A_479 = tpu.memref_slice %arg2[%dma_start3A_477, %dma_start3A_478] : memref<10000x128xf32, #tpu.memory_space<hbm>> -> memref<10000x128xf32, #tpu.memory_space<hbm>>
        tpu.enqueue_indirect_dma source(%dma_start3A_479 : memref<10000x128xf32, #tpu.memory_space<hbm>>) target(%arg22 : memref<80x128xf32, #tpu.memory_space<vmem>>) offsets(%arg14 : memref<80xi32, #tpu.memory_space<vmem>>) semaphore(%arg30 : memref<!tpu.dma_semaphore, #tpu.memory_space<semaphore_mem>>)
      } else {
      }
      %add3A_311 = arith.constant 4 : i32
      %add3A_312 = arith.addi %add3A_298, %add3A_311 : i32
      %lt3A_313 = arith.constant 125 : i32
      %lt3A_314 = arith.cmpi slt, %add3A_312, %lt3A_313 : i32
      %convert_element_type3A_315 = arith.extui %lt3A_314 : i1 to i32
      %cond3A_316 = arith.constant 0 : i32
      %cond3A_317 = arith.cmpi ne, %convert_element_type3A_315, %cond3A_316 : i32
      scf.if %cond3A_317 {
        %add3A_382 = arith.constant 4 : i32
        %add3A_383 = arith.addi %add3A_298, %add3A_382 : i32
        %mul3A_384 = arith.constant 10000 : i32
        %mul3A_385 = arith.muli %add3A, %mul3A_384 : i32
        %mul3A_386 = arith.constant 80 : i32
        %mul3A_387 = arith.muli %add3A_383, %mul3A_386 : i32
        %add3A_388 = arith.addi %mul3A_385, %mul3A_387 : i32
        %multiple_of3A_389 = tpu.assume_multiple %add3A_388, 8 : i32
        %dma_start3A_390 = tpu.memref_slice %arg3[%multiple_of3A_389] : memref<320000xi32, #tpu.memory_space<hbm>> -> memref<80xi32, #tpu.memory_space<hbm>>
        %dma_start3A_391 = tpu.memref_slice %arg3[%multiple_of3A_389] : memref<320000xi32, #tpu.memory_space<hbm>> -> memref<80xi32, #tpu.memory_space<hbm>>
        tpu.enqueue_dma source(%dma_start3A_391 : memref<80xi32, #tpu.memory_space<hbm>>) target(%arg8 : memref<80xi32, #tpu.memory_space<vmem>>) target_semaphore(%arg24 : memref<!tpu.dma_semaphore, #tpu.memory_space<semaphore_mem>>)
      } else {
      }
      %dma_wait3A_318 = arith.constant 0 : i32
      %dma_wait3A_319 = arith.constant 0 : i32
      %dma_wait3A_320 = tpu.memref_slice %arg2[%dma_wait3A_318, %dma_wait3A_319] : memref<10000x128xf32, #tpu.memory_space<hbm>> -> memref<10000x128xf32, #tpu.memory_space<hbm>>
      tpu.wait_indirect_dma semaphore(%arg28 : memref<!tpu.dma_semaphore, #tpu.memory_space<semaphore_mem>>) src(%dma_wait3A_320 : memref<10000x128xf32, #tpu.memory_space<hbm>>) dst(%arg20 : memref<80x128xf32, #tpu.memory_space<vmem>>)
      %dma_start3A_321 = arith.constant 0 : i32
      %dma_start3A_322 = arith.constant 0 : i32
      %dma_start3A_323 = tpu.memref_slice %arg6[%dma_start3A_321, %dma_start3A_322] : memref<10000x128xf32, #tpu.memory_space<vmem_shared>> -> memref<10000x128xf32, #tpu.memory_space<vmem_shared>>
      tpu.enqueue_indirect_dma source(%arg20 : memref<80x128xf32, #tpu.memory_space<vmem>>) target(%dma_start3A_323 : memref<10000x128xf32, #tpu.memory_space<vmem_shared>>) offsets(%arg16 : memref<80xi32, #tpu.memory_space<vmem>>) semaphore(%arg32 : memref<!tpu.dma_semaphore, #tpu.memory_space<semaphore_mem>>) {add = true}
      %mul3A_324 = arith.constant 4 : i32
      %mul3A_325 = arith.muli %mul3A_324, %scan3A_267 : i32
      %add3A_326 = arith.constant 2 : i32
      %add3A_327 = arith.addi %mul3A_325, %add3A_326 : i32
      %ge3A_328 = arith.constant 2 : i32
      %ge3A_329 = arith.cmpi sge, %add3A_327, %ge3A_328 : i32
      %convert_element_type3A_330 = arith.extui %ge3A_329 : i1 to i32
      %cond3A_331 = arith.constant 0 : i32
      %cond3A_332 = arith.cmpi ne, %convert_element_type3A_330, %cond3A_331 : i32
      scf.if %cond3A_332 {
        %dma_wait3A_382 = arith.constant 0 : i32
        %dma_wait3A_383 = arith.constant 0 : i32
        %dma_wait3A_384 = tpu.memref_slice %arg6[%dma_wait3A_382, %dma_wait3A_383] : memref<10000x128xf32, #tpu.memory_space<vmem_shared>> -> memref<80x128xf32, #tpu.memory_space<vmem_shared>>
        %dma_wait3A_385 = arith.constant 0 : i32
        %dma_wait3A_386 = arith.constant 0 : i32
        %dma_wait3A_387 = tpu.memref_slice %arg6[%dma_wait3A_385, %dma_wait3A_386] : memref<10000x128xf32, #tpu.memory_space<vmem_shared>> -> memref<80x128xf32, #tpu.memory_space<vmem_shared>>
        tpu.wait_dma2 semaphore(%arg31 : memref<!tpu.dma_semaphore, #tpu.memory_space<semaphore_mem>>) src(%arg19 : memref<80x128xf32, #tpu.memory_space<vmem>>) dst(%dma_wait3A_387 : memref<80x128xf32, #tpu.memory_space<vmem_shared>>)
      } else {
      }
      %add3A_333 = arith.constant 2 : i32
      %add3A_334 = arith.addi %add3A_327, %add3A_333 : i32
      %lt3A_335 = arith.constant 125 : i32
      %lt3A_336 = arith.cmpi slt, %add3A_334, %lt3A_335 : i32
      %convert_element_type3A_337 = arith.extui %lt3A_336 : i1 to i32
      %cond3A_338 = arith.constant 0 : i32
      %cond3A_339 = arith.cmpi ne, %convert_element_type3A_337, %cond3A_338 : i32
      scf.if %cond3A_339 {
        %add3A_382 = arith.constant 2 : i32
        %add3A_383 = arith.addi %add3A_327, %add3A_382 : i32
        %mul3A_384 = arith.constant 10000 : i32
        %mul3A_385 = arith.muli %add3A, %mul3A_384 : i32
        %mul3A_386 = arith.constant 80 : i32
        %mul3A_387 = arith.muli %add3A_383, %mul3A_386 : i32
        %add3A_388 = arith.addi %mul3A_385, %mul3A_387 : i32
        %multiple_of3A_389 = tpu.assume_multiple %add3A_388, 8 : i32
        %dma_wait3A_390 = tpu.memref_slice %arg3[%multiple_of3A_389] : memref<320000xi32, #tpu.memory_space<hbm>> -> memref<80xi32, #tpu.memory_space<hbm>>
        %dma_wait3A_391 = tpu.memref_slice %arg3[%multiple_of3A_389] : memref<320000xi32, #tpu.memory_space<hbm>> -> memref<80xi32, #tpu.memory_space<hbm>>
        tpu.wait_dma2 semaphore(%arg23 : memref<!tpu.dma_semaphore, #tpu.memory_space<semaphore_mem>>) src(%dma_wait3A_391 : memref<80xi32, #tpu.memory_space<hbm>>) dst(%arg7 : memref<80xi32, #tpu.memory_space<vmem>>)
        %get3A_392 = arith.constant 0 : index
        %get3A_393 = tpu.vector_load %arg7[%get3A_392] {strides = array<i32>} : memref<80xi32, #tpu.memory_space<vmem>>, vector<16xi32>,
        %get3A_394 = vector.shape_cast %get3A_393 : vector<16xi32> to vector<16xi32>
        %and3A_395 = arith.constant 16383 : i32
        %and3A_396 = vector.broadcast %and3A_395 : i32 to vector<16xi32>
        %and3A_397 = arith.andi %get3A_394, %and3A_396 : vector<16xi32>
        %swap3A_398 = arith.constant 0 : index
        %swap3A_399 = tpu.vector_load %arg11[%swap3A_398] {strides = array<i32>} : memref<80xi32, #tpu.memory_space<vmem>>, vector<16xi32>,
        %swap3A_400 = vector.shape_cast %swap3A_399 : vector<16xi32> to vector<16xi32>
        %swap3A_401 = vector.shape_cast %and3A_397 : vector<16xi32> to vector<16xi32>
        tpu.vector_store %arg11[%swap3A_398], %swap3A_401 {strides = array<i32>} : memref<80xi32, #tpu.memory_space<vmem>>, vector<16xi32>,
        %shift_right_arithmetic3A_402 = arith.constant 14 : i32
        %shift_right_arithmetic3A_403 = vector.broadcast %shift_right_arithmetic3A_402 : i32 to vector<16xi32>
        %shift_right_arithmetic3A_404 = arith.shrsi %get3A_394, %shift_right_arithmetic3A_403 : vector<16xi32>
        %swap3A_405 = arith.constant 0 : index
        %swap3A_406 = tpu.vector_load %arg15[%swap3A_405] {strides = array<i32>} : memref<80xi32, #tpu.memory_space<vmem>>, vector<16xi32>,
        %swap3A_407 = vector.shape_cast %swap3A_406 : vector<16xi32> to vector<16xi32>
        %swap3A_408 = vector.shape_cast %shift_right_arithmetic3A_404 : vector<16xi32> to vector<16xi32>
        tpu.vector_store %arg15[%swap3A_405], %swap3A_408 {strides = array<i32>} : memref<80xi32, #tpu.memory_space<vmem>>, vector<16xi32>,
        %get3A_409 = arith.constant 16 : index
        %get3A_410 = tpu.vector_load %arg7[%get3A_409] {strides = array<i32>} : memref<80xi32, #tpu.memory_space<vmem>>, vector<16xi32>,
        %get3A_411 = vector.shape_cast %get3A_410 : vector<16xi32> to vector<16xi32>
        %and3A_412 = arith.constant 16383 : i32
        %and3A_413 = vector.broadcast %and3A_412 : i32 to vector<16xi32>
        %and3A_414 = arith.andi %get3A_411, %and3A_413 : vector<16xi32>
        %swap3A_415 = arith.constant 16 : index
        %swap3A_416 = tpu.vector_load %arg11[%swap3A_415] {strides = array<i32>} : memref<80xi32, #tpu.memory_space<vmem>>, vector<16xi32>,
        %swap3A_417 = vector.shape_cast %swap3A_416 : vector<16xi32> to vector<16xi32>
        %swap3A_418 = vector.shape_cast %and3A_414 : vector<16xi32> to vector<16xi32>
        tpu.vector_store %arg11[%swap3A_415], %swap3A_418 {strides = array<i32>} : memref<80xi32, #tpu.memory_space<vmem>>, vector<16xi32>,
        %shift_right_arithmetic3A_419 = arith.constant 14 : i32
        %shift_right_arithmetic3A_420 = vector.broadcast %shift_right_arithmetic3A_419 : i32 to vector<16xi32>
        %shift_right_arithmetic3A_421 = arith.shrsi %get3A_411, %shift_right_arithmetic3A_420 : vector<16xi32>
        %swap3A_422 = arith.constant 16 : index
        %swap3A_423 = tpu.vector_load %arg15[%swap3A_422] {strides = array<i32>} : memref<80xi32, #tpu.memory_space<vmem>>, vector<16xi32>,
        %swap3A_424 = vector.shape_cast %swap3A_423 : vector<16xi32> to vector<16xi32>
        %swap3A_425 = vector.shape_cast %shift_right_arithmetic3A_421 : vector<16xi32> to vector<16xi32>
        tpu.vector_store %arg15[%swap3A_422], %swap3A_425 {strides = array<i32>} : memref<80xi32, #tpu.memory_space<vmem>>, vector<16xi32>,
        %get3A_426 = arith.constant 32 : index
        %get3A_427 = tpu.vector_load %arg7[%get3A_426] {strides = array<i32>} : memref<80xi32, #tpu.memory_space<vmem>>, vector<16xi32>,
        %get3A_428 = vector.shape_cast %get3A_427 : vector<16xi32> to vector<16xi32>
        %and3A_429 = arith.constant 16383 : i32
        %and3A_430 = vector.broadcast %and3A_429 : i32 to vector<16xi32>
        %and3A_431 = arith.andi %get3A_428, %and3A_430 : vector<16xi32>
        %swap3A_432 = arith.constant 32 : index
        %swap3A_433 = tpu.vector_load %arg11[%swap3A_432] {strides = array<i32>} : memref<80xi32, #tpu.memory_space<vmem>>, vector<16xi32>,
        %swap3A_434 = vector.shape_cast %swap3A_433 : vector<16xi32> to vector<16xi32>
        %swap3A_435 = vector.shape_cast %and3A_431 : vector<16xi32> to vector<16xi32>
        tpu.vector_store %arg11[%swap3A_432], %swap3A_435 {strides = array<i32>} : memref<80xi32, #tpu.memory_space<vmem>>, vector<16xi32>,
        %shift_right_arithmetic3A_436 = arith.constant 14 : i32
        %shift_right_arithmetic3A_437 = vector.broadcast %shift_right_arithmetic3A_436 : i32 to vector<16xi32>
        %shift_right_arithmetic3A_438 = arith.shrsi %get3A_428, %shift_right_arithmetic3A_437 : vector<16xi32>
        %swap3A_439 = arith.constant 32 : index
        %swap3A_440 = tpu.vector_load %arg15[%swap3A_439] {strides = array<i32>} : memref<80xi32, #tpu.memory_space<vmem>>, vector<16xi32>,
        %swap3A_441 = vector.shape_cast %swap3A_440 : vector<16xi32> to vector<16xi32>
        %swap3A_442 = vector.shape_cast %shift_right_arithmetic3A_438 : vector<16xi32> to vector<16xi32>
        tpu.vector_store %arg15[%swap3A_439], %swap3A_442 {strides = array<i32>} : memref<80xi32, #tpu.memory_space<vmem>>, vector<16xi32>,
        %get3A_443 = arith.constant 48 : index
        %get3A_444 = tpu.vector_load %arg7[%get3A_443] {strides = array<i32>} : memref<80xi32, #tpu.memory_space<vmem>>, vector<16xi32>,
        %get3A_445 = vector.shape_cast %get3A_444 : vector<16xi32> to vector<16xi32>
        %and3A_446 = arith.constant 16383 : i32
        %and3A_447 = vector.broadcast %and3A_446 : i32 to vector<16xi32>
        %and3A_448 = arith.andi %get3A_445, %and3A_447 : vector<16xi32>
        %swap3A_449 = arith.constant 48 : index
        %swap3A_450 = tpu.vector_load %arg11[%swap3A_449] {strides = array<i32>} : memref<80xi32, #tpu.memory_space<vmem>>, vector<16xi32>,
        %swap3A_451 = vector.shape_cast %swap3A_450 : vector<16xi32> to vector<16xi32>
        %swap3A_452 = vector.shape_cast %and3A_448 : vector<16xi32> to vector<16xi32>
        tpu.vector_store %arg11[%swap3A_449], %swap3A_452 {strides = array<i32>} : memref<80xi32, #tpu.memory_space<vmem>>, vector<16xi32>,
        %shift_right_arithmetic3A_453 = arith.constant 14 : i32
        %shift_right_arithmetic3A_454 = vector.broadcast %shift_right_arithmetic3A_453 : i32 to vector<16xi32>
        %shift_right_arithmetic3A_455 = arith.shrsi %get3A_445, %shift_right_arithmetic3A_454 : vector<16xi32>
        %swap3A_456 = arith.constant 48 : index
        %swap3A_457 = tpu.vector_load %arg15[%swap3A_456] {strides = array<i32>} : memref<80xi32, #tpu.memory_space<vmem>>, vector<16xi32>,
        %swap3A_458 = vector.shape_cast %swap3A_457 : vector<16xi32> to vector<16xi32>
        %swap3A_459 = vector.shape_cast %shift_right_arithmetic3A_455 : vector<16xi32> to vector<16xi32>
        tpu.vector_store %arg15[%swap3A_456], %swap3A_459 {strides = array<i32>} : memref<80xi32, #tpu.memory_space<vmem>>, vector<16xi32>,
        %get3A_460 = arith.constant 64 : index
        %get3A_461 = tpu.vector_load %arg7[%get3A_460] {strides = array<i32>} : memref<80xi32, #tpu.memory_space<vmem>>, vector<16xi32>,
        %get3A_462 = vector.shape_cast %get3A_461 : vector<16xi32> to vector<16xi32>
        %and3A_463 = arith.constant 16383 : i32
        %and3A_464 = vector.broadcast %and3A_463 : i32 to vector<16xi32>
        %and3A_465 = arith.andi %get3A_462, %and3A_464 : vector<16xi32>
        %swap3A_466 = arith.constant 64 : index
        %swap3A_467 = tpu.vector_load %arg11[%swap3A_466] {strides = array<i32>} : memref<80xi32, #tpu.memory_space<vmem>>, vector<16xi32>,
        %swap3A_468 = vector.shape_cast %swap3A_467 : vector<16xi32> to vector<16xi32>
        %swap3A_469 = vector.shape_cast %and3A_465 : vector<16xi32> to vector<16xi32>
        tpu.vector_store %arg11[%swap3A_466], %swap3A_469 {strides = array<i32>} : memref<80xi32, #tpu.memory_space<vmem>>, vector<16xi32>,
        %shift_right_arithmetic3A_470 = arith.constant 14 : i32
        %shift_right_arithmetic3A_471 = vector.broadcast %shift_right_arithmetic3A_470 : i32 to vector<16xi32>
        %shift_right_arithmetic3A_472 = arith.shrsi %get3A_462, %shift_right_arithmetic3A_471 : vector<16xi32>
        %swap3A_473 = arith.constant 64 : index
        %swap3A_474 = tpu.vector_load %arg15[%swap3A_473] {strides = array<i32>} : memref<80xi32, #tpu.memory_space<vmem>>, vector<16xi32>,
        %swap3A_475 = vector.shape_cast %swap3A_474 : vector<16xi32> to vector<16xi32>
        %swap3A_476 = vector.shape_cast %shift_right_arithmetic3A_472 : vector<16xi32> to vector<16xi32>
        tpu.vector_store %arg15[%swap3A_473], %swap3A_476 {strides = array<i32>} : memref<80xi32, #tpu.memory_space<vmem>>, vector<16xi32>,
        %dma_start3A_477 = arith.constant 0 : i32
        %dma_start3A_478 = arith.constant 0 : i32
        %dma_start3A_479 = tpu.memref_slice %arg2[%dma_start3A_477, %dma_start3A_478] : memref<10000x128xf32, #tpu.memory_space<hbm>> -> memref<10000x128xf32, #tpu.memory_space<hbm>>
        tpu.enqueue_indirect_dma source(%dma_start3A_479 : memref<10000x128xf32, #tpu.memory_space<hbm>>) target(%arg19 : memref<80x128xf32, #tpu.memory_space<vmem>>) offsets(%arg11 : memref<80xi32, #tpu.memory_space<vmem>>) semaphore(%arg27 : memref<!tpu.dma_semaphore, #tpu.memory_space<semaphore_mem>>)
      } else {
      }
      %add3A_340 = arith.constant 4 : i32
      %add3A_341 = arith.addi %add3A_327, %add3A_340 : i32
      %lt3A_342 = arith.constant 125 : i32
      %lt3A_343 = arith.cmpi slt, %add3A_341, %lt3A_342 : i32
      %convert_element_type3A_344 = arith.extui %lt3A_343 : i1 to i32
      %cond3A_345 = arith.constant 0 : i32
      %cond3A_346 = arith.cmpi ne, %convert_element_type3A_344, %cond3A_345 : i32
      scf.if %cond3A_346 {
        %add3A_382 = arith.constant 4 : i32
        %add3A_383 = arith.addi %add3A_327, %add3A_382 : i32
        %mul3A_384 = arith.constant 10000 : i32
        %mul3A_385 = arith.muli %add3A, %mul3A_384 : i32
        %mul3A_386 = arith.constant 80 : i32
        %mul3A_387 = arith.muli %add3A_383, %mul3A_386 : i32
        %add3A_388 = arith.addi %mul3A_385, %mul3A_387 : i32
        %multiple_of3A_389 = tpu.assume_multiple %add3A_388, 8 : i32
        %dma_start3A_390 = tpu.memref_slice %arg3[%multiple_of3A_389] : memref<320000xi32, #tpu.memory_space<hbm>> -> memref<80xi32, #tpu.memory_space<hbm>>
        %dma_start3A_391 = tpu.memref_slice %arg3[%multiple_of3A_389] : memref<320000xi32, #tpu.memory_space<hbm>> -> memref<80xi32, #tpu.memory_space<hbm>>
        tpu.enqueue_dma source(%dma_start3A_391 : memref<80xi32, #tpu.memory_space<hbm>>) target(%arg9 : memref<80xi32, #tpu.memory_space<vmem>>) target_semaphore(%arg25 : memref<!tpu.dma_semaphore, #tpu.memory_space<semaphore_mem>>)
      } else {
      }
      %dma_wait3A_347 = arith.constant 0 : i32
      %dma_wait3A_348 = arith.constant 0 : i32
      %dma_wait3A_349 = tpu.memref_slice %arg2[%dma_wait3A_347, %dma_wait3A_348] : memref<10000x128xf32, #tpu.memory_space<hbm>> -> memref<10000x128xf32, #tpu.memory_space<hbm>>
      tpu.wait_indirect_dma semaphore(%arg29 : memref<!tpu.dma_semaphore, #tpu.memory_space<semaphore_mem>>) src(%dma_wait3A_349 : memref<10000x128xf32, #tpu.memory_space<hbm>>) dst(%arg21 : memref<80x128xf32, #tpu.memory_space<vmem>>)
      %dma_start3A_350 = arith.constant 0 : i32
      %dma_start3A_351 = arith.constant 0 : i32
      %dma_start3A_352 = tpu.memref_slice %arg6[%dma_start3A_350, %dma_start3A_351] : memref<10000x128xf32, #tpu.memory_space<vmem_shared>> -> memref<10000x128xf32, #tpu.memory_space<vmem_shared>>
      tpu.enqueue_indirect_dma source(%arg21 : memref<80x128xf32, #tpu.memory_space<vmem>>) target(%dma_start3A_352 : memref<10000x128xf32, #tpu.memory_space<vmem_shared>>) offsets(%arg17 : memref<80xi32, #tpu.memory_space<vmem>>) semaphore(%arg33 : memref<!tpu.dma_semaphore, #tpu.memory_space<semaphore_mem>>) {add = true}
      %mul3A_353 = arith.constant 4 : i32
      %mul3A_354 = arith.muli %mul3A_353, %scan3A_267 : i32
      %add3A_355 = arith.constant 3 : i32
      %add3A_356 = arith.addi %mul3A_354, %add3A_355 : i32
      %ge3A_357 = arith.constant 2 : i32
      %ge3A_358 = arith.cmpi sge, %add3A_356, %ge3A_357 : i32
      %convert_element_type3A_359 = arith.extui %ge3A_358 : i1 to i32
      %cond3A_360 = arith.constant 0 : i32
      %cond3A_361 = arith.cmpi ne, %convert_element_type3A_359, %cond3A_360 : i32
      scf.if %cond3A_361 {
        %dma_wait3A_382 = arith.constant 0 : i32
        %dma_wait3A_383 = arith.constant 0 : i32
        %dma_wait3A_384 = tpu.memref_slice %arg6[%dma_wait3A_382, %dma_wait3A_383] : memref<10000x128xf32, #tpu.memory_space<vmem_shared>> -> memref<80x128xf32, #tpu.memory_space<vmem_shared>>
        %dma_wait3A_385 = arith.constant 0 : i32
        %dma_wait3A_386 = arith.constant 0 : i32
        %dma_wait3A_387 = tpu.memref_slice %arg6[%dma_wait3A_385, %dma_wait3A_386] : memref<10000x128xf32, #tpu.memory_space<vmem_shared>> -> memref<80x128xf32, #tpu.memory_space<vmem_shared>>
        tpu.wait_dma2 semaphore(%arg32 : memref<!tpu.dma_semaphore, #tpu.memory_space<semaphore_mem>>) src(%arg20 : memref<80x128xf32, #tpu.memory_space<vmem>>) dst(%dma_wait3A_387 : memref<80x128xf32, #tpu.memory_space<vmem_shared>>)
      } else {
      }
      %add3A_362 = arith.constant 2 : i32
      %add3A_363 = arith.addi %add3A_356, %add3A_362 : i32
      %lt3A_364 = arith.constant 125 : i32
      %lt3A_365 = arith.cmpi slt, %add3A_363, %lt3A_364 : i32
      %convert_element_type3A_366 = arith.extui %lt3A_365 : i1 to i32
      %cond3A_367 = arith.constant 0 : i32
      %cond3A_368 = arith.cmpi ne, %convert_element_type3A_366, %cond3A_367 : i32
      scf.if %cond3A_368 {
        %add3A_382 = arith.constant 2 : i32
        %add3A_383 = arith.addi %add3A_356, %add3A_382 : i32
        %mul3A_384 = arith.constant 10000 : i32
        %mul3A_385 = arith.muli %add3A, %mul3A_384 : i32
        %mul3A_386 = arith.constant 80 : i32
        %mul3A_387 = arith.muli %add3A_383, %mul3A_386 : i32
        %add3A_388 = arith.addi %mul3A_385, %mul3A_387 : i32
        %multiple_of3A_389 = tpu.assume_multiple %add3A_388, 8 : i32
        %dma_wait3A_390 = tpu.memref_slice %arg3[%multiple_of3A_389] : memref<320000xi32, #tpu.memory_space<hbm>> -> memref<80xi32, #tpu.memory_space<hbm>>
        %dma_wait3A_391 = tpu.memref_slice %arg3[%multiple_of3A_389] : memref<320000xi32, #tpu.memory_space<hbm>> -> memref<80xi32, #tpu.memory_space<hbm>>
        tpu.wait_dma2 semaphore(%arg24 : memref<!tpu.dma_semaphore, #tpu.memory_space<semaphore_mem>>) src(%dma_wait3A_391 : memref<80xi32, #tpu.memory_space<hbm>>) dst(%arg8 : memref<80xi32, #tpu.memory_space<vmem>>)
        %get3A_392 = arith.constant 0 : index
        %get3A_393 = tpu.vector_load %arg8[%get3A_392] {strides = array<i32>} : memref<80xi32, #tpu.memory_space<vmem>>, vector<16xi32>,
        %get3A_394 = vector.shape_cast %get3A_393 : vector<16xi32> to vector<16xi32>
        %and3A_395 = arith.constant 16383 : i32
        %and3A_396 = vector.broadcast %and3A_395 : i32 to vector<16xi32>
        %and3A_397 = arith.andi %get3A_394, %and3A_396 : vector<16xi32>
        %swap3A_398 = arith.constant 0 : index
        %swap3A_399 = tpu.vector_load %arg12[%swap3A_398] {strides = array<i32>} : memref<80xi32, #tpu.memory_space<vmem>>, vector<16xi32>,
        %swap3A_400 = vector.shape_cast %swap3A_399 : vector<16xi32> to vector<16xi32>
        %swap3A_401 = vector.shape_cast %and3A_397 : vector<16xi32> to vector<16xi32>
        tpu.vector_store %arg12[%swap3A_398], %swap3A_401 {strides = array<i32>} : memref<80xi32, #tpu.memory_space<vmem>>, vector<16xi32>,
        %shift_right_arithmetic3A_402 = arith.constant 14 : i32
        %shift_right_arithmetic3A_403 = vector.broadcast %shift_right_arithmetic3A_402 : i32 to vector<16xi32>
        %shift_right_arithmetic3A_404 = arith.shrsi %get3A_394, %shift_right_arithmetic3A_403 : vector<16xi32>
        %swap3A_405 = arith.constant 0 : index
        %swap3A_406 = tpu.vector_load %arg16[%swap3A_405] {strides = array<i32>} : memref<80xi32, #tpu.memory_space<vmem>>, vector<16xi32>,
        %swap3A_407 = vector.shape_cast %swap3A_406 : vector<16xi32> to vector<16xi32>
        %swap3A_408 = vector.shape_cast %shift_right_arithmetic3A_404 : vector<16xi32> to vector<16xi32>
        tpu.vector_store %arg16[%swap3A_405], %swap3A_408 {strides = array<i32>} : memref<80xi32, #tpu.memory_space<vmem>>, vector<16xi32>,
        %get3A_409 = arith.constant 16 : index
        %get3A_410 = tpu.vector_load %arg8[%get3A_409] {strides = array<i32>} : memref<80xi32, #tpu.memory_space<vmem>>, vector<16xi32>,
        %get3A_411 = vector.shape_cast %get3A_410 : vector<16xi32> to vector<16xi32>
        %and3A_412 = arith.constant 16383 : i32
        %and3A_413 = vector.broadcast %and3A_412 : i32 to vector<16xi32>
        %and3A_414 = arith.andi %get3A_411, %and3A_413 : vector<16xi32>
        %swap3A_415 = arith.constant 16 : index
        %swap3A_416 = tpu.vector_load %arg12[%swap3A_415] {strides = array<i32>} : memref<80xi32, #tpu.memory_space<vmem>>, vector<16xi32>,
        %swap3A_417 = vector.shape_cast %swap3A_416 : vector<16xi32> to vector<16xi32>
        %swap3A_418 = vector.shape_cast %and3A_414 : vector<16xi32> to vector<16xi32>
        tpu.vector_store %arg12[%swap3A_415], %swap3A_418 {strides = array<i32>} : memref<80xi32, #tpu.memory_space<vmem>>, vector<16xi32>,
        %shift_right_arithmetic3A_419 = arith.constant 14 : i32
        %shift_right_arithmetic3A_420 = vector.broadcast %shift_right_arithmetic3A_419 : i32 to vector<16xi32>
        %shift_right_arithmetic3A_421 = arith.shrsi %get3A_411, %shift_right_arithmetic3A_420 : vector<16xi32>
        %swap3A_422 = arith.constant 16 : index
        %swap3A_423 = tpu.vector_load %arg16[%swap3A_422] {strides = array<i32>} : memref<80xi32, #tpu.memory_space<vmem>>, vector<16xi32>,
        %swap3A_424 = vector.shape_cast %swap3A_423 : vector<16xi32> to vector<16xi32>
        %swap3A_425 = vector.shape_cast %shift_right_arithmetic3A_421 : vector<16xi32> to vector<16xi32>
        tpu.vector_store %arg16[%swap3A_422], %swap3A_425 {strides = array<i32>} : memref<80xi32, #tpu.memory_space<vmem>>, vector<16xi32>,
        %get3A_426 = arith.constant 32 : index
        %get3A_427 = tpu.vector_load %arg8[%get3A_426] {strides = array<i32>} : memref<80xi32, #tpu.memory_space<vmem>>, vector<16xi32>,
        %get3A_428 = vector.shape_cast %get3A_427 : vector<16xi32> to vector<16xi32>
        %and3A_429 = arith.constant 16383 : i32
        %and3A_430 = vector.broadcast %and3A_429 : i32 to vector<16xi32>
        %and3A_431 = arith.andi %get3A_428, %and3A_430 : vector<16xi32>
        %swap3A_432 = arith.constant 32 : index
        %swap3A_433 = tpu.vector_load %arg12[%swap3A_432] {strides = array<i32>} : memref<80xi32, #tpu.memory_space<vmem>>, vector<16xi32>,
        %swap3A_434 = vector.shape_cast %swap3A_433 : vector<16xi32> to vector<16xi32>
        %swap3A_435 = vector.shape_cast %and3A_431 : vector<16xi32> to vector<16xi32>
        tpu.vector_store %arg12[%swap3A_432], %swap3A_435 {strides = array<i32>} : memref<80xi32, #tpu.memory_space<vmem>>, vector<16xi32>,
        %shift_right_arithmetic3A_436 = arith.constant 14 : i32
        %shift_right_arithmetic3A_437 = vector.broadcast %shift_right_arithmetic3A_436 : i32 to vector<16xi32>
        %shift_right_arithmetic3A_438 = arith.shrsi %get3A_428, %shift_right_arithmetic3A_437 : vector<16xi32>
        %swap3A_439 = arith.constant 32 : index
        %swap3A_440 = tpu.vector_load %arg16[%swap3A_439] {strides = array<i32>} : memref<80xi32, #tpu.memory_space<vmem>>, vector<16xi32>,
        %swap3A_441 = vector.shape_cast %swap3A_440 : vector<16xi32> to vector<16xi32>
        %swap3A_442 = vector.shape_cast %shift_right_arithmetic3A_438 : vector<16xi32> to vector<16xi32>
        tpu.vector_store %arg16[%swap3A_439], %swap3A_442 {strides = array<i32>} : memref<80xi32, #tpu.memory_space<vmem>>, vector<16xi32>,
        %get3A_443 = arith.constant 48 : index
        %get3A_444 = tpu.vector_load %arg8[%get3A_443] {strides = array<i32>} : memref<80xi32, #tpu.memory_space<vmem>>, vector<16xi32>,
        %get3A_445 = vector.shape_cast %get3A_444 : vector<16xi32> to vector<16xi32>
        %and3A_446 = arith.constant 16383 : i32
        %and3A_447 = vector.broadcast %and3A_446 : i32 to vector<16xi32>
        %and3A_448 = arith.andi %get3A_445, %and3A_447 : vector<16xi32>
        %swap3A_449 = arith.constant 48 : index
        %swap3A_450 = tpu.vector_load %arg12[%swap3A_449] {strides = array<i32>} : memref<80xi32, #tpu.memory_space<vmem>>, vector<16xi32>,
        %swap3A_451 = vector.shape_cast %swap3A_450 : vector<16xi32> to vector<16xi32>
        %swap3A_452 = vector.shape_cast %and3A_448 : vector<16xi32> to vector<16xi32>
        tpu.vector_store %arg12[%swap3A_449], %swap3A_452 {strides = array<i32>} : memref<80xi32, #tpu.memory_space<vmem>>, vector<16xi32>,
        %shift_right_arithmetic3A_453 = arith.constant 14 : i32
        %shift_right_arithmetic3A_454 = vector.broadcast %shift_right_arithmetic3A_453 : i32 to vector<16xi32>
        %shift_right_arithmetic3A_455 = arith.shrsi %get3A_445, %shift_right_arithmetic3A_454 : vector<16xi32>
        %swap3A_456 = arith.constant 48 : index
        %swap3A_457 = tpu.vector_load %arg16[%swap3A_456] {strides = array<i32>} : memref<80xi32, #tpu.memory_space<vmem>>, vector<16xi32>,
        %swap3A_458 = vector.shape_cast %swap3A_457 : vector<16xi32> to vector<16xi32>
        %swap3A_459 = vector.shape_cast %shift_right_arithmetic3A_455 : vector<16xi32> to vector<16xi32>
        tpu.vector_store %arg16[%swap3A_456], %swap3A_459 {strides = array<i32>} : memref<80xi32, #tpu.memory_space<vmem>>, vector<16xi32>,
        %get3A_460 = arith.constant 64 : index
        %get3A_461 = tpu.vector_load %arg8[%get3A_460] {strides = array<i32>} : memref<80xi32, #tpu.memory_space<vmem>>, vector<16xi32>,
        %get3A_462 = vector.shape_cast %get3A_461 : vector<16xi32> to vector<16xi32>
        %and3A_463 = arith.constant 16383 : i32
        %and3A_464 = vector.broadcast %and3A_463 : i32 to vector<16xi32>
        %and3A_465 = arith.andi %get3A_462, %and3A_464 : vector<16xi32>
        %swap3A_466 = arith.constant 64 : index
        %swap3A_467 = tpu.vector_load %arg12[%swap3A_466] {strides = array<i32>} : memref<80xi32, #tpu.memory_space<vmem>>, vector<16xi32>,
        %swap3A_468 = vector.shape_cast %swap3A_467 : vector<16xi32> to vector<16xi32>
        %swap3A_469 = vector.shape_cast %and3A_465 : vector<16xi32> to vector<16xi32>
        tpu.vector_store %arg12[%swap3A_466], %swap3A_469 {strides = array<i32>} : memref<80xi32, #tpu.memory_space<vmem>>, vector<16xi32>,
        %shift_right_arithmetic3A_470 = arith.constant 14 : i32
        %shift_right_arithmetic3A_471 = vector.broadcast %shift_right_arithmetic3A_470 : i32 to vector<16xi32>
        %shift_right_arithmetic3A_472 = arith.shrsi %get3A_462, %shift_right_arithmetic3A_471 : vector<16xi32>
        %swap3A_473 = arith.constant 64 : index
        %swap3A_474 = tpu.vector_load %arg16[%swap3A_473] {strides = array<i32>} : memref<80xi32, #tpu.memory_space<vmem>>, vector<16xi32>,
        %swap3A_475 = vector.shape_cast %swap3A_474 : vector<16xi32> to vector<16xi32>
        %swap3A_476 = vector.shape_cast %shift_right_arithmetic3A_472 : vector<16xi32> to vector<16xi32>
        tpu.vector_store %arg16[%swap3A_473], %swap3A_476 {strides = array<i32>} : memref<80xi32, #tpu.memory_space<vmem>>, vector<16xi32>,
        %dma_start3A_477 = arith.constant 0 : i32
        %dma_start3A_478 = arith.constant 0 : i32
        %dma_start3A_479 = tpu.memref_slice %arg2[%dma_start3A_477, %dma_start3A_478] : memref<10000x128xf32, #tpu.memory_space<hbm>> -> memref<10000x128xf32, #tpu.memory_space<hbm>>
        tpu.enqueue_indirect_dma source(%dma_start3A_479 : memref<10000x128xf32, #tpu.memory_space<hbm>>) target(%arg20 : memref<80x128xf32, #tpu.memory_space<vmem>>) offsets(%arg12 : memref<80xi32, #tpu.memory_space<vmem>>) semaphore(%arg28 : memref<!tpu.dma_semaphore, #tpu.memory_space<semaphore_mem>>)
      } else {
      }
      %add3A_369 = arith.constant 4 : i32
      %add3A_370 = arith.addi %add3A_356, %add3A_369 : i32
      %lt3A_371 = arith.constant 125 : i32
      %lt3A_372 = arith.cmpi slt, %add3A_370, %lt3A_371 : i32
      %convert_element_type3A_373 = arith.extui %lt3A_372 : i1 to i32
      %cond3A_374 = arith.constant 0 : i32
      %cond3A_375 = arith.cmpi ne, %convert_element_type3A_373, %cond3A_374 : i32
      scf.if %cond3A_375 {
        %add3A_382 = arith.constant 4 : i32
        %add3A_383 = arith.addi %add3A_356, %add3A_382 : i32
        %mul3A_384 = arith.constant 10000 : i32
        %mul3A_385 = arith.muli %add3A, %mul3A_384 : i32
        %mul3A_386 = arith.constant 80 : i32
        %mul3A_387 = arith.muli %add3A_383, %mul3A_386 : i32
        %add3A_388 = arith.addi %mul3A_385, %mul3A_387 : i32
        %multiple_of3A_389 = tpu.assume_multiple %add3A_388, 8 : i32
        %dma_start3A_390 = tpu.memref_slice %arg3[%multiple_of3A_389] : memref<320000xi32, #tpu.memory_space<hbm>> -> memref<80xi32, #tpu.memory_space<hbm>>
        %dma_start3A_391 = tpu.memref_slice %arg3[%multiple_of3A_389] : memref<320000xi32, #tpu.memory_space<hbm>> -> memref<80xi32, #tpu.memory_space<hbm>>
        tpu.enqueue_dma source(%dma_start3A_391 : memref<80xi32, #tpu.memory_space<hbm>>) target(%arg10 : memref<80xi32, #tpu.memory_space<vmem>>) target_semaphore(%arg26 : memref<!tpu.dma_semaphore, #tpu.memory_space<semaphore_mem>>)
      } else {
      }
      %dma_wait3A_376 = arith.constant 0 : i32
      %dma_wait3A_377 = arith.constant 0 : i32
      %dma_wait3A_378 = tpu.memref_slice %arg2[%dma_wait3A_376, %dma_wait3A_377] : memref<10000x128xf32, #tpu.memory_space<hbm>> -> memref<10000x128xf32, #tpu.memory_space<hbm>>
      tpu.wait_indirect_dma semaphore(%arg30 : memref<!tpu.dma_semaphore, #tpu.memory_space<semaphore_mem>>) src(%dma_wait3A_378 : memref<10000x128xf32, #tpu.memory_space<hbm>>) dst(%arg22 : memref<80x128xf32, #tpu.memory_space<vmem>>)
      %dma_start3A_379 = arith.constant 0 : i32
      %dma_start3A_380 = arith.constant 0 : i32
      %dma_start3A_381 = tpu.memref_slice %arg6[%dma_start3A_379, %dma_start3A_380] : memref<10000x128xf32, #tpu.memory_space<vmem_shared>> -> memref<10000x128xf32, #tpu.memory_space<vmem_shared>>
      tpu.enqueue_indirect_dma source(%arg22 : memref<80x128xf32, #tpu.memory_space<vmem>>) target(%dma_start3A_381 : memref<10000x128xf32, #tpu.memory_space<vmem_shared>>) offsets(%arg18 : memref<80xi32, #tpu.memory_space<vmem>>) semaphore(%arg34 : memref<!tpu.dma_semaphore, #tpu.memory_space<semaphore_mem>>) {add = true}
    }
    %scan3A_220 = arith.constant 31 : i32
    %ge3A = arith.constant 124 : i32
    %ge3A_221 = arith.constant 2 : i32
    %ge3A_222 = arith.cmpi sge, %ge3A, %ge3A_221 : i32
    %convert_element_type3A_223 = arith.extui %ge3A_222 : i1 to i32
    %cond3A_224 = arith.constant 0 : i32
    %cond3A_225 = arith.cmpi ne, %convert_element_type3A_223, %cond3A_224 : i32
    scf.if %cond3A_225 {
      %dma_wait3A_267 = arith.constant 0 : i32
      %dma_wait3A_268 = arith.constant 0 : i32
      %dma_wait3A_269 = tpu.memref_slice %arg6[%dma_wait3A_267, %dma_wait3A_268] : memref<10000x128xf32, #tpu.memory_space<vmem_shared>> -> memref<80x128xf32, #tpu.memory_space<vmem_shared>>
      %dma_wait3A_270 = arith.constant 0 : i32
      %dma_wait3A_271 = arith.constant 0 : i32
      %dma_wait3A_272 = tpu.memref_slice %arg6[%dma_wait3A_270, %dma_wait3A_271] : memref<10000x128xf32, #tpu.memory_space<vmem_shared>> -> memref<80x128xf32, #tpu.memory_space<vmem_shared>>
      tpu.wait_dma2 semaphore(%arg33 : memref<!tpu.dma_semaphore, #tpu.memory_space<semaphore_mem>>) src(%arg21 : memref<80x128xf32, #tpu.memory_space<vmem>>) dst(%dma_wait3A_272 : memref<80x128xf32, #tpu.memory_space<vmem_shared>>)
    } else {
    }
    %add3A_226 = arith.constant 124 : i32
    %add3A_227 = arith.constant 2 : i32
    %add3A_228 = arith.addi %add3A_226, %add3A_227 : i32
    %lt3A = arith.constant 125 : i32
    %lt3A_229 = arith.cmpi slt, %add3A_228, %lt3A : i32
    %convert_element_type3A_230 = arith.extui %lt3A_229 : i1 to i32
    %cond3A_231 = arith.constant 124 : i32
    %cond3A_232 = arith.constant 0 : i32
    %cond3A_233 = arith.cmpi ne, %convert_element_type3A_230, %cond3A_232 : i32
    scf.if %cond3A_233 {
      %add3A_267 = arith.constant 2 : i32
      %add3A_268 = arith.addi %cond3A_231, %add3A_267 : i32
      %mul3A_269 = arith.constant 10000 : i32
      %mul3A_270 = arith.muli %add3A, %mul3A_269 : i32
      %mul3A_271 = arith.constant 80 : i32
      %mul3A_272 = arith.muli %add3A_268, %mul3A_271 : i32
      %add3A_273 = arith.addi %mul3A_270, %mul3A_272 : i32
      %multiple_of3A_274 = tpu.assume_multiple %add3A_273, 8 : i32
      %dma_wait3A_275 = tpu.memref_slice %arg3[%multiple_of3A_274] : memref<320000xi32, #tpu.memory_space<hbm>> -> memref<80xi32, #tpu.memory_space<hbm>>
      %dma_wait3A_276 = tpu.memref_slice %arg3[%multiple_of3A_274] : memref<320000xi32, #tpu.memory_space<hbm>> -> memref<80xi32, #tpu.memory_space<hbm>>
      tpu.wait_dma2 semaphore(%arg25 : memref<!tpu.dma_semaphore, #tpu.memory_space<semaphore_mem>>) src(%dma_wait3A_276 : memref<80xi32, #tpu.memory_space<hbm>>) dst(%arg9 : memref<80xi32, #tpu.memory_space<vmem>>)
      %get3A_277 = arith.constant 0 : index
      %get3A_278 = tpu.vector_load %arg9[%get3A_277] {strides = array<i32>} : memref<80xi32, #tpu.memory_space<vmem>>, vector<16xi32>,
      %get3A_279 = vector.shape_cast %get3A_278 : vector<16xi32> to vector<16xi32>
      %and3A_280 = arith.constant 16383 : i32
      %and3A_281 = vector.broadcast %and3A_280 : i32 to vector<16xi32>
      %and3A_282 = arith.andi %get3A_279, %and3A_281 : vector<16xi32>
      %swap3A_283 = arith.constant 0 : index
      %swap3A_284 = tpu.vector_load %arg13[%swap3A_283] {strides = array<i32>} : memref<80xi32, #tpu.memory_space<vmem>>, vector<16xi32>,
      %swap3A_285 = vector.shape_cast %swap3A_284 : vector<16xi32> to vector<16xi32>
      %swap3A_286 = vector.shape_cast %and3A_282 : vector<16xi32> to vector<16xi32>
      tpu.vector_store %arg13[%swap3A_283], %swap3A_286 {strides = array<i32>} : memref<80xi32, #tpu.memory_space<vmem>>, vector<16xi32>,
      %shift_right_arithmetic3A_287 = arith.constant 14 : i32
      %shift_right_arithmetic3A_288 = vector.broadcast %shift_right_arithmetic3A_287 : i32 to vector<16xi32>
      %shift_right_arithmetic3A_289 = arith.shrsi %get3A_279, %shift_right_arithmetic3A_288 : vector<16xi32>
      %swap3A_290 = arith.constant 0 : index
      %swap3A_291 = tpu.vector_load %arg17[%swap3A_290] {strides = array<i32>} : memref<80xi32, #tpu.memory_space<vmem>>, vector<16xi32>,
      %swap3A_292 = vector.shape_cast %swap3A_291 : vector<16xi32> to vector<16xi32>
      %swap3A_293 = vector.shape_cast %shift_right_arithmetic3A_289 : vector<16xi32> to vector<16xi32>
      tpu.vector_store %arg17[%swap3A_290], %swap3A_293 {strides = array<i32>} : memref<80xi32, #tpu.memory_space<vmem>>, vector<16xi32>,
      %get3A_294 = arith.constant 16 : index
      %get3A_295 = tpu.vector_load %arg9[%get3A_294] {strides = array<i32>} : memref<80xi32, #tpu.memory_space<vmem>>, vector<16xi32>,
      %get3A_296 = vector.shape_cast %get3A_295 : vector<16xi32> to vector<16xi32>
      %and3A_297 = arith.constant 16383 : i32
      %and3A_298 = vector.broadcast %and3A_297 : i32 to vector<16xi32>
      %and3A_299 = arith.andi %get3A_296, %and3A_298 : vector<16xi32>
      %swap3A_300 = arith.constant 16 : index
      %swap3A_301 = tpu.vector_load %arg13[%swap3A_300] {strides = array<i32>} : memref<80xi32, #tpu.memory_space<vmem>>, vector<16xi32>,
      %swap3A_302 = vector.shape_cast %swap3A_301 : vector<16xi32> to vector<16xi32>
      %swap3A_303 = vector.shape_cast %and3A_299 : vector<16xi32> to vector<16xi32>
      tpu.vector_store %arg13[%swap3A_300], %swap3A_303 {strides = array<i32>} : memref<80xi32, #tpu.memory_space<vmem>>, vector<16xi32>,
      %shift_right_arithmetic3A_304 = arith.constant 14 : i32
      %shift_right_arithmetic3A_305 = vector.broadcast %shift_right_arithmetic3A_304 : i32 to vector<16xi32>
      %shift_right_arithmetic3A_306 = arith.shrsi %get3A_296, %shift_right_arithmetic3A_305 : vector<16xi32>
      %swap3A_307 = arith.constant 16 : index
      %swap3A_308 = tpu.vector_load %arg17[%swap3A_307] {strides = array<i32>} : memref<80xi32, #tpu.memory_space<vmem>>, vector<16xi32>,
      %swap3A_309 = vector.shape_cast %swap3A_308 : vector<16xi32> to vector<16xi32>
      %swap3A_310 = vector.shape_cast %shift_right_arithmetic3A_306 : vector<16xi32> to vector<16xi32>
      tpu.vector_store %arg17[%swap3A_307], %swap3A_310 {strides = array<i32>} : memref<80xi32, #tpu.memory_space<vmem>>, vector<16xi32>,
      %get3A_311 = arith.constant 32 : index
      %get3A_312 = tpu.vector_load %arg9[%get3A_311] {strides = array<i32>} : memref<80xi32, #tpu.memory_space<vmem>>, vector<16xi32>,
      %get3A_313 = vector.shape_cast %get3A_312 : vector<16xi32> to vector<16xi32>
      %and3A_314 = arith.constant 16383 : i32
      %and3A_315 = vector.broadcast %and3A_314 : i32 to vector<16xi32>
      %and3A_316 = arith.andi %get3A_313, %and3A_315 : vector<16xi32>
      %swap3A_317 = arith.constant 32 : index
      %swap3A_318 = tpu.vector_load %arg13[%swap3A_317] {strides = array<i32>} : memref<80xi32, #tpu.memory_space<vmem>>, vector<16xi32>,
      %swap3A_319 = vector.shape_cast %swap3A_318 : vector<16xi32> to vector<16xi32>
      %swap3A_320 = vector.shape_cast %and3A_316 : vector<16xi32> to vector<16xi32>
      tpu.vector_store %arg13[%swap3A_317], %swap3A_320 {strides = array<i32>} : memref<80xi32, #tpu.memory_space<vmem>>, vector<16xi32>,
      %shift_right_arithmetic3A_321 = arith.constant 14 : i32
      %shift_right_arithmetic3A_322 = vector.broadcast %shift_right_arithmetic3A_321 : i32 to vector<16xi32>
      %shift_right_arithmetic3A_323 = arith.shrsi %get3A_313, %shift_right_arithmetic3A_322 : vector<16xi32>
      %swap3A_324 = arith.constant 32 : index
      %swap3A_325 = tpu.vector_load %arg17[%swap3A_324] {strides = array<i32>} : memref<80xi32, #tpu.memory_space<vmem>>, vector<16xi32>,
      %swap3A_326 = vector.shape_cast %swap3A_325 : vector<16xi32> to vector<16xi32>
      %swap3A_327 = vector.shape_cast %shift_right_arithmetic3A_323 : vector<16xi32> to vector<16xi32>
      tpu.vector_store %arg17[%swap3A_324], %swap3A_327 {strides = array<i32>} : memref<80xi32, #tpu.memory_space<vmem>>, vector<16xi32>,
      %get3A_328 = arith.constant 48 : index
      %get3A_329 = tpu.vector_load %arg9[%get3A_328] {strides = array<i32>} : memref<80xi32, #tpu.memory_space<vmem>>, vector<16xi32>,
      %get3A_330 = vector.shape_cast %get3A_329 : vector<16xi32> to vector<16xi32>
      %and3A_331 = arith.constant 16383 : i32
      %and3A_332 = vector.broadcast %and3A_331 : i32 to vector<16xi32>
      %and3A_333 = arith.andi %get3A_330, %and3A_332 : vector<16xi32>
      %swap3A_334 = arith.constant 48 : index
      %swap3A_335 = tpu.vector_load %arg13[%swap3A_334] {strides = array<i32>} : memref<80xi32, #tpu.memory_space<vmem>>, vector<16xi32>,
      %swap3A_336 = vector.shape_cast %swap3A_335 : vector<16xi32> to vector<16xi32>
      %swap3A_337 = vector.shape_cast %and3A_333 : vector<16xi32> to vector<16xi32>
      tpu.vector_store %arg13[%swap3A_334], %swap3A_337 {strides = array<i32>} : memref<80xi32, #tpu.memory_space<vmem>>, vector<16xi32>,
      %shift_right_arithmetic3A_338 = arith.constant 14 : i32
      %shift_right_arithmetic3A_339 = vector.broadcast %shift_right_arithmetic3A_338 : i32 to vector<16xi32>
      %shift_right_arithmetic3A_340 = arith.shrsi %get3A_330, %shift_right_arithmetic3A_339 : vector<16xi32>
      %swap3A_341 = arith.constant 48 : index
      %swap3A_342 = tpu.vector_load %arg17[%swap3A_341] {strides = array<i32>} : memref<80xi32, #tpu.memory_space<vmem>>, vector<16xi32>,
      %swap3A_343 = vector.shape_cast %swap3A_342 : vector<16xi32> to vector<16xi32>
      %swap3A_344 = vector.shape_cast %shift_right_arithmetic3A_340 : vector<16xi32> to vector<16xi32>
      tpu.vector_store %arg17[%swap3A_341], %swap3A_344 {strides = array<i32>} : memref<80xi32, #tpu.memory_space<vmem>>, vector<16xi32>,
      %get3A_345 = arith.constant 64 : index
      %get3A_346 = tpu.vector_load %arg9[%get3A_345] {strides = array<i32>} : memref<80xi32, #tpu.memory_space<vmem>>, vector<16xi32>,
      %get3A_347 = vector.shape_cast %get3A_346 : vector<16xi32> to vector<16xi32>
      %and3A_348 = arith.constant 16383 : i32
      %and3A_349 = vector.broadcast %and3A_348 : i32 to vector<16xi32>
      %and3A_350 = arith.andi %get3A_347, %and3A_349 : vector<16xi32>
      %swap3A_351 = arith.constant 64 : index
      %swap3A_352 = tpu.vector_load %arg13[%swap3A_351] {strides = array<i32>} : memref<80xi32, #tpu.memory_space<vmem>>, vector<16xi32>,
      %swap3A_353 = vector.shape_cast %swap3A_352 : vector<16xi32> to vector<16xi32>
      %swap3A_354 = vector.shape_cast %and3A_350 : vector<16xi32> to vector<16xi32>
      tpu.vector_store %arg13[%swap3A_351], %swap3A_354 {strides = array<i32>} : memref<80xi32, #tpu.memory_space<vmem>>, vector<16xi32>,
      %shift_right_arithmetic3A_355 = arith.constant 14 : i32
      %shift_right_arithmetic3A_356 = vector.broadcast %shift_right_arithmetic3A_355 : i32 to vector<16xi32>
      %shift_right_arithmetic3A_357 = arith.shrsi %get3A_347, %shift_right_arithmetic3A_356 : vector<16xi32>
      %swap3A_358 = arith.constant 64 : index
      %swap3A_359 = tpu.vector_load %arg17[%swap3A_358] {strides = array<i32>} : memref<80xi32, #tpu.memory_space<vmem>>, vector<16xi32>,
      %swap3A_360 = vector.shape_cast %swap3A_359 : vector<16xi32> to vector<16xi32>
      %swap3A_361 = vector.shape_cast %shift_right_arithmetic3A_357 : vector<16xi32> to vector<16xi32>
      tpu.vector_store %arg17[%swap3A_358], %swap3A_361 {strides = array<i32>} : memref<80xi32, #tpu.memory_space<vmem>>, vector<16xi32>,
      %dma_start3A_362 = arith.constant 0 : i32
      %dma_start3A_363 = arith.constant 0 : i32
      %dma_start3A_364 = tpu.memref_slice %arg2[%dma_start3A_362, %dma_start3A_363] : memref<10000x128xf32, #tpu.memory_space<hbm>> -> memref<10000x128xf32, #tpu.memory_space<hbm>>
      tpu.enqueue_indirect_dma source(%dma_start3A_364 : memref<10000x128xf32, #tpu.memory_space<hbm>>) target(%arg21 : memref<80x128xf32, #tpu.memory_space<vmem>>) offsets(%arg13 : memref<80xi32, #tpu.memory_space<vmem>>) semaphore(%arg29 : memref<!tpu.dma_semaphore, #tpu.memory_space<semaphore_mem>>)
    } else {
    }
    %add3A_234 = arith.constant 124 : i32
    %add3A_235 = arith.constant 4 : i32
    %add3A_236 = arith.addi %add3A_234, %add3A_235 : i32
    %lt3A_237 = arith.constant 125 : i32
    %lt3A_238 = arith.cmpi slt, %add3A_236, %lt3A_237 : i32
    %convert_element_type3A_239 = arith.extui %lt3A_238 : i1 to i32
    %cond3A_240 = arith.constant 124 : i32
    %cond3A_241 = arith.constant 0 : i32
    %cond3A_242 = arith.cmpi ne, %convert_element_type3A_239, %cond3A_241 : i32
    scf.if %cond3A_242 {
      %add3A_267 = arith.constant 4 : i32
      %add3A_268 = arith.addi %cond3A_240, %add3A_267 : i32
      %mul3A_269 = arith.constant 10000 : i32
      %mul3A_270 = arith.muli %add3A, %mul3A_269 : i32
      %mul3A_271 = arith.constant 80 : i32
      %mul3A_272 = arith.muli %add3A_268, %mul3A_271 : i32
      %add3A_273 = arith.addi %mul3A_270, %mul3A_272 : i32
      %multiple_of3A_274 = tpu.assume_multiple %add3A_273, 8 : i32
      %dma_start3A_275 = tpu.memref_slice %arg3[%multiple_of3A_274] : memref<320000xi32, #tpu.memory_space<hbm>> -> memref<80xi32, #tpu.memory_space<hbm>>
      %dma_start3A_276 = tpu.memref_slice %arg3[%multiple_of3A_274] : memref<320000xi32, #tpu.memory_space<hbm>> -> memref<80xi32, #tpu.memory_space<hbm>>
      tpu.enqueue_dma source(%dma_start3A_276 : memref<80xi32, #tpu.memory_space<hbm>>) target(%arg7 : memref<80xi32, #tpu.memory_space<vmem>>) target_semaphore(%arg23 : memref<!tpu.dma_semaphore, #tpu.memory_space<semaphore_mem>>)
    } else {
    }
    %dma_wait3A_243 = arith.constant 0 : i32
    %dma_wait3A_244 = arith.constant 0 : i32
    %dma_wait3A_245 = tpu.memref_slice %arg2[%dma_wait3A_243, %dma_wait3A_244] : memref<10000x128xf32, #tpu.memory_space<hbm>> -> memref<10000x128xf32, #tpu.memory_space<hbm>>
    tpu.wait_indirect_dma semaphore(%arg27 : memref<!tpu.dma_semaphore, #tpu.memory_space<semaphore_mem>>) src(%dma_wait3A_245 : memref<10000x128xf32, #tpu.memory_space<hbm>>) dst(%arg19 : memref<80x128xf32, #tpu.memory_space<vmem>>)
    %dma_start3A_246 = arith.constant 0 : i32
    %dma_start3A_247 = arith.constant 0 : i32
    %dma_start3A_248 = tpu.memref_slice %arg6[%dma_start3A_246, %dma_start3A_247] : memref<10000x128xf32, #tpu.memory_space<vmem_shared>> -> memref<10000x128xf32, #tpu.memory_space<vmem_shared>>
    tpu.enqueue_indirect_dma source(%arg19 : memref<80x128xf32, #tpu.memory_space<vmem>>) target(%dma_start3A_248 : memref<10000x128xf32, #tpu.memory_space<vmem_shared>>) offsets(%arg15 : memref<80xi32, #tpu.memory_space<vmem>>) semaphore(%arg31 : memref<!tpu.dma_semaphore, #tpu.memory_space<semaphore_mem>>) {add = true}
    %dma_wait3A_249 = arith.constant 0 : i32
    %dma_wait3A_250 = arith.constant 0 : i32
    %dma_wait3A_251 = tpu.memref_slice %arg6[%dma_wait3A_249, %dma_wait3A_250] : memref<10000x128xf32, #tpu.memory_space<vmem_shared>> -> memref<80x128xf32, #tpu.memory_space<vmem_shared>>
    %dma_wait3A_252 = arith.constant 0 : i32
    %dma_wait3A_253 = arith.constant 0 : i32
    %dma_wait3A_254 = tpu.memref_slice %arg6[%dma_wait3A_252, %dma_wait3A_253] : memref<10000x128xf32, #tpu.memory_space<vmem_shared>> -> memref<80x128xf32, #tpu.memory_space<vmem_shared>>
    tpu.wait_dma2 semaphore(%arg34 : memref<!tpu.dma_semaphore, #tpu.memory_space<semaphore_mem>>) src(%arg22 : memref<80x128xf32, #tpu.memory_space<vmem>>) dst(%dma_wait3A_254 : memref<80x128xf32, #tpu.memory_space<vmem_shared>>)
    %dma_wait3A_255 = arith.constant 0 : i32
    %dma_wait3A_256 = arith.constant 0 : i32
    %dma_wait3A_257 = tpu.memref_slice %arg6[%dma_wait3A_255, %dma_wait3A_256] : memref<10000x128xf32, #tpu.memory_space<vmem_shared>> -> memref<80x128xf32, #tpu.memory_space<vmem_shared>>
    %dma_wait3A_258 = arith.constant 0 : i32
    %dma_wait3A_259 = arith.constant 0 : i32
    %dma_wait3A_260 = tpu.memref_slice %arg6[%dma_wait3A_258, %dma_wait3A_259] : memref<10000x128xf32, #tpu.memory_space<vmem_shared>> -> memref<80x128xf32, #tpu.memory_space<vmem_shared>>
    tpu.wait_dma2 semaphore(%arg31 : memref<!tpu.dma_semaphore, #tpu.memory_space<semaphore_mem>>) src(%arg19 : memref<80x128xf32, #tpu.memory_space<vmem>>) dst(%dma_wait3A_260 : memref<80x128xf32, #tpu.memory_space<vmem_shared>>)
    %barrier3A_261 = arith.constant 0 : index
    tpu.barrier barrier_id(%barrier3A_261)
    "tpu.region"() ({
      %run_scoped3A = tpu.sem_alloc : memref<!tpu.dma_semaphore, #tpu.memory_space<semaphore_mem>>
      %dma_start3A_267 = arith.constant 0 : i32
      %dma_start3A_268 = tpu.memref_slice %arg5[%arg0, %mul3A_2, %dma_start3A_267] : memref<2x10000x128xf32, #tpu.memory_space<hbm>> -> memref<1x624x128xf32, #tpu.memory_space<hbm>>
      %dma_start3A_269 = tpu.memref_squeeze %dma_start3A_268 : memref<1x624x128xf32, #tpu.memory_space<hbm>> -> memref<624x128xf32, #tpu.memory_space<hbm>>
      %dma_start3A_270 = arith.constant 0 : i32
      %dma_start3A_271 = tpu.memref_slice %arg6[%mul3A_2, %dma_start3A_270] : memref<10000x128xf32, #tpu.memory_space<vmem_shared>> -> memref<624x128xf32, #tpu.memory_space<vmem_shared>>
      tpu.enqueue_dma source(%dma_start3A_271 : memref<624x128xf32, #tpu.memory_space<vmem_shared>>) target(%dma_start3A_269 : memref<624x128xf32, #tpu.memory_space<hbm>>) target_semaphore(%run_scoped3A : memref<!tpu.dma_semaphore, #tpu.memory_space<semaphore_mem>>)
      %dma_wait3A_272 = arith.constant 0 : i32
      %dma_wait3A_273 = tpu.memref_slice %arg5[%arg0, %mul3A_2, %dma_wait3A_272] : memref<2x10000x128xf32, #tpu.memory_space<hbm>> -> memref<1x624x128xf32, #tpu.memory_space<hbm>>
      %dma_wait3A_274 = tpu.memref_squeeze %dma_wait3A_273 : memref<1x624x128xf32, #tpu.memory_space<hbm>> -> memref<624x128xf32, #tpu.memory_space<hbm>>
      %dma_wait3A_275 = arith.constant 0 : i32
      %dma_wait3A_276 = tpu.memref_slice %arg6[%mul3A_2, %dma_wait3A_275] : memref<10000x128xf32, #tpu.memory_space<vmem_shared>> -> memref<624x128xf32, #tpu.memory_space<vmem_shared>>
      tpu.wait_dma2 semaphore(%run_scoped3A : memref<!tpu.dma_semaphore, #tpu.memory_space<semaphore_mem>>) src(%dma_wait3A_276 : memref<624x128xf32, #tpu.memory_space<vmem_shared>>) dst(%dma_wait3A_274 : memref<624x128xf32, #tpu.memory_space<hbm>>)
      tpu.yield
    }) : () -> ()
    %eq3A_262 = arith.constant 15 : i32
    %eq3A_263 = arith.cmpi eq, %arg1, %eq3A_262 : i32
    %convert_element_type3A_264 = arith.extui %eq3A_263 : i1 to i32
    %cond3A_265 = arith.constant 0 : i32
    %cond3A_266 = arith.cmpi ne, %convert_element_type3A_264, %cond3A_265 : i32
    scf.if %cond3A_266 {
      "tpu.region"() ({
        %run_scoped3A = tpu.sem_alloc : memref<!tpu.dma_semaphore, #tpu.memory_space<semaphore_mem>>
        %dma_start3A_267 = arith.constant 9984 : i32
        %dma_start3A_268 = arith.constant 0 : i32
        %dma_start3A_269 = tpu.memref_slice %arg5[%arg0, %dma_start3A_267, %dma_start3A_268] : memref<2x10000x128xf32, #tpu.memory_space<hbm>> -> memref<1x16x128xf32, #tpu.memory_space<hbm>>
        %dma_start3A_270 = tpu.memref_squeeze %dma_start3A_269 : memref<1x16x128xf32, #tpu.memory_space<hbm>> -> memref<16x128xf32, #tpu.memory_space<hbm>>
        %dma_start3A_271 = arith.constant 9984 : i32
        %dma_start3A_272 = arith.constant 0 : i32
        %dma_start3A_273 = tpu.memref_slice %arg6[%dma_start3A_271, %dma_start3A_272] : memref<10000x128xf32, #tpu.memory_space<vmem_shared>> -> memref<16x128xf32, #tpu.memory_space<vmem_shared>>
        tpu.enqueue_dma source(%dma_start3A_273 : memref<16x128xf32, #tpu.memory_space<vmem_shared>>) target(%dma_start3A_270 : memref<16x128xf32, #tpu.memory_space<hbm>>) target_semaphore(%run_scoped3A : memref<!tpu.dma_semaphore, #tpu.memory_space<semaphore_mem>>)
        %dma_wait3A_274 = arith.constant 9984 : i32
        %dma_wait3A_275 = arith.constant 0 : i32
        %dma_wait3A_276 = tpu.memref_slice %arg5[%arg0, %dma_wait3A_274, %dma_wait3A_275] : memref<2x10000x128xf32, #tpu.memory_space<hbm>> -> memref<1x16x128xf32, #tpu.memory_space<hbm>>
        %dma_wait3A_277 = tpu.memref_squeeze %dma_wait3A_276 : memref<1x16x128xf32, #tpu.memory_space<hbm>> -> memref<16x128xf32, #tpu.memory_space<hbm>>
        %dma_wait3A_278 = arith.constant 9984 : i32
        %dma_wait3A_279 = arith.constant 0 : i32
        %dma_wait3A_280 = tpu.memref_slice %arg6[%dma_wait3A_278, %dma_wait3A_279] : memref<10000x128xf32, #tpu.memory_space<vmem_shared>> -> memref<16x128xf32, #tpu.memory_space<vmem_shared>>
        tpu.wait_dma2 semaphore(%run_scoped3A : memref<!tpu.dma_semaphore, #tpu.memory_space<semaphore_mem>>) src(%dma_wait3A_280 : memref<16x128xf32, #tpu.memory_space<vmem_shared>>) dst(%dma_wait3A_277 : memref<16x128xf32, #tpu.memory_space<hbm>>)
        tpu.yield
      }) : () -> ()
    } else {
    }
    return
  }
}

module attributes {stable_mosaic.version = 14 : i64} {
  func.func @body(%arg0: i32, %arg1: memref<2000x128xf32, #tpu.memory_space<vmem>>, %arg2: memref<128x128xf32, #tpu.memory_space<vmem>>, %arg3: memref<2000x128xf32, #tpu.memory_space<vmem>>) attributes {dimension_semantics = [#tpu.dimension_semantics<arbitrary>], iteration_bounds = array<i64: 5>, scalar_prefetch = 0 : i64, scratch_operands = 0 : i64, tpu.core_type = #tpu.core_type<tc>, window_params = [{transform_indices = @transform_0, window_bounds = array<i64: 2000, 128>}, {pipeline_mode = #tpu.pipeline_mode<synchronous>, transform_indices = @transform_1, window_bounds = array<i64: 128, 128>}, {transform_indices = @transform_2, window_bounds = array<i64: 2000, 128>}]} {
    %get3A = arith.constant 0 : index
    %get3A_0 = arith.constant 0 : index
    %get3A_1 = vector.load %arg1[%get3A, %get3A_0] : memref<2000x128xf32, #tpu.memory_space<vmem>>, vector<2000x128xf32>
    %get3A_2 = arith.constant 0 : index
    %get3A_3 = arith.constant 0 : index
    %get3A_4 = vector.load %arg2[%get3A_2, %get3A_3] : memref<128x128xf32, #tpu.memory_space<vmem>>, vector<128x128xf32>
    %dot_general3A = arith.constant dense<0.000000e+00> : vector<2000x128xf32>
    %dot_general3A_5 = tpu.matmul %get3A_1, %get3A_4, %dot_general3A {dimension_numbers = #tpu.dot_dimension_numbers<[1], [0], [0], [1], [0, 0, 1, 1], [], []>, transpose_lhs_hint = false} : vector<2000x128xf32>, vector<128x128xf32>, vector<2000x128xf32> -> vector<2000x128xf32>
    %swap3A = arith.constant 0 : index
    %swap3A_6 = arith.constant 0 : index
    %swap3A_7 = vector.load %arg3[%swap3A, %swap3A_6] : memref<2000x128xf32, #tpu.memory_space<vmem>>, vector<2000x128xf32>
    tpu.vector_store %arg3[%swap3A, %swap3A_6], %dot_general3A_5 {strides = array<i32>} : memref<2000x128xf32, #tpu.memory_space<vmem>>, vector<2000x128xf32>,
    return
  }
  func.func @transform_0(%arg0: i32) -> (i32, i32) {
    %c0_i32 = arith.constant 0 : i32
    %c0_i32_0 = arith.constant 0 : i32
    return %arg0, %c0_i32 : i32, i32
  }
  func.func @transform_1(%arg0: i32) -> (i32, i32) {
    %c0_i32 = arith.constant 0 : i32
    %c0_i32_0 = arith.constant 0 : i32
    %c0_i32_1 = arith.constant 0 : i32
    return %c0_i32, %c0_i32_0 : i32, i32
  }
  func.func @transform_2(%arg0: i32) -> (i32, i32) {
    %c0_i32 = arith.constant 0 : i32
    %c0_i32_0 = arith.constant 0 : i32
    return %arg0, %c0_i32 : i32, i32
  }
}

module attributes {stable_mosaic.version = 14 : i64} {
  func.func @body(%arg0: i32, %arg1: memref<2x2000x128xf32, #tpu.memory_space<vmem>>, %arg2: memref<128x128xf32, #tpu.memory_space<vmem>>, %arg3: memref<2000x128xf32, #tpu.memory_space<vmem>>) attributes {dimension_semantics = [#tpu.dimension_semantics<arbitrary>], iteration_bounds = array<i64: 5>, scalar_prefetch = 0 : i64, scratch_operands = 0 : i64, tpu.core_type = #tpu.core_type<tc>, window_params = [{transform_indices = @transform_0, window_bounds = array<i64: 2, 2000, 128>}, {pipeline_mode = #tpu.pipeline_mode<synchronous>, transform_indices = @transform_1, window_bounds = array<i64: 128, 128>}, {transform_indices = @transform_2, window_bounds = array<i64: 2000, 128>}]} {
    %get3A = arith.constant 0 : index
    %get3A_0 = arith.constant 0 : index
    %get3A_1 = arith.constant 0 : index
    %get3A_2 = vector.load %arg1[%get3A, %get3A_0, %get3A_1] : memref<2x2000x128xf32, #tpu.memory_space<vmem>>, vector<1x2000x128xf32>
    %get3A_3 = vector.shape_cast %get3A_2 : vector<1x2000x128xf32> to vector<2000x128xf32>
    %get3A_4 = arith.constant 1 : index
    %get3A_5 = arith.constant 0 : index
    %get3A_6 = arith.constant 0 : index
    %get3A_7 = vector.load %arg1[%get3A_4, %get3A_5, %get3A_6] : memref<2x2000x128xf32, #tpu.memory_space<vmem>>, vector<1x2000x128xf32>
    %get3A_8 = vector.shape_cast %get3A_7 : vector<1x2000x128xf32> to vector<2000x128xf32>
    %add3A = arith.addf %get3A_3, %get3A_8 : vector<2000x128xf32>
    %max3A = arith.constant 0.000000e+00 : f32
    %max3A_9 = vector.broadcast %max3A : f32 to vector<2000x128xf32>
    %max3A_10 = arith.maximumf %add3A, %max3A_9 : vector<2000x128xf32>
    %get3A_11 = arith.constant 0 : index
    %get3A_12 = arith.constant 0 : index
    %get3A_13 = vector.load %arg2[%get3A_11, %get3A_12] : memref<128x128xf32, #tpu.memory_space<vmem>>, vector<128x128xf32>
    %dot_general3A = arith.constant dense<0.000000e+00> : vector<2000x128xf32>
    %dot_general3A_14 = tpu.matmul %max3A_10, %get3A_13, %dot_general3A {dimension_numbers = #tpu.dot_dimension_numbers<[1], [0], [0], [1], [0, 0, 1, 1], [], []>, transpose_lhs_hint = false} : vector<2000x128xf32>, vector<128x128xf32>, vector<2000x128xf32> -> vector<2000x128xf32>
    %swap3A = arith.constant 0 : index
    %swap3A_15 = arith.constant 0 : index
    %swap3A_16 = vector.load %arg3[%swap3A, %swap3A_15] : memref<2000x128xf32, #tpu.memory_space<vmem>>, vector<2000x128xf32>
    tpu.vector_store %arg3[%swap3A, %swap3A_15], %dot_general3A_14 {strides = array<i32>} : memref<2000x128xf32, #tpu.memory_space<vmem>>, vector<2000x128xf32>,
    return
  }
  func.func @transform_0(%arg0: i32) -> (i32, i32, i32) {
    %c0_i32 = arith.constant 0 : i32
    %c0_i32_0 = arith.constant 0 : i32
    %c0_i32_1 = arith.constant 0 : i32
    return %c0_i32, %arg0, %c0_i32_0 : i32, i32, i32
  }
  func.func @transform_1(%arg0: i32) -> (i32, i32) {
    %c0_i32 = arith.constant 0 : i32
    %c0_i32_0 = arith.constant 0 : i32
    %c0_i32_1 = arith.constant 0 : i32
    return %c0_i32, %c0_i32_0 : i32, i32
  }
  func.func @transform_2(%arg0: i32) -> (i32, i32) {
    %c0_i32 = arith.constant 0 : i32
    %c0_i32_0 = arith.constant 0 : i32
    return %arg0, %c0_i32 : i32, i32
  }
}

module attributes {stable_mosaic.version = 14 : i64} {
  func.func @body(%arg0: i32, %arg1: memref<2x2000x128xf32, #tpu.memory_space<vmem>>, %arg2: memref<128x64xf32, #tpu.memory_space<vmem>>, %arg3: memref<2000x64xf32, #tpu.memory_space<vmem>>) attributes {dimension_semantics = [#tpu.dimension_semantics<arbitrary>], iteration_bounds = array<i64: 5>, scalar_prefetch = 0 : i64, scratch_operands = 0 : i64, tpu.core_type = #tpu.core_type<tc>, window_params = [{transform_indices = @transform_0, window_bounds = array<i64: 2, 2000, 128>}, {pipeline_mode = #tpu.pipeline_mode<synchronous>, transform_indices = @transform_1, window_bounds = array<i64: 128, 64>}, {transform_indices = @transform_2, window_bounds = array<i64: 2000, 64>}]} {
    %get3A = arith.constant 0 : index
    %get3A_0 = arith.constant 0 : index
    %get3A_1 = arith.constant 0 : index
    %get3A_2 = vector.load %arg1[%get3A, %get3A_0, %get3A_1] : memref<2x2000x128xf32, #tpu.memory_space<vmem>>, vector<1x2000x128xf32>
    %get3A_3 = vector.shape_cast %get3A_2 : vector<1x2000x128xf32> to vector<2000x128xf32>
    %get3A_4 = arith.constant 1 : index
    %get3A_5 = arith.constant 0 : index
    %get3A_6 = arith.constant 0 : index
    %get3A_7 = vector.load %arg1[%get3A_4, %get3A_5, %get3A_6] : memref<2x2000x128xf32, #tpu.memory_space<vmem>>, vector<1x2000x128xf32>
    %get3A_8 = vector.shape_cast %get3A_7 : vector<1x2000x128xf32> to vector<2000x128xf32>
    %add3A = arith.addf %get3A_3, %get3A_8 : vector<2000x128xf32>
    %max3A = arith.constant 0.000000e+00 : f32
    %max3A_9 = vector.broadcast %max3A : f32 to vector<2000x128xf32>
    %max3A_10 = arith.maximumf %add3A, %max3A_9 : vector<2000x128xf32>
    %get3A_11 = arith.constant 0 : index
    %get3A_12 = arith.constant 0 : index
    %get3A_13 = vector.load %arg2[%get3A_11, %get3A_12] : memref<128x64xf32, #tpu.memory_space<vmem>>, vector<128x64xf32>
    %dot_general3A = arith.constant dense<0.000000e+00> : vector<2000x64xf32>
    %dot_general3A_14 = tpu.matmul %max3A_10, %get3A_13, %dot_general3A {dimension_numbers = #tpu.dot_dimension_numbers<[1], [0], [0], [1], [0, 0, 1, 1], [], []>, transpose_lhs_hint = false} : vector<2000x128xf32>, vector<128x64xf32>, vector<2000x64xf32> -> vector<2000x64xf32>
    %swap3A = arith.constant 0 : index
    %swap3A_15 = arith.constant 0 : index
    %swap3A_16 = vector.load %arg3[%swap3A, %swap3A_15] : memref<2000x64xf32, #tpu.memory_space<vmem>>, vector<2000x64xf32>
    tpu.vector_store %arg3[%swap3A, %swap3A_15], %dot_general3A_14 {strides = array<i32>} : memref<2000x64xf32, #tpu.memory_space<vmem>>, vector<2000x64xf32>,
    return
  }
  func.func @transform_0(%arg0: i32) -> (i32, i32, i32) {
    %c0_i32 = arith.constant 0 : i32
    %c0_i32_0 = arith.constant 0 : i32
    %c0_i32_1 = arith.constant 0 : i32
    return %c0_i32, %arg0, %c0_i32_0 : i32, i32, i32
  }
  func.func @transform_1(%arg0: i32) -> (i32, i32) {
    %c0_i32 = arith.constant 0 : i32
    %c0_i32_0 = arith.constant 0 : i32
    %c0_i32_1 = arith.constant 0 : i32
    return %c0_i32, %c0_i32_0 : i32, i32
  }
  func.func @transform_2(%arg0: i32) -> (i32, i32) {
    %c0_i32 = arith.constant 0 : i32
    %c0_i32_0 = arith.constant 0 : i32
    return %arg0, %c0_i32 : i32, i32
  }
}

module attributes {stable_mosaic.version = 14 : i64} {
  func.func @body(%arg0: i32, %arg1: memref<2x2000x64xf32, #tpu.memory_space<vmem>>, %arg2: memref<2000x64xf32, #tpu.memory_space<vmem>>) attributes {dimension_semantics = [#tpu.dimension_semantics<arbitrary>], iteration_bounds = array<i64: 5>, scalar_prefetch = 0 : i64, scratch_operands = 0 : i64, tpu.core_type = #tpu.core_type<tc>, window_params = [{transform_indices = @transform_0, window_bounds = array<i64: 2, 2000, 64>}, {transform_indices = @transform_1, window_bounds = array<i64: 2000, 64>}]} {
    %get3A = arith.constant 0 : index
    %get3A_0 = arith.constant 0 : index
    %get3A_1 = arith.constant 0 : index
    %get3A_2 = vector.load %arg1[%get3A, %get3A_0, %get3A_1] : memref<2x2000x64xf32, #tpu.memory_space<vmem>>, vector<1x2000x64xf32>
    %get3A_3 = vector.shape_cast %get3A_2 : vector<1x2000x64xf32> to vector<2000x64xf32>
    %get3A_4 = arith.constant 1 : index
    %get3A_5 = arith.constant 0 : index
    %get3A_6 = arith.constant 0 : index
    %get3A_7 = vector.load %arg1[%get3A_4, %get3A_5, %get3A_6] : memref<2x2000x64xf32, #tpu.memory_space<vmem>>, vector<1x2000x64xf32>
    %get3A_8 = vector.shape_cast %get3A_7 : vector<1x2000x64xf32> to vector<2000x64xf32>
    %add3A = arith.addf %get3A_3, %get3A_8 : vector<2000x64xf32>
    %reduce_max3A = arith.constant dense<0xFF800000> : vector<2000xf32>
    %reduce_max3A_9 = vector.multi_reduction <maximumf>, %add3A, %reduce_max3A [1] : vector<2000x64xf32> to vector<2000xf32>
    %broadcast_in_dim3A = vector.shape_cast %reduce_max3A_9 : vector<2000xf32> to vector<2000x1xf32>
    %sub3A = vector.broadcast %broadcast_in_dim3A : vector<2000x1xf32> to vector<2000x64xf32>
    %sub3A_10 = arith.subf %add3A, %sub3A : vector<2000x64xf32>
    %exp3A = math.exp %sub3A_10 : vector<2000x64xf32>
    %reduce_sum3A = arith.constant dense<0.000000e+00> : vector<2000xf32>
    %reduce_sum3A_11 = vector.multi_reduction <add>, %exp3A, %reduce_sum3A [1] : vector<2000x64xf32> to vector<2000xf32>
    %broadcast_in_dim3A_12 = vector.shape_cast %reduce_sum3A_11 : vector<2000xf32> to vector<2000x1xf32>
    %log3A = math.log %broadcast_in_dim3A_12 : vector<2000x1xf32>
    %add3A_13 = arith.addf %log3A, %broadcast_in_dim3A : vector<2000x1xf32>
    %sub3A_14 = vector.broadcast %add3A_13 : vector<2000x1xf32> to vector<2000x64xf32>
    %sub3A_15 = arith.subf %add3A, %sub3A_14 : vector<2000x64xf32>
    %swap3A = arith.constant 0 : index
    %swap3A_16 = arith.constant 0 : index
    %swap3A_17 = vector.load %arg2[%swap3A, %swap3A_16] : memref<2000x64xf32, #tpu.memory_space<vmem>>, vector<2000x64xf32>
    tpu.vector_store %arg2[%swap3A, %swap3A_16], %sub3A_15 {strides = array<i32>} : memref<2000x64xf32, #tpu.memory_space<vmem>>, vector<2000x64xf32>,
    return
  }
  func.func @transform_0(%arg0: i32) -> (i32, i32, i32) {
    %c0_i32 = arith.constant 0 : i32
    %c0_i32_0 = arith.constant 0 : i32
    %c0_i32_1 = arith.constant 0 : i32
    return %c0_i32, %arg0, %c0_i32_0 : i32, i32, i32
  }
  func.func @transform_1(%arg0: i32) -> (i32, i32) {
    %c0_i32 = arith.constant 0 : i32
    %c0_i32_0 = arith.constant 0 : i32
    return %arg0, %c0_i32 : i32, i32
  }
}

</mosaic_0001>

<sc_bundles>
// kernel: kernel.12.cloned.1.call-start
scs
__scs_entry_jumppad:
0x0: {  	(pc) =	sbr.rel $0x88, $3  }
0x1: {  	(tag) =	ssettag $0x0;
	lr =	simm.s32 $0x1  }
0x2: {  	[smem:$0x3F9C] =	sst lr;
	_ =	strace $0xD0000000  }
0x3: {  	_ = 	snop  }
0x4: {  	_ = 	snop  }
0x5: {  	_ = 	snop  }
0x6: {  	_ = 	snop  }
0x7: {  	_ = 	snop  }
__scs_overlays_trampoline_lowered:
0x8: {  	[smem:$0x3FAB] =	sst s0  }
0x9: {  	[smem:$0x3FAC] =	sst s1  }
0xa: {  	[smem:$0x3FAD] =	sst s2  }
0xb: {  	[smem:$0x3FAE] =	sst s3  }
0xc: {  	[smem:$0x3FAF] =	sst s4  }
0xd: {  	[smem:$0x3FB0] =	sst s5  }
0xe: {  	[smem:$0x3FB1] =	sst s6  }
0xf: {  	[smem:$0x3FB2] =	sst s7  }
0x10: {  	[smem:$0x3FB3] =	sst s8  }
0x11: {  	[smem:$0x3FB4] =	sst s9;
	s0 =	simm.s32 @!p0 $0x0  }
0x12: {  	s1 =	sld [smem:$0x3F9A];
	s0 =	simm.s32 @p0 $0x1  }
0x13: {  	[smem:$0x3FB5] =	sst s0;
	s0 =	simm.s32 @!p1 $0x0  }
0x14: {  	s2 =	sld [smem:$0x3F99];
	s0 =	simm.s32 @p1 $0x1  }
0x15: {  	[smem:$0x3FB6] =	sst s0;
	s0 =	simm.s32 @!p2 $0x0  }
0x16: {  	s3 =	sld [smem:$0x3FDB];
	s0 =	simm.s32 @p2 $0x1  }
0x17: {  	s4 =	simm.s32 $0x1BF5;
	[smem:$0x3FB8] =	sst s0  }
0x18: {  	s0 =	sld [smem:$0x3F9B];
	_ =	swait.ge [sflag:s4], $0x0  }
0x19: {  	s7 =	sld [smem:$0x3F9C]  }
0x1a: {  	s8 =	sadd.s32 $0xFFFFE003, lr  }
0x1b: {  	s9 =	sadd.s32 $0xFFFFFEF7, lr;
	s5 =	simm.s32 $0xFFFFFFFF;
	p2 =	slt.u32 s8, $0xFFFFF086  }
0x1c: {  	p1 =	slt.u32 s9, $0xF7A;
	s5 =	simm.s32 @!p2 $0x0  }
0x1d: {  	s5 =	simm.s32 @p1 $0x1;
	p0 =	seq.s32 s7, s2  }
0x1e: {  	s7 =	smul.u32 @!p0 $0xF7A, s2;
	p2 =	seq.s32 @!p0 s5, $0x0  }
0x1f: {  	s9 =	smul.u32 $0xF7A, s1;
	s8 =	simm.s32 @!p0 $0x1BF5;
	p2 =	por !p2, p0  }
0x20: {  	[sflag:s8] =	ssyncset.s32 @!p0 $0xFFFFF086;
	s6 =	sadd.s32 @!p0 s3, s7;
	s7 =	simm.s32 @!p0 $0x108  }
0x21: {  	s3 =	sadd.s32 s3, s9;
	s6 =	sadd.s32 @!p0 $0x88, s6;
	s7 =	simm.s32 @p2 $0x1082  }
0x22: {  	[simem:s7], [sflag:s8] =	dma.local @!p0 [hbm:s6], $0xF7A  }
0x23: {  	s9 =	sor.u32 $0xD0000000, s2;
	s6 =	simm.s32 $0x108;
	_ =	swait.ge @!p0 [sflag:s8], $0x0  }
0x24: {  	s3 =	sadd.s32 $0x88, s3;
	s6 =	simm.s32 @!p1 $0x1082;
	[sflag:s4] =	ssyncset.s32 $0xFFFFF086  }
0x25: {  	[simem:s6], [sflag:s4] =	dma.local [hbm:s3], $0xF7A  }
0x26: {  	[smem:$0x3F9C] =	sst s1;
	(tag) =	ssettag s2;
	_ =	strace s9  }
0x27: {  	s1 =	sld [smem:$0x3FAC]  }
0x28: {  	s2 =	sld [smem:$0x3FAD]  }
0x29: {  	s4 =	sld [smem:$0x3FAF]  }
0x2a: {  	p0 =	seq.s32 s5, $0x0;
	s5 =	sld [smem:$0x3FB0]  }
0x2b: {  	s6 =	sld [smem:$0x3FB1]  }
0x2c: {  	s7 =	sld [smem:$0x3FB2]  }
0x2d: {  	s3 =	simm.s32 $0x108;
	s8 =	sld [smem:$0x3FB3]  }
0x2e: {  	s3 =	simm.s32 @!p0 $0x1082;
	s9 =	sld [smem:$0x3FB4]  }
0x2f: {  	lr =	sadd.s32 s0, s3;
	s0 =	sld [smem:$0x3FAB]  }
0x30: {  	s3 =	sld [smem:$0x3FAE]  }
0x31: {  	[smem:$0x3FB7] =	sst s10  }
0x32: {  	s10 =	sld [smem:$0x3FB5];
	_ =	sdelay $0x3  }
0x33: {  	p0 =	seq.s32 s10, $0x1;
	s10 =	sld [smem:$0x3FB7];
	_ =	sdelay $0x3  }
0x34: {  	[smem:$0x3FB7] =	sst s10  }
0x35: {  	s10 =	sld [smem:$0x3FB6];
	_ =	sdelay $0x3  }
0x36: {  	p1 =	seq.s32 s10, $0x1;
	s10 =	sld [smem:$0x3FB7];
	_ =	sdelay $0x3  }
0x37: {  	[smem:$0x3FB7] =	sst s10  }
0x38: {  	s10 =	sld [smem:$0x3FB8]  }
0x39: {  	_ = 	snop;
	(pc) =	sbr.ind lr, $3  }
0x3a: {  	_ = 	snop  }
0x3b: {  	_ = 	snop  }
0x3c: {  	p2 =	seq.s32 s10, $0x1;
	s10 =	sld [smem:$0x3FB7]  }
0x3d: {  	_ =	shalt  }
0x3e: {  	_ =	shalt  }
0x3f: {  	_ =	shalt  }
0x40: {  	_ =	shalt  }
0x41: {  	_ =	shalt  }
0x42: {  	_ =	shalt  }
0x43: {  	_ =	shalt  }
0x44: {  	_ =	shalt  }
0x45: {  	_ =	shalt  }
0x46: {  	_ =	shalt  }
0x47: {  	_ =	shalt  }
0x48: {  	_ =	shalt  }
0x49: {  	_ =	shalt  }
0x4a: {  	_ =	shalt  }
0x4b: {  	_ =	shalt  }
0x4c: {  	_ =	shalt  }
0x4d: {  	_ =	shalt  }
0x4e: {  	_ =	shalt  }
0x4f: {  	_ =	shalt  }
0x50: {  	_ =	shalt  }
0x51: {  	_ =	shalt  }
0x52: {  	_ =	shalt  }
0x53: {  	_ =	shalt  }
0x54: {  	_ =	shalt  }
0x55: {  	_ =	shalt  }
0x56: {  	_ =	shalt  }
0x57: {  	_ =	shalt  }
0x58: {  	_ =	shalt  }
0x59: {  	_ =	shalt  }
0x5a: {  	_ =	shalt  }
0x5b: {  	_ =	shalt  }
0x5c: {  	_ =	shalt  }
0x5d: {  	_ =	shalt  }
0x5e: {  	_ =	shalt  }
0x5f: {  	_ =	shalt  }
0x60: {  	_ =	shalt  }
0x61: {  	_ =	shalt  }
0x62: {  	_ =	shalt  }
0x63: {  	_ =	shalt  }
0x64: {  	_ =	shalt  }
0x65: {  	_ =	shalt  }
0x66: {  	_ =	shalt  }
0x67: {  	_ =	shalt  }
0x68: {  	_ =	shalt  }
0x69: {  	_ =	shalt  }
0x6a: {  	_ =	shalt  }
0x6b: {  	_ =	shalt  }
0x6c: {  	_ =	shalt  }
0x6d: {  	_ =	shalt  }
0x6e: {  	_ =	shalt  }
0x6f: {  	_ =	shalt  }
0x70: {  	_ =	shalt  }
0x71: {  	_ =	shalt  }
0x72: {  	_ =	shalt  }
0x73: {  	_ =	shalt  }
0x74: {  	_ =	shalt  }
0x75: {  	_ =	shalt  }
0x76: {  	_ =	shalt  }
0x77: {  	_ =	shalt  }
0x78: {  	_ =	shalt  }
0x79: {  	_ =	shalt  }
0x7a: {  	_ =	shalt  }
0x7b: {  	_ =	shalt  }
0x7c: {  	_ =	shalt  }
0x7d: {  	_ =	shalt  }
0x7e: {  	_ =	shalt  }
0x7f: {  	_ =	shalt  }
0x80: {  	_ =	shalt  }
0x81: {  	_ =	shalt  }
0x82: {  	_ =	shalt  }
0x83: {  	_ =	shalt  }
0x84: {  	_ =	shalt  }
0x85: {  	_ =	shalt  }
0x86: {  	_ =	shalt  }
0x87: {  	_ =	shalt  }
.Lfunc_end0:
.L_simem_size_0:
called_computation.1_lowered:
.L_overlay_start_0:
0x88: {  	s2 =	sld [smem:$0x3FD9]  }
0x89: {  	s3 =	sld [smem:$0x3FFE];
	_ =	sdelay $0x1  }
0x8a: {  	s1 =	srdreg.scid  }
0x8b: {  	s0 =	sand.u32 $0x1, s1  }
0x8c: {  	s16 =	sshll.u32 s0, $0xA;
	s2 =	sadd.s32 s3, s2  }
0x8d: {  	s2 =	sadd.s32 s2, s16  }
0x8e: {  	[smem:$0x3FC3] =	sst s2  }
0x8f: {  	_ = 	snop  }
0x90: {  	(tm) =	ssettm $0x1  }
0x91: {  	s17 =	sld [smem:$0x3FFB];
	_ =	sdelay $0x3  }
0x92: {  	_ =	strace s17  }
0x93: {  	s2 =	sld [smem:$0x3FFC];
	_ =	sdelay $0x3  }
0x94: {  	_ =	strace s2  }
0x95: {  	s2 =	sld [smem:$0x3FFD];
	_ =	sdelay $0x3  }
0x96: {  	_ =	strace s2  }
0x97: {  	_ =	strace $0x8FFFFFFF  }
0x98: {  	s18 =	sld [smem:$0x3FDB];
	_ =	sdelay $0x1  }
0x99: {  	s19 =	simm.s32 $_scs_section_size  }
0x9a: {  	s4 =	simm.s32 $_size__tile_overlayer_lowered;
	s5 =	simm.s32 $_tile_overlayer_lowered  }
0x9b: {  	s22 =	simm.s32 $0x1BFF;
	s21 =	sshll.u32 s5, $0x1;
	s2 =	sadd.s32 s19, s18  }
0x9c: {  	s6 =	simm.s32 $0x0;
	s20 =	sshll.u32 s4, $0x1;
	s4 =	sadd.s32 s21, s2  }
0x9d: {  	[timem:s6], [sflag:s22] =	dma.local [hbm:s4], s20  }
0x9e: {  	_ =	swait.ge [sflag:s22], s20  }
0x9f: {  	s3 =	ssub.s32 $0x0, s20;
	[sflag:s22] =	ssyncset.done $0x0  }
0xa0: {  	[sflag:s22] =	ssyncadd.s32 s3;
	_ =	sdelay $0x1  }
0xa1: {  	s23 =	simm.s32 $0x1B8B  }
0xa2: {  	_ =	swait.ge [sflag:s23], $0x1  }
0xa3: {  	[sflag:s23] =	ssyncset.done $0x0  }
0xa4: {  	s25 =	simm.s32 $0x1B8E;
	s24 =	sld [smem:$0x3FFE];
	[sflag:s23] =	ssyncadd.s32 $0xFFFFFFFF  }
0xa5: {  	s26 =	simm.s32 $execute0_lowered;
	[smem:$0x3FD2] =	sst s25  }
0xa6: {  	s4 =	sshll.u32 s26, $0x1;
	_ =	strace $0x80000049;
	[dreg:$0x1] =	wrdreg $0xFFFFFFFF  }
0xa7: {  	s28 =	simm.s32 $_size_execute0_lowered;
	s2 =	sadd.s32 s2, s4;
	[dreg:$0x0] =	wrdreg $0x0  }
0xa8: {  	s4 =	sshll.u32 s28, $0x1;
	[dreg:$0x2] =	wrdreg s2  }
0xa9: {  	[dreg:$0x3] =	wrdreg s4  }
0xaa: {  	[dreg:$0x4] =	wrdreg $0xC0  }
0xab: {  	_ =	task [dreg:s6], $0x5FFFF  }
0xac: {  	[dreg:$0x1] =	wrdreg $0xFFFFFFFF  }
0xad: {  	[dreg:$0x0] =	wrdreg $0x60  }
0xae: {  	[dreg:$0x2] =	wrdreg s24  }
0xaf: {  	[dreg:$0x3] =	wrdreg $0x0  }
0xb0: {  	[dreg:$0x4] =	wrdreg $0x9  }
0xb1: {  	_ =	task.clear_ibuf [dreg:s6], $0x5FFFF;
	_ =	strace $0x90000049  }
0xb2: {  	s29 =	simm.s32 $0x9;
	_ =	strace $0x8000004B  }
0xb3: {  	_ =	swait.ge [sflag:s29], $0x1  }
0xb4: {  	[sflag:s29] =	ssyncadd.s32 $0xFFFFFFFF  }
0xb5: {  	_ =	strace $0x9000004B  }
0xb6: {  	_ =	sfence  }
0xb7: {  	s30 =	sld [smem:$0x0];
	_ =	sdelay $0x2  }
0xb8: {  	s31 =	sshll.u32 s1, $0xD;
	s1 =	sshrl.u32 s1, $0x2  }
0xb9: {  	s3 =	sand.u32 $0x4000, s31;
	s1 =	sadd.s32 s1, s30  }
0xba: {  	s0 =	sor.u32 s3, s0;
	s1 =	sshll.u32 s1, $0x11  }
0xbb: {  	s0 =	sor.u32 s1, s0  }
0xbc: {  	s0 =	sadd.s32 $0x8F2B, s0  }
0xbd: {  	[sflag:s0] =	ssyncadd.remote.s32 $0x1  }
0xbe: {  	_ =	sfence.sel $0xFFFF  }
0xbf: {  	[dreg:$0x0] =	wrdreg $0xFFFFFFFF;
	(pc) =	sbr.abs _section_cstart, $3  }
0xc0: {  	[dreg:$0x1] =	wrdreg $0xFFFFFFFF  }
0xc1: {  	_ =	task.clear_ibuf [dreg:s6], $0x2FFFF;
	_ =	strace $0x9FFFFFFF  }
0xc2: {  	(tm) =	ssettm $0x7FFFFFFF  }
0xc3: {  	_ =	shalt  }
tec
execute0_lowered:
.L_overlay_start_1:
0x0: {  	(tag) =	ssettag $0x1  }
0x1: {  	s0 =	rddreg [dreg:$0x0]  }
0x2: {  	s2 =	rddreg [dreg:$0x1];
	s1 =	srdreg.scid;
	s3 =	simm.s32 $0x0  }
0x3: {  	s12 =	stileid.u32;
	s29 =	simm.s32 $0x16680;
	s31 =	simm.s32 $0x3  }
0x4: {  	s28 =	simm.s32 $0x6;
	s1 =	sand.u32 $0x1, s1;
	s6 =	smul.u32 $0x13800, s12  }
0x5: {  	[smem:$0x7FF] =	sst s3;
	s10 =	sadd.s32 $0x59A00, s0;
	s22 =	smul.u32 $0x4E000, s12  }
0x6: {  	s26 =	smul.u32 $0x2710, s12;
	s30 =	sadd.s32 $0x138000, s2;
	p0 =	sne.s32 s12, $0xF  }
0x7: {  	s4 =	sshll.u32 s1, $0x4;
	_ =	strace $0x8000004A;
	s25 =	smul.u32 $0x138800, s1  }
0x8: {  	s9 =	ssub.s32 $0x2, s1;
	s1 =	smul.u32 $0x27100, s1;
	[dreg:$0x11] =	wrdreg s30  }
0x9: {  	s30 =	simm.s32 $0x13E00;
	s5 =	sor.u32 s12, s4;
	s4 =	sadd.s32 $0xB600, s0  }
0xa: {  	s7 =	sshrl.u32 s6, $0x3;
	s11 =	sshrl.u32 s9, $0x1;
	[dreg:$0xa] =	wrdreg s30  }
0xb: {  	s8 =	smul.u32 $0x2710, s5;
	s5 =	sadd.s32 $0x1800, s0;
	s7 =	sadd.s32 s7, s0  }
0xc: {  	s9 =	ssub.s32 s9, s11;
	s0 =	sadd.s32 $0x59800, s0;
	s1 =	sadd.s32 s26, s1  }
0xd: {  	s26 =	simm.s32 $0x13D00;
	s7 =	sadd.s32 $0x32800, s7;
	[dreg:$0x12] =	wrdreg s0  }
0xe: {  	s15 =	sadd.s32 $0x230, s1;
	s17 =	sadd.s32 $0x1E0, s1;
	s20 =	smax.u32 s9, $0x1  }
0xf: {  	[dreg:$0x9] =	wrdreg s26;
	s9 =	simm.s32 $0xD;
	s8 =	sshrl.u32 s8, $0x3  }
0x10: {  	[dreg:$0x10] =	wrdreg s7;
	s16 =	sshrl.u32 s15, $0x3;
	s7 =	sadd.s32 $0x190, s1  }
0x11: {  	[dreg:$0x15] =	wrdreg s20;
	s20 =	simm.s32 $0x4;
	s13 =	sadd.s32 s5, s8  }
0x12: {  	s8 =	sshrl.u32 s22, $0x2;
	s22 =	sadd.s32 $0x140, s1;
	[dreg:$0xb] =	wrdreg s13  }
0x13: {  	s19 =	sshrl.u32 s7, $0x3;
	s23 =	sadd.s32 $0xA, s13;
	[dreg:$0x16] =	wrdreg s22  }
0x14: {  	s1 =	simm.s32 $0x9;
	s24 =	sadd.s32 $0x14, s13;
	[dreg:$0xc] =	wrdreg s23  }
0x15: {  	s7 =	simm.s32 $0x8;
	s13 =	sadd.s32 $0x1E, s13;
	[dreg:$0xd] =	wrdreg s24  }
0x16: {  	s8 =	sadd.s32 s8, s2;
	s21 =	sadd.s32 s19, s5;
	[dreg:$0xe] =	wrdreg s13  }
0x17: {  	s22 =	simm.s32 $0x1;
	s19 =	simm.s32 $0x13C80;
	[dreg:$0xf] =	wrdreg s8  }
0x18: {  	s8 =	sadd.s32 s6, s25;
	s13 =	sshrl.u32 s25, $0x3;
	s6 =	sshrl.u32 s17, $0x3  }
0x19: {  	[dreg:$0x5] =	wrdreg s21;
	s23 =	simm.s32 $0x13B80;
	s24 =	simm.s32 $0x18E80  }
0x1a: {  	s25 =	simm.s32 $0x13C00;
	s21 =	simm.s32 $0x1B680;
	[dreg:$0x6] =	wrdreg s23  }
0x1b: {  	s0 =	sshrl.u32 s8, $0x3;
	s14 =	sadd.s32 s10, s13;
	[dreg:$0x7] =	wrdreg s24  }
0x1c: {  	s18 =	sadd.s32 s6, s5;
	[dreg:$0x8] =	wrdreg s25;
	s23 =	simm.s32 $0x50  }
0x1d: {  	s24 =	simm.s32 $0x13A80;
	s0 =	sadd.s32 s10, s0;
	[dreg:$0x4] =	wrdreg s18  }
0x1e: {  	s25 =	simm.s32 $0x13E80;
	[dreg:$0x13] =	wrdreg s0;
	s0 =	sadd.s32 $0x27000, s14  }
0x1f: {  	s18 =	simm.s32 $0x13880;
	[dreg:$0x14] =	wrdreg s0;
	s0 =	sadd.s32 s16, s5  }
0x20: {  	s10 =	simm.s32 $0x0;
	[dreg:$0x3] =	wrdreg s0;
	s0 =	simm.s32 $0x5  }
.LBB2_1:
0x21: {  	s6 =	rddreg [dreg:$0xb]  }
0x22: {  	[tilespmem:s18], [sflag:$0x1] =	stream.linear.gather [hbm4b:s6+s3], $0x50, $0x38;
	[tilespmem:$0x1DE80] =	vst v63  }
0x23: {  	s11 =	rddreg [dreg:$0xc];
	s8 =	simm.s32 $0x13900  }
0x24: {  	[tilespmem:s8], [sflag:$0x2] =	stream.linear.gather [hbm4b:s11+s3], $0x50, $0x38;
	[tilespmem:$0x1DE80] =	vst v63  }
0x25: {  	s12 =	rddreg [dreg:$0xd];
	s13 =	simm.s32 $0x13980  }
0x26: {  	[tilespmem:s13], [sflag:$0x3] =	stream.linear.gather [hbm4b:s12+s3], $0x50, $0x38;
	[tilespmem:$0x1DE80] =	vst v63  }
0x27: {  	s14 =	rddreg [dreg:$0xe];
	s15 =	simm.s32 $0x13A00  }
0x28: {  	[tilespmem:s15], [sflag:$0x4] =	stream.linear.gather [hbm4b:s14+s3], $0x50, $0x38;
	[tilespmem:$0x1DE80] =	vst v63  }
0x29: {  	_ =	swait.ge [sflag:s22], $0x50  }
0x2a: {  	[sflag:s22] =	ssyncset.done $0x0  }
0x2b: {  	[sflag:s22] =	ssyncadd.s32 $0xFFFFFFB0  }
0x2c: {  	v0 =	vld [tilespmem:$0x13880];
	_ =	sdelay $0x1  }
0x2d: {  	v1 =	vld [tilespmem:$0x13890];
	_ =	sdelay $0x1  }
0x2e: {  	v2 =	vld [tilespmem:$0x138A0]  }
0x2f: {  	v3 =	vand.u32 $0x3FFF, v0  }
0x30: {  	v0 =	vshra.s32 v0, $0xE;
	[tilespmem:$0x13A80] =	vst v3;
	v3 =	vld [tilespmem:$0x138B0]  }
0x31: {  	[tilespmem:$0x13C80] =	vst v0;
	v0 =	vand.u32 $0x3FFF, v1  }
0x32: {  	[tilespmem:$0x13A90] =	vst v0;
	v0 =	vshra.s32 v1, $0xE;
	v1 =	vld [tilespmem:$0x138C0]  }
0x33: {  	[tilespmem:$0x13C90] =	vst v0;
	v0 =	vand.u32 $0x3FFF, v2  }
0x34: {  	[tilespmem:$0x13AA0] =	vst v0;
	v0 =	vshra.s32 v2, $0xE  }
0x35: {  	[tilespmem:$0x13CA0] =	vst v0;
	v0 =	vand.u32 $0x3FFF, v3  }
0x36: {  	[tilespmem:$0x13AB0] =	vst v0;
	v0 =	vshra.s32 v3, $0xE  }
0x37: {  	[tilespmem:$0x13CB0] =	vst v0;
	v0 =	vand.u32 $0x3FFF, v1  }
0x38: {  	[tilespmem:$0x13AC0] =	vst v0;
	v0 =	vshra.s32 v1, $0xE  }
0x39: {  	s16 =	simm.s32 $0x2;
	[tilespmem:$0x13CC0] =	vst v0  }
0x3a: {  	[tilespmem:s25], [sflag:$0x5] =	stream.indirect.gather [hbm4b:s4+s23], $0x80, s24, s23, $0xb8;
	[tilespmem:$0x1DE80] =	vst v63  }
0x3b: {  	_ =	swait.ge [sflag:s16], $0x50  }
0x3c: {  	[sflag:s16] =	ssyncset.done $0x0  }
0x3d: {  	[sflag:s16] =	ssyncadd.s32 $0xFFFFFFB0  }
0x3e: {  	v0 =	vld [tilespmem:$0x13900];
	_ =	sdelay $0x1  }
0x3f: {  	v1 =	vld [tilespmem:$0x13910];
	_ =	sdelay $0x1  }
0x40: {  	v2 =	vld [tilespmem:$0x13920]  }
0x41: {  	v3 =	vand.u32 $0x3FFF, v0  }
0x42: {  	v0 =	vshra.s32 v0, $0xE;
	[tilespmem:$0x13B00] =	vst v3;
	v3 =	vld [tilespmem:$0x13930]  }
0x43: {  	[tilespmem:$0x13D00] =	vst v0;
	v0 =	vand.u32 $0x3FFF, v1  }
0x44: {  	[tilespmem:$0x13B10] =	vst v0;
	v0 =	vshra.s32 v1, $0xE;
	v1 =	vld [tilespmem:$0x13940]  }
0x45: {  	[tilespmem:$0x13D10] =	vst v0;
	v0 =	vand.u32 $0x3FFF, v2  }
0x46: {  	[tilespmem:$0x13B20] =	vst v0;
	v0 =	vshra.s32 v2, $0xE  }
0x47: {  	[tilespmem:$0x13D20] =	vst v0;
	v0 =	vand.u32 $0x3FFF, v3  }
0x48: {  	[tilespmem:$0x13B30] =	vst v0;
	v0 =	vshra.s32 v3, $0xE  }
0x49: {  	s26 =	stileid.u32;
	[tilespmem:$0x13D30] =	vst v0;
	v0 =	vand.u32 $0x3FFF, v1  }
0x4a: {  	s17 =	simm.s32 $0x13B00;
	s6 =	sshll.u32 s26, $0x6;
	s30 =	rddreg [dreg:$0xf];
	[tilespmem:$0x13B40] =	vst v0;
	v0 =	vshra.s32 v1, $0xE  }
0x4b: {  	s11 =	sor.u32 $0x1C0D, s6;
	s8 =	rddreg [dreg:$0x10];
	s12 =	sshrl.u32 s30, $0x3;
	[tilespmem:$0x13D40] =	vst v0  }
0x4c: {  	[tilespmem:s29], [sflag:$0x6] =	stream.indirect.gather [hbm4b:s4+s23], $0x80, s17, s23, $0xb8;
	[tilespmem:$0x1DE80] =	vst v63  }
0x4d: {  	[spmem:s12], [sflag:s11] =	dma.local [hbm:s8], $0x2700  }
0x4e: {  	_ =	swait.ge [sflag:s9], $0x2700  }
0x4f: {  	[sflag:s9] =	ssyncset.done $0x0;
	s6 =	rddreg [dreg:$0x11]  }
0x50: {  	[sflag:s9] =	ssyncadd.s32 $0xFFFFD900;
	s13 =	sshrl.u32 @!p0 s6, $0x3;
	s6 =	rddreg [dreg:$0x12]  }
0x51: {  	[spmem:s13], [sflag:s11] =	dma.local @!p0 [hbm:s6], $0x100  }
0x52: {  	s6 =	simm.s32 @!p0 $0xD  }
0x53: {  	_ =	swait.ge @!p0 [sflag:s6], $0x100  }
0x54: {  	[sflag:s6] =	ssyncset.done @!p0 $0x0  }
0x55: {  	p1 =	por $0x1, $0x1;
	[sflag:s6] =	ssyncadd.s32 @!p0 $0xFFFFFF00  }
0x56: {  	s6 =	simm.s32 @!p1 $0xB;
	[bflag:$0x0] =	sbarrier.arrive $0xFFFF  }
0x57: {  	_ =	swait.ge @!p1 [sflag:s6], $0x2800  }
0x58: {  	[sflag:s6] =	ssyncset.done @!p1 $0x0  }
0x59: {  	[sflag:s6] =	ssyncadd.s32 @!p1 $0xFFFFD800  }
0x5a: {  	_ =	swait.ge [sflag:s31], $0x50  }
0x5b: {  	[sflag:s31] =	ssyncset.done $0x0  }
0x5c: {  	[sflag:s31] =	ssyncadd.s32 $0xFFFFFFB0  }
0x5d: {  	v0 =	vld [tilespmem:$0x139C0];
	_ =	sdelay $0x1  }
0x5e: {  	v1 =	vld [tilespmem:$0x13980];
	_ =	sdelay $0x1  }
0x5f: {  	v2 =	vld [tilespmem:$0x139B0]  }
0x60: {  	v3 =	vand.u32 $0x3FFF, v0  }
0x61: {  	v4 =	vld [tilespmem:$0x139A0];
	v0 =	vshra.s32 v0, $0xE;
	[tilespmem:$0x13BC0] =	vst v3  }
0x62: {  	v5 =	vand.u32 $0x3FFF, v1;
	[tilespmem:$0x13DC0] =	vst v0  }
0x63: {  	v3 =	vld [tilespmem:$0x13990];
	v0 =	vshra.s32 v1, $0xE;
	[tilespmem:$0x13B80] =	vst v5  }
0x64: {  	v1 =	vshra.s32 v2, $0xE;
	[tilespmem:$0x13D80] =	vst v0  }
0x65: {  	v0 =	vand.u32 $0x3FFF, v2;
	[tilespmem:$0x13DB0] =	vst v1  }
0x66: {  	v1 =	vshra.s32 v4, $0xE;
	[tilespmem:$0x13BB0] =	vst v0  }
0x67: {  	[tilespmem:$0x13DA0] =	vst v1;
	v1 =	vand.u32 $0x3FFF, v4  }
0x68: {  	s9 =	rddreg [dreg:$0x6];
	[tilespmem:$0x13BA0] =	vst v1;
	v0 =	vshra.s32 v3, $0xE  }
0x69: {  	s17 =	rddreg [dreg:$0x16];
	[tilespmem:$0x13D90] =	vst v0;
	v0 =	vand.u32 $0x3FFF, v3  }
0x6a: {  	s14 =	rddreg [dreg:$0x7];
	s15 =	sshrl.u32 s17, $0x3;
	[tilespmem:$0x13B90] =	vst v0  }
0x6b: {  	[tilespmem:s14], [sflag:$0x7] =	stream.indirect.gather [hbm4b:s4+s23], $0x80, s9, s23, $0xb8;
	[tilespmem:$0x1DE80] =	vst v63  }
0x6c: {  	s16 =	sadd.s32 s5, s15  }
0x6d: {  	[tilespmem:s18], [sflag:$0x1] =	stream.linear.gather [hbm4b:s16+s3], $0x50, $0x38;
	[tilespmem:$0x1DE80] =	vst v63  }
0x6e: {  	_ =	swait.ge [sflag:s0], $0x2800  }
0x6f: {  	[sflag:s0] =	ssyncset.done $0x0  }
0x70: {  	s6 =	simm.s32 @!p1 $0xC;
	[sflag:s0] =	ssyncadd.s32 $0xFFFFD800  }
0x71: {  	[spmem:s2] =	stream.indirect.scatter.add.f32 [tilespmem:s25], [sflag:$0x9], $0x80, s19, s23, $0xb8;
	[tilespmem:$0x1DE80] =	vst v63  }
0x72: {  	_ =	swait.ge @!p1 [sflag:s6], $0x2800  }
0x73: {  	[sflag:s6] =	ssyncset.done @!p1 $0x0  }
0x74: {  	[sflag:s6] =	ssyncadd.s32 @!p1 $0xFFFFD800  }
0x75: {  	_ =	swait.ge [sflag:s20], $0x50  }
0x76: {  	[sflag:s20] =	ssyncset.done $0x0  }
0x77: {  	[sflag:s20] =	ssyncadd.s32 $0xFFFFFFB0  }
0x78: {  	v0 =	vld [tilespmem:$0x13A10];
	_ =	sdelay $0x1  }
0x79: {  	v1 =	vld [tilespmem:$0x13A00];
	_ =	sdelay $0x1  }
0x7a: {  	v2 =	vld [tilespmem:$0x13A40]  }
0x7b: {  	v3 =	vand.u32 $0x3FFF, v0  }
0x7c: {  	v0 =	vshra.s32 v0, $0xE;
	[tilespmem:$0x13C10] =	vst v3;
	v3 =	vld [tilespmem:$0x13A30]  }
0x7d: {  	v4 =	vand.u32 $0x3FFF, v1;
	[tilespmem:$0x13E10] =	vst v0  }
0x7e: {  	v0 =	vshra.s32 v1, $0xE;
	[tilespmem:$0x13C00] =	vst v4;
	v1 =	vld [tilespmem:$0x13A20]  }
0x7f: {  	[tilespmem:$0x13E00] =	vst v0;
	v0 =	vand.u32 $0x3FFF, v2  }
0x80: {  	v2 =	vshra.s32 v2, $0xE;
	[tilespmem:$0x13C40] =	vst v0  }
0x81: {  	[tilespmem:$0x13E40] =	vst v2;
	v0 =	vand.u32 $0x3FFF, v3  }
0x82: {  	v2 =	vshra.s32 v3, $0xE;
	[tilespmem:$0x13C30] =	vst v0  }
0x83: {  	v0 =	vshra.s32 v1, $0xE;
	[tilespmem:$0x13E30] =	vst v2  }
0x84: {  	s26 =	rddreg [dreg:$0x8];
	v1 =	vand.u32 $0x3FFF, v1;
	[tilespmem:$0x13E20] =	vst v0  }
0x85: {  	p2 =	por $0x0, $0x0;
	s14 =	rddreg [dreg:$0x5];
	[tilespmem:$0x13C20] =	vst v1  }
0x86: {  	[tilespmem:s21], [sflag:$0x8] =	stream.indirect.gather [hbm4b:s4+s23], $0x80, s26, s23, $0xb8;
	[tilespmem:$0x1DE80] =	vst v63  }
0x87: {  	s15 =	simm.s32 @!p2 $0x13900;
	s6 =	simm.s32 @!p2 $0x0;
	s14 =	sadd.s32 @!p2 $0x0, s14  }
0x88: {  	[tilespmem:s15], [sflag:$0x2] =	stream.linear.gather @!p2 [hbm4b:s14+s6], $0x50, $0x38;
	[tilespmem:$0x1DE80] =	vst v63  }
0x89: {  	_ =	swait.ge [sflag:s28], $0x2800  }
0x8a: {  	[sflag:s28] =	ssyncset.done $0x0  }
0x8b: {  	s30 =	rddreg [dreg:$0x9];
	[sflag:s28] =	ssyncadd.s32 $0xFFFFD800  }
0x8c: {  	[spmem:s2] =	stream.indirect.scatter.add.f32 [tilespmem:s29], [sflag:$0xA], $0x80, s30, s23, $0xb8;
	[tilespmem:$0x1DE80] =	vst v63  }
0x8d: {  	_ =	swait.ge [sflag:s1], $0x2800  }
0x8e: {  	[sflag:s1] =	ssyncset.done $0x0  }
0x8f: {  	[sflag:s1] =	ssyncadd.s32 $0xFFFFD800  }
0x90: {  	_ =	swait.ge [sflag:s22], $0x50  }
0x91: {  	[sflag:s22] =	ssyncset.done $0x0  }
0x92: {  	[sflag:s22] =	ssyncadd.s32 $0xFFFFFFB0  }
0x93: {  	v0 =	vld [tilespmem:$0x138B0]  }
0x94: {  	v1 =	vld [tilespmem:$0x138A0]  }
0x95: {  	v2 =	vld [tilespmem:$0x13880];
	_ =	sdelay $0x2  }
0x96: {  	v4 =	vld [tilespmem:$0x138C0];
	v3 =	vand.u32 $0x3FFF, v0  }
0x97: {  	v5 =	vshra.s32 v1, $0xE;
	[tilespmem:$0x13AB0] =	vst v3  }
0x98: {  	v3 =	vshra.s32 v2, $0xE;
	[tilespmem:$0x13CA0] =	vst v5  }
0x99: {  	v2 =	vand.u32 $0x3FFF, v2;
	[tilespmem:$0x13C80] =	vst v3  }
0x9a: {  	v3 =	vand.u32 $0x3FFF, v1;
	[tilespmem:$0x13A80] =	vst v2  }
0x9b: {  	s15 =	simm.s32 $0x28;
	s14 =	simm.s32 $0x0;
	v0 =	vshra.s32 v0, $0xE;
	v1 =	vld [tilespmem:$0x13890];
	v2 =	vshra.s32 v4, $0xE;
	[tilespmem:$0x13AA0] =	vst v3;
	v3 =	vand.u32 $0x3FFF, v4  }
.LBB2_2:
0x9c: {  	_ =	sdelay $0x1  }
0x9d: {  	[tilespmem:$0x13AC0] =	vst v3  }
0x9e: {  	[tilespmem:$0x13CC0] =	vst v2  }
0x9f: {  	[tilespmem:$0x13CB0] =	vst v0;
	v3 =	vand.u32 $0x3FFF, v1  }
0xa0: {  	v1 =	vshra.s32 v1, $0xE;
	[tilespmem:$0x13A90] =	vst v3  }
0xa1: {  	s8 =	simm.s32 @p2 $0x7;
	[tilespmem:$0x13C90] =	vst v1  }
0xa2: {  	[tilespmem:s25], [sflag:$0x5] =	stream.indirect.gather [hbm4b:s4+s23], $0x80, s24, s23, $0xb8;
	[tilespmem:$0x1DE80] =	vst v63  }
0xa3: {  	_ =	swait.ge @p2 [sflag:s8], $0x2800  }
0xa4: {  	s9 =	simm.s32 @p2 $0x18E80;
	s16 =	simm.s32 @p2 $0xA;
	[sflag:s8] =	ssyncset.done @p2 $0x0  }
0xa5: {  	s30 =	simm.s32 @p2 $0x13D80;
	[sflag:s8] =	ssyncadd.s32 @p2 $0xFFFFD800;
	s8 =	simm.s32 @p2 $0x50  }
0xa6: {  	[spmem:s2] =	stream.indirect.scatter.add.f32 @p2 [tilespmem:s9], [sflag:$0xB], $0x80, s30, s8, $0xb8;
	[tilespmem:$0x1DE80] =	vst v63  }
0xa7: {  	_ =	swait.ge @p2 [sflag:s16], $0x2800  }
0xa8: {  	s9 =	simm.s32 @!p2 $0x13980;
	s8 =	rddreg [dreg:$0x4];
	[sflag:s16] =	ssyncset.done @p2 $0x0  }
0xa9: {  	[sflag:s16] =	ssyncadd.s32 @p2 $0xFFFFD800;
	s8 =	sadd.s32 @!p2 s14, s8;
	s16 =	simm.s32 @!p2 $0x7  }
0xaa: {  	[tilespmem:s9], [sflag:$0x3] =	stream.linear.gather @!p2 [hbm4b:s8+s6], $0x50, $0x38;
	[tilespmem:$0x1DE80] =	vst v63  }
0xab: {  	_ =	swait.ge @!p2 [sflag:s16], $0x2800  }
0xac: {  	s30 =	simm.s32 @!p2 $0x13D80;
	s8 =	simm.s32 @!p2 $0x18E80;
	[sflag:s16] =	ssyncset.done @!p2 $0x0  }
0xad: {  	s9 =	simm.s32 @!p2 $0xA;
	[sflag:s16] =	ssyncadd.s32 @!p2 $0xFFFFD800;
	s16 =	simm.s32 @!p2 $0x50  }
0xae: {  	[spmem:s2] =	stream.indirect.scatter.add.f32 @!p2 [tilespmem:s8], [sflag:$0xB], $0x80, s30, s16, $0xb8;
	[tilespmem:$0x1DE80] =	vst v63  }
0xaf: {  	_ =	swait.ge @!p2 [sflag:s9], $0x2800  }
0xb0: {  	[sflag:s9] =	ssyncset.done @!p2 $0x0  }
0xb1: {  	s8 =	simm.s32 @!p2 $0x2;
	[sflag:s9] =	ssyncadd.s32 @!p2 $0xFFFFD800  }
0xb2: {  	_ =	swait.ge @!p2 [sflag:s8], $0x50  }
0xb3: {  	[sflag:s8] =	ssyncset.done @!p2 $0x0  }
0xb4: {  	[sflag:s8] =	ssyncadd.s32 @!p2 $0xFFFFFFB0  }
0xb5: {  	v0 =	vld @!p2 [tilespmem:$0x13900];
	_ =	sdelay $0x1  }
0xb6: {  	v1 =	vld @!p2 [tilespmem:$0x13910];
	_ =	sdelay $0x1  }
0xb7: {  	v2 =	vld @!p2 [tilespmem:$0x13920]  }
0xb8: {  	v4 =	vand.u32 @!p2 $0x3FFF, v0  }
0xb9: {  	v3 =	vld @!p2 [tilespmem:$0x13930];
	v0 =	vshra.s32 @!p2 v0, $0xE;
	[tilespmem:$0x13B00] =	vst @!p2 v4  }
0xba: {  	v4 =	vand.u32 @!p2 $0x3FFF, v1;
	v1 =	vshra.s32 @!p2 v1, $0xE;
	[tilespmem:$0x13D00] =	vst @!p2 v0  }
0xbb: {  	v5 =	vld @!p2 [tilespmem:$0x13940];
	[tilespmem:$0x13D10] =	vst @!p2 v1  }
0xbc: {  	v1 =	vand.u32 @!p2 $0x3FFF, v2;
	[tilespmem:$0x13B10] =	vst @!p2 v4  }
0xbd: {  	v2 =	vshra.s32 @!p2 v2, $0xE;
	[tilespmem:$0x13B20] =	vst @!p2 v1  }
0xbe: {  	v1 =	vand.u32 @!p2 $0x3FFF, v3;
	[tilespmem:$0x13D20] =	vst @!p2 v2  }
0xbf: {  	v3 =	vshra.s32 @!p2 v3, $0xE;
	[tilespmem:$0x13B30] =	vst @!p2 v1  }
0xc0: {  	[tilespmem:$0x13D30] =	vst @!p2 v3;
	v3 =	vshra.s32 @!p2 v5, $0xE  }
0xc1: {  	v1 =	vand.u32 @!p2 $0x3FFF, v5;
	[tilespmem:$0x13D40] =	vst @!p2 v3  }
0xc2: {  	s30 =	simm.s32 @!p2 $0x16680;
	s9 =	simm.s32 @!p2 $0x13B00;
	s8 =	rddreg [dreg:$0x3];
	[tilespmem:$0x13B40] =	vst @!p2 v1  }
0xc3: {  	[tilespmem:s30], [sflag:$0x6] =	stream.indirect.gather @!p2 [hbm4b:s4+s16], $0x80, s9, s16, $0xb8;
	[tilespmem:$0x1DE80] =	vst v63  }
0xc4: {  	s26 =	smov.u32 s15;
	s8 =	sadd.s32 @!p2 s14, s8;
	s9 =	simm.s32 @!p2 $0x13A00  }
0xc5: {  	[tilespmem:s9], [sflag:$0x4] =	stream.linear.gather @!p2 [hbm4b:s8+s6], $0x50, $0x38;
	[tilespmem:$0x1DE80] =	vst v63  }
0xc6: {  	s14 =	smov.u32 s26;
	_ =	swait.ge [sflag:s7], $0x2800  }
0xc7: {  	p2 =	seq.s32 s14, $0x0;
	[sflag:s7] =	ssyncset.done $0x0  }
0xc8: {  	s6 =	simm.s32 @!p2 $0xB;
	s9 =	rddreg [dreg:$0xa];
	[sflag:s7] =	ssyncadd.s32 $0xFFFFD800  }
0xc9: {  	[spmem:s2] =	stream.indirect.scatter.add.f32 [tilespmem:s21], [sflag:$0xC], $0x80, s9, s23, $0xb8;
	[tilespmem:$0x1DE80] =	vst v63  }
0xca: {  	_ =	swait.ge @!p2 [sflag:s6], $0x2800  }
0xcb: {  	[sflag:s6] =	ssyncset.done @!p2 $0x0  }
0xcc: {  	[sflag:s6] =	ssyncadd.s32 @!p2 $0xFFFFD800  }
0xcd: {  	_ =	swait.ge [sflag:s31], $0x50  }
0xce: {  	[sflag:s31] =	ssyncset.done $0x0  }
0xcf: {  	[sflag:s31] =	ssyncadd.s32 $0xFFFFFFB0  }
0xd0: {  	v0 =	vld [tilespmem:$0x139C0];
	_ =	sdelay $0x1  }
0xd1: {  	v1 =	vld [tilespmem:$0x13980];
	_ =	sdelay $0x1  }
0xd2: {  	v2 =	vld [tilespmem:$0x139B0]  }
0xd3: {  	v5 =	vand.u32 $0x3FFF, v0  }
0xd4: {  	v3 =	vld [tilespmem:$0x139A0];
	v0 =	vshra.s32 v0, $0xE;
	[tilespmem:$0x13BC0] =	vst v5  }
0xd5: {  	v4 =	vld [tilespmem:$0x13990];
	v6 =	vand.u32 $0x3FFF, v1;
	[tilespmem:$0x13DC0] =	vst v0  }
0xd6: {  	v1 =	vshra.s32 v1, $0xE;
	[tilespmem:$0x13B80] =	vst v6  }
0xd7: {  	v5 =	vand.u32 $0x3FFF, v2;
	v2 =	vshra.s32 v2, $0xE;
	[tilespmem:$0x13D80] =	vst v1  }
0xd8: {  	[tilespmem:$0x13DB0] =	vst v2  }
0xd9: {  	v0 =	vand.u32 $0x3FFF, v3;
	v3 =	vshra.s32 v3, $0xE;
	[tilespmem:$0x13BB0] =	vst v5  }
0xda: {  	v1 =	vand.u32 $0x3FFF, v4;
	v4 =	vshra.s32 v4, $0xE;
	[tilespmem:$0x13DA0] =	vst v3  }
0xdb: {  	[tilespmem:$0x13D90] =	vst v4  }
0xdc: {  	s17 =	sadd.s32 $0x140, s17;
	s16 =	rddreg [dreg:$0x6];
	[tilespmem:$0x13BA0] =	vst v0  }
0xdd: {  	s30 =	sshrl.u32 s17, $0x3;
	s26 =	rddreg [dreg:$0x7];
	[tilespmem:$0x13B90] =	vst v1  }
0xde: {  	[tilespmem:s26], [sflag:$0x7] =	stream.indirect.gather [hbm4b:s4+s23], $0x80, s16, s23, $0xb8;
	[tilespmem:$0x1DE80] =	vst v63  }
0xdf: {  	s16 =	sadd.s32 s5, s30  }
0xe0: {  	[tilespmem:s18], [sflag:$0x1] =	stream.linear.gather [hbm4b:s16+s3], $0x50, $0x38;
	[tilespmem:$0x1DE80] =	vst v63  }
0xe1: {  	_ =	swait.ge [sflag:s0], $0x2800  }
0xe2: {  	[sflag:s0] =	ssyncset.done $0x0  }
0xe3: {  	s6 =	simm.s32 @!p2 $0xC;
	[sflag:s0] =	ssyncadd.s32 $0xFFFFD800  }
0xe4: {  	[spmem:s2] =	stream.indirect.scatter.add.f32 [tilespmem:s25], [sflag:$0x9], $0x80, s19, s23, $0xb8;
	[tilespmem:$0x1DE80] =	vst v63  }
0xe5: {  	_ =	swait.ge @!p2 [sflag:s6], $0x2800  }
0xe6: {  	[sflag:s6] =	ssyncset.done @!p2 $0x0  }
0xe7: {  	[sflag:s6] =	ssyncadd.s32 @!p2 $0xFFFFD800  }
0xe8: {  	_ =	swait.ge [sflag:s20], $0x50  }
0xe9: {  	[sflag:s20] =	ssyncset.done $0x0  }
0xea: {  	[sflag:s20] =	ssyncadd.s32 $0xFFFFFFB0  }
0xeb: {  	v0 =	vld [tilespmem:$0x13A10];
	_ =	sdelay $0x1  }
0xec: {  	v1 =	vld [tilespmem:$0x13A00];
	_ =	sdelay $0x1  }
0xed: {  	v2 =	vld [tilespmem:$0x13A40]  }
0xee: {  	v3 =	vand.u32 $0x3FFF, v0;
	v0 =	vshra.s32 v0, $0xE  }
0xef: {  	[tilespmem:$0x13E10] =	vst v0;
	v0 =	vld [tilespmem:$0x13A30]  }
0xf0: {  	[tilespmem:$0x13C10] =	vst v3;
	v3 =	vand.u32 $0x3FFF, v1;
	v1 =	vshra.s32 v1, $0xE  }
0xf1: {  	[tilespmem:$0x13E00] =	vst v1;
	v1 =	vld [tilespmem:$0x13A20]  }
0xf2: {  	[tilespmem:$0x13C00] =	vst v3;
	v3 =	vand.u32 $0x3FFF, v2  }
0xf3: {  	v2 =	vshra.s32 v2, $0xE;
	[tilespmem:$0x13C40] =	vst v3  }
0xf4: {  	[tilespmem:$0x13E40] =	vst v2;
	v2 =	vand.u32 $0x3FFF, v0  }
0xf5: {  	v0 =	vshra.s32 v0, $0xE;
	[tilespmem:$0x13C30] =	vst v2  }
0xf6: {  	v3 =	vand.u32 $0x3FFF, v1;
	v1 =	vshra.s32 v1, $0xE;
	[tilespmem:$0x13E30] =	vst v0  }
0xf7: {  	s26 =	rddreg [dreg:$0x8];
	[tilespmem:$0x13E20] =	vst v1  }
0xf8: {  	p2 =	seq.s32 s14, $0x4B0;
	s8 =	rddreg [dreg:$0x5];
	[tilespmem:$0x13C20] =	vst v3  }
0xf9: {  	[tilespmem:s21], [sflag:$0x8] =	stream.indirect.gather [hbm4b:s4+s23], $0x80, s26, s23, $0xb8;
	[tilespmem:$0x1DE80] =	vst v63  }
0xfa: {  	s6 =	simm.s32 @!p2 $0x0;
	s9 =	simm.s32 @!p2 $0x13900;
	s8 =	sadd.s32 @!p2 s14, s8  }
0xfb: {  	[tilespmem:s9], [sflag:$0x2] =	stream.linear.gather @!p2 [hbm4b:s8+s6], $0x50, $0x38;
	[tilespmem:$0x1DE80] =	vst v63  }
0xfc: {  	_ =	swait.ge [sflag:s28], $0x2800  }
0xfd: {  	[sflag:s28] =	ssyncset.done $0x0  }
0xfe: {  	s30 =	rddreg [dreg:$0x9];
	[sflag:s28] =	ssyncadd.s32 $0xFFFFD800  }
0xff: {  	[spmem:s2] =	stream.indirect.scatter.add.f32 [tilespmem:s29], [sflag:$0xA], $0x80, s30, s23, $0xb8;
	[tilespmem:$0x1DE80] =	vst v63  }
0x100: {  	_ =	swait.ge [sflag:s1], $0x2800  }
0x101: {  	[sflag:s1] =	ssyncset.done $0x0  }
0x102: {  	[sflag:s1] =	ssyncadd.s32 $0xFFFFD800  }
0x103: {  	_ =	swait.ge [sflag:s22], $0x50  }
0x104: {  	[sflag:s22] =	ssyncset.done $0x0  }
0x105: {  	[sflag:s22] =	ssyncadd.s32 $0xFFFFFFB0  }
0x106: {  	v0 =	vld [tilespmem:$0x138B0]  }
0x107: {  	v2 =	vld [tilespmem:$0x138A0]  }
0x108: {  	v1 =	vld [tilespmem:$0x13880];
	_ =	sdelay $0x1  }
0x109: {  	s15 =	sadd.s32 $0x28, s15  }
0x10a: {  	p1 =	sne.s32 s15, $0x4D8;
	v4 =	vld [tilespmem:$0x138C0];
	v3 =	vand.u32 $0x3FFF, v0  }
.Ltmp0:
0x10b: {  	v5 =	vshra.s32 v2, $0xE;
	[tilespmem:$0x13AB0] =	vst v3;
	(pc) =	sbr.rel @p1 .LBB2_2-.Ltmp0, $4  }
0x10c: {  	v63 =	vshra.s32 v1, $0xE;
	[tilespmem:$0x13CA0] =	vst v5  }
0x10d: {  	v2 =	vand.u32 $0x3FFF, v2;
	[tilespmem:$0x13C80] =	vst v63  }
0x10e: {  	v3 =	vand.u32 $0x3FFF, v1;
	[tilespmem:$0x13AA0] =	vst v2  }
0x10f: {  	v0 =	vshra.s32 v0, $0xE;
	v1 =	vld [tilespmem:$0x13890];
	v2 =	vshra.s32 v4, $0xE;
	[tilespmem:$0x13A80] =	vst v3;
	v3 =	vand.u32 $0x3FFF, v4  }
0x110: {  	_ =	sdelay $0x1  }
0x111: {  	[tilespmem:$0x13AC0] =	vst v3  }
0x112: {  	[tilespmem:$0x13CC0] =	vst v2  }
0x113: {  	[tilespmem:$0x13CB0] =	vst v0;
	v62 =	vand.u32 $0x3FFF, v1  }
0x114: {  	v63 =	vshra.s32 v1, $0xE;
	[tilespmem:$0x13A90] =	vst v62  }
0x115: {  	s8 =	simm.s32 @p2 $0x7;
	[tilespmem:$0x13C90] =	vst v63  }
0x116: {  	[tilespmem:s25], [sflag:$0x5] =	stream.indirect.gather [hbm4b:s4+s23], $0x80, s24, s23, $0xb8;
	[tilespmem:$0x1DE80] =	vst v63  }
0x117: {  	_ =	swait.ge @p2 [sflag:s8], $0x2800  }
0x118: {  	s9 =	simm.s32 @p2 $0x18E80;
	s15 =	simm.s32 @p2 $0xA;
	[sflag:s8] =	ssyncset.done @p2 $0x0  }
0x119: {  	s16 =	simm.s32 @p2 $0x13D80;
	[sflag:s8] =	ssyncadd.s32 @p2 $0xFFFFD800;
	s8 =	simm.s32 @p2 $0x50  }
0x11a: {  	[spmem:s2] =	stream.indirect.scatter.add.f32 @p2 [tilespmem:s9], [sflag:$0xB], $0x80, s16, s8, $0xb8;
	[tilespmem:$0x1DE80] =	vst v63  }
0x11b: {  	_ =	swait.ge @p2 [sflag:s15], $0x2800  }
0x11c: {  	s9 =	simm.s32 @!p2 $0x13980;
	s8 =	rddreg [dreg:$0x4];
	[sflag:s15] =	ssyncset.done @p2 $0x0  }
0x11d: {  	[sflag:s15] =	ssyncadd.s32 @p2 $0xFFFFD800;
	s8 =	sadd.s32 @!p2 s14, s8;
	s15 =	simm.s32 @!p2 $0x7  }
0x11e: {  	[tilespmem:s9], [sflag:$0x3] =	stream.linear.gather @!p2 [hbm4b:s8+s6], $0x50, $0x38;
	[tilespmem:$0x1DE80] =	vst v63  }
0x11f: {  	_ =	swait.ge @!p2 [sflag:s15], $0x2800  }
0x120: {  	s16 =	simm.s32 @!p2 $0x13D80;
	s8 =	simm.s32 @!p2 $0x18E80;
	[sflag:s15] =	ssyncset.done @!p2 $0x0  }
0x121: {  	s9 =	simm.s32 @!p2 $0xA;
	[sflag:s15] =	ssyncadd.s32 @!p2 $0xFFFFD800;
	s15 =	simm.s32 @!p2 $0x50  }
0x122: {  	[spmem:s2] =	stream.indirect.scatter.add.f32 @!p2 [tilespmem:s8], [sflag:$0xB], $0x80, s16, s15, $0xb8;
	[tilespmem:$0x1DE80] =	vst v63  }
0x123: {  	_ =	swait.ge @!p2 [sflag:s9], $0x2800  }
0x124: {  	[sflag:s9] =	ssyncset.done @!p2 $0x0  }
0x125: {  	s8 =	simm.s32 @!p2 $0x2;
	[sflag:s9] =	ssyncadd.s32 @!p2 $0xFFFFD800  }
0x126: {  	_ =	swait.ge @!p2 [sflag:s8], $0x50  }
0x127: {  	[sflag:s8] =	ssyncset.done @!p2 $0x0  }
0x128: {  	[sflag:s8] =	ssyncadd.s32 @!p2 $0xFFFFFFB0  }
0x129: {  	v0 =	vld @!p2 [tilespmem:$0x13900];
	_ =	sdelay $0x1  }
0x12a: {  	v1 =	vld @!p2 [tilespmem:$0x13910];
	_ =	sdelay $0x1  }
0x12b: {  	v2 =	vld @!p2 [tilespmem:$0x13920]  }
0x12c: {  	v4 =	vand.u32 @!p2 $0x3FFF, v0  }
0x12d: {  	v5 =	vld @!p2 [tilespmem:$0x13940];
	v0 =	vshra.s32 @!p2 v0, $0xE;
	[tilespmem:$0x13B00] =	vst @!p2 v4  }
0x12e: {  	v3 =	vld @!p2 [tilespmem:$0x13930];
	v4 =	vshra.s32 @!p2 v1, $0xE;
	[tilespmem:$0x13D00] =	vst @!p2 v0  }
0x12f: {  	v1 =	vand.u32 @!p2 $0x3FFF, v1;
	[tilespmem:$0x13D10] =	vst @!p2 v4  }
0x130: {  	v4 =	vand.u32 @!p2 $0x3FFF, v2;
	[tilespmem:$0x13B10] =	vst @!p2 v1  }
0x131: {  	v2 =	vshra.s32 @!p2 v2, $0xE;
	[tilespmem:$0x13B20] =	vst @!p2 v4  }
0x132: {  	v1 =	vshra.s32 @!p2 v5, $0xE;
	[tilespmem:$0x13D20] =	vst @!p2 v2  }
0x133: {  	v4 =	vand.u32 @!p2 $0x3FFF, v3;
	[tilespmem:$0x13D40] =	vst @!p2 v1  }
0x134: {  	v3 =	vshra.s32 @!p2 v3, $0xE;
	[tilespmem:$0x13B30] =	vst @!p2 v4  }
0x135: {  	v1 =	vand.u32 @!p2 $0x3FFF, v5;
	[tilespmem:$0x13D30] =	vst @!p2 v3  }
0x136: {  	s16 =	simm.s32 @!p2 $0x16680;
	s9 =	simm.s32 @!p2 $0x13B00;
	s8 =	rddreg [dreg:$0x3];
	[tilespmem:$0x13B40] =	vst @!p2 v1  }
0x137: {  	[tilespmem:s16], [sflag:$0x6] =	stream.indirect.gather @!p2 [hbm4b:s4+s15], $0x80, s9, s15, $0xb8;
	[tilespmem:$0x1DE80] =	vst v63  }
0x138: {  	s8 =	sadd.s32 @!p2 s14, s8;
	s9 =	simm.s32 @!p2 $0x13A00  }
0x139: {  	[tilespmem:s9], [sflag:$0x4] =	stream.linear.gather @!p2 [hbm4b:s8+s6], $0x50, $0x38;
	[tilespmem:$0x1DE80] =	vst v63  }
0x13a: {  	_ =	swait.ge [sflag:s7], $0x2800  }
0x13b: {  	[sflag:s7] =	ssyncset.done $0x0  }
0x13c: {  	s16 =	simm.s32 $0xB;
	s15 =	rddreg [dreg:$0xa];
	[sflag:s7] =	ssyncadd.s32 $0xFFFFD800  }
0x13d: {  	[spmem:s2] =	stream.indirect.scatter.add.f32 [tilespmem:s21], [sflag:$0xC], $0x80, s15, s23, $0xb8;
	[tilespmem:$0x1DE80] =	vst v63  }
0x13e: {  	_ =	swait.ge [sflag:s16], $0x2800  }
0x13f: {  	[sflag:s16] =	ssyncset.done $0x0  }
0x140: {  	[sflag:s16] =	ssyncadd.s32 $0xFFFFD800  }
0x141: {  	_ =	swait.ge [sflag:s0], $0x2800  }
0x142: {  	[sflag:s0] =	ssyncset.done $0x0  }
0x143: {  	s17 =	simm.s32 $0xC;
	[sflag:s0] =	ssyncadd.s32 $0xFFFFD800  }
0x144: {  	[spmem:s2] =	stream.indirect.scatter.add.f32 [tilespmem:s25], [sflag:$0x9], $0x80, s19, s23, $0xb8;
	[tilespmem:$0x1DE80] =	vst v63  }
0x145: {  	_ =	swait.ge [sflag:s17], $0x2800  }
0x146: {  	[sflag:s17] =	ssyncset.done $0x0  }
0x147: {  	[sflag:s17] =	ssyncadd.s32 $0xFFFFD800  }
0x148: {  	_ =	swait.ge [sflag:s1], $0x2800  }
0x149: {  	[sflag:s1] =	ssyncset.done $0x0  }
0x14a: {  	[sflag:s1] =	ssyncadd.s32 $0xFFFFD800  }
0x14b: {  	[bflag:$0x0] =	sbarrier.arrive $0xFFFF  }
0x14c: {  	s9 =	simm.s32 $0xD;
	s26 =	rddreg [dreg:$0x13]  }
0x14d: {  	[hbm:s26], [sflag:s11] =	dma.local [spmem:s12], $0x2700  }
0x14e: {  	_ =	swait.ge [sflag:s9], $0x2700  }
0x14f: {  	[sflag:s9] =	ssyncset.done $0x0  }
0x150: {  	s6 =	rddreg [dreg:$0x14];
	[sflag:s9] =	ssyncadd.s32 $0xFFFFD900  }
0x151: {  	[hbm:s6], [sflag:s11] =	dma.local @!p0 [spmem:s13], $0x100  }
0x152: {  	s6 =	simm.s32 @!p0 $0xD  }
0x153: {  	_ =	swait.ge @!p0 [sflag:s6], $0x100  }
0x154: {  	s10 =	sadd.s32 $0x1, s10;
	s30 =	rddreg [dreg:$0x15]  }
0x155: {  	p1 =	sne.s32 s10, s30  }
.Ltmp1:
0x156: {  	_ = 	snop;
	(pc) =	sbr.rel @p1 .LBB2_1-.Ltmp1, $3  }
0x157: {  	_ =	sdelay $0x1  }
0x158: {  	[sflag:s6] =	ssyncset.done @!p0 $0x0  }
0x159: {  	[sflag:s6] =	ssyncadd.s32 @!p0 $0xFFFFFF00  }
0x15a: {  	_ =	sfence.sel $0x180000  }
0x15b: {  	[bflag:$0x0] =	sbarrier.arrive $0xFFFF  }
0x15c: {  	_ =	strace $0x9000004A  }
0x15d: {  	s0 =	stileid.u32;
	[bflag:$0x2] =	sbarrier.arrive $0xFFFF  }
0x15e: {  	p0 =	sne.s32 s0, $0x0;
	s0 =	rddreg [dreg:$0x2]  }
0x15f: {  	s0 =	sadd.s32 @!p0 $0x100000, s0  }
0x160: {  	[sflag:s0] =	ssyncadd.tile.s32 @!p0 $0x1;
	_ =	shalt  }
.Lfunc_end2:
_tile_overlayer_lowered:
.L_overlay_start_2:
0x161: {  	(tag) =	ssettag $0x2  }
0x162: {  	s0 =	rddreg [dreg:$0x0];
	s2 =	stileid.u32  }
0x163: {  	s1 =	rddreg [dreg:$0x1];
	p0 =	sne.s32 s2, $0x0  }
0x164: {  	s3 =	rddreg [dreg:$0x2];
	[bflag:$0x3] =	sbarrier.arrive $0xFFFF;
	s2 =	simm.s32 @!p0 $0x1C0D  }
0x165: {  	[timem:s3], [sflag:s2] =	dma.local @!p0 [hbm:s0], s1  }
0x166: {  	s0 =	simm.s32 @!p0 $0xD  }
0x167: {  	_ =	swait.ge @!p0 [sflag:s0], s1  }
0x168: {  	s1 =	ssub.s32 @!p0 $0x0, s1;
	[sflag:s0] =	ssyncset.done @!p0 $0x0  }
0x169: {  	[sflag:s0] =	ssyncadd.s32 @!p0 s1  }
0x16a: {  	[bflag:$0x3] =	sbarrier.arrive $0xFFFF  }
0x16b: {  	_ =	shalt  }

// kernel: kernel.15.cloned.1.call-start
scs
__scs_entry_jumppad:
0x0: {  	(pc) =	sbr.rel $0x88, $3  }
0x1: {  	(tag) =	ssettag $0x0;
	lr =	simm.s32 $0x1  }
0x2: {  	[smem:$0x3F9C] =	sst lr;
	_ =	strace $0xD0000000  }
0x3: {  	_ = 	snop  }
0x4: {  	_ = 	snop  }
0x5: {  	_ = 	snop  }
0x6: {  	_ = 	snop  }
0x7: {  	_ = 	snop  }
__scs_overlays_trampoline_lowered:
0x8: {  	[smem:$0x3FAB] =	sst s0  }
0x9: {  	[smem:$0x3FAC] =	sst s1  }
0xa: {  	[smem:$0x3FAD] =	sst s2  }
0xb: {  	[smem:$0x3FAE] =	sst s3  }
0xc: {  	[smem:$0x3FAF] =	sst s4  }
0xd: {  	[smem:$0x3FB0] =	sst s5  }
0xe: {  	[smem:$0x3FB1] =	sst s6  }
0xf: {  	[smem:$0x3FB2] =	sst s7  }
0x10: {  	[smem:$0x3FB3] =	sst s8  }
0x11: {  	[smem:$0x3FB4] =	sst s9;
	s0 =	simm.s32 @!p0 $0x0  }
0x12: {  	s1 =	sld [smem:$0x3F9A];
	s0 =	simm.s32 @p0 $0x1  }
0x13: {  	[smem:$0x3FB5] =	sst s0;
	s0 =	simm.s32 @!p1 $0x0  }
0x14: {  	s2 =	sld [smem:$0x3F99];
	s0 =	simm.s32 @p1 $0x1  }
0x15: {  	[smem:$0x3FB6] =	sst s0;
	s0 =	simm.s32 @!p2 $0x0  }
0x16: {  	s3 =	sld [smem:$0x3FDB];
	s0 =	simm.s32 @p2 $0x1  }
0x17: {  	s4 =	simm.s32 $0x1BF5;
	[smem:$0x3FB8] =	sst s0  }
0x18: {  	s0 =	sld [smem:$0x3F9B];
	_ =	swait.ge [sflag:s4], $0x0  }
0x19: {  	s7 =	sld [smem:$0x3F9C]  }
0x1a: {  	s8 =	sadd.s32 $0xFFFFE003, lr  }
0x1b: {  	s9 =	sadd.s32 $0xFFFFFEF7, lr;
	s5 =	simm.s32 $0xFFFFFFFF;
	p2 =	slt.u32 s8, $0xFFFFF086  }
0x1c: {  	p1 =	slt.u32 s9, $0xF7A;
	s5 =	simm.s32 @!p2 $0x0  }
0x1d: {  	s5 =	simm.s32 @p1 $0x1;
	p0 =	seq.s32 s7, s2  }
0x1e: {  	s7 =	smul.u32 @!p0 $0xF7A, s2;
	p2 =	seq.s32 @!p0 s5, $0x0  }
0x1f: {  	s9 =	smul.u32 $0xF7A, s1;
	s8 =	simm.s32 @!p0 $0x1BF5;
	p2 =	por !p2, p0  }
0x20: {  	[sflag:s8] =	ssyncset.s32 @!p0 $0xFFFFF086;
	s6 =	sadd.s32 @!p0 s3, s7;
	s7 =	simm.s32 @!p0 $0x108  }
0x21: {  	s3 =	sadd.s32 s3, s9;
	s6 =	sadd.s32 @!p0 $0x88, s6;
	s7 =	simm.s32 @p2 $0x1082  }
0x22: {  	[simem:s7], [sflag:s8] =	dma.local @!p0 [hbm:s6], $0xF7A  }
0x23: {  	s9 =	sor.u32 $0xD0000000, s2;
	s6 =	simm.s32 $0x108;
	_ =	swait.ge @!p0 [sflag:s8], $0x0  }
0x24: {  	s3 =	sadd.s32 $0x88, s3;
	s6 =	simm.s32 @!p1 $0x1082;
	[sflag:s4] =	ssyncset.s32 $0xFFFFF086  }
0x25: {  	[simem:s6], [sflag:s4] =	dma.local [hbm:s3], $0xF7A  }
0x26: {  	[smem:$0x3F9C] =	sst s1;
	(tag) =	ssettag s2;
	_ =	strace s9  }
0x27: {  	s1 =	sld [smem:$0x3FAC]  }
0x28: {  	s2 =	sld [smem:$0x3FAD]  }
0x29: {  	s4 =	sld [smem:$0x3FAF]  }
0x2a: {  	p0 =	seq.s32 s5, $0x0;
	s5 =	sld [smem:$0x3FB0]  }
0x2b: {  	s6 =	sld [smem:$0x3FB1]  }
0x2c: {  	s7 =	sld [smem:$0x3FB2]  }
0x2d: {  	s3 =	simm.s32 $0x108;
	s8 =	sld [smem:$0x3FB3]  }
0x2e: {  	s3 =	simm.s32 @!p0 $0x1082;
	s9 =	sld [smem:$0x3FB4]  }
0x2f: {  	lr =	sadd.s32 s0, s3;
	s0 =	sld [smem:$0x3FAB]  }
0x30: {  	s3 =	sld [smem:$0x3FAE]  }
0x31: {  	[smem:$0x3FB7] =	sst s10  }
0x32: {  	s10 =	sld [smem:$0x3FB5];
	_ =	sdelay $0x3  }
0x33: {  	p0 =	seq.s32 s10, $0x1;
	s10 =	sld [smem:$0x3FB7];
	_ =	sdelay $0x3  }
0x34: {  	[smem:$0x3FB7] =	sst s10  }
0x35: {  	s10 =	sld [smem:$0x3FB6];
	_ =	sdelay $0x3  }
0x36: {  	p1 =	seq.s32 s10, $0x1;
	s10 =	sld [smem:$0x3FB7];
	_ =	sdelay $0x3  }
0x37: {  	[smem:$0x3FB7] =	sst s10  }
0x38: {  	s10 =	sld [smem:$0x3FB8]  }
0x39: {  	_ = 	snop;
	(pc) =	sbr.ind lr, $3  }
0x3a: {  	_ = 	snop  }
0x3b: {  	_ = 	snop  }
0x3c: {  	p2 =	seq.s32 s10, $0x1;
	s10 =	sld [smem:$0x3FB7]  }
0x3d: {  	_ =	shalt  }
0x3e: {  	_ =	shalt  }
0x3f: {  	_ =	shalt  }
0x40: {  	_ =	shalt  }
0x41: {  	_ =	shalt  }
0x42: {  	_ =	shalt  }
0x43: {  	_ =	shalt  }
0x44: {  	_ =	shalt  }
0x45: {  	_ =	shalt  }
0x46: {  	_ =	shalt  }
0x47: {  	_ =	shalt  }
0x48: {  	_ =	shalt  }
0x49: {  	_ =	shalt  }
0x4a: {  	_ =	shalt  }
0x4b: {  	_ =	shalt  }
0x4c: {  	_ =	shalt  }
0x4d: {  	_ =	shalt  }
0x4e: {  	_ =	shalt  }
0x4f: {  	_ =	shalt  }
0x50: {  	_ =	shalt  }
0x51: {  	_ =	shalt  }
0x52: {  	_ =	shalt  }
0x53: {  	_ =	shalt  }
0x54: {  	_ =	shalt  }
0x55: {  	_ =	shalt  }
0x56: {  	_ =	shalt  }
0x57: {  	_ =	shalt  }
0x58: {  	_ =	shalt  }
0x59: {  	_ =	shalt  }
0x5a: {  	_ =	shalt  }
0x5b: {  	_ =	shalt  }
0x5c: {  	_ =	shalt  }
0x5d: {  	_ =	shalt  }
0x5e: {  	_ =	shalt  }
0x5f: {  	_ =	shalt  }
0x60: {  	_ =	shalt  }
0x61: {  	_ =	shalt  }
0x62: {  	_ =	shalt  }
0x63: {  	_ =	shalt  }
0x64: {  	_ =	shalt  }
0x65: {  	_ =	shalt  }
0x66: {  	_ =	shalt  }
0x67: {  	_ =	shalt  }
0x68: {  	_ =	shalt  }
0x69: {  	_ =	shalt  }
0x6a: {  	_ =	shalt  }
0x6b: {  	_ =	shalt  }
0x6c: {  	_ =	shalt  }
0x6d: {  	_ =	shalt  }
0x6e: {  	_ =	shalt  }
0x6f: {  	_ =	shalt  }
0x70: {  	_ =	shalt  }
0x71: {  	_ =	shalt  }
0x72: {  	_ =	shalt  }
0x73: {  	_ =	shalt  }
0x74: {  	_ =	shalt  }
0x75: {  	_ =	shalt  }
0x76: {  	_ =	shalt  }
0x77: {  	_ =	shalt  }
0x78: {  	_ =	shalt  }
0x79: {  	_ =	shalt  }
0x7a: {  	_ =	shalt  }
0x7b: {  	_ =	shalt  }
0x7c: {  	_ =	shalt  }
0x7d: {  	_ =	shalt  }
0x7e: {  	_ =	shalt  }
0x7f: {  	_ =	shalt  }
0x80: {  	_ =	shalt  }
0x81: {  	_ =	shalt  }
0x82: {  	_ =	shalt  }
0x83: {  	_ =	shalt  }
0x84: {  	_ =	shalt  }
0x85: {  	_ =	shalt  }
0x86: {  	_ =	shalt  }
0x87: {  	_ =	shalt  }
.Lfunc_end0:
.L_simem_size_0:
called_computation.2_lowered:
.L_overlay_start_0:
0x88: {  	s2 =	sld [smem:$0x3FD9]  }
0x89: {  	s3 =	sld [smem:$0x3FFE];
	_ =	sdelay $0x1  }
0x8a: {  	s1 =	srdreg.scid  }
0x8b: {  	s0 =	sand.u32 $0x1, s1  }
0x8c: {  	s17 =	sshll.u32 s0, $0xA;
	s2 =	sadd.s32 s3, s2  }
0x8d: {  	s2 =	sadd.s32 s2, s17  }
0x8e: {  	[smem:$0x3FC3] =	sst s2  }
0x8f: {  	_ = 	snop  }
0x90: {  	s2 =	sld [smem:$0x3FD0];
	(tm) =	ssettm $0x1  }
0x91: {  	s18 =	sld [smem:$0x3FFB];
	_ =	sdelay $0x3  }
0x92: {  	_ =	strace s18  }
0x93: {  	s3 =	sld [smem:$0x3FFC];
	_ =	sdelay $0x3  }
0x94: {  	_ =	strace s3  }
0x95: {  	s3 =	sld [smem:$0x3FFD];
	_ =	sdelay $0x3  }
0x96: {  	_ =	strace s3  }
0x97: {  	_ =	strace $0x8FFFFFFF  }
0x98: {  	s19 =	sld [smem:$0x3FDB];
	_ =	sdelay $0x1  }
0x99: {  	s4 =	simm.s32 $_scs_section_size  }
0x9a: {  	s5 =	simm.s32 $_size__tile_overlayer_lowered;
	s6 =	simm.s32 $_tile_overlayer_lowered  }
0x9b: {  	s22 =	simm.s32 $0x1BFF;
	s21 =	sshll.u32 s6, $0x1;
	s3 =	sadd.s32 s4, s19  }
0x9c: {  	s7 =	simm.s32 $0x0;
	s20 =	sshll.u32 s5, $0x1;
	s5 =	sadd.s32 s21, s3  }
0x9d: {  	[timem:s7], [sflag:s22] =	dma.local [hbm:s5], s20  }
0x9e: {  	_ =	swait.ge [sflag:s22], s20  }
0x9f: {  	s4 =	ssub.s32 $0x0, s20;
	[sflag:s22] =	ssyncset.done $0x0  }
0xa0: {  	[sflag:s22] =	ssyncadd.s32 s4;
	_ =	sdelay $0x1  }
0xa1: {  	s23 =	simm.s32 $0x1B8B  }
0xa2: {  	_ =	swait.ge [sflag:s23], $0x1  }
0xa3: {  	[sflag:s23] =	ssyncset.done $0x0  }
0xa4: {  	s25 =	simm.s32 $0x1B8E;
	s24 =	sld [smem:$0x3FFE];
	[sflag:s23] =	ssyncadd.s32 $0xFFFFFFFF  }
0xa5: {  	s26 =	simm.s32 $execute0_lowered;
	[smem:$0x3FD2] =	sst s25  }
0xa6: {  	s5 =	sshll.u32 s26, $0x1;
	_ =	strace $0x8000004C;
	[dreg:$0x1] =	wrdreg $0xFFFFFFFF  }
0xa7: {  	s28 =	simm.s32 $_size_execute0_lowered;
	s3 =	sadd.s32 s3, s5;
	[dreg:$0x0] =	wrdreg $0x0  }
0xa8: {  	s5 =	sshll.u32 s28, $0x1;
	[dreg:$0x2] =	wrdreg s3  }
0xa9: {  	[dreg:$0x3] =	wrdreg s5  }
0xaa: {  	[dreg:$0x4] =	wrdreg $0xC0  }
0xab: {  	_ =	task [dreg:s7], $0x5FFFF  }
0xac: {  	[dreg:$0x1] =	wrdreg $0xFFFFFFFF  }
0xad: {  	[dreg:$0x0] =	wrdreg $0x60  }
0xae: {  	[dreg:$0x2] =	wrdreg s2  }
0xaf: {  	[dreg:$0x3] =	wrdreg s24  }
0xb0: {  	[dreg:$0x4] =	wrdreg $0x0  }
0xb1: {  	[dreg:$0x5] =	wrdreg $0x9  }
0xb2: {  	_ =	task.clear_ibuf [dreg:s7], $0x6FFFF;
	_ =	strace $0x9000004C  }
0xb3: {  	s29 =	simm.s32 $0x9;
	_ =	strace $0x8000004E  }
0xb4: {  	_ =	swait.ge [sflag:s29], $0x1  }
0xb5: {  	[sflag:s29] =	ssyncadd.s32 $0xFFFFFFFF  }
0xb6: {  	_ =	strace $0x9000004E  }
0xb7: {  	_ =	sfence  }
0xb8: {  	s30 =	sld [smem:$0x0];
	_ =	sdelay $0x2  }
0xb9: {  	s31 =	sshll.u32 s1, $0xD;
	s1 =	sshrl.u32 s1, $0x2  }
0xba: {  	s3 =	sand.u32 $0x4000, s31;
	s1 =	sadd.s32 s1, s30  }
0xbb: {  	s0 =	sor.u32 s3, s0;
	s1 =	sshll.u32 s1, $0x11  }
0xbc: {  	s0 =	sor.u32 s1, s0  }
0xbd: {  	s0 =	sadd.s32 $0x8F2B, s0  }
0xbe: {  	[sflag:s0] =	ssyncadd.remote.s32 $0x1  }
0xbf: {  	_ =	sfence.sel $0xFFFF  }
0xc0: {  	[dreg:$0x0] =	wrdreg $0xFFFFFFFF;
	(pc) =	sbr.abs _section_cstart, $3  }
0xc1: {  	[dreg:$0x1] =	wrdreg $0xFFFFFFFF  }
0xc2: {  	_ =	task.clear_ibuf [dreg:s7], $0x2FFFF;
	_ =	strace $0x9FFFFFFF  }
0xc3: {  	(tm) =	ssettm $0x7FFFFFFF  }
tec
execute0_lowered:
.L_overlay_start_1:
0x0: {  	(tag) =	ssettag $0x1  }
0x1: {  	s1 =	rddreg [dreg:$0x0]  }
0x2: {  	s0 =	rddreg [dreg:$0x1];
	s2 =	srdreg.scid  }
0x3: {  	s3 =	rddreg [dreg:$0x2];
	s12 =	stileid.u32  }
0x4: {  	s4 =	simm.s32 $0x0;
	s29 =	simm.s32 $0xB400;
	s31 =	simm.s32 $0x3  }
0x5: {  	s28 =	simm.s32 $0x6;
	s2 =	sand.u32 $0x1, s2;
	s6 =	smul.u32 $0x9C00, s12  }
0x6: {  	[smem:$0x7FF] =	sst s4;
	s10 =	sadd.s32 $0x1F000, s0;
	s26 =	smul.u32 $0x2710, s12  }
0x7: {  	s30 =	sadd.s32 $0x9C000, s3;
	p0 =	sne.s32 s12, $0xF;
	s5 =	sshll.u32 s2, $0x4  }
0x8: {  	_ =	strace $0x8000004D;
	s9 =	ssub.s32 $0x2, s2;
	s22 =	smul.u32 $0x9C400, s2  }
0x9: {  	s2 =	smul.u32 $0x27100, s2;
	[dreg:$0x12] =	wrdreg s30;
	s30 =	simm.s32 $0x9FB0  }
0xa: {  	s5 =	sor.u32 s12, s5;
	s8 =	sshrl.u32 s6, $0x3;
	s11 =	sshrl.u32 s9, $0x1  }
0xb: {  	s25 =	sadd.s32 s6, s3;
	[dreg:$0xb] =	wrdreg s30;
	s7 =	smul.u32 $0x2710, s5  }
0xc: {  	s5 =	sadd.s32 $0x1800, s0;
	s8 =	sadd.s32 s8, s0;
	[dreg:$0x10] =	wrdreg s25  }
0xd: {  	s0 =	sadd.s32 $0x1EE00, s0;
	s14 =	sshrl.u32 s22, $0x3;
	s2 =	sadd.s32 s26, s2  }
0xe: {  	s25 =	simm.s32 $0x9E70;
	s26 =	simm.s32 $0x9F10;
	[dreg:$0x13] =	wrdreg s0  }
0xf: {  	s8 =	sadd.s32 $0xB600, s8;
	s15 =	sadd.s32 s10, s14;
	[dreg:$0x9] =	wrdreg s25  }
0x10: {  	s16 =	sadd.s32 $0x230, s2;
	s18 =	sadd.s32 $0x1E0, s2;
	[dreg:$0xa] =	wrdreg s26  }
0x11: {  	s25 =	simm.s32 $0xA000;
	s7 =	sshrl.u32 s7, $0x3;
	[dreg:$0x11] =	wrdreg s8  }
0x12: {  	s17 =	sshrl.u32 s16, $0x3;
	s8 =	sadd.s32 $0x190, s2;
	s13 =	sadd.s32 s5, s7  }
0x13: {  	s7 =	ssub.s32 s9, s11;
	s20 =	sshrl.u32 s8, $0x3;
	s9 =	simm.s32 $0xD  }
0x14: {  	s21 =	sadd.s32 $0xA, s13;
	s23 =	sadd.s32 $0x14, s13;
	[dreg:$0xc] =	wrdreg s13  }
0x15: {  	s24 =	sadd.s32 $0x1E, s13;
	s13 =	sadd.s32 s6, s22;
	[dreg:$0xd] =	wrdreg s21  }
0x16: {  	s6 =	sshrl.u32 s18, $0x3;
	s7 =	smax.u32 s7, $0x1;
	[dreg:$0xe] =	wrdreg s23  }
0x17: {  	s22 =	sadd.s32 $0x140, s2;
	s18 =	simm.s32 $0x9C40;
	[dreg:$0xf] =	wrdreg s24  }
0x18: {  	s2 =	simm.s32 $0x9;
	s0 =	sshrl.u32 s13, $0x3;
	[dreg:$0x16] =	wrdreg s7  }
0x19: {  	s19 =	sadd.s32 s6, s5;
	s21 =	sadd.s32 s20, s5;
	[dreg:$0x17] =	wrdreg s22  }
0x1a: {  	s23 =	simm.s32 $0x9E20;
	s24 =	simm.s32 $0xC800;
	[dreg:$0x5] =	wrdreg s19  }
0x1b: {  	s22 =	simm.s32 $0x1;
	s20 =	simm.s32 $0x4;
	[dreg:$0x6] =	wrdreg s21  }
0x1c: {  	s7 =	simm.s32 $0x8;
	s0 =	sadd.s32 s10, s0;
	[dreg:$0x7] =	wrdreg s23  }
0x1d: {  	[dreg:$0x8] =	wrdreg s24;
	s23 =	simm.s32 $0x50;
	s24 =	simm.s32 $0x9D80  }
0x1e: {  	s19 =	simm.s32 $0x9EC0;
	[dreg:$0x14] =	wrdreg s0;
	s0 =	sadd.s32 $0x13800, s15  }
0x1f: {  	s21 =	simm.s32 $0xDC00;
	[dreg:$0x15] =	wrdreg s0;
	s0 =	sadd.s32 s17, s5  }
0x20: {  	s10 =	simm.s32 $0x0;
	[dreg:$0x4] =	wrdreg s0;
	s0 =	simm.s32 $0x5  }
.LBB2_1:
0x21: {  	s6 =	rddreg [dreg:$0xc]  }
0x22: {  	[tilespmem:s18], [sflag:$0x1] =	stream.linear.gather [hbm4b:s6+s4], $0x50, $0x38;
	[tilespmem:$0xF000] =	vst v63  }
0x23: {  	s11 =	rddreg [dreg:$0xd];
	s8 =	simm.s32 $0x9C90  }
0x24: {  	[tilespmem:s8], [sflag:$0x2] =	stream.linear.gather [hbm4b:s11+s4], $0x50, $0x38;
	[tilespmem:$0xF000] =	vst v63  }
0x25: {  	s12 =	rddreg [dreg:$0xe];
	s13 =	simm.s32 $0x9CE0  }
0x26: {  	[tilespmem:s13], [sflag:$0x3] =	stream.linear.gather [hbm4b:s12+s4], $0x50, $0x38;
	[tilespmem:$0xF000] =	vst v63  }
0x27: {  	s14 =	rddreg [dreg:$0xf];
	s15 =	simm.s32 $0x9D30  }
0x28: {  	[tilespmem:s15], [sflag:$0x4] =	stream.linear.gather [hbm4b:s14+s4], $0x50, $0x38;
	[tilespmem:$0xF000] =	vst v63  }
0x29: {  	_ =	swait.ge [sflag:s22], $0x50  }
0x2a: {  	[sflag:s22] =	ssyncset.done $0x0  }
0x2b: {  	[sflag:s22] =	ssyncadd.s32 $0xFFFFFFB0  }
0x2c: {  	v0 =	vld [tilespmem:$0x9C40];
	_ =	sdelay $0x1  }
0x2d: {  	v1 =	vld [tilespmem:$0x9C50];
	_ =	sdelay $0x1  }
0x2e: {  	v2 =	vld [tilespmem:$0x9C60]  }
0x2f: {  	v3 =	vand.u32 $0x3FFF, v0  }
0x30: {  	v0 =	vshra.s32 v0, $0xE;
	[tilespmem:$0x9D80] =	vst v3;
	v3 =	vld [tilespmem:$0x9C70]  }
0x31: {  	[tilespmem:$0x9EC0] =	vst v0;
	v0 =	vand.u32 $0x3FFF, v1  }
0x32: {  	[tilespmem:$0x9D90] =	vst v0;
	v0 =	vshra.s32 v1, $0xE;
	v1 =	vld [tilespmem:$0x9C80]  }
0x33: {  	[tilespmem:$0x9ED0] =	vst v0;
	v0 =	vand.u32 $0x3FFF, v2  }
0x34: {  	[tilespmem:$0x9DA0] =	vst v0;
	v0 =	vshra.s32 v2, $0xE  }
0x35: {  	[tilespmem:$0x9EE0] =	vst v0;
	v0 =	vand.u32 $0x3FFF, v3  }
0x36: {  	[tilespmem:$0x9DB0] =	vst v0;
	v0 =	vshra.s32 v3, $0xE  }
0x37: {  	[tilespmem:$0x9EF0] =	vst v0;
	v0 =	vand.u32 $0x3FFF, v1  }
0x38: {  	[tilespmem:$0x9DC0] =	vst v0;
	v0 =	vshra.s32 v1, $0xE  }
0x39: {  	s16 =	simm.s32 $0x2;
	[tilespmem:$0x9F00] =	vst v0  }
0x3a: {  	[tilespmem:s25], [sflag:$0x5] =	stream.indirect.gather [hbm4b:s1+s23], $0x40, s24, s23, $0xb8;
	[tilespmem:$0xF000] =	vst v63  }
0x3b: {  	_ =	swait.ge [sflag:s16], $0x50  }
0x3c: {  	[sflag:s16] =	ssyncset.done $0x0  }
0x3d: {  	[sflag:s16] =	ssyncadd.s32 $0xFFFFFFB0  }
0x3e: {  	v0 =	vld [tilespmem:$0x9C90];
	_ =	sdelay $0x1  }
0x3f: {  	v1 =	vld [tilespmem:$0x9CA0];
	_ =	sdelay $0x1  }
0x40: {  	v2 =	vld [tilespmem:$0x9CB0]  }
0x41: {  	v3 =	vand.u32 $0x3FFF, v0  }
0x42: {  	v0 =	vshra.s32 v0, $0xE;
	[tilespmem:$0x9DD0] =	vst v3;
	v3 =	vld [tilespmem:$0x9CC0]  }
0x43: {  	[tilespmem:$0x9F10] =	vst v0;
	v0 =	vand.u32 $0x3FFF, v1  }
0x44: {  	[tilespmem:$0x9DE0] =	vst v0;
	v0 =	vshra.s32 v1, $0xE;
	v1 =	vld [tilespmem:$0x9CD0]  }
0x45: {  	[tilespmem:$0x9F20] =	vst v0;
	v0 =	vand.u32 $0x3FFF, v2  }
0x46: {  	[tilespmem:$0x9DF0] =	vst v0;
	v0 =	vshra.s32 v2, $0xE  }
0x47: {  	[tilespmem:$0x9F30] =	vst v0;
	v0 =	vand.u32 $0x3FFF, v3  }
0x48: {  	[tilespmem:$0x9E00] =	vst v0;
	v0 =	vshra.s32 v3, $0xE  }
0x49: {  	s26 =	stileid.u32;
	[tilespmem:$0x9F40] =	vst v0;
	v0 =	vand.u32 $0x3FFF, v1  }
0x4a: {  	s17 =	simm.s32 $0x9DD0;
	s6 =	sshll.u32 s26, $0x6;
	s30 =	rddreg [dreg:$0x10];
	[tilespmem:$0x9E10] =	vst v0;
	v0 =	vshra.s32 v1, $0xE  }
0x4b: {  	s11 =	sor.u32 $0x1C0D, s6;
	s8 =	rddreg [dreg:$0x11];
	s12 =	sshrl.u32 s30, $0x3;
	[tilespmem:$0x9F50] =	vst v0  }
0x4c: {  	[tilespmem:s29], [sflag:$0x6] =	stream.indirect.gather [hbm4b:s1+s23], $0x40, s17, s23, $0xb8;
	[tilespmem:$0xF000] =	vst v63  }
0x4d: {  	[spmem:s12], [sflag:s11] =	dma.local [hbm:s8], $0x1380  }
0x4e: {  	_ =	swait.ge [sflag:s9], $0x1380  }
0x4f: {  	[sflag:s9] =	ssyncset.done $0x0;
	s6 =	rddreg [dreg:$0x12]  }
0x50: {  	[sflag:s9] =	ssyncadd.s32 $0xFFFFEC80;
	s13 =	sshrl.u32 @!p0 s6, $0x3;
	s6 =	rddreg [dreg:$0x13]  }
0x51: {  	[spmem:s13], [sflag:s11] =	dma.local @!p0 [hbm:s6], $0x80  }
0x52: {  	s6 =	simm.s32 @!p0 $0xD  }
0x53: {  	_ =	swait.ge @!p0 [sflag:s6], $0x80  }
0x54: {  	[sflag:s6] =	ssyncset.done @!p0 $0x0  }
0x55: {  	p1 =	por $0x1, $0x1;
	[sflag:s6] =	ssyncadd.s32 @!p0 $0xFFFFFF80  }
0x56: {  	s6 =	simm.s32 @!p1 $0xB;
	[bflag:$0x0] =	sbarrier.arrive $0xFFFF  }
0x57: {  	_ =	swait.ge @!p1 [sflag:s6], $0x1400  }
0x58: {  	[sflag:s6] =	ssyncset.done @!p1 $0x0  }
0x59: {  	[sflag:s6] =	ssyncadd.s32 @!p1 $0xFFFFEC00  }
0x5a: {  	_ =	swait.ge [sflag:s31], $0x50  }
0x5b: {  	[sflag:s31] =	ssyncset.done $0x0  }
0x5c: {  	[sflag:s31] =	ssyncadd.s32 $0xFFFFFFB0  }
0x5d: {  	v0 =	vld [tilespmem:$0x9D20];
	_ =	sdelay $0x1  }
0x5e: {  	v1 =	vld [tilespmem:$0x9CE0];
	_ =	sdelay $0x1  }
0x5f: {  	v2 =	vld [tilespmem:$0x9D10]  }
0x60: {  	v3 =	vand.u32 $0x3FFF, v0  }
0x61: {  	v4 =	vld [tilespmem:$0x9D00];
	v0 =	vshra.s32 v0, $0xE;
	[tilespmem:$0x9E60] =	vst v3  }
0x62: {  	v5 =	vand.u32 $0x3FFF, v1;
	[tilespmem:$0x9FA0] =	vst v0  }
0x63: {  	v3 =	vld [tilespmem:$0x9CF0];
	v0 =	vshra.s32 v1, $0xE;
	[tilespmem:$0x9E20] =	vst v5  }
0x64: {  	v1 =	vshra.s32 v2, $0xE;
	[tilespmem:$0x9F60] =	vst v0  }
0x65: {  	v0 =	vand.u32 $0x3FFF, v2;
	[tilespmem:$0x9F90] =	vst v1  }
0x66: {  	v1 =	vshra.s32 v4, $0xE;
	[tilespmem:$0x9E50] =	vst v0  }
0x67: {  	[tilespmem:$0x9F80] =	vst v1;
	v1 =	vand.u32 $0x3FFF, v4  }
0x68: {  	s9 =	rddreg [dreg:$0x7];
	[tilespmem:$0x9E40] =	vst v1;
	v0 =	vshra.s32 v3, $0xE  }
0x69: {  	s17 =	rddreg [dreg:$0x17];
	[tilespmem:$0x9F70] =	vst v0;
	v0 =	vand.u32 $0x3FFF, v3  }
0x6a: {  	s14 =	rddreg [dreg:$0x8];
	s15 =	sshrl.u32 s17, $0x3;
	[tilespmem:$0x9E30] =	vst v0  }
0x6b: {  	[tilespmem:s14], [sflag:$0x7] =	stream.indirect.gather [hbm4b:s1+s23], $0x40, s9, s23, $0xb8;
	[tilespmem:$0xF000] =	vst v63  }
0x6c: {  	s16 =	sadd.s32 s5, s15  }
0x6d: {  	[tilespmem:s18], [sflag:$0x1] =	stream.linear.gather [hbm4b:s16+s4], $0x50, $0x38;
	[tilespmem:$0xF000] =	vst v63  }
0x6e: {  	_ =	swait.ge [sflag:s0], $0x1400  }
0x6f: {  	[sflag:s0] =	ssyncset.done $0x0  }
0x70: {  	s6 =	simm.s32 @!p1 $0xC;
	[sflag:s0] =	ssyncadd.s32 $0xFFFFEC00  }
0x71: {  	[spmem:s3] =	stream.indirect.scatter.add.f32 [tilespmem:s25], [sflag:$0x9], $0x40, s19, s23, $0xb8;
	[tilespmem:$0xF000] =	vst v63  }
0x72: {  	_ =	swait.ge @!p1 [sflag:s6], $0x1400  }
0x73: {  	[sflag:s6] =	ssyncset.done @!p1 $0x0  }
0x74: {  	[sflag:s6] =	ssyncadd.s32 @!p1 $0xFFFFEC00  }
0x75: {  	_ =	swait.ge [sflag:s20], $0x50  }
0x76: {  	[sflag:s20] =	ssyncset.done $0x0  }
0x77: {  	[sflag:s20] =	ssyncadd.s32 $0xFFFFFFB0  }
0x78: {  	v0 =	vld [tilespmem:$0x9D40];
	_ =	sdelay $0x1  }
0x79: {  	v1 =	vld [tilespmem:$0x9D30];
	_ =	sdelay $0x1  }
0x7a: {  	v2 =	vld [tilespmem:$0x9D70]  }
0x7b: {  	v3 =	vand.u32 $0x3FFF, v0  }
0x7c: {  	v0 =	vshra.s32 v0, $0xE;
	[tilespmem:$0x9E80] =	vst v3;
	v3 =	vld [tilespmem:$0x9D60]  }
0x7d: {  	v4 =	vand.u32 $0x3FFF, v1;
	[tilespmem:$0x9FC0] =	vst v0  }
0x7e: {  	v0 =	vshra.s32 v1, $0xE;
	[tilespmem:$0x9E70] =	vst v4;
	v1 =	vld [tilespmem:$0x9D50]  }
0x7f: {  	[tilespmem:$0x9FB0] =	vst v0;
	v0 =	vand.u32 $0x3FFF, v2  }
0x80: {  	v2 =	vshra.s32 v2, $0xE;
	[tilespmem:$0x9EB0] =	vst v0  }
0x81: {  	[tilespmem:$0x9FF0] =	vst v2;
	v0 =	vand.u32 $0x3FFF, v3  }
0x82: {  	v2 =	vshra.s32 v3, $0xE;
	[tilespmem:$0x9EA0] =	vst v0  }
0x83: {  	v0 =	vshra.s32 v1, $0xE;
	[tilespmem:$0x9FE0] =	vst v2  }
0x84: {  	s26 =	rddreg [dreg:$0x9];
	v1 =	vand.u32 $0x3FFF, v1;
	[tilespmem:$0x9FD0] =	vst v0  }
0x85: {  	p2 =	por $0x0, $0x0;
	s14 =	rddreg [dreg:$0x6];
	[tilespmem:$0x9E90] =	vst v1  }
0x86: {  	[tilespmem:s21], [sflag:$0x8] =	stream.indirect.gather [hbm4b:s1+s23], $0x40, s26, s23, $0xb8;
	[tilespmem:$0xF000] =	vst v63  }
0x87: {  	s15 =	simm.s32 @!p2 $0x9C90;
	s6 =	simm.s32 @!p2 $0x0;
	s14 =	sadd.s32 @!p2 $0x0, s14  }
0x88: {  	[tilespmem:s15], [sflag:$0x2] =	stream.linear.gather @!p2 [hbm4b:s14+s6], $0x50, $0x38;
	[tilespmem:$0xF000] =	vst v63  }
0x89: {  	_ =	swait.ge [sflag:s28], $0x1400  }
0x8a: {  	[sflag:s28] =	ssyncset.done $0x0  }
0x8b: {  	s30 =	rddreg [dreg:$0xa];
	[sflag:s28] =	ssyncadd.s32 $0xFFFFEC00  }
0x8c: {  	[spmem:s3] =	stream.indirect.scatter.add.f32 [tilespmem:s29], [sflag:$0xA], $0x40, s30, s23, $0xb8;
	[tilespmem:$0xF000] =	vst v63  }
0x8d: {  	_ =	swait.ge [sflag:s2], $0x1400  }
0x8e: {  	[sflag:s2] =	ssyncset.done $0x0  }
0x8f: {  	[sflag:s2] =	ssyncadd.s32 $0xFFFFEC00  }
0x90: {  	_ =	swait.ge [sflag:s22], $0x50  }
0x91: {  	[sflag:s22] =	ssyncset.done $0x0  }
0x92: {  	[sflag:s22] =	ssyncadd.s32 $0xFFFFFFB0  }
0x93: {  	v0 =	vld [tilespmem:$0x9C70]  }
0x94: {  	v1 =	vld [tilespmem:$0x9C60]  }
0x95: {  	v2 =	vld [tilespmem:$0x9C40];
	_ =	sdelay $0x2  }
0x96: {  	v4 =	vld [tilespmem:$0x9C80];
	v3 =	vand.u32 $0x3FFF, v0  }
0x97: {  	v5 =	vshra.s32 v1, $0xE;
	[tilespmem:$0x9DB0] =	vst v3  }
0x98: {  	v3 =	vshra.s32 v2, $0xE;
	[tilespmem:$0x9EE0] =	vst v5  }
0x99: {  	v2 =	vand.u32 $0x3FFF, v2;
	[tilespmem:$0x9EC0] =	vst v3  }
0x9a: {  	v3 =	vand.u32 $0x3FFF, v1;
	[tilespmem:$0x9D80] =	vst v2  }
0x9b: {  	s15 =	simm.s32 $0x28;
	s14 =	simm.s32 $0x0;
	v0 =	vshra.s32 v0, $0xE;
	v1 =	vld [tilespmem:$0x9C50];
	v2 =	vshra.s32 v4, $0xE;
	[tilespmem:$0x9DA0] =	vst v3;
	v3 =	vand.u32 $0x3FFF, v4  }
.LBB2_2:
0x9c: {  	_ =	sdelay $0x1  }
0x9d: {  	[tilespmem:$0x9DC0] =	vst v3  }
0x9e: {  	[tilespmem:$0x9F00] =	vst v2  }
0x9f: {  	[tilespmem:$0x9EF0] =	vst v0;
	v3 =	vand.u32 $0x3FFF, v1  }
0xa0: {  	v1 =	vshra.s32 v1, $0xE;
	[tilespmem:$0x9D90] =	vst v3  }
0xa1: {  	s8 =	simm.s32 @p2 $0x7;
	[tilespmem:$0x9ED0] =	vst v1  }
0xa2: {  	[tilespmem:s25], [sflag:$0x5] =	stream.indirect.gather [hbm4b:s1+s23], $0x40, s24, s23, $0xb8;
	[tilespmem:$0xF000] =	vst v63  }
0xa3: {  	_ =	swait.ge @p2 [sflag:s8], $0x1400  }
0xa4: {  	s9 =	simm.s32 @p2 $0xC800;
	s16 =	simm.s32 @p2 $0xA;
	[sflag:s8] =	ssyncset.done @p2 $0x0  }
0xa5: {  	s30 =	simm.s32 @p2 $0x9F60;
	[sflag:s8] =	ssyncadd.s32 @p2 $0xFFFFEC00;
	s8 =	simm.s32 @p2 $0x50  }
0xa6: {  	[spmem:s3] =	stream.indirect.scatter.add.f32 @p2 [tilespmem:s9], [sflag:$0xB], $0x40, s30, s8, $0xb8;
	[tilespmem:$0xF000] =	vst v63  }
0xa7: {  	_ =	swait.ge @p2 [sflag:s16], $0x1400  }
0xa8: {  	s9 =	simm.s32 @!p2 $0x9CE0;
	s8 =	rddreg [dreg:$0x5];
	[sflag:s16] =	ssyncset.done @p2 $0x0  }
0xa9: {  	[sflag:s16] =	ssyncadd.s32 @p2 $0xFFFFEC00;
	s8 =	sadd.s32 @!p2 s14, s8;
	s16 =	simm.s32 @!p2 $0x7  }
0xaa: {  	[tilespmem:s9], [sflag:$0x3] =	stream.linear.gather @!p2 [hbm4b:s8+s6], $0x50, $0x38;
	[tilespmem:$0xF000] =	vst v63  }
0xab: {  	_ =	swait.ge @!p2 [sflag:s16], $0x1400  }
0xac: {  	s30 =	simm.s32 @!p2 $0x9F60;
	s8 =	simm.s32 @!p2 $0xC800;
	[sflag:s16] =	ssyncset.done @!p2 $0x0  }
0xad: {  	s9 =	simm.s32 @!p2 $0xA;
	[sflag:s16] =	ssyncadd.s32 @!p2 $0xFFFFEC00;
	s16 =	simm.s32 @!p2 $0x50  }
0xae: {  	[spmem:s3] =	stream.indirect.scatter.add.f32 @!p2 [tilespmem:s8], [sflag:$0xB], $0x40, s30, s16, $0xb8;
	[tilespmem:$0xF000] =	vst v63  }
0xaf: {  	_ =	swait.ge @!p2 [sflag:s9], $0x1400  }
0xb0: {  	[sflag:s9] =	ssyncset.done @!p2 $0x0  }
0xb1: {  	s8 =	simm.s32 @!p2 $0x2;
	[sflag:s9] =	ssyncadd.s32 @!p2 $0xFFFFEC00  }
0xb2: {  	_ =	swait.ge @!p2 [sflag:s8], $0x50  }
0xb3: {  	[sflag:s8] =	ssyncset.done @!p2 $0x0  }
0xb4: {  	[sflag:s8] =	ssyncadd.s32 @!p2 $0xFFFFFFB0  }
0xb5: {  	v0 =	vld @!p2 [tilespmem:$0x9C90];
	_ =	sdelay $0x1  }
0xb6: {  	v1 =	vld @!p2 [tilespmem:$0x9CA0];
	_ =	sdelay $0x1  }
0xb7: {  	v2 =	vld @!p2 [tilespmem:$0x9CB0]  }
0xb8: {  	v4 =	vand.u32 @!p2 $0x3FFF, v0  }
0xb9: {  	v3 =	vld @!p2 [tilespmem:$0x9CC0];
	v0 =	vshra.s32 @!p2 v0, $0xE;
	[tilespmem:$0x9DD0] =	vst @!p2 v4  }
0xba: {  	v4 =	vand.u32 @!p2 $0x3FFF, v1;
	v1 =	vshra.s32 @!p2 v1, $0xE;
	[tilespmem:$0x9F10] =	vst @!p2 v0  }
0xbb: {  	v5 =	vld @!p2 [tilespmem:$0x9CD0];
	[tilespmem:$0x9F20] =	vst @!p2 v1  }
0xbc: {  	v1 =	vand.u32 @!p2 $0x3FFF, v2;
	[tilespmem:$0x9DE0] =	vst @!p2 v4  }
0xbd: {  	v2 =	vshra.s32 @!p2 v2, $0xE;
	[tilespmem:$0x9DF0] =	vst @!p2 v1  }
0xbe: {  	v1 =	vand.u32 @!p2 $0x3FFF, v3;
	[tilespmem:$0x9F30] =	vst @!p2 v2  }
0xbf: {  	v3 =	vshra.s32 @!p2 v3, $0xE;
	[tilespmem:$0x9E00] =	vst @!p2 v1  }
0xc0: {  	[tilespmem:$0x9F40] =	vst @!p2 v3;
	v3 =	vshra.s32 @!p2 v5, $0xE  }
0xc1: {  	v1 =	vand.u32 @!p2 $0x3FFF, v5;
	[tilespmem:$0x9F50] =	vst @!p2 v3  }
0xc2: {  	s30 =	simm.s32 @!p2 $0xB400;
	s9 =	simm.s32 @!p2 $0x9DD0;
	s8 =	rddreg [dreg:$0x4];
	[tilespmem:$0x9E10] =	vst @!p2 v1  }
0xc3: {  	[tilespmem:s30], [sflag:$0x6] =	stream.indirect.gather @!p2 [hbm4b:s1+s16], $0x40, s9, s16, $0xb8;
	[tilespmem:$0xF000] =	vst v63  }
0xc4: {  	s26 =	smov.u32 s15;
	s8 =	sadd.s32 @!p2 s14, s8;
	s9 =	simm.s32 @!p2 $0x9D30  }
0xc5: {  	[tilespmem:s9], [sflag:$0x4] =	stream.linear.gather @!p2 [hbm4b:s8+s6], $0x50, $0x38;
	[tilespmem:$0xF000] =	vst v63  }
0xc6: {  	s14 =	smov.u32 s26;
	_ =	swait.ge [sflag:s7], $0x1400  }
0xc7: {  	p2 =	seq.s32 s14, $0x0;
	[sflag:s7] =	ssyncset.done $0x0  }
0xc8: {  	s6 =	simm.s32 @!p2 $0xB;
	s9 =	rddreg [dreg:$0xb];
	[sflag:s7] =	ssyncadd.s32 $0xFFFFEC00  }
0xc9: {  	[spmem:s3] =	stream.indirect.scatter.add.f32 [tilespmem:s21], [sflag:$0xC], $0x40, s9, s23, $0xb8;
	[tilespmem:$0xF000] =	vst v63  }
0xca: {  	_ =	swait.ge @!p2 [sflag:s6], $0x1400  }
0xcb: {  	[sflag:s6] =	ssyncset.done @!p2 $0x0  }
0xcc: {  	[sflag:s6] =	ssyncadd.s32 @!p2 $0xFFFFEC00  }
0xcd: {  	_ =	swait.ge [sflag:s31], $0x50  }
0xce: {  	[sflag:s31] =	ssyncset.done $0x0  }
0xcf: {  	[sflag:s31] =	ssyncadd.s32 $0xFFFFFFB0  }
0xd0: {  	v0 =	vld [tilespmem:$0x9D20];
	_ =	sdelay $0x1  }
0xd1: {  	v1 =	vld [tilespmem:$0x9CE0];
	_ =	sdelay $0x1  }
0xd2: {  	v2 =	vld [tilespmem:$0x9D10]  }
0xd3: {  	v5 =	vand.u32 $0x3FFF, v0  }
0xd4: {  	v3 =	vld [tilespmem:$0x9D00];
	v0 =	vshra.s32 v0, $0xE;
	[tilespmem:$0x9E60] =	vst v5  }
0xd5: {  	v4 =	vld [tilespmem:$0x9CF0];
	v6 =	vand.u32 $0x3FFF, v1;
	[tilespmem:$0x9FA0] =	vst v0  }
0xd6: {  	v1 =	vshra.s32 v1, $0xE;
	[tilespmem:$0x9E20] =	vst v6  }
0xd7: {  	v5 =	vand.u32 $0x3FFF, v2;
	v2 =	vshra.s32 v2, $0xE;
	[tilespmem:$0x9F60] =	vst v1  }
0xd8: {  	[tilespmem:$0x9F90] =	vst v2  }
0xd9: {  	v0 =	vand.u32 $0x3FFF, v3;
	v3 =	vshra.s32 v3, $0xE;
	[tilespmem:$0x9E50] =	vst v5  }
0xda: {  	v1 =	vand.u32 $0x3FFF, v4;
	v4 =	vshra.s32 v4, $0xE;
	[tilespmem:$0x9F80] =	vst v3  }
0xdb: {  	[tilespmem:$0x9F70] =	vst v4  }
0xdc: {  	s17 =	sadd.s32 $0x140, s17;
	s16 =	rddreg [dreg:$0x7];
	[tilespmem:$0x9E40] =	vst v0  }
0xdd: {  	s30 =	sshrl.u32 s17, $0x3;
	s26 =	rddreg [dreg:$0x8];
	[tilespmem:$0x9E30] =	vst v1  }
0xde: {  	[tilespmem:s26], [sflag:$0x7] =	stream.indirect.gather [hbm4b:s1+s23], $0x40, s16, s23, $0xb8;
	[tilespmem:$0xF000] =	vst v63  }
0xdf: {  	s16 =	sadd.s32 s5, s30  }
0xe0: {  	[tilespmem:s18], [sflag:$0x1] =	stream.linear.gather [hbm4b:s16+s4], $0x50, $0x38;
	[tilespmem:$0xF000] =	vst v63  }
0xe1: {  	_ =	swait.ge [sflag:s0], $0x1400  }
0xe2: {  	[sflag:s0] =	ssyncset.done $0x0  }
0xe3: {  	s6 =	simm.s32 @!p2 $0xC;
	[sflag:s0] =	ssyncadd.s32 $0xFFFFEC00  }
0xe4: {  	[spmem:s3] =	stream.indirect.scatter.add.f32 [tilespmem:s25], [sflag:$0x9], $0x40, s19, s23, $0xb8;
	[tilespmem:$0xF000] =	vst v63  }
0xe5: {  	_ =	swait.ge @!p2 [sflag:s6], $0x1400  }
0xe6: {  	[sflag:s6] =	ssyncset.done @!p2 $0x0  }
0xe7: {  	[sflag:s6] =	ssyncadd.s32 @!p2 $0xFFFFEC00  }
0xe8: {  	_ =	swait.ge [sflag:s20], $0x50  }
0xe9: {  	[sflag:s20] =	ssyncset.done $0x0  }
0xea: {  	[sflag:s20] =	ssyncadd.s32 $0xFFFFFFB0  }
0xeb: {  	v0 =	vld [tilespmem:$0x9D40];
	_ =	sdelay $0x1  }
0xec: {  	v1 =	vld [tilespmem:$0x9D30];
	_ =	sdelay $0x1  }
0xed: {  	v2 =	vld [tilespmem:$0x9D70]  }
0xee: {  	v3 =	vand.u32 $0x3FFF, v0;
	v0 =	vshra.s32 v0, $0xE  }
0xef: {  	[tilespmem:$0x9FC0] =	vst v0;
	v0 =	vld [tilespmem:$0x9D60]  }
0xf0: {  	[tilespmem:$0x9E80] =	vst v3;
	v3 =	vand.u32 $0x3FFF, v1;
	v1 =	vshra.s32 v1, $0xE  }
0xf1: {  	[tilespmem:$0x9FB0] =	vst v1;
	v1 =	vld [tilespmem:$0x9D50]  }
0xf2: {  	[tilespmem:$0x9E70] =	vst v3;
	v3 =	vand.u32 $0x3FFF, v2  }
0xf3: {  	v2 =	vshra.s32 v2, $0xE;
	[tilespmem:$0x9EB0] =	vst v3  }
0xf4: {  	[tilespmem:$0x9FF0] =	vst v2;
	v2 =	vand.u32 $0x3FFF, v0  }
0xf5: {  	v0 =	vshra.s32 v0, $0xE;
	[tilespmem:$0x9EA0] =	vst v2  }
0xf6: {  	v3 =	vand.u32 $0x3FFF, v1;
	v1 =	vshra.s32 v1, $0xE;
	[tilespmem:$0x9FE0] =	vst v0  }
0xf7: {  	s26 =	rddreg [dreg:$0x9];
	[tilespmem:$0x9FD0] =	vst v1  }
0xf8: {  	p2 =	seq.s32 s14, $0x4B0;
	s8 =	rddreg [dreg:$0x6];
	[tilespmem:$0x9E90] =	vst v3  }
0xf9: {  	[tilespmem:s21], [sflag:$0x8] =	stream.indirect.gather [hbm4b:s1+s23], $0x40, s26, s23, $0xb8;
	[tilespmem:$0xF000] =	vst v63  }
0xfa: {  	s6 =	simm.s32 @!p2 $0x0;
	s9 =	simm.s32 @!p2 $0x9C90;
	s8 =	sadd.s32 @!p2 s14, s8  }
0xfb: {  	[tilespmem:s9], [sflag:$0x2] =	stream.linear.gather @!p2 [hbm4b:s8+s6], $0x50, $0x38;
	[tilespmem:$0xF000] =	vst v63  }
0xfc: {  	_ =	swait.ge [sflag:s28], $0x1400  }
0xfd: {  	[sflag:s28] =	ssyncset.done $0x0  }
0xfe: {  	s30 =	rddreg [dreg:$0xa];
	[sflag:s28] =	ssyncadd.s32 $0xFFFFEC00  }
0xff: {  	[spmem:s3] =	stream.indirect.scatter.add.f32 [tilespmem:s29], [sflag:$0xA], $0x40, s30, s23, $0xb8;
	[tilespmem:$0xF000] =	vst v63  }
0x100: {  	_ =	swait.ge [sflag:s2], $0x1400  }
0x101: {  	[sflag:s2] =	ssyncset.done $0x0  }
0x102: {  	[sflag:s2] =	ssyncadd.s32 $0xFFFFEC00  }
0x103: {  	_ =	swait.ge [sflag:s22], $0x50  }
0x104: {  	[sflag:s22] =	ssyncset.done $0x0  }
0x105: {  	[sflag:s22] =	ssyncadd.s32 $0xFFFFFFB0  }
0x106: {  	v0 =	vld [tilespmem:$0x9C70]  }
0x107: {  	v2 =	vld [tilespmem:$0x9C60]  }
0x108: {  	v1 =	vld [tilespmem:$0x9C40];
	_ =	sdelay $0x1  }
0x109: {  	s15 =	sadd.s32 $0x28, s15  }
0x10a: {  	p1 =	sne.s32 s15, $0x4D8;
	v4 =	vld [tilespmem:$0x9C80];
	v3 =	vand.u32 $0x3FFF, v0  }
.Ltmp0:
0x10b: {  	v5 =	vshra.s32 v2, $0xE;
	[tilespmem:$0x9DB0] =	vst v3;
	(pc) =	sbr.rel @p1 .LBB2_2-.Ltmp0, $4  }
0x10c: {  	v63 =	vshra.s32 v1, $0xE;
	[tilespmem:$0x9EE0] =	vst v5  }
0x10d: {  	v2 =	vand.u32 $0x3FFF, v2;
	[tilespmem:$0x9EC0] =	vst v63  }
0x10e: {  	v3 =	vand.u32 $0x3FFF, v1;
	[tilespmem:$0x9DA0] =	vst v2  }
0x10f: {  	v0 =	vshra.s32 v0, $0xE;
	v1 =	vld [tilespmem:$0x9C50];
	v2 =	vshra.s32 v4, $0xE;
	[tilespmem:$0x9D80] =	vst v3;
	v3 =	vand.u32 $0x3FFF, v4  }
0x110: {  	_ =	sdelay $0x1  }
0x111: {  	[tilespmem:$0x9DC0] =	vst v3  }
0x112: {  	[tilespmem:$0x9F00] =	vst v2  }
0x113: {  	[tilespmem:$0x9EF0] =	vst v0;
	v62 =	vand.u32 $0x3FFF, v1  }
0x114: {  	v63 =	vshra.s32 v1, $0xE;
	[tilespmem:$0x9D90] =	vst v62  }
0x115: {  	s8 =	simm.s32 @p2 $0x7;
	[tilespmem:$0x9ED0] =	vst v63  }
0x116: {  	[tilespmem:s25], [sflag:$0x5] =	stream.indirect.gather [hbm4b:s1+s23], $0x40, s24, s23, $0xb8;
	[tilespmem:$0xF000] =	vst v63  }
0x117: {  	_ =	swait.ge @p2 [sflag:s8], $0x1400  }
0x118: {  	s9 =	simm.s32 @p2 $0xC800;
	s15 =	simm.s32 @p2 $0xA;
	[sflag:s8] =	ssyncset.done @p2 $0x0  }
0x119: {  	s16 =	simm.s32 @p2 $0x9F60;
	[sflag:s8] =	ssyncadd.s32 @p2 $0xFFFFEC00;
	s8 =	simm.s32 @p2 $0x50  }
0x11a: {  	[spmem:s3] =	stream.indirect.scatter.add.f32 @p2 [tilespmem:s9], [sflag:$0xB], $0x40, s16, s8, $0xb8;
	[tilespmem:$0xF000] =	vst v63  }
0x11b: {  	_ =	swait.ge @p2 [sflag:s15], $0x1400  }
0x11c: {  	s9 =	simm.s32 @!p2 $0x9CE0;
	s8 =	rddreg [dreg:$0x5];
	[sflag:s15] =	ssyncset.done @p2 $0x0  }
0x11d: {  	[sflag:s15] =	ssyncadd.s32 @p2 $0xFFFFEC00;
	s8 =	sadd.s32 @!p2 s14, s8;
	s15 =	simm.s32 @!p2 $0x7  }
0x11e: {  	[tilespmem:s9], [sflag:$0x3] =	stream.linear.gather @!p2 [hbm4b:s8+s6], $0x50, $0x38;
	[tilespmem:$0xF000] =	vst v63  }
0x11f: {  	_ =	swait.ge @!p2 [sflag:s15], $0x1400  }
0x120: {  	s16 =	simm.s32 @!p2 $0x9F60;
	s8 =	simm.s32 @!p2 $0xC800;
	[sflag:s15] =	ssyncset.done @!p2 $0x0  }
0x121: {  	s9 =	simm.s32 @!p2 $0xA;
	[sflag:s15] =	ssyncadd.s32 @!p2 $0xFFFFEC00;
	s15 =	simm.s32 @!p2 $0x50  }
0x122: {  	[spmem:s3] =	stream.indirect.scatter.add.f32 @!p2 [tilespmem:s8], [sflag:$0xB], $0x40, s16, s15, $0xb8;
	[tilespmem:$0xF000] =	vst v63  }
0x123: {  	_ =	swait.ge @!p2 [sflag:s9], $0x1400  }
0x124: {  	[sflag:s9] =	ssyncset.done @!p2 $0x0  }
0x125: {  	s8 =	simm.s32 @!p2 $0x2;
	[sflag:s9] =	ssyncadd.s32 @!p2 $0xFFFFEC00  }
0x126: {  	_ =	swait.ge @!p2 [sflag:s8], $0x50  }
0x127: {  	[sflag:s8] =	ssyncset.done @!p2 $0x0  }
0x128: {  	[sflag:s8] =	ssyncadd.s32 @!p2 $0xFFFFFFB0  }
0x129: {  	v0 =	vld @!p2 [tilespmem:$0x9C90];
	_ =	sdelay $0x1  }
0x12a: {  	v1 =	vld @!p2 [tilespmem:$0x9CA0];
	_ =	sdelay $0x1  }
0x12b: {  	v2 =	vld @!p2 [tilespmem:$0x9CB0]  }
0x12c: {  	v4 =	vand.u32 @!p2 $0x3FFF, v0  }
0x12d: {  	v5 =	vld @!p2 [tilespmem:$0x9CD0];
	v0 =	vshra.s32 @!p2 v0, $0xE;
	[tilespmem:$0x9DD0] =	vst @!p2 v4  }
0x12e: {  	v3 =	vld @!p2 [tilespmem:$0x9CC0];
	v4 =	vshra.s32 @!p2 v1, $0xE;
	[tilespmem:$0x9F10] =	vst @!p2 v0  }
0x12f: {  	v1 =	vand.u32 @!p2 $0x3FFF, v1;
	[tilespmem:$0x9F20] =	vst @!p2 v4  }
0x130: {  	v4 =	vand.u32 @!p2 $0x3FFF, v2;
	[tilespmem:$0x9DE0] =	vst @!p2 v1  }
0x131: {  	v2 =	vshra.s32 @!p2 v2, $0xE;
	[tilespmem:$0x9DF0] =	vst @!p2 v4  }
0x132: {  	v1 =	vshra.s32 @!p2 v5, $0xE;
	[tilespmem:$0x9F30] =	vst @!p2 v2  }
0x133: {  	v4 =	vand.u32 @!p2 $0x3FFF, v3;
	[tilespmem:$0x9F50] =	vst @!p2 v1  }
0x134: {  	v3 =	vshra.s32 @!p2 v3, $0xE;
	[tilespmem:$0x9E00] =	vst @!p2 v4  }
0x135: {  	v1 =	vand.u32 @!p2 $0x3FFF, v5;
	[tilespmem:$0x9F40] =	vst @!p2 v3  }
0x136: {  	s16 =	simm.s32 @!p2 $0xB400;
	s9 =	simm.s32 @!p2 $0x9DD0;
	s8 =	rddreg [dreg:$0x4];
	[tilespmem:$0x9E10] =	vst @!p2 v1  }
0x137: {  	[tilespmem:s16], [sflag:$0x6] =	stream.indirect.gather @!p2 [hbm4b:s1+s15], $0x40, s9, s15, $0xb8;
	[tilespmem:$0xF000] =	vst v63  }
0x138: {  	s8 =	sadd.s32 @!p2 s14, s8;
	s9 =	simm.s32 @!p2 $0x9D30  }
0x139: {  	[tilespmem:s9], [sflag:$0x4] =	stream.linear.gather @!p2 [hbm4b:s8+s6], $0x50, $0x38;
	[tilespmem:$0xF000] =	vst v63  }
0x13a: {  	_ =	swait.ge [sflag:s7], $0x1400  }
0x13b: {  	[sflag:s7] =	ssyncset.done $0x0  }
0x13c: {  	s16 =	simm.s32 $0xB;
	s15 =	rddreg [dreg:$0xb];
	[sflag:s7] =	ssyncadd.s32 $0xFFFFEC00  }
0x13d: {  	[spmem:s3] =	stream.indirect.scatter.add.f32 [tilespmem:s21], [sflag:$0xC], $0x40, s15, s23, $0xb8;
	[tilespmem:$0xF000] =	vst v63  }
0x13e: {  	_ =	swait.ge [sflag:s16], $0x1400  }
0x13f: {  	[sflag:s16] =	ssyncset.done $0x0  }
0x140: {  	[sflag:s16] =	ssyncadd.s32 $0xFFFFEC00  }
0x141: {  	_ =	swait.ge [sflag:s0], $0x1400  }
0x142: {  	[sflag:s0] =	ssyncset.done $0x0  }
0x143: {  	s17 =	simm.s32 $0xC;
	[sflag:s0] =	ssyncadd.s32 $0xFFFFEC00  }
0x144: {  	[spmem:s3] =	stream.indirect.scatter.add.f32 [tilespmem:s25], [sflag:$0x9], $0x40, s19, s23, $0xb8;
	[tilespmem:$0xF000] =	vst v63  }
0x145: {  	_ =	swait.ge [sflag:s17], $0x1400  }
0x146: {  	[sflag:s17] =	ssyncset.done $0x0  }
0x147: {  	[sflag:s17] =	ssyncadd.s32 $0xFFFFEC00  }
0x148: {  	_ =	swait.ge [sflag:s2], $0x1400  }
0x149: {  	[sflag:s2] =	ssyncset.done $0x0  }
0x14a: {  	[sflag:s2] =	ssyncadd.s32 $0xFFFFEC00  }
0x14b: {  	[bflag:$0x0] =	sbarrier.arrive $0xFFFF  }
0x14c: {  	s9 =	simm.s32 $0xD;
	s26 =	rddreg [dreg:$0x14]  }
0x14d: {  	[hbm:s26], [sflag:s11] =	dma.local [spmem:s12], $0x1380  }
0x14e: {  	_ =	swait.ge [sflag:s9], $0x1380  }
0x14f: {  	[sflag:s9] =	ssyncset.done $0x0  }
0x150: {  	s6 =	rddreg [dreg:$0x15];
	[sflag:s9] =	ssyncadd.s32 $0xFFFFEC80  }
0x151: {  	[hbm:s6], [sflag:s11] =	dma.local @!p0 [spmem:s13], $0x80  }
0x152: {  	s6 =	simm.s32 @!p0 $0xD  }
0x153: {  	_ =	swait.ge @!p0 [sflag:s6], $0x80  }
0x154: {  	s10 =	sadd.s32 $0x1, s10;
	s30 =	rddreg [dreg:$0x16]  }
0x155: {  	p1 =	sne.s32 s10, s30  }
.Ltmp1:
0x156: {  	_ = 	snop;
	(pc) =	sbr.rel @p1 .LBB2_1-.Ltmp1, $3  }
0x157: {  	_ =	sdelay $0x1  }
0x158: {  	[sflag:s6] =	ssyncset.done @!p0 $0x0  }
0x159: {  	[sflag:s6] =	ssyncadd.s32 @!p0 $0xFFFFFF80  }
0x15a: {  	_ =	sfence.sel $0x180000  }
0x15b: {  	[bflag:$0x0] =	sbarrier.arrive $0xFFFF  }
0x15c: {  	_ =	strace $0x9000004D  }
0x15d: {  	s0 =	stileid.u32;
	[bflag:$0x2] =	sbarrier.arrive $0xFFFF  }
0x15e: {  	p0 =	sne.s32 s0, $0x0;
	s0 =	rddreg [dreg:$0x3]  }
0x15f: {  	s0 =	sadd.s32 @!p0 $0x100000, s0  }
0x160: {  	[sflag:s0] =	ssyncadd.tile.s32 @!p0 $0x1;
	_ =	shalt  }
.Lfunc_end2:
_tile_overlayer_lowered:
.L_overlay_start_2:
0x161: {  	(tag) =	ssettag $0x2  }
0x162: {  	s0 =	rddreg [dreg:$0x0];
	s2 =	stileid.u32  }
0x163: {  	s1 =	rddreg [dreg:$0x1];
	p0 =	sne.s32 s2, $0x0  }
0x164: {  	s3 =	rddreg [dreg:$0x2];
	[bflag:$0x3] =	sbarrier.arrive $0xFFFF;
	s2 =	simm.s32 @!p0 $0x1C0D  }
0x165: {  	[timem:s3], [sflag:s2] =	dma.local @!p0 [hbm:s0], s1  }
0x166: {  	s0 =	simm.s32 @!p0 $0xD  }
0x167: {  	_ =	swait.ge @!p0 [sflag:s0], s1  }
0x168: {  	s1 =	ssub.s32 @!p0 $0x0, s1;
	[sflag:s0] =	ssyncset.done @!p0 $0x0  }
0x169: {  	[sflag:s0] =	ssyncadd.s32 @!p0 s1  }
0x16a: {  	[bflag:$0x3] =	sbarrier.arrive $0xFFFF  }
0x16b: {  	_ =	shalt  }

// kernel: kernel.9.cloned.1.call-start
scs
__scs_entry_jumppad:
0x0: {  	(pc) =	sbr.rel $0x88, $3  }
0x1: {  	(tag) =	ssettag $0x0;
	lr =	simm.s32 $0x1  }
0x2: {  	[smem:$0x3F9C] =	sst lr;
	_ =	strace $0xD0000000  }
0x3: {  	_ = 	snop  }
0x4: {  	_ = 	snop  }
0x5: {  	_ = 	snop  }
0x6: {  	_ = 	snop  }
0x7: {  	_ = 	snop  }
__scs_overlays_trampoline_lowered:
0x8: {  	[smem:$0x3FAB] =	sst s0  }
0x9: {  	[smem:$0x3FAC] =	sst s1  }
0xa: {  	[smem:$0x3FAD] =	sst s2  }
0xb: {  	[smem:$0x3FAE] =	sst s3  }
0xc: {  	[smem:$0x3FAF] =	sst s4  }
0xd: {  	[smem:$0x3FB0] =	sst s5  }
0xe: {  	[smem:$0x3FB1] =	sst s6  }
0xf: {  	[smem:$0x3FB2] =	sst s7  }
0x10: {  	[smem:$0x3FB3] =	sst s8  }
0x11: {  	[smem:$0x3FB4] =	sst s9;
	s0 =	simm.s32 @!p0 $0x0  }
0x12: {  	s1 =	sld [smem:$0x3F9A];
	s0 =	simm.s32 @p0 $0x1  }
0x13: {  	[smem:$0x3FB5] =	sst s0;
	s0 =	simm.s32 @!p1 $0x0  }
0x14: {  	s2 =	sld [smem:$0x3F99];
	s0 =	simm.s32 @p1 $0x1  }
0x15: {  	[smem:$0x3FB6] =	sst s0;
	s0 =	simm.s32 @!p2 $0x0  }
0x16: {  	s3 =	sld [smem:$0x3FDB];
	s0 =	simm.s32 @p2 $0x1  }
0x17: {  	s4 =	simm.s32 $0x1BF5;
	[smem:$0x3FB8] =	sst s0  }
0x18: {  	s0 =	sld [smem:$0x3F9B];
	_ =	swait.ge [sflag:s4], $0x0  }
0x19: {  	s7 =	sld [smem:$0x3F9C]  }
0x1a: {  	s8 =	sadd.s32 $0xFFFFE003, lr  }
0x1b: {  	s9 =	sadd.s32 $0xFFFFFEF7, lr;
	s5 =	simm.s32 $0xFFFFFFFF;
	p2 =	slt.u32 s8, $0xFFFFF086  }
0x1c: {  	p1 =	slt.u32 s9, $0xF7A;
	s5 =	simm.s32 @!p2 $0x0  }
0x1d: {  	s5 =	simm.s32 @p1 $0x1;
	p0 =	seq.s32 s7, s2  }
0x1e: {  	s7 =	smul.u32 @!p0 $0xF7A, s2;
	p2 =	seq.s32 @!p0 s5, $0x0  }
0x1f: {  	s9 =	smul.u32 $0xF7A, s1;
	s8 =	simm.s32 @!p0 $0x1BF5;
	p2 =	por !p2, p0  }
0x20: {  	[sflag:s8] =	ssyncset.s32 @!p0 $0xFFFFF086;
	s6 =	sadd.s32 @!p0 s3, s7;
	s7 =	simm.s32 @!p0 $0x108  }
0x21: {  	s3 =	sadd.s32 s3, s9;
	s6 =	sadd.s32 @!p0 $0x88, s6;
	s7 =	simm.s32 @p2 $0x1082  }
0x22: {  	[simem:s7], [sflag:s8] =	dma.local @!p0 [hbm:s6], $0xF7A  }
0x23: {  	s9 =	sor.u32 $0xD0000000, s2;
	s6 =	simm.s32 $0x108;
	_ =	swait.ge @!p0 [sflag:s8], $0x0  }
0x24: {  	s3 =	sadd.s32 $0x88, s3;
	s6 =	simm.s32 @!p1 $0x1082;
	[sflag:s4] =	ssyncset.s32 $0xFFFFF086  }
0x25: {  	[simem:s6], [sflag:s4] =	dma.local [hbm:s3], $0xF7A  }
0x26: {  	[smem:$0x3F9C] =	sst s1;
	(tag) =	ssettag s2;
	_ =	strace s9  }
0x27: {  	s1 =	sld [smem:$0x3FAC]  }
0x28: {  	s2 =	sld [smem:$0x3FAD]  }
0x29: {  	s4 =	sld [smem:$0x3FAF]  }
0x2a: {  	p0 =	seq.s32 s5, $0x0;
	s5 =	sld [smem:$0x3FB0]  }
0x2b: {  	s6 =	sld [smem:$0x3FB1]  }
0x2c: {  	s7 =	sld [smem:$0x3FB2]  }
0x2d: {  	s3 =	simm.s32 $0x108;
	s8 =	sld [smem:$0x3FB3]  }
0x2e: {  	s3 =	simm.s32 @!p0 $0x1082;
	s9 =	sld [smem:$0x3FB4]  }
0x2f: {  	lr =	sadd.s32 s0, s3;
	s0 =	sld [smem:$0x3FAB]  }
0x30: {  	s3 =	sld [smem:$0x3FAE]  }
0x31: {  	[smem:$0x3FB7] =	sst s10  }
0x32: {  	s10 =	sld [smem:$0x3FB5];
	_ =	sdelay $0x3  }
0x33: {  	p0 =	seq.s32 s10, $0x1;
	s10 =	sld [smem:$0x3FB7];
	_ =	sdelay $0x3  }
0x34: {  	[smem:$0x3FB7] =	sst s10  }
0x35: {  	s10 =	sld [smem:$0x3FB6];
	_ =	sdelay $0x3  }
0x36: {  	p1 =	seq.s32 s10, $0x1;
	s10 =	sld [smem:$0x3FB7];
	_ =	sdelay $0x3  }
0x37: {  	[smem:$0x3FB7] =	sst s10  }
0x38: {  	s10 =	sld [smem:$0x3FB8]  }
0x39: {  	_ = 	snop;
	(pc) =	sbr.ind lr, $3  }
0x3a: {  	_ = 	snop  }
0x3b: {  	_ = 	snop  }
0x3c: {  	p2 =	seq.s32 s10, $0x1;
	s10 =	sld [smem:$0x3FB7]  }
0x3d: {  	_ =	shalt  }
0x3e: {  	_ =	shalt  }
0x3f: {  	_ =	shalt  }
0x40: {  	_ =	shalt  }
0x41: {  	_ =	shalt  }
0x42: {  	_ =	shalt  }
0x43: {  	_ =	shalt  }
0x44: {  	_ =	shalt  }
0x45: {  	_ =	shalt  }
0x46: {  	_ =	shalt  }
0x47: {  	_ =	shalt  }
0x48: {  	_ =	shalt  }
0x49: {  	_ =	shalt  }
0x4a: {  	_ =	shalt  }
0x4b: {  	_ =	shalt  }
0x4c: {  	_ =	shalt  }
0x4d: {  	_ =	shalt  }
0x4e: {  	_ =	shalt  }
0x4f: {  	_ =	shalt  }
0x50: {  	_ =	shalt  }
0x51: {  	_ =	shalt  }
0x52: {  	_ =	shalt  }
0x53: {  	_ =	shalt  }
0x54: {  	_ =	shalt  }
0x55: {  	_ =	shalt  }
0x56: {  	_ =	shalt  }
0x57: {  	_ =	shalt  }
0x58: {  	_ =	shalt  }
0x59: {  	_ =	shalt  }
0x5a: {  	_ =	shalt  }
0x5b: {  	_ =	shalt  }
0x5c: {  	_ =	shalt  }
0x5d: {  	_ =	shalt  }
0x5e: {  	_ =	shalt  }
0x5f: {  	_ =	shalt  }
0x60: {  	_ =	shalt  }
0x61: {  	_ =	shalt  }
0x62: {  	_ =	shalt  }
0x63: {  	_ =	shalt  }
0x64: {  	_ =	shalt  }
0x65: {  	_ =	shalt  }
0x66: {  	_ =	shalt  }
0x67: {  	_ =	shalt  }
0x68: {  	_ =	shalt  }
0x69: {  	_ =	shalt  }
0x6a: {  	_ =	shalt  }
0x6b: {  	_ =	shalt  }
0x6c: {  	_ =	shalt  }
0x6d: {  	_ =	shalt  }
0x6e: {  	_ =	shalt  }
0x6f: {  	_ =	shalt  }
0x70: {  	_ =	shalt  }
0x71: {  	_ =	shalt  }
0x72: {  	_ =	shalt  }
0x73: {  	_ =	shalt  }
0x74: {  	_ =	shalt  }
0x75: {  	_ =	shalt  }
0x76: {  	_ =	shalt  }
0x77: {  	_ =	shalt  }
0x78: {  	_ =	shalt  }
0x79: {  	_ =	shalt  }
0x7a: {  	_ =	shalt  }
0x7b: {  	_ =	shalt  }
0x7c: {  	_ =	shalt  }
0x7d: {  	_ =	shalt  }
0x7e: {  	_ =	shalt  }
0x7f: {  	_ =	shalt  }
0x80: {  	_ =	shalt  }
0x81: {  	_ =	shalt  }
0x82: {  	_ =	shalt  }
0x83: {  	_ =	shalt  }
0x84: {  	_ =	shalt  }
0x85: {  	_ =	shalt  }
0x86: {  	_ =	shalt  }
0x87: {  	_ =	shalt  }
.Lfunc_end0:
.L_simem_size_0:
called_computation_lowered:
.L_overlay_start_0:
0x88: {  	s2 =	sld [smem:$0x3FD9]  }
0x89: {  	s3 =	sld [smem:$0x3FFE];
	_ =	sdelay $0x1  }
0x8a: {  	s1 =	srdreg.scid  }
0x8b: {  	s0 =	sand.u32 $0x1, s1  }
0x8c: {  	s16 =	sshll.u32 s0, $0xA;
	s2 =	sadd.s32 s3, s2  }
0x8d: {  	s2 =	sadd.s32 s2, s16  }
0x8e: {  	[smem:$0x3FC3] =	sst s2  }
0x8f: {  	_ = 	snop  }
0x90: {  	(tm) =	ssettm $0x1  }
0x91: {  	s17 =	sld [smem:$0x3FFB];
	_ =	sdelay $0x3  }
0x92: {  	_ =	strace s17  }
0x93: {  	s2 =	sld [smem:$0x3FFC];
	_ =	sdelay $0x3  }
0x94: {  	_ =	strace s2  }
0x95: {  	s2 =	sld [smem:$0x3FFD];
	_ =	sdelay $0x3  }
0x96: {  	_ =	strace s2  }
0x97: {  	_ =	strace $0x8FFFFFFF  }
0x98: {  	s18 =	sld [smem:$0x3FDB];
	_ =	sdelay $0x1  }
0x99: {  	s19 =	simm.s32 $_scs_section_size  }
0x9a: {  	s4 =	simm.s32 $_size__tile_overlayer_lowered;
	s5 =	simm.s32 $_tile_overlayer_lowered  }
0x9b: {  	s22 =	simm.s32 $0x1BFF;
	s21 =	sshll.u32 s5, $0x1;
	s2 =	sadd.s32 s19, s18  }
0x9c: {  	s6 =	simm.s32 $0x0;
	s20 =	sshll.u32 s4, $0x1;
	s4 =	sadd.s32 s21, s2  }
0x9d: {  	[timem:s6], [sflag:s22] =	dma.local [hbm:s4], s20  }
0x9e: {  	_ =	swait.ge [sflag:s22], s20  }
0x9f: {  	s3 =	ssub.s32 $0x0, s20;
	[sflag:s22] =	ssyncset.done $0x0  }
0xa0: {  	[sflag:s22] =	ssyncadd.s32 s3;
	_ =	sdelay $0x1  }
0xa1: {  	s23 =	simm.s32 $0x1B8B  }
0xa2: {  	_ =	swait.ge [sflag:s23], $0x1  }
0xa3: {  	[sflag:s23] =	ssyncset.done $0x0  }
0xa4: {  	s25 =	simm.s32 $0x1B8E;
	s24 =	sld [smem:$0x3FFE];
	[sflag:s23] =	ssyncadd.s32 $0xFFFFFFFF  }
0xa5: {  	s26 =	simm.s32 $execute0_lowered;
	[smem:$0x3FD2] =	sst s25  }
0xa6: {  	s4 =	sshll.u32 s26, $0x1;
	_ =	strace $0x80000046;
	[dreg:$0x1] =	wrdreg $0xFFFFFFFF  }
0xa7: {  	s28 =	simm.s32 $_size_execute0_lowered;
	s2 =	sadd.s32 s2, s4;
	[dreg:$0x0] =	wrdreg $0x0  }
0xa8: {  	s4 =	sshll.u32 s28, $0x1;
	[dreg:$0x2] =	wrdreg s2  }
0xa9: {  	[dreg:$0x3] =	wrdreg s4  }
0xaa: {  	[dreg:$0x4] =	wrdreg $0xC0  }
0xab: {  	_ =	task [dreg:s6], $0x5FFFF  }
0xac: {  	[dreg:$0x1] =	wrdreg $0xFFFFFFFF  }
0xad: {  	[dreg:$0x0] =	wrdreg $0x60  }
0xae: {  	[dreg:$0x2] =	wrdreg s24  }
0xaf: {  	[dreg:$0x3] =	wrdreg $0x0  }
0xb0: {  	[dreg:$0x4] =	wrdreg $0x9  }
0xb1: {  	_ =	task.clear_ibuf [dreg:s6], $0x5FFFF;
	_ =	strace $0x90000046  }
0xb2: {  	s29 =	simm.s32 $0x9;
	_ =	strace $0x80000048  }
0xb3: {  	_ =	swait.ge [sflag:s29], $0x1  }
0xb4: {  	[sflag:s29] =	ssyncadd.s32 $0xFFFFFFFF  }
0xb5: {  	_ =	strace $0x90000048  }
0xb6: {  	_ =	sfence  }
0xb7: {  	s30 =	sld [smem:$0x0];
	_ =	sdelay $0x2  }
0xb8: {  	s31 =	sshll.u32 s1, $0xD;
	s1 =	sshrl.u32 s1, $0x2  }
0xb9: {  	s3 =	sand.u32 $0x4000, s31;
	s1 =	sadd.s32 s1, s30  }
0xba: {  	s0 =	sor.u32 s3, s0;
	s1 =	sshll.u32 s1, $0x11  }
0xbb: {  	s0 =	sor.u32 s1, s0  }
0xbc: {  	s0 =	sadd.s32 $0x8F2B, s0  }
0xbd: {  	[sflag:s0] =	ssyncadd.remote.s32 $0x1  }
0xbe: {  	_ =	sfence.sel $0xFFFF  }
0xbf: {  	[dreg:$0x0] =	wrdreg $0xFFFFFFFF;
	(pc) =	sbr.abs _section_cstart, $3  }
0xc0: {  	[dreg:$0x1] =	wrdreg $0xFFFFFFFF  }
0xc1: {  	_ =	task.clear_ibuf [dreg:s6], $0x2FFFF;
	_ =	strace $0x9FFFFFFF  }
0xc2: {  	(tm) =	ssettm $0x7FFFFFFF  }
0xc3: {  	_ =	shalt  }
tec
execute0_lowered:
.L_overlay_start_1:
0x0: {  	(tag) =	ssettag $0x1  }
0x1: {  	s0 =	rddreg [dreg:$0x0]  }
0x2: {  	s2 =	rddreg [dreg:$0x1];
	s1 =	srdreg.scid;
	s3 =	simm.s32 $0x0  }
0x3: {  	s12 =	stileid.u32;
	s29 =	simm.s32 $0x16680;
	s31 =	simm.s32 $0x3  }
0x4: {  	s28 =	simm.s32 $0x6;
	s1 =	sand.u32 $0x1, s1;
	s6 =	smul.u32 $0x13800, s12  }
0x5: {  	[smem:$0x7FF] =	sst s3;
	s10 =	sadd.s32 $0x59A00, s0;
	s22 =	smul.u32 $0x4E000, s12  }
0x6: {  	s26 =	smul.u32 $0x2710, s12;
	s30 =	sadd.s32 $0x138000, s2;
	p0 =	sne.s32 s12, $0xF  }
0x7: {  	s4 =	sshll.u32 s1, $0x4;
	_ =	strace $0x80000047;
	s25 =	smul.u32 $0x138800, s1  }
0x8: {  	s9 =	ssub.s32 $0x2, s1;
	s1 =	smul.u32 $0x27100, s1;
	[dreg:$0x11] =	wrdreg s30  }
0x9: {  	s30 =	simm.s32 $0x13E00;
	s5 =	sor.u32 s12, s4;
	s4 =	sadd.s32 $0xB600, s0  }
0xa: {  	s7 =	sshrl.u32 s6, $0x3;
	s11 =	sshrl.u32 s9, $0x1;
	[dreg:$0xa] =	wrdreg s30  }
0xb: {  	s8 =	smul.u32 $0x2710, s5;
	s5 =	sadd.s32 $0x1800, s0;
	s7 =	sadd.s32 s7, s0  }
0xc: {  	s9 =	ssub.s32 s9, s11;
	s0 =	sadd.s32 $0x59800, s0;
	s1 =	sadd.s32 s26, s1  }
0xd: {  	s26 =	simm.s32 $0x13D00;
	s7 =	sadd.s32 $0x32800, s7;
	[dreg:$0x12] =	wrdreg s0  }
0xe: {  	s15 =	sadd.s32 $0x230, s1;
	s17 =	sadd.s32 $0x1E0, s1;
	s20 =	smax.u32 s9, $0x1  }
0xf: {  	[dreg:$0x9] =	wrdreg s26;
	s9 =	simm.s32 $0xD;
	s8 =	sshrl.u32 s8, $0x3  }
0x10: {  	[dreg:$0x10] =	wrdreg s7;
	s16 =	sshrl.u32 s15, $0x3;
	s7 =	sadd.s32 $0x190, s1  }
0x11: {  	[dreg:$0x15] =	wrdreg s20;
	s20 =	simm.s32 $0x4;
	s13 =	sadd.s32 s5, s8  }
0x12: {  	s8 =	sshrl.u32 s22, $0x2;
	s22 =	sadd.s32 $0x140, s1;
	[dreg:$0xb] =	wrdreg s13  }
0x13: {  	s19 =	sshrl.u32 s7, $0x3;
	s23 =	sadd.s32 $0xA, s13;
	[dreg:$0x16] =	wrdreg s22  }
0x14: {  	s1 =	simm.s32 $0x9;
	s24 =	sadd.s32 $0x14, s13;
	[dreg:$0xc] =	wrdreg s23  }
0x15: {  	s7 =	simm.s32 $0x8;
	s13 =	sadd.s32 $0x1E, s13;
	[dreg:$0xd] =	wrdreg s24  }
0x16: {  	s8 =	sadd.s32 s8, s2;
	s21 =	sadd.s32 s19, s5;
	[dreg:$0xe] =	wrdreg s13  }
0x17: {  	s22 =	simm.s32 $0x1;
	s19 =	simm.s32 $0x13C80;
	[dreg:$0xf] =	wrdreg s8  }
0x18: {  	s8 =	sadd.s32 s6, s25;
	s13 =	sshrl.u32 s25, $0x3;
	s6 =	sshrl.u32 s17, $0x3  }
0x19: {  	[dreg:$0x5] =	wrdreg s21;
	s23 =	simm.s32 $0x13B80;
	s24 =	simm.s32 $0x18E80  }
0x1a: {  	s25 =	simm.s32 $0x13C00;
	s21 =	simm.s32 $0x1B680;
	[dreg:$0x6] =	wrdreg s23  }
0x1b: {  	s0 =	sshrl.u32 s8, $0x3;
	s14 =	sadd.s32 s10, s13;
	[dreg:$0x7] =	wrdreg s24  }
0x1c: {  	s18 =	sadd.s32 s6, s5;
	[dreg:$0x8] =	wrdreg s25;
	s23 =	simm.s32 $0x50  }
0x1d: {  	s24 =	simm.s32 $0x13A80;
	s0 =	sadd.s32 s10, s0;
	[dreg:$0x4] =	wrdreg s18  }
0x1e: {  	s25 =	simm.s32 $0x13E80;
	[dreg:$0x13] =	wrdreg s0;
	s0 =	sadd.s32 $0x27000, s14  }
0x1f: {  	s18 =	simm.s32 $0x13880;
	[dreg:$0x14] =	wrdreg s0;
	s0 =	sadd.s32 s16, s5  }
0x20: {  	s10 =	simm.s32 $0x0;
	[dreg:$0x3] =	wrdreg s0;
	s0 =	simm.s32 $0x5  }
.LBB2_1:
0x21: {  	s6 =	rddreg [dreg:$0xb]  }
0x22: {  	[tilespmem:s18], [sflag:$0x1] =	stream.linear.gather [hbm4b:s6+s3], $0x50, $0x38;
	[tilespmem:$0x1DE80] =	vst v63  }
0x23: {  	s11 =	rddreg [dreg:$0xc];
	s8 =	simm.s32 $0x13900  }
0x24: {  	[tilespmem:s8], [sflag:$0x2] =	stream.linear.gather [hbm4b:s11+s3], $0x50, $0x38;
	[tilespmem:$0x1DE80] =	vst v63  }
0x25: {  	s12 =	rddreg [dreg:$0xd];
	s13 =	simm.s32 $0x13980  }
0x26: {  	[tilespmem:s13], [sflag:$0x3] =	stream.linear.gather [hbm4b:s12+s3], $0x50, $0x38;
	[tilespmem:$0x1DE80] =	vst v63  }
0x27: {  	s14 =	rddreg [dreg:$0xe];
	s15 =	simm.s32 $0x13A00  }
0x28: {  	[tilespmem:s15], [sflag:$0x4] =	stream.linear.gather [hbm4b:s14+s3], $0x50, $0x38;
	[tilespmem:$0x1DE80] =	vst v63  }
0x29: {  	_ =	swait.ge [sflag:s22], $0x50  }
0x2a: {  	[sflag:s22] =	ssyncset.done $0x0  }
0x2b: {  	[sflag:s22] =	ssyncadd.s32 $0xFFFFFFB0  }
0x2c: {  	v0 =	vld [tilespmem:$0x13880];
	_ =	sdelay $0x1  }
0x2d: {  	v1 =	vld [tilespmem:$0x13890];
	_ =	sdelay $0x1  }
0x2e: {  	v2 =	vld [tilespmem:$0x138A0]  }
0x2f: {  	v3 =	vand.u32 $0x3FFF, v0  }
0x30: {  	v0 =	vshra.s32 v0, $0xE;
	[tilespmem:$0x13A80] =	vst v3;
	v3 =	vld [tilespmem:$0x138B0]  }
0x31: {  	[tilespmem:$0x13C80] =	vst v0;
	v0 =	vand.u32 $0x3FFF, v1  }
0x32: {  	[tilespmem:$0x13A90] =	vst v0;
	v0 =	vshra.s32 v1, $0xE;
	v1 =	vld [tilespmem:$0x138C0]  }
0x33: {  	[tilespmem:$0x13C90] =	vst v0;
	v0 =	vand.u32 $0x3FFF, v2  }
0x34: {  	[tilespmem:$0x13AA0] =	vst v0;
	v0 =	vshra.s32 v2, $0xE  }
0x35: {  	[tilespmem:$0x13CA0] =	vst v0;
	v0 =	vand.u32 $0x3FFF, v3  }
0x36: {  	[tilespmem:$0x13AB0] =	vst v0;
	v0 =	vshra.s32 v3, $0xE  }
0x37: {  	[tilespmem:$0x13CB0] =	vst v0;
	v0 =	vand.u32 $0x3FFF, v1  }
0x38: {  	[tilespmem:$0x13AC0] =	vst v0;
	v0 =	vshra.s32 v1, $0xE  }
0x39: {  	s16 =	simm.s32 $0x2;
	[tilespmem:$0x13CC0] =	vst v0  }
0x3a: {  	[tilespmem:s25], [sflag:$0x5] =	stream.indirect.gather [hbm4b:s4+s23], $0x80, s24, s23, $0xb8;
	[tilespmem:$0x1DE80] =	vst v63  }
0x3b: {  	_ =	swait.ge [sflag:s16], $0x50  }
0x3c: {  	[sflag:s16] =	ssyncset.done $0x0  }
0x3d: {  	[sflag:s16] =	ssyncadd.s32 $0xFFFFFFB0  }
0x3e: {  	v0 =	vld [tilespmem:$0x13900];
	_ =	sdelay $0x1  }
0x3f: {  	v1 =	vld [tilespmem:$0x13910];
	_ =	sdelay $0x1  }
0x40: {  	v2 =	vld [tilespmem:$0x13920]  }
0x41: {  	v3 =	vand.u32 $0x3FFF, v0  }
0x42: {  	v0 =	vshra.s32 v0, $0xE;
	[tilespmem:$0x13B00] =	vst v3;
	v3 =	vld [tilespmem:$0x13930]  }
0x43: {  	[tilespmem:$0x13D00] =	vst v0;
	v0 =	vand.u32 $0x3FFF, v1  }
0x44: {  	[tilespmem:$0x13B10] =	vst v0;
	v0 =	vshra.s32 v1, $0xE;
	v1 =	vld [tilespmem:$0x13940]  }
0x45: {  	[tilespmem:$0x13D10] =	vst v0;
	v0 =	vand.u32 $0x3FFF, v2  }
0x46: {  	[tilespmem:$0x13B20] =	vst v0;
	v0 =	vshra.s32 v2, $0xE  }
0x47: {  	[tilespmem:$0x13D20] =	vst v0;
	v0 =	vand.u32 $0x3FFF, v3  }
0x48: {  	[tilespmem:$0x13B30] =	vst v0;
	v0 =	vshra.s32 v3, $0xE  }
0x49: {  	s26 =	stileid.u32;
	[tilespmem:$0x13D30] =	vst v0;
	v0 =	vand.u32 $0x3FFF, v1  }
0x4a: {  	s17 =	simm.s32 $0x13B00;
	s6 =	sshll.u32 s26, $0x6;
	s30 =	rddreg [dreg:$0xf];
	[tilespmem:$0x13B40] =	vst v0;
	v0 =	vshra.s32 v1, $0xE  }
0x4b: {  	s11 =	sor.u32 $0x1C0D, s6;
	s8 =	rddreg [dreg:$0x10];
	s12 =	sshrl.u32 s30, $0x3;
	[tilespmem:$0x13D40] =	vst v0  }
0x4c: {  	[tilespmem:s29], [sflag:$0x6] =	stream.indirect.gather [hbm4b:s4+s23], $0x80, s17, s23, $0xb8;
	[tilespmem:$0x1DE80] =	vst v63  }
0x4d: {  	[spmem:s12], [sflag:s11] =	dma.local [hbm:s8], $0x2700  }
0x4e: {  	_ =	swait.ge [sflag:s9], $0x2700  }
0x4f: {  	[sflag:s9] =	ssyncset.done $0x0;
	s6 =	rddreg [dreg:$0x11]  }
0x50: {  	[sflag:s9] =	ssyncadd.s32 $0xFFFFD900;
	s13 =	sshrl.u32 @!p0 s6, $0x3;
	s6 =	rddreg [dreg:$0x12]  }
0x51: {  	[spmem:s13], [sflag:s11] =	dma.local @!p0 [hbm:s6], $0x100  }
0x52: {  	s6 =	simm.s32 @!p0 $0xD  }
0x53: {  	_ =	swait.ge @!p0 [sflag:s6], $0x100  }
0x54: {  	[sflag:s6] =	ssyncset.done @!p0 $0x0  }
0x55: {  	p1 =	por $0x1, $0x1;
	[sflag:s6] =	ssyncadd.s32 @!p0 $0xFFFFFF00  }
0x56: {  	s6 =	simm.s32 @!p1 $0xB;
	[bflag:$0x0] =	sbarrier.arrive $0xFFFF  }
0x57: {  	_ =	swait.ge @!p1 [sflag:s6], $0x2800  }
0x58: {  	[sflag:s6] =	ssyncset.done @!p1 $0x0  }
0x59: {  	[sflag:s6] =	ssyncadd.s32 @!p1 $0xFFFFD800  }
0x5a: {  	_ =	swait.ge [sflag:s31], $0x50  }
0x5b: {  	[sflag:s31] =	ssyncset.done $0x0  }
0x5c: {  	[sflag:s31] =	ssyncadd.s32 $0xFFFFFFB0  }
0x5d: {  	v0 =	vld [tilespmem:$0x139C0];
	_ =	sdelay $0x1  }
0x5e: {  	v1 =	vld [tilespmem:$0x13980];
	_ =	sdelay $0x1  }
0x5f: {  	v2 =	vld [tilespmem:$0x139B0]  }
0x60: {  	v3 =	vand.u32 $0x3FFF, v0  }
0x61: {  	v4 =	vld [tilespmem:$0x139A0];
	v0 =	vshra.s32 v0, $0xE;
	[tilespmem:$0x13BC0] =	vst v3  }
0x62: {  	v5 =	vand.u32 $0x3FFF, v1;
	[tilespmem:$0x13DC0] =	vst v0  }
0x63: {  	v3 =	vld [tilespmem:$0x13990];
	v0 =	vshra.s32 v1, $0xE;
	[tilespmem:$0x13B80] =	vst v5  }
0x64: {  	v1 =	vshra.s32 v2, $0xE;
	[tilespmem:$0x13D80] =	vst v0  }
0x65: {  	v0 =	vand.u32 $0x3FFF, v2;
	[tilespmem:$0x13DB0] =	vst v1  }
0x66: {  	v1 =	vshra.s32 v4, $0xE;
	[tilespmem:$0x13BB0] =	vst v0  }
0x67: {  	[tilespmem:$0x13DA0] =	vst v1;
	v1 =	vand.u32 $0x3FFF, v4  }
0x68: {  	s9 =	rddreg [dreg:$0x6];
	[tilespmem:$0x13BA0] =	vst v1;
	v0 =	vshra.s32 v3, $0xE  }
0x69: {  	s17 =	rddreg [dreg:$0x16];
	[tilespmem:$0x13D90] =	vst v0;
	v0 =	vand.u32 $0x3FFF, v3  }
0x6a: {  	s14 =	rddreg [dreg:$0x7];
	s15 =	sshrl.u32 s17, $0x3;
	[tilespmem:$0x13B90] =	vst v0  }
0x6b: {  	[tilespmem:s14], [sflag:$0x7] =	stream.indirect.gather [hbm4b:s4+s23], $0x80, s9, s23, $0xb8;
	[tilespmem:$0x1DE80] =	vst v63  }
0x6c: {  	s16 =	sadd.s32 s5, s15  }
0x6d: {  	[tilespmem:s18], [sflag:$0x1] =	stream.linear.gather [hbm4b:s16+s3], $0x50, $0x38;
	[tilespmem:$0x1DE80] =	vst v63  }
0x6e: {  	_ =	swait.ge [sflag:s0], $0x2800  }
0x6f: {  	[sflag:s0] =	ssyncset.done $0x0  }
0x70: {  	s6 =	simm.s32 @!p1 $0xC;
	[sflag:s0] =	ssyncadd.s32 $0xFFFFD800  }
0x71: {  	[spmem:s2] =	stream.indirect.scatter.add.f32 [tilespmem:s25], [sflag:$0x9], $0x80, s19, s23, $0xb8;
	[tilespmem:$0x1DE80] =	vst v63  }
0x72: {  	_ =	swait.ge @!p1 [sflag:s6], $0x2800  }
0x73: {  	[sflag:s6] =	ssyncset.done @!p1 $0x0  }
0x74: {  	[sflag:s6] =	ssyncadd.s32 @!p1 $0xFFFFD800  }
0x75: {  	_ =	swait.ge [sflag:s20], $0x50  }
0x76: {  	[sflag:s20] =	ssyncset.done $0x0  }
0x77: {  	[sflag:s20] =	ssyncadd.s32 $0xFFFFFFB0  }
0x78: {  	v0 =	vld [tilespmem:$0x13A10];
	_ =	sdelay $0x1  }
0x79: {  	v1 =	vld [tilespmem:$0x13A00];
	_ =	sdelay $0x1  }
0x7a: {  	v2 =	vld [tilespmem:$0x13A40]  }
0x7b: {  	v3 =	vand.u32 $0x3FFF, v0  }
0x7c: {  	v0 =	vshra.s32 v0, $0xE;
	[tilespmem:$0x13C10] =	vst v3;
	v3 =	vld [tilespmem:$0x13A30]  }
0x7d: {  	v4 =	vand.u32 $0x3FFF, v1;
	[tilespmem:$0x13E10] =	vst v0  }
0x7e: {  	v0 =	vshra.s32 v1, $0xE;
	[tilespmem:$0x13C00] =	vst v4;
	v1 =	vld [tilespmem:$0x13A20]  }
0x7f: {  	[tilespmem:$0x13E00] =	vst v0;
	v0 =	vand.u32 $0x3FFF, v2  }
0x80: {  	v2 =	vshra.s32 v2, $0xE;
	[tilespmem:$0x13C40] =	vst v0  }
0x81: {  	[tilespmem:$0x13E40] =	vst v2;
	v0 =	vand.u32 $0x3FFF, v3  }
0x82: {  	v2 =	vshra.s32 v3, $0xE;
	[tilespmem:$0x13C30] =	vst v0  }
0x83: {  	v0 =	vshra.s32 v1, $0xE;
	[tilespmem:$0x13E30] =	vst v2  }
0x84: {  	s26 =	rddreg [dreg:$0x8];
	v1 =	vand.u32 $0x3FFF, v1;
	[tilespmem:$0x13E20] =	vst v0  }
0x85: {  	p2 =	por $0x0, $0x0;
	s14 =	rddreg [dreg:$0x5];
	[tilespmem:$0x13C20] =	vst v1  }
0x86: {  	[tilespmem:s21], [sflag:$0x8] =	stream.indirect.gather [hbm4b:s4+s23], $0x80, s26, s23, $0xb8;
	[tilespmem:$0x1DE80] =	vst v63  }
0x87: {  	s15 =	simm.s32 @!p2 $0x13900;
	s6 =	simm.s32 @!p2 $0x0;
	s14 =	sadd.s32 @!p2 $0x0, s14  }
0x88: {  	[tilespmem:s15], [sflag:$0x2] =	stream.linear.gather @!p2 [hbm4b:s14+s6], $0x50, $0x38;
	[tilespmem:$0x1DE80] =	vst v63  }
0x89: {  	_ =	swait.ge [sflag:s28], $0x2800  }
0x8a: {  	[sflag:s28] =	ssyncset.done $0x0  }
0x8b: {  	s30 =	rddreg [dreg:$0x9];
	[sflag:s28] =	ssyncadd.s32 $0xFFFFD800  }
0x8c: {  	[spmem:s2] =	stream.indirect.scatter.add.f32 [tilespmem:s29], [sflag:$0xA], $0x80, s30, s23, $0xb8;
	[tilespmem:$0x1DE80] =	vst v63  }
0x8d: {  	_ =	swait.ge [sflag:s1], $0x2800  }
0x8e: {  	[sflag:s1] =	ssyncset.done $0x0  }
0x8f: {  	[sflag:s1] =	ssyncadd.s32 $0xFFFFD800  }
0x90: {  	_ =	swait.ge [sflag:s22], $0x50  }
0x91: {  	[sflag:s22] =	ssyncset.done $0x0  }
0x92: {  	[sflag:s22] =	ssyncadd.s32 $0xFFFFFFB0  }
0x93: {  	v0 =	vld [tilespmem:$0x138B0]  }
0x94: {  	v1 =	vld [tilespmem:$0x138A0]  }
0x95: {  	v2 =	vld [tilespmem:$0x13880];
	_ =	sdelay $0x2  }
0x96: {  	v4 =	vld [tilespmem:$0x138C0];
	v3 =	vand.u32 $0x3FFF, v0  }
0x97: {  	v5 =	vshra.s32 v1, $0xE;
	[tilespmem:$0x13AB0] =	vst v3  }
0x98: {  	v3 =	vshra.s32 v2, $0xE;
	[tilespmem:$0x13CA0] =	vst v5  }
0x99: {  	v2 =	vand.u32 $0x3FFF, v2;
	[tilespmem:$0x13C80] =	vst v3  }
0x9a: {  	v3 =	vand.u32 $0x3FFF, v1;
	[tilespmem:$0x13A80] =	vst v2  }
0x9b: {  	s15 =	simm.s32 $0x28;
	s14 =	simm.s32 $0x0;
	v0 =	vshra.s32 v0, $0xE;
	v1 =	vld [tilespmem:$0x13890];
	v2 =	vshra.s32 v4, $0xE;
	[tilespmem:$0x13AA0] =	vst v3;
	v3 =	vand.u32 $0x3FFF, v4  }
.LBB2_2:
0x9c: {  	_ =	sdelay $0x1  }
0x9d: {  	[tilespmem:$0x13AC0] =	vst v3  }
0x9e: {  	[tilespmem:$0x13CC0] =	vst v2  }
0x9f: {  	[tilespmem:$0x13CB0] =	vst v0;
	v3 =	vand.u32 $0x3FFF, v1  }
0xa0: {  	v1 =	vshra.s32 v1, $0xE;
	[tilespmem:$0x13A90] =	vst v3  }
0xa1: {  	s8 =	simm.s32 @p2 $0x7;
	[tilespmem:$0x13C90] =	vst v1  }
0xa2: {  	[tilespmem:s25], [sflag:$0x5] =	stream.indirect.gather [hbm4b:s4+s23], $0x80, s24, s23, $0xb8;
	[tilespmem:$0x1DE80] =	vst v63  }
0xa3: {  	_ =	swait.ge @p2 [sflag:s8], $0x2800  }
0xa4: {  	s9 =	simm.s32 @p2 $0x18E80;
	s16 =	simm.s32 @p2 $0xA;
	[sflag:s8] =	ssyncset.done @p2 $0x0  }
0xa5: {  	s30 =	simm.s32 @p2 $0x13D80;
	[sflag:s8] =	ssyncadd.s32 @p2 $0xFFFFD800;
	s8 =	simm.s32 @p2 $0x50  }
0xa6: {  	[spmem:s2] =	stream.indirect.scatter.add.f32 @p2 [tilespmem:s9], [sflag:$0xB], $0x80, s30, s8, $0xb8;
	[tilespmem:$0x1DE80] =	vst v63  }
0xa7: {  	_ =	swait.ge @p2 [sflag:s16], $0x2800  }
0xa8: {  	s9 =	simm.s32 @!p2 $0x13980;
	s8 =	rddreg [dreg:$0x4];
	[sflag:s16] =	ssyncset.done @p2 $0x0  }
0xa9: {  	[sflag:s16] =	ssyncadd.s32 @p2 $0xFFFFD800;
	s8 =	sadd.s32 @!p2 s14, s8;
	s16 =	simm.s32 @!p2 $0x7  }
0xaa: {  	[tilespmem:s9], [sflag:$0x3] =	stream.linear.gather @!p2 [hbm4b:s8+s6], $0x50, $0x38;
	[tilespmem:$0x1DE80] =	vst v63  }
0xab: {  	_ =	swait.ge @!p2 [sflag:s16], $0x2800  }
0xac: {  	s30 =	simm.s32 @!p2 $0x13D80;
	s8 =	simm.s32 @!p2 $0x18E80;
	[sflag:s16] =	ssyncset.done @!p2 $0x0  }
0xad: {  	s9 =	simm.s32 @!p2 $0xA;
	[sflag:s16] =	ssyncadd.s32 @!p2 $0xFFFFD800;
	s16 =	simm.s32 @!p2 $0x50  }
0xae: {  	[spmem:s2] =	stream.indirect.scatter.add.f32 @!p2 [tilespmem:s8], [sflag:$0xB], $0x80, s30, s16, $0xb8;
	[tilespmem:$0x1DE80] =	vst v63  }
0xaf: {  	_ =	swait.ge @!p2 [sflag:s9], $0x2800  }
0xb0: {  	[sflag:s9] =	ssyncset.done @!p2 $0x0  }
0xb1: {  	s8 =	simm.s32 @!p2 $0x2;
	[sflag:s9] =	ssyncadd.s32 @!p2 $0xFFFFD800  }
0xb2: {  	_ =	swait.ge @!p2 [sflag:s8], $0x50  }
0xb3: {  	[sflag:s8] =	ssyncset.done @!p2 $0x0  }
0xb4: {  	[sflag:s8] =	ssyncadd.s32 @!p2 $0xFFFFFFB0  }
0xb5: {  	v0 =	vld @!p2 [tilespmem:$0x13900];
	_ =	sdelay $0x1  }
0xb6: {  	v1 =	vld @!p2 [tilespmem:$0x13910];
	_ =	sdelay $0x1  }
0xb7: {  	v2 =	vld @!p2 [tilespmem:$0x13920]  }
0xb8: {  	v4 =	vand.u32 @!p2 $0x3FFF, v0  }
0xb9: {  	v3 =	vld @!p2 [tilespmem:$0x13930];
	v0 =	vshra.s32 @!p2 v0, $0xE;
	[tilespmem:$0x13B00] =	vst @!p2 v4  }
0xba: {  	v4 =	vand.u32 @!p2 $0x3FFF, v1;
	v1 =	vshra.s32 @!p2 v1, $0xE;
	[tilespmem:$0x13D00] =	vst @!p2 v0  }
0xbb: {  	v5 =	vld @!p2 [tilespmem:$0x13940];
	[tilespmem:$0x13D10] =	vst @!p2 v1  }
0xbc: {  	v1 =	vand.u32 @!p2 $0x3FFF, v2;
	[tilespmem:$0x13B10] =	vst @!p2 v4  }
0xbd: {  	v2 =	vshra.s32 @!p2 v2, $0xE;
	[tilespmem:$0x13B20] =	vst @!p2 v1  }
0xbe: {  	v1 =	vand.u32 @!p2 $0x3FFF, v3;
	[tilespmem:$0x13D20] =	vst @!p2 v2  }
0xbf: {  	v3 =	vshra.s32 @!p2 v3, $0xE;
	[tilespmem:$0x13B30] =	vst @!p2 v1  }
0xc0: {  	[tilespmem:$0x13D30] =	vst @!p2 v3;
	v3 =	vshra.s32 @!p2 v5, $0xE  }
0xc1: {  	v1 =	vand.u32 @!p2 $0x3FFF, v5;
	[tilespmem:$0x13D40] =	vst @!p2 v3  }
0xc2: {  	s30 =	simm.s32 @!p2 $0x16680;
	s9 =	simm.s32 @!p2 $0x13B00;
	s8 =	rddreg [dreg:$0x3];
	[tilespmem:$0x13B40] =	vst @!p2 v1  }
0xc3: {  	[tilespmem:s30], [sflag:$0x6] =	stream.indirect.gather @!p2 [hbm4b:s4+s16], $0x80, s9, s16, $0xb8;
	[tilespmem:$0x1DE80] =	vst v63  }
0xc4: {  	s26 =	smov.u32 s15;
	s8 =	sadd.s32 @!p2 s14, s8;
	s9 =	simm.s32 @!p2 $0x13A00  }
0xc5: {  	[tilespmem:s9], [sflag:$0x4] =	stream.linear.gather @!p2 [hbm4b:s8+s6], $0x50, $0x38;
	[tilespmem:$0x1DE80] =	vst v63  }
0xc6: {  	s14 =	smov.u32 s26;
	_ =	swait.ge [sflag:s7], $0x2800  }
0xc7: {  	p2 =	seq.s32 s14, $0x0;
	[sflag:s7] =	ssyncset.done $0x0  }
0xc8: {  	s6 =	simm.s32 @!p2 $0xB;
	s9 =	rddreg [dreg:$0xa];
	[sflag:s7] =	ssyncadd.s32 $0xFFFFD800  }
0xc9: {  	[spmem:s2] =	stream.indirect.scatter.add.f32 [tilespmem:s21], [sflag:$0xC], $0x80, s9, s23, $0xb8;
	[tilespmem:$0x1DE80] =	vst v63  }
0xca: {  	_ =	swait.ge @!p2 [sflag:s6], $0x2800  }
0xcb: {  	[sflag:s6] =	ssyncset.done @!p2 $0x0  }
0xcc: {  	[sflag:s6] =	ssyncadd.s32 @!p2 $0xFFFFD800  }
0xcd: {  	_ =	swait.ge [sflag:s31], $0x50  }
0xce: {  	[sflag:s31] =	ssyncset.done $0x0  }
0xcf: {  	[sflag:s31] =	ssyncadd.s32 $0xFFFFFFB0  }
0xd0: {  	v0 =	vld [tilespmem:$0x139C0];
	_ =	sdelay $0x1  }
0xd1: {  	v1 =	vld [tilespmem:$0x13980];
	_ =	sdelay $0x1  }
0xd2: {  	v2 =	vld [tilespmem:$0x139B0]  }
0xd3: {  	v5 =	vand.u32 $0x3FFF, v0  }
0xd4: {  	v3 =	vld [tilespmem:$0x139A0];
	v0 =	vshra.s32 v0, $0xE;
	[tilespmem:$0x13BC0] =	vst v5  }
0xd5: {  	v4 =	vld [tilespmem:$0x13990];
	v6 =	vand.u32 $0x3FFF, v1;
	[tilespmem:$0x13DC0] =	vst v0  }
0xd6: {  	v1 =	vshra.s32 v1, $0xE;
	[tilespmem:$0x13B80] =	vst v6  }
0xd7: {  	v5 =	vand.u32 $0x3FFF, v2;
	v2 =	vshra.s32 v2, $0xE;
	[tilespmem:$0x13D80] =	vst v1  }
0xd8: {  	[tilespmem:$0x13DB0] =	vst v2  }
0xd9: {  	v0 =	vand.u32 $0x3FFF, v3;
	v3 =	vshra.s32 v3, $0xE;
	[tilespmem:$0x13BB0] =	vst v5  }
0xda: {  	v1 =	vand.u32 $0x3FFF, v4;
	v4 =	vshra.s32 v4, $0xE;
	[tilespmem:$0x13DA0] =	vst v3  }
0xdb: {  	[tilespmem:$0x13D90] =	vst v4  }
0xdc: {  	s17 =	sadd.s32 $0x140, s17;
	s16 =	rddreg [dreg:$0x6];
	[tilespmem:$0x13BA0] =	vst v0  }
0xdd: {  	s30 =	sshrl.u32 s17, $0x3;
	s26 =	rddreg [dreg:$0x7];
	[tilespmem:$0x13B90] =	vst v1  }
0xde: {  	[tilespmem:s26], [sflag:$0x7] =	stream.indirect.gather [hbm4b:s4+s23], $0x80, s16, s23, $0xb8;
	[tilespmem:$0x1DE80] =	vst v63  }
0xdf: {  	s16 =	sadd.s32 s5, s30  }
0xe0: {  	[tilespmem:s18], [sflag:$0x1] =	stream.linear.gather [hbm4b:s16+s3], $0x50, $0x38;
	[tilespmem:$0x1DE80] =	vst v63  }
0xe1: {  	_ =	swait.ge [sflag:s0], $0x2800  }
0xe2: {  	[sflag:s0] =	ssyncset.done $0x0  }
0xe3: {  	s6 =	simm.s32 @!p2 $0xC;
	[sflag:s0] =	ssyncadd.s32 $0xFFFFD800  }
0xe4: {  	[spmem:s2] =	stream.indirect.scatter.add.f32 [tilespmem:s25], [sflag:$0x9], $0x80, s19, s23, $0xb8;
	[tilespmem:$0x1DE80] =	vst v63  }
0xe5: {  	_ =	swait.ge @!p2 [sflag:s6], $0x2800  }
0xe6: {  	[sflag:s6] =	ssyncset.done @!p2 $0x0  }
0xe7: {  	[sflag:s6] =	ssyncadd.s32 @!p2 $0xFFFFD800  }
0xe8: {  	_ =	swait.ge [sflag:s20], $0x50  }
0xe9: {  	[sflag:s20] =	ssyncset.done $0x0  }
0xea: {  	[sflag:s20] =	ssyncadd.s32 $0xFFFFFFB0  }
0xeb: {  	v0 =	vld [tilespmem:$0x13A10];
	_ =	sdelay $0x1  }
0xec: {  	v1 =	vld [tilespmem:$0x13A00];
	_ =	sdelay $0x1  }
0xed: {  	v2 =	vld [tilespmem:$0x13A40]  }
0xee: {  	v3 =	vand.u32 $0x3FFF, v0;
	v0 =	vshra.s32 v0, $0xE  }
0xef: {  	[tilespmem:$0x13E10] =	vst v0;
	v0 =	vld [tilespmem:$0x13A30]  }
0xf0: {  	[tilespmem:$0x13C10] =	vst v3;
	v3 =	vand.u32 $0x3FFF, v1;
	v1 =	vshra.s32 v1, $0xE  }
0xf1: {  	[tilespmem:$0x13E00] =	vst v1;
	v1 =	vld [tilespmem:$0x13A20]  }
0xf2: {  	[tilespmem:$0x13C00] =	vst v3;
	v3 =	vand.u32 $0x3FFF, v2  }
0xf3: {  	v2 =	vshra.s32 v2, $0xE;
	[tilespmem:$0x13C40] =	vst v3  }
0xf4: {  	[tilespmem:$0x13E40] =	vst v2;
	v2 =	vand.u32 $0x3FFF, v0  }
0xf5: {  	v0 =	vshra.s32 v0, $0xE;
	[tilespmem:$0x13C30] =	vst v2  }
0xf6: {  	v3 =	vand.u32 $0x3FFF, v1;
	v1 =	vshra.s32 v1, $0xE;
	[tilespmem:$0x13E30] =	vst v0  }
0xf7: {  	s26 =	rddreg [dreg:$0x8];
	[tilespmem:$0x13E20] =	vst v1  }
0xf8: {  	p2 =	seq.s32 s14, $0x4B0;
	s8 =	rddreg [dreg:$0x5];
	[tilespmem:$0x13C20] =	vst v3  }
0xf9: {  	[tilespmem:s21], [sflag:$0x8] =	stream.indirect.gather [hbm4b:s4+s23], $0x80, s26, s23, $0xb8;
	[tilespmem:$0x1DE80] =	vst v63  }
0xfa: {  	s6 =	simm.s32 @!p2 $0x0;
	s9 =	simm.s32 @!p2 $0x13900;
	s8 =	sadd.s32 @!p2 s14, s8  }
0xfb: {  	[tilespmem:s9], [sflag:$0x2] =	stream.linear.gather @!p2 [hbm4b:s8+s6], $0x50, $0x38;
	[tilespmem:$0x1DE80] =	vst v63  }
0xfc: {  	_ =	swait.ge [sflag:s28], $0x2800  }
0xfd: {  	[sflag:s28] =	ssyncset.done $0x0  }
0xfe: {  	s30 =	rddreg [dreg:$0x9];
	[sflag:s28] =	ssyncadd.s32 $0xFFFFD800  }
0xff: {  	[spmem:s2] =	stream.indirect.scatter.add.f32 [tilespmem:s29], [sflag:$0xA], $0x80, s30, s23, $0xb8;
	[tilespmem:$0x1DE80] =	vst v63  }
0x100: {  	_ =	swait.ge [sflag:s1], $0x2800  }
0x101: {  	[sflag:s1] =	ssyncset.done $0x0  }
0x102: {  	[sflag:s1] =	ssyncadd.s32 $0xFFFFD800  }
0x103: {  	_ =	swait.ge [sflag:s22], $0x50  }
0x104: {  	[sflag:s22] =	ssyncset.done $0x0  }
0x105: {  	[sflag:s22] =	ssyncadd.s32 $0xFFFFFFB0  }
0x106: {  	v0 =	vld [tilespmem:$0x138B0]  }
0x107: {  	v2 =	vld [tilespmem:$0x138A0]  }
0x108: {  	v1 =	vld [tilespmem:$0x13880];
	_ =	sdelay $0x1  }
0x109: {  	s15 =	sadd.s32 $0x28, s15  }
0x10a: {  	p1 =	sne.s32 s15, $0x4D8;
	v4 =	vld [tilespmem:$0x138C0];
	v3 =	vand.u32 $0x3FFF, v0  }
.Ltmp0:
0x10b: {  	v5 =	vshra.s32 v2, $0xE;
	[tilespmem:$0x13AB0] =	vst v3;
	(pc) =	sbr.rel @p1 .LBB2_2-.Ltmp0, $4  }
0x10c: {  	v63 =	vshra.s32 v1, $0xE;
	[tilespmem:$0x13CA0] =	vst v5  }
0x10d: {  	v2 =	vand.u32 $0x3FFF, v2;
	[tilespmem:$0x13C80] =	vst v63  }
0x10e: {  	v3 =	vand.u32 $0x3FFF, v1;
	[tilespmem:$0x13AA0] =	vst v2  }
0x10f: {  	v0 =	vshra.s32 v0, $0xE;
	v1 =	vld [tilespmem:$0x13890];
	v2 =	vshra.s32 v4, $0xE;
	[tilespmem:$0x13A80] =	vst v3;
	v3 =	vand.u32 $0x3FFF, v4  }
0x110: {  	_ =	sdelay $0x1  }
0x111: {  	[tilespmem:$0x13AC0] =	vst v3  }
0x112: {  	[tilespmem:$0x13CC0] =	vst v2  }
0x113: {  	[tilespmem:$0x13CB0] =	vst v0;
	v62 =	vand.u32 $0x3FFF, v1  }
0x114: {  	v63 =	vshra.s32 v1, $0xE;
	[tilespmem:$0x13A90] =	vst v62  }
0x115: {  	s8 =	simm.s32 @p2 $0x7;
	[tilespmem:$0x13C90] =	vst v63  }
0x116: {  	[tilespmem:s25], [sflag:$0x5] =	stream.indirect.gather [hbm4b:s4+s23], $0x80, s24, s23, $0xb8;
	[tilespmem:$0x1DE80] =	vst v63  }
0x117: {  	_ =	swait.ge @p2 [sflag:s8], $0x2800  }
0x118: {  	s9 =	simm.s32 @p2 $0x18E80;
	s15 =	simm.s32 @p2 $0xA;
	[sflag:s8] =	ssyncset.done @p2 $0x0  }
0x119: {  	s16 =	simm.s32 @p2 $0x13D80;
	[sflag:s8] =	ssyncadd.s32 @p2 $0xFFFFD800;
	s8 =	simm.s32 @p2 $0x50  }
0x11a: {  	[spmem:s2] =	stream.indirect.scatter.add.f32 @p2 [tilespmem:s9], [sflag:$0xB], $0x80, s16, s8, $0xb8;
	[tilespmem:$0x1DE80] =	vst v63  }
0x11b: {  	_ =	swait.ge @p2 [sflag:s15], $0x2800  }
0x11c: {  	s9 =	simm.s32 @!p2 $0x13980;
	s8 =	rddreg [dreg:$0x4];
	[sflag:s15] =	ssyncset.done @p2 $0x0  }
0x11d: {  	[sflag:s15] =	ssyncadd.s32 @p2 $0xFFFFD800;
	s8 =	sadd.s32 @!p2 s14, s8;
	s15 =	simm.s32 @!p2 $0x7  }
0x11e: {  	[tilespmem:s9], [sflag:$0x3] =	stream.linear.gather @!p2 [hbm4b:s8+s6], $0x50, $0x38;
	[tilespmem:$0x1DE80] =	vst v63  }
0x11f: {  	_ =	swait.ge @!p2 [sflag:s15], $0x2800  }
0x120: {  	s16 =	simm.s32 @!p2 $0x13D80;
	s8 =	simm.s32 @!p2 $0x18E80;
	[sflag:s15] =	ssyncset.done @!p2 $0x0  }
0x121: {  	s9 =	simm.s32 @!p2 $0xA;
	[sflag:s15] =	ssyncadd.s32 @!p2 $0xFFFFD800;
	s15 =	simm.s32 @!p2 $0x50  }
0x122: {  	[spmem:s2] =	stream.indirect.scatter.add.f32 @!p2 [tilespmem:s8], [sflag:$0xB], $0x80, s16, s15, $0xb8;
	[tilespmem:$0x1DE80] =	vst v63  }
0x123: {  	_ =	swait.ge @!p2 [sflag:s9], $0x2800  }
0x124: {  	[sflag:s9] =	ssyncset.done @!p2 $0x0  }
0x125: {  	s8 =	simm.s32 @!p2 $0x2;
	[sflag:s9] =	ssyncadd.s32 @!p2 $0xFFFFD800  }
0x126: {  	_ =	swait.ge @!p2 [sflag:s8], $0x50  }
0x127: {  	[sflag:s8] =	ssyncset.done @!p2 $0x0  }
0x128: {  	[sflag:s8] =	ssyncadd.s32 @!p2 $0xFFFFFFB0  }
0x129: {  	v0 =	vld @!p2 [tilespmem:$0x13900];
	_ =	sdelay $0x1  }
0x12a: {  	v1 =	vld @!p2 [tilespmem:$0x13910];
	_ =	sdelay $0x1  }
0x12b: {  	v2 =	vld @!p2 [tilespmem:$0x13920]  }
0x12c: {  	v4 =	vand.u32 @!p2 $0x3FFF, v0  }
0x12d: {  	v5 =	vld @!p2 [tilespmem:$0x13940];
	v0 =	vshra.s32 @!p2 v0, $0xE;
	[tilespmem:$0x13B00] =	vst @!p2 v4  }
0x12e: {  	v3 =	vld @!p2 [tilespmem:$0x13930];
	v4 =	vshra.s32 @!p2 v1, $0xE;
	[tilespmem:$0x13D00] =	vst @!p2 v0  }
0x12f: {  	v1 =	vand.u32 @!p2 $0x3FFF, v1;
	[tilespmem:$0x13D10] =	vst @!p2 v4  }
0x130: {  	v4 =	vand.u32 @!p2 $0x3FFF, v2;
	[tilespmem:$0x13B10] =	vst @!p2 v1  }
0x131: {  	v2 =	vshra.s32 @!p2 v2, $0xE;
	[tilespmem:$0x13B20] =	vst @!p2 v4  }
0x132: {  	v1 =	vshra.s32 @!p2 v5, $0xE;
	[tilespmem:$0x13D20] =	vst @!p2 v2  }
0x133: {  	v4 =	vand.u32 @!p2 $0x3FFF, v3;
	[tilespmem:$0x13D40] =	vst @!p2 v1  }
0x134: {  	v3 =	vshra.s32 @!p2 v3, $0xE;
	[tilespmem:$0x13B30] =	vst @!p2 v4  }
0x135: {  	v1 =	vand.u32 @!p2 $0x3FFF, v5;
	[tilespmem:$0x13D30] =	vst @!p2 v3  }
0x136: {  	s16 =	simm.s32 @!p2 $0x16680;
	s9 =	simm.s32 @!p2 $0x13B00;
	s8 =	rddreg [dreg:$0x3];
	[tilespmem:$0x13B40] =	vst @!p2 v1  }
0x137: {  	[tilespmem:s16], [sflag:$0x6] =	stream.indirect.gather @!p2 [hbm4b:s4+s15], $0x80, s9, s15, $0xb8;
	[tilespmem:$0x1DE80] =	vst v63  }
0x138: {  	s8 =	sadd.s32 @!p2 s14, s8;
	s9 =	simm.s32 @!p2 $0x13A00  }
0x139: {  	[tilespmem:s9], [sflag:$0x4] =	stream.linear.gather @!p2 [hbm4b:s8+s6], $0x50, $0x38;
	[tilespmem:$0x1DE80] =	vst v63  }
0x13a: {  	_ =	swait.ge [sflag:s7], $0x2800  }
0x13b: {  	[sflag:s7] =	ssyncset.done $0x0  }
0x13c: {  	s16 =	simm.s32 $0xB;
	s15 =	rddreg [dreg:$0xa];
	[sflag:s7] =	ssyncadd.s32 $0xFFFFD800  }
0x13d: {  	[spmem:s2] =	stream.indirect.scatter.add.f32 [tilespmem:s21], [sflag:$0xC], $0x80, s15, s23, $0xb8;
	[tilespmem:$0x1DE80] =	vst v63  }
0x13e: {  	_ =	swait.ge [sflag:s16], $0x2800  }
0x13f: {  	[sflag:s16] =	ssyncset.done $0x0  }
0x140: {  	[sflag:s16] =	ssyncadd.s32 $0xFFFFD800  }
0x141: {  	_ =	swait.ge [sflag:s0], $0x2800  }
0x142: {  	[sflag:s0] =	ssyncset.done $0x0  }
0x143: {  	s17 =	simm.s32 $0xC;
	[sflag:s0] =	ssyncadd.s32 $0xFFFFD800  }
0x144: {  	[spmem:s2] =	stream.indirect.scatter.add.f32 [tilespmem:s25], [sflag:$0x9], $0x80, s19, s23, $0xb8;
	[tilespmem:$0x1DE80] =	vst v63  }
0x145: {  	_ =	swait.ge [sflag:s17], $0x2800  }
0x146: {  	[sflag:s17] =	ssyncset.done $0x0  }
0x147: {  	[sflag:s17] =	ssyncadd.s32 $0xFFFFD800  }
0x148: {  	_ =	swait.ge [sflag:s1], $0x2800  }
0x149: {  	[sflag:s1] =	ssyncset.done $0x0  }
0x14a: {  	[sflag:s1] =	ssyncadd.s32 $0xFFFFD800  }
0x14b: {  	[bflag:$0x0] =	sbarrier.arrive $0xFFFF  }
0x14c: {  	s9 =	simm.s32 $0xD;
	s26 =	rddreg [dreg:$0x13]  }
0x14d: {  	[hbm:s26], [sflag:s11] =	dma.local [spmem:s12], $0x2700  }
0x14e: {  	_ =	swait.ge [sflag:s9], $0x2700  }
0x14f: {  	[sflag:s9] =	ssyncset.done $0x0  }
0x150: {  	s6 =	rddreg [dreg:$0x14];
	[sflag:s9] =	ssyncadd.s32 $0xFFFFD900  }
0x151: {  	[hbm:s6], [sflag:s11] =	dma.local @!p0 [spmem:s13], $0x100  }
0x152: {  	s6 =	simm.s32 @!p0 $0xD  }
0x153: {  	_ =	swait.ge @!p0 [sflag:s6], $0x100  }
0x154: {  	s10 =	sadd.s32 $0x1, s10;
	s30 =	rddreg [dreg:$0x15]  }
0x155: {  	p1 =	sne.s32 s10, s30  }
.Ltmp1:
0x156: {  	_ = 	snop;
	(pc) =	sbr.rel @p1 .LBB2_1-.Ltmp1, $3  }
0x157: {  	_ =	sdelay $0x1  }
0x158: {  	[sflag:s6] =	ssyncset.done @!p0 $0x0  }
0x159: {  	[sflag:s6] =	ssyncadd.s32 @!p0 $0xFFFFFF00  }
0x15a: {  	_ =	sfence.sel $0x180000  }
0x15b: {  	[bflag:$0x0] =	sbarrier.arrive $0xFFFF  }
0x15c: {  	_ =	strace $0x90000047  }
0x15d: {  	s0 =	stileid.u32;
	[bflag:$0x2] =	sbarrier.arrive $0xFFFF  }
0x15e: {  	p0 =	sne.s32 s0, $0x0;
	s0 =	rddreg [dreg:$0x2]  }
0x15f: {  	s0 =	sadd.s32 @!p0 $0x100000, s0  }
0x160: {  	[sflag:s0] =	ssyncadd.tile.s32 @!p0 $0x1;
	_ =	shalt  }
.Lfunc_end2:
_tile_overlayer_lowered:
.L_overlay_start_2:
0x161: {  	(tag) =	ssettag $0x2  }
0x162: {  	s0 =	rddreg [dreg:$0x0];
	s2 =	stileid.u32  }
0x163: {  	s1 =	rddreg [dreg:$0x1];
	p0 =	sne.s32 s2, $0x0  }
0x164: {  	s3 =	rddreg [dreg:$0x2];
	[bflag:$0x3] =	sbarrier.arrive $0xFFFF;
	s2 =	simm.s32 @!p0 $0x1C0D  }
0x165: {  	[timem:s3], [sflag:s2] =	dma.local @!p0 [hbm:s0], s1  }
0x166: {  	s0 =	simm.s32 @!p0 $0xD  }
0x167: {  	_ =	swait.ge @!p0 [sflag:s0], s1  }
0x168: {  	s1 =	ssub.s32 @!p0 $0x0, s1;
	[sflag:s0] =	ssyncset.done @!p0 $0x0  }
0x169: {  	[sflag:s0] =	ssyncadd.s32 @!p0 s1  }
0x16a: {  	[bflag:$0x3] =	sbarrier.arrive $0xFFFF  }
0x16b: {  	_ =	shalt  }

</sc_bundles>
